<compile_context>
chip_gen: v7x
topology: tpu7x:2x2x1
jax: 0.10.2.dev20260603
libtpu: 0.0.44.dev20260713+nightly
codegen_flags: <defaults>
</compile_context>

<pallas_src>
import functools

import jax
import jax.numpy as jnp
from jax import lax
from jax.experimental import pallas as pl
from jax.experimental.pallas import tpu as pltpu
from jax.experimental.pallas import tpu_sc as plsc

N = 32768
OBS_DIM = 256
ACT_DIM = 64
G = 2048
HID = 64

NS = 16
CH = N // NS
GS = G // NS
L = 16
SCW = 128


def _sqrt_nwt(x):
    y = 0.5 * (x + 1.0)
    for _ in range(18):
        y = 0.5 * (y + x / y)
    return y


def _sc_adv_body(rew_hbm, gidsf_hbm, adv_hbm,
                 r_v, q_v, idsf_v, idsc_v, ones_v,
                 sloc, cloc, qloc, bloc, gloc, tmp16, redloc,
                 bfull, gfull, adv_v, sem,
                 s_sh, c_sh, q_sh, b_sh, g_sh, red_sh):
    w = lax.axis_index("s")
    base = w * CH
    gbase = w * GS

    descs = [
        pltpu.async_copy(rew_hbm.at[pl.ds(base, CH)], r_v, sem),
        pltpu.async_copy(gidsf_hbm.at[pl.ds(base, CH)], idsf_v, sem),
    ]
    for j in range(CH // SCW):
        descs.append(pltpu.async_copy(
            gidsf_hbm.at[pl.ds(base + j * SCW, SCW)], idsc_v.at[j], sem))

    ones16 = jnp.full((L,), 1.0, jnp.float32)
    zeros16 = jnp.zeros((L,), jnp.float32)
    for kk in range(SCW // L):
        ones_v[pl.ds(L * kk, L)] = ones16
    for kk in range(GS // L):
        bloc[pl.ds(L * kk, L)] = zeros16
    for d in descs:
        d.wait()

    def sq_body(i, c):
        r = r_v[pl.ds(i * L, L)]
        q_v[pl.ds(i * L, L)] = r * r
        return c

    lax.fori_loop(0, CH // L, sq_body, 0)

    descs = [
        pltpu.async_copy(bloc, s_sh.at[pl.ds(gbase, GS)], sem),
        pltpu.async_copy(bloc, c_sh.at[pl.ds(gbase, GS)], sem),
        pltpu.async_copy(bloc, q_sh.at[pl.ds(gbase, GS)], sem),
    ]

    @pl.when(w == 0)
    def _():
        tmp16[...] = zeros16
        pltpu.sync_copy(tmp16, red_sh)

    for d in descs:
        d.wait()
    plsc.subcore_barrier()

    descs = []
    for j in range(CH // SCW):
        idx = idsc_v.at[j]
        descs.append(pltpu.async_copy(
            r_v.at[pl.ds(j * SCW, SCW)], s_sh.at[idx], sem, add=True))
        descs.append(pltpu.async_copy(ones_v, c_sh.at[idx], sem, add=True))
        descs.append(pltpu.async_copy(
            q_v.at[pl.ds(j * SCW, SCW)], q_sh.at[idx], sem, add=True))
    for d in descs:
        d.wait()
    plsc.subcore_barrier()

    descs = [
        pltpu.async_copy(s_sh.at[pl.ds(gbase, GS)], sloc, sem),
        pltpu.async_copy(c_sh.at[pl.ds(gbase, GS)], cloc, sem),
        pltpu.async_copy(q_sh.at[pl.ds(gbase, GS)], qloc, sem),
    ]
    for d in descs:
        d.wait()
    acc1 = zeros16
    acc2 = zeros16
    for kk in range(GS // L):
        dsl = pl.ds(L * kk, L)
        s = sloc[dsl]
        c = cloc[dsl]
        q = qloc[dsl]
        cd = c + 1e-8
        b = s / cd
        m0 = q - 2.0 * b * s + b * b * c
        gi = 1.0 / _sqrt_nwt(m0 / cd + 1e-8)
        bloc[dsl] = b
        gloc[dsl] = gi
        acc1 = acc1 + (s - c * b) * gi
        acc2 = acc2 + m0 * gi * gi
    idx0 = lax.iota(jnp.int32, L) * 0
    tmp16[...] = acc1
    redloc[...] = acc2
    descs = [
        pltpu.async_copy(bloc, b_sh.at[pl.ds(gbase, GS)], sem),
        pltpu.async_copy(gloc, g_sh.at[pl.ds(gbase, GS)], sem),
        pltpu.async_copy(tmp16, red_sh.at[idx0], sem, add=True),
        pltpu.async_copy(redloc, red_sh.at[idx0 + 1], sem, add=True),
    ]
    for d in descs:
        d.wait()
    plsc.subcore_barrier()

    pltpu.sync_copy(red_sh, redloc)
    meanvec = plsc.load_gather(redloc, [idx0]) * (1.0 / N)
    sadv2vec = plsc.load_gather(redloc, [idx0 + 1])
    varvec = sadv2vec * (1.0 / N) - meanvec * meanvec
    stdvec = _sqrt_nwt(varvec)
    cvec = meanvec / (stdvec + 1e-8)

    descs = [
        pltpu.async_copy(b_sh, bfull, sem),
        pltpu.async_copy(g_sh, gfull, sem),
    ]
    for d in descs:
        d.wait()

    def adv_body(i, cv):
        ids = idsf_v[pl.ds(i * L, L)]
        r = r_v[pl.ds(i * L, L)]
        bg = plsc.load_gather(bfull, [ids])
        gg = plsc.load_gather(gfull, [ids])
        adv_v[pl.ds(i * L, L)] = (r - bg) * gg - cv
        return cv

    lax.fori_loop(0, CH // L, adv_body, cvec)
    pltpu.sync_copy(adv_v, adv_hbm.at[pl.ds(base, CH)])


def _sc_adv_call(rewards, gids_flat):
    mesh = plsc.VectorSubcoreMesh(core_axis_name="c", subcore_axis_name="s",
                                  num_cores=1, num_subcores=NS)
    f = pl.kernel(
        _sc_adv_body,
        out_type=jax.ShapeDtypeStruct((N,), jnp.float32),
        mesh=mesh,
        compiler_params=pltpu.CompilerParams(needs_layout_passes=False),
        scratch_types=[
            pltpu.VMEM((CH,), jnp.float32),
            pltpu.VMEM((CH,), jnp.float32),
            pltpu.VMEM((CH,), jnp.int32),
            pltpu.VMEM((CH // SCW, SCW), jnp.int32),
            pltpu.VMEM((SCW,), jnp.float32),
            pltpu.VMEM((GS,), jnp.float32),
            pltpu.VMEM((GS,), jnp.float32),
            pltpu.VMEM((GS,), jnp.float32),
            pltpu.VMEM((GS,), jnp.float32),
            pltpu.VMEM((GS,), jnp.float32),
            pltpu.VMEM((L,), jnp.float32),
            pltpu.VMEM((L,), jnp.float32),
            pltpu.VMEM((G,), jnp.float32),
            pltpu.VMEM((G,), jnp.float32),
            pltpu.VMEM((CH,), jnp.float32),
            pltpu.SemaphoreType.DMA,
            pltpu.VMEM_SHARED((G,), jnp.float32),
            pltpu.VMEM_SHARED((G,), jnp.float32),
            pltpu.VMEM_SHARED((G,), jnp.float32),
            pltpu.VMEM_SHARED((G,), jnp.float32),
            pltpu.VMEM_SHARED((G,), jnp.float32),
            pltpu.VMEM_SHARED((L,), jnp.float32),
        ],
    )
    return f(rewards, gids_flat)


BLK = 4096
NB = N // BLK


def _tc_loss_body(obs_ref, act_ref, lpo_ref, adv_ref, w1_ref, b1_ref,
                  w2_ref, b2c_ref, lohi_ref, pg_ref, ent_ref):
    i = pl.program_id(0)
    x = obs_ref[...]
    h = jnp.tanh(jnp.dot(x, w1_ref[...], preferred_element_type=jnp.float32)
                 + b1_ref[...])
    lt = lax.dot_general(w2_ref[...], h, (((0,), (1,)), ((), ())),
                         preferred_element_type=jnp.float32) + b2c_ref[...]
    m = jnp.max(lt, axis=0, keepdims=True)
    e = jnp.exp(lt - m)
    se = jnp.sum(e, axis=0, keepdims=True)
    lse = jnp.log(se) + m
    act_row = act_ref[...].reshape(1, BLK)
    oh = lax.broadcasted_iota(jnp.int32, (ACT_DIM, BLK), 0) == act_row
    picked = jnp.sum(jnp.where(oh, lt, 0.0), axis=0, keepdims=True)
    ent_blk = jnp.sum(lse - jnp.sum(e * lt, axis=0, keepdims=True) / se)
    ratio = jnp.exp(picked - lse - lpo_ref[...].reshape(1, BLK))
    adv = adv_ref[...].reshape(1, BLK)
    lo = lohi_ref[0, 0]
    hi = lohi_ref[0, 1]
    s1 = ratio * adv
    s2 = jnp.clip(ratio, lo, hi) * adv
    pg_blk = jnp.sum(jnp.minimum(s1, s2))

    @pl.when(i == 0)
    def _():
        pg_ref[0, 0] = 0.0
        ent_ref[0, 0] = 0.0

    pg_ref[0, 0] += pg_blk
    ent_ref[0, 0] += ent_blk


def _tc_loss_call(obs, act1, lpo1, adv1, pW1, pb1r, pW2, pb2c, lohi):
    return pl.pallas_call(
        _tc_loss_body,
        grid=(NB,),
        in_specs=[
            pl.BlockSpec((BLK, OBS_DIM), lambda i: (i, 0)),
            pl.BlockSpec((BLK,), lambda i: (i,)),
            pl.BlockSpec((BLK,), lambda i: (i,)),
            pl.BlockSpec((BLK,), lambda i: (i,)),
            pl.BlockSpec((OBS_DIM, HID), lambda i: (0, 0)),
            pl.BlockSpec((1, HID), lambda i: (0, 0)),
            pl.BlockSpec((HID, ACT_DIM), lambda i: (0, 0)),
            pl.BlockSpec((ACT_DIM, 1), lambda i: (0, 0)),
            pl.BlockSpec((1, 2), lambda i: (0, 0), memory_space=pltpu.SMEM),
        ],
        out_specs=[
            pl.BlockSpec((1, 1), lambda i: (0, 0), memory_space=pltpu.SMEM),
            pl.BlockSpec((1, 1), lambda i: (0, 0), memory_space=pltpu.SMEM),
        ],
        out_shape=[
            jax.ShapeDtypeStruct((1, 1), jnp.float32),
            jax.ShapeDtypeStruct((1, 1), jnp.float32),
        ],
        compiler_params=pltpu.CompilerParams(
            dimension_semantics=("arbitrary",),
        ),
    )(obs, act1, lpo1, adv1, pW1, pb1r, pW2, pb2c, lohi)


def kernel(obs, act, rewards, group_ids, logp_old, pW1, pb1, pW2, pb2,
           vW1, vb1, vW2, vb2, clip_eps, ent_coef, beta_kl, ref_model):
    gids = group_ids.astype(jnp.int32)
    adv = _sc_adv_call(rewards, gids)
    ce = jnp.asarray(clip_eps, jnp.float32)
    lohi = jnp.stack([1.0 - ce, 1.0 + ce]).reshape(1, 2)
    pg_sum, ent_sum = _tc_loss_call(
        obs,
        act.astype(jnp.int32),
        logp_old,
        adv,
        pW1,
        pb1.reshape(1, HID),
        pW2,
        pb2.reshape(ACT_DIM, 1),
        lohi,
    )
    ec = jnp.asarray(ent_coef, jnp.float32)
    return -(pg_sum[0, 0] + ec * ent_sum[0, 0]) / N

# --- scband reference (transcript-rebuilt; emitter-appended) ---
"""Pipeline reference for scband-grpo-50216757625138 (READ-ONLY COPY).

The authoritative reference and input builder live on the scoring server;
editing this copy changes nothing except your own understanding.
"""

import jax, jax.numpy as jnp
import numpy as np

N = 32768
OBS_DIM = 256
ACT_DIM = 64
NUM_GROUPS = 2048
HID = 64


def _group_mean(x, group_ids):
    G = NUM_GROUPS
    sum_per_group = jnp.zeros((G,), dtype=x.dtype).at[group_ids].add(x)
    count_per_group = jnp.zeros((G,), dtype=x.dtype).at[group_ids].add(jnp.ones_like(x))
    mean_per_group = sum_per_group / (count_per_group + 1e-08)
    return mean_per_group[group_ids]


def setup_inputs(seed: int = 0) -> dict:
    key = jax.random.key(seed)
    ks = jax.random.split(key, 14)
    obs = jax.random.normal(ks[0], (N, OBS_DIM), dtype=jnp.float32)
    act = jax.random.randint(ks[1], (N,), 0, ACT_DIM, dtype=jnp.int64 if jax.config.jax_enable_x64 else jnp.int32)
    rewards = jax.random.normal(ks[2], (N,), dtype=jnp.float32)
    group_ids = jnp.sort(jax.random.randint(ks[3], (N,), 0, NUM_GROUPS))
    logp_old = jax.random.normal(ks[4], (N,), dtype=jnp.float32)
    s = 0.05
    pW1 = jax.random.normal(ks[5], (OBS_DIM, HID), dtype=jnp.float32) * s
    pb1 = jax.random.normal(ks[6], (HID,), dtype=jnp.float32) * s
    pW2 = jax.random.normal(ks[7], (HID, ACT_DIM), dtype=jnp.float32) * s
    pb2 = jax.random.normal(ks[8], (ACT_DIM,), dtype=jnp.float32) * s
    vW1 = jax.random.normal(ks[9], (OBS_DIM, HID), dtype=jnp.float32) * s
    vb1 = jax.random.normal(ks[10], (HID,), dtype=jnp.float32) * s
    vW2 = jax.random.normal(ks[11], (HID, 1), dtype=jnp.float32) * s
    vb2 = jax.random.normal(ks[12], (1,), dtype=jnp.float32) * s
    return {
        'obs': obs, 'act': act, 'rewards': rewards, 'group_ids': group_ids,
        'logp_old': logp_old,
        'pW1': pW1, 'pb1': pb1, 'pW2': pW2, 'pb2': pb2,
        'vW1': vW1, 'vb1': vb1, 'vW2': vW2, 'vb2': vb2,
        'clip_eps': 1, 'ent_coef': 1, 'beta_kl': 0, 'ref_model': None,
    }


def reference(obs, act, rewards, group_ids, logp_old, pW1, pb1, pW2, pb2, vW1, vb1, vW2, vb2, clip_eps, ent_coef, beta_kl, ref_model):
    # get_logprob
    logits = jnp.tanh(obs @ pW1 + pb1) @ pW2 + pb2
    logp_all = jax.nn.log_softmax(logits, axis=-1)
    logp_new = jnp.take_along_axis(logp_all, act[:, None], axis=1)[:, 0]
    probs = jnp.exp(logp_all)
    entropy = jnp.mean(-jnp.sum(probs * logp_all, axis=-1))
    v = (jnp.tanh(obs @ vW1 + vb1) @ vW2 + vb2)[:, 0]
    # group-normalized advantages (no_grad in torch)
    b = _group_mean(rewards, group_ids)
    adv = rewards - b
    gstd = jnp.sqrt(_group_mean(adv ** 2, group_ids) + 1e-08)
    adv = adv / gstd
    adv = adv - adv.mean() / (adv.std() + 1e-08)
    adv = jax.lax.stop_gradient(adv)
    ratio = jnp.exp(logp_new - logp_old)
    surr1 = ratio * adv
    surr2 = jnp.clip(ratio, 1.0 - clip_eps, 1.0 + clip_eps) * adv
    pg_loss = -jnp.mean(jnp.minimum(surr1, surr2))
    kl_loss = jnp.asarray(0.0, dtype=jnp.float32)
    # ref_model/KL branch skipped since beta_kl == 0 (matches torch short-circuit)
    ent_loss = -ent_coef * entropy
    total = pg_loss + kl_loss + ent_loss
    return total


if False:  # reference __main__ guard neutralized (emitter)
    out = reference(**setup_inputs())
    print(out)

if __name__ == "__main__":
    import jax
    _d = setup_inputs()
    print(jax.jit(kernel)(*tuple(_d.values())))

</pallas_src>

<mosaic_0001>
#map = affine_map<(d0, d1) -> (0)>
module attributes {stable_mosaic.version = 14 : i64} {
  func.func @_sc_adv_body(%arg0: i32, %arg1: i32, %arg2: memref<32768xf32, #tpu.memory_space<hbm>>, %arg3: memref<32768xi32, #tpu.memory_space<hbm>>, %arg4: memref<32768xf32, #tpu.memory_space<hbm>>, %arg5: memref<2048xf32, #tpu.memory_space<vmem>>, %arg6: memref<2048xf32, #tpu.memory_space<vmem>>, %arg7: memref<2048xi32, #tpu.memory_space<vmem>>, %arg8: memref<16x128xi32, #tpu.memory_space<vmem>>, %arg9: memref<128xf32, #tpu.memory_space<vmem>>, %arg10: memref<128xf32, #tpu.memory_space<vmem>>, %arg11: memref<128xf32, #tpu.memory_space<vmem>>, %arg12: memref<128xf32, #tpu.memory_space<vmem>>, %arg13: memref<128xf32, #tpu.memory_space<vmem>>, %arg14: memref<128xf32, #tpu.memory_space<vmem>>, %arg15: memref<16xf32, #tpu.memory_space<vmem>>, %arg16: memref<16xf32, #tpu.memory_space<vmem>>, %arg17: memref<2048xf32, #tpu.memory_space<vmem>>, %arg18: memref<2048xf32, #tpu.memory_space<vmem>>, %arg19: memref<2048xf32, #tpu.memory_space<vmem>>, %arg20: memref<!tpu.dma_semaphore, #tpu.memory_space<semaphore_mem>>, %arg21: memref<2048xf32, #tpu.memory_space<vmem_shared>>, %arg22: memref<2048xf32, #tpu.memory_space<vmem_shared>>, %arg23: memref<2048xf32, #tpu.memory_space<vmem_shared>>, %arg24: memref<2048xf32, #tpu.memory_space<vmem_shared>>, %arg25: memref<2048xf32, #tpu.memory_space<vmem_shared>>, %arg26: memref<16xf32, #tpu.memory_space<vmem_shared>>) attributes {dimension_semantics = [#tpu.dimension_semantics<core_parallel>, #tpu.dimension_semantics<subcore_parallel>], iteration_bounds = array<i64: 1, 16>, scalar_prefetch = 0 : i64, scratch_operands = 22 : i64, tpu.core_type = #tpu.core_type<sc_vector_subcore>, window_params = [{transform_indices = #map}, {transform_indices = #map}, {transform_indices = #map}]} {
    %mul3A = arith.constant 2048 : i32
    %mul3A_0 = arith.muli %arg1, %mul3A : i32
    %mul3A_1 = arith.constant 128 : i32
    %mul3A_2 = arith.muli %arg1, %mul3A_1 : i32
    %dma_start3A = tpu.memref_slice %arg2[%mul3A_0] : memref<32768xf32, #tpu.memory_space<hbm>> -> memref<2048xf32, #tpu.memory_space<hbm>>
    %dma_start3A_3 = tpu.memref_slice %arg2[%mul3A_0] : memref<32768xf32, #tpu.memory_space<hbm>> -> memref<2048xf32, #tpu.memory_space<hbm>>
    tpu.enqueue_dma source(%dma_start3A_3 : memref<2048xf32, #tpu.memory_space<hbm>>) target(%arg5 : memref<2048xf32, #tpu.memory_space<vmem>>) target_semaphore(%arg20 : memref<!tpu.dma_semaphore, #tpu.memory_space<semaphore_mem>>)
    %dma_start3A_4 = tpu.memref_slice %arg3[%mul3A_0] : memref<32768xi32, #tpu.memory_space<hbm>> -> memref<2048xi32, #tpu.memory_space<hbm>>
    %dma_start3A_5 = tpu.memref_slice %arg3[%mul3A_0] : memref<32768xi32, #tpu.memory_space<hbm>> -> memref<2048xi32, #tpu.memory_space<hbm>>
    tpu.enqueue_dma source(%dma_start3A_5 : memref<2048xi32, #tpu.memory_space<hbm>>) target(%arg7 : memref<2048xi32, #tpu.memory_space<vmem>>) target_semaphore(%arg20 : memref<!tpu.dma_semaphore, #tpu.memory_space<semaphore_mem>>)
    %add3A = arith.constant 0 : i32
    %add3A_6 = arith.addi %mul3A_0, %add3A : i32
    %dma_start3A_7 = arith.constant 0 : i32
    %dma_start3A_8 = arith.constant 0 : i32
    %dma_start3A_9 = tpu.memref_slice %arg8[%dma_start3A_7, %dma_start3A_8] : memref<16x128xi32, #tpu.memory_space<vmem>> -> memref<1x128xi32, #tpu.memory_space<vmem>>
    %dma_start3A_10 = tpu.memref_squeeze %dma_start3A_9 : memref<1x128xi32, #tpu.memory_space<vmem>> -> memref<128xi32, #tpu.memory_space<vmem>>
    %dma_start3A_11 = tpu.memref_slice %arg3[%add3A_6] : memref<32768xi32, #tpu.memory_space<hbm>> -> memref<128xi32, #tpu.memory_space<hbm>>
    %dma_start3A_12 = arith.constant 0 : i32
    %dma_start3A_13 = tpu.memref_slice %arg8[%dma_start3A_7, %dma_start3A_12] : memref<16x128xi32, #tpu.memory_space<vmem>> -> memref<1x128xi32, #tpu.memory_space<vmem>>
    %dma_start3A_14 = tpu.memref_squeeze %dma_start3A_13 : memref<1x128xi32, #tpu.memory_space<vmem>> -> memref<128xi32, #tpu.memory_space<vmem>>
    %dma_start3A_15 = tpu.memref_slice %arg3[%add3A_6] : memref<32768xi32, #tpu.memory_space<hbm>> -> memref<128xi32, #tpu.memory_space<hbm>>
    tpu.enqueue_dma source(%dma_start3A_15 : memref<128xi32, #tpu.memory_space<hbm>>) target(%dma_start3A_14 : memref<128xi32, #tpu.memory_space<vmem>>) target_semaphore(%arg20 : memref<!tpu.dma_semaphore, #tpu.memory_space<semaphore_mem>>)
    %add3A_16 = arith.constant 128 : i32
    %add3A_17 = arith.addi %mul3A_0, %add3A_16 : i32
    %dma_start3A_18 = arith.constant 1 : i32
    %dma_start3A_19 = arith.constant 0 : i32
    %dma_start3A_20 = tpu.memref_slice %arg8[%dma_start3A_18, %dma_start3A_19] : memref<16x128xi32, #tpu.memory_space<vmem>> -> memref<1x128xi32, #tpu.memory_space<vmem>>
    %dma_start3A_21 = tpu.memref_squeeze %dma_start3A_20 : memref<1x128xi32, #tpu.memory_space<vmem>> -> memref<128xi32, #tpu.memory_space<vmem>>
    %dma_start3A_22 = tpu.memref_slice %arg3[%add3A_17] : memref<32768xi32, #tpu.memory_space<hbm>> -> memref<128xi32, #tpu.memory_space<hbm>>
    %dma_start3A_23 = arith.constant 0 : i32
    %dma_start3A_24 = tpu.memref_slice %arg8[%dma_start3A_18, %dma_start3A_23] : memref<16x128xi32, #tpu.memory_space<vmem>> -> memref<1x128xi32, #tpu.memory_space<vmem>>
    %dma_start3A_25 = tpu.memref_squeeze %dma_start3A_24 : memref<1x128xi32, #tpu.memory_space<vmem>> -> memref<128xi32, #tpu.memory_space<vmem>>
    %dma_start3A_26 = tpu.memref_slice %arg3[%add3A_17] : memref<32768xi32, #tpu.memory_space<hbm>> -> memref<128xi32, #tpu.memory_space<hbm>>
    tpu.enqueue_dma source(%dma_start3A_26 : memref<128xi32, #tpu.memory_space<hbm>>) target(%dma_start3A_25 : memref<128xi32, #tpu.memory_space<vmem>>) target_semaphore(%arg20 : memref<!tpu.dma_semaphore, #tpu.memory_space<semaphore_mem>>)
    %add3A_27 = arith.constant 256 : i32
    %add3A_28 = arith.addi %mul3A_0, %add3A_27 : i32
    %dma_start3A_29 = arith.constant 2 : i32
    %dma_start3A_30 = arith.constant 0 : i32
    %dma_start3A_31 = tpu.memref_slice %arg8[%dma_start3A_29, %dma_start3A_30] : memref<16x128xi32, #tpu.memory_space<vmem>> -> memref<1x128xi32, #tpu.memory_space<vmem>>
    %dma_start3A_32 = tpu.memref_squeeze %dma_start3A_31 : memref<1x128xi32, #tpu.memory_space<vmem>> -> memref<128xi32, #tpu.memory_space<vmem>>
    %dma_start3A_33 = tpu.memref_slice %arg3[%add3A_28] : memref<32768xi32, #tpu.memory_space<hbm>> -> memref<128xi32, #tpu.memory_space<hbm>>
    %dma_start3A_34 = arith.constant 0 : i32
    %dma_start3A_35 = tpu.memref_slice %arg8[%dma_start3A_29, %dma_start3A_34] : memref<16x128xi32, #tpu.memory_space<vmem>> -> memref<1x128xi32, #tpu.memory_space<vmem>>
    %dma_start3A_36 = tpu.memref_squeeze %dma_start3A_35 : memref<1x128xi32, #tpu.memory_space<vmem>> -> memref<128xi32, #tpu.memory_space<vmem>>
    %dma_start3A_37 = tpu.memref_slice %arg3[%add3A_28] : memref<32768xi32, #tpu.memory_space<hbm>> -> memref<128xi32, #tpu.memory_space<hbm>>
    tpu.enqueue_dma source(%dma_start3A_37 : memref<128xi32, #tpu.memory_space<hbm>>) target(%dma_start3A_36 : memref<128xi32, #tpu.memory_space<vmem>>) target_semaphore(%arg20 : memref<!tpu.dma_semaphore, #tpu.memory_space<semaphore_mem>>)
    %add3A_38 = arith.constant 384 : i32
    %add3A_39 = arith.addi %mul3A_0, %add3A_38 : i32
    %dma_start3A_40 = arith.constant 3 : i32
    %dma_start3A_41 = arith.constant 0 : i32
    %dma_start3A_42 = tpu.memref_slice %arg8[%dma_start3A_40, %dma_start3A_41] : memref<16x128xi32, #tpu.memory_space<vmem>> -> memref<1x128xi32, #tpu.memory_space<vmem>>
    %dma_start3A_43 = tpu.memref_squeeze %dma_start3A_42 : memref<1x128xi32, #tpu.memory_space<vmem>> -> memref<128xi32, #tpu.memory_space<vmem>>
    %dma_start3A_44 = tpu.memref_slice %arg3[%add3A_39] : memref<32768xi32, #tpu.memory_space<hbm>> -> memref<128xi32, #tpu.memory_space<hbm>>
    %dma_start3A_45 = arith.constant 0 : i32
    %dma_start3A_46 = tpu.memref_slice %arg8[%dma_start3A_40, %dma_start3A_45] : memref<16x128xi32, #tpu.memory_space<vmem>> -> memref<1x128xi32, #tpu.memory_space<vmem>>
    %dma_start3A_47 = tpu.memref_squeeze %dma_start3A_46 : memref<1x128xi32, #tpu.memory_space<vmem>> -> memref<128xi32, #tpu.memory_space<vmem>>
    %dma_start3A_48 = tpu.memref_slice %arg3[%add3A_39] : memref<32768xi32, #tpu.memory_space<hbm>> -> memref<128xi32, #tpu.memory_space<hbm>>
    tpu.enqueue_dma source(%dma_start3A_48 : memref<128xi32, #tpu.memory_space<hbm>>) target(%dma_start3A_47 : memref<128xi32, #tpu.memory_space<vmem>>) target_semaphore(%arg20 : memref<!tpu.dma_semaphore, #tpu.memory_space<semaphore_mem>>)
    %add3A_49 = arith.constant 512 : i32
    %add3A_50 = arith.addi %mul3A_0, %add3A_49 : i32
    %dma_start3A_51 = arith.constant 4 : i32
    %dma_start3A_52 = arith.constant 0 : i32
    %dma_start3A_53 = tpu.memref_slice %arg8[%dma_start3A_51, %dma_start3A_52] : memref<16x128xi32, #tpu.memory_space<vmem>> -> memref<1x128xi32, #tpu.memory_space<vmem>>
    %dma_start3A_54 = tpu.memref_squeeze %dma_start3A_53 : memref<1x128xi32, #tpu.memory_space<vmem>> -> memref<128xi32, #tpu.memory_space<vmem>>
    %dma_start3A_55 = tpu.memref_slice %arg3[%add3A_50] : memref<32768xi32, #tpu.memory_space<hbm>> -> memref<128xi32, #tpu.memory_space<hbm>>
    %dma_start3A_56 = arith.constant 0 : i32
    %dma_start3A_57 = tpu.memref_slice %arg8[%dma_start3A_51, %dma_start3A_56] : memref<16x128xi32, #tpu.memory_space<vmem>> -> memref<1x128xi32, #tpu.memory_space<vmem>>
    %dma_start3A_58 = tpu.memref_squeeze %dma_start3A_57 : memref<1x128xi32, #tpu.memory_space<vmem>> -> memref<128xi32, #tpu.memory_space<vmem>>
    %dma_start3A_59 = tpu.memref_slice %arg3[%add3A_50] : memref<32768xi32, #tpu.memory_space<hbm>> -> memref<128xi32, #tpu.memory_space<hbm>>
    tpu.enqueue_dma source(%dma_start3A_59 : memref<128xi32, #tpu.memory_space<hbm>>) target(%dma_start3A_58 : memref<128xi32, #tpu.memory_space<vmem>>) target_semaphore(%arg20 : memref<!tpu.dma_semaphore, #tpu.memory_space<semaphore_mem>>)
    %add3A_60 = arith.constant 640 : i32
    %add3A_61 = arith.addi %mul3A_0, %add3A_60 : i32
    %dma_start3A_62 = arith.constant 5 : i32
    %dma_start3A_63 = arith.constant 0 : i32
    %dma_start3A_64 = tpu.memref_slice %arg8[%dma_start3A_62, %dma_start3A_63] : memref<16x128xi32, #tpu.memory_space<vmem>> -> memref<1x128xi32, #tpu.memory_space<vmem>>
    %dma_start3A_65 = tpu.memref_squeeze %dma_start3A_64 : memref<1x128xi32, #tpu.memory_space<vmem>> -> memref<128xi32, #tpu.memory_space<vmem>>
    %dma_start3A_66 = tpu.memref_slice %arg3[%add3A_61] : memref<32768xi32, #tpu.memory_space<hbm>> -> memref<128xi32, #tpu.memory_space<hbm>>
    %dma_start3A_67 = arith.constant 0 : i32
    %dma_start3A_68 = tpu.memref_slice %arg8[%dma_start3A_62, %dma_start3A_67] : memref<16x128xi32, #tpu.memory_space<vmem>> -> memref<1x128xi32, #tpu.memory_space<vmem>>
    %dma_start3A_69 = tpu.memref_squeeze %dma_start3A_68 : memref<1x128xi32, #tpu.memory_space<vmem>> -> memref<128xi32, #tpu.memory_space<vmem>>
    %dma_start3A_70 = tpu.memref_slice %arg3[%add3A_61] : memref<32768xi32, #tpu.memory_space<hbm>> -> memref<128xi32, #tpu.memory_space<hbm>>
    tpu.enqueue_dma source(%dma_start3A_70 : memref<128xi32, #tpu.memory_space<hbm>>) target(%dma_start3A_69 : memref<128xi32, #tpu.memory_space<vmem>>) target_semaphore(%arg20 : memref<!tpu.dma_semaphore, #tpu.memory_space<semaphore_mem>>)
    %add3A_71 = arith.constant 768 : i32
    %add3A_72 = arith.addi %mul3A_0, %add3A_71 : i32
    %dma_start3A_73 = arith.constant 6 : i32
    %dma_start3A_74 = arith.constant 0 : i32
    %dma_start3A_75 = tpu.memref_slice %arg8[%dma_start3A_73, %dma_start3A_74] : memref<16x128xi32, #tpu.memory_space<vmem>> -> memref<1x128xi32, #tpu.memory_space<vmem>>
    %dma_start3A_76 = tpu.memref_squeeze %dma_start3A_75 : memref<1x128xi32, #tpu.memory_space<vmem>> -> memref<128xi32, #tpu.memory_space<vmem>>
    %dma_start3A_77 = tpu.memref_slice %arg3[%add3A_72] : memref<32768xi32, #tpu.memory_space<hbm>> -> memref<128xi32, #tpu.memory_space<hbm>>
    %dma_start3A_78 = arith.constant 0 : i32
    %dma_start3A_79 = tpu.memref_slice %arg8[%dma_start3A_73, %dma_start3A_78] : memref<16x128xi32, #tpu.memory_space<vmem>> -> memref<1x128xi32, #tpu.memory_space<vmem>>
    %dma_start3A_80 = tpu.memref_squeeze %dma_start3A_79 : memref<1x128xi32, #tpu.memory_space<vmem>> -> memref<128xi32, #tpu.memory_space<vmem>>
    %dma_start3A_81 = tpu.memref_slice %arg3[%add3A_72] : memref<32768xi32, #tpu.memory_space<hbm>> -> memref<128xi32, #tpu.memory_space<hbm>>
    tpu.enqueue_dma source(%dma_start3A_81 : memref<128xi32, #tpu.memory_space<hbm>>) target(%dma_start3A_80 : memref<128xi32, #tpu.memory_space<vmem>>) target_semaphore(%arg20 : memref<!tpu.dma_semaphore, #tpu.memory_space<semaphore_mem>>)
    %add3A_82 = arith.constant 896 : i32
    %add3A_83 = arith.addi %mul3A_0, %add3A_82 : i32
    %dma_start3A_84 = arith.constant 7 : i32
    %dma_start3A_85 = arith.constant 0 : i32
    %dma_start3A_86 = tpu.memref_slice %arg8[%dma_start3A_84, %dma_start3A_85] : memref<16x128xi32, #tpu.memory_space<vmem>> -> memref<1x128xi32, #tpu.memory_space<vmem>>
    %dma_start3A_87 = tpu.memref_squeeze %dma_start3A_86 : memref<1x128xi32, #tpu.memory_space<vmem>> -> memref<128xi32, #tpu.memory_space<vmem>>
    %dma_start3A_88 = tpu.memref_slice %arg3[%add3A_83] : memref<32768xi32, #tpu.memory_space<hbm>> -> memref<128xi32, #tpu.memory_space<hbm>>
    %dma_start3A_89 = arith.constant 0 : i32
    %dma_start3A_90 = tpu.memref_slice %arg8[%dma_start3A_84, %dma_start3A_89] : memref<16x128xi32, #tpu.memory_space<vmem>> -> memref<1x128xi32, #tpu.memory_space<vmem>>
    %dma_start3A_91 = tpu.memref_squeeze %dma_start3A_90 : memref<1x128xi32, #tpu.memory_space<vmem>> -> memref<128xi32, #tpu.memory_space<vmem>>
    %dma_start3A_92 = tpu.memref_slice %arg3[%add3A_83] : memref<32768xi32, #tpu.memory_space<hbm>> -> memref<128xi32, #tpu.memory_space<hbm>>
    tpu.enqueue_dma source(%dma_start3A_92 : memref<128xi32, #tpu.memory_space<hbm>>) target(%dma_start3A_91 : memref<128xi32, #tpu.memory_space<vmem>>) target_semaphore(%arg20 : memref<!tpu.dma_semaphore, #tpu.memory_space<semaphore_mem>>)
    %add3A_93 = arith.constant 1024 : i32
    %add3A_94 = arith.addi %mul3A_0, %add3A_93 : i32
    %dma_start3A_95 = arith.constant 8 : i32
    %dma_start3A_96 = arith.constant 0 : i32
    %dma_start3A_97 = tpu.memref_slice %arg8[%dma_start3A_95, %dma_start3A_96] : memref<16x128xi32, #tpu.memory_space<vmem>> -> memref<1x128xi32, #tpu.memory_space<vmem>>
    %dma_start3A_98 = tpu.memref_squeeze %dma_start3A_97 : memref<1x128xi32, #tpu.memory_space<vmem>> -> memref<128xi32, #tpu.memory_space<vmem>>
    %dma_start3A_99 = tpu.memref_slice %arg3[%add3A_94] : memref<32768xi32, #tpu.memory_space<hbm>> -> memref<128xi32, #tpu.memory_space<hbm>>
    %dma_start3A_100 = arith.constant 0 : i32
    %dma_start3A_101 = tpu.memref_slice %arg8[%dma_start3A_95, %dma_start3A_100] : memref<16x128xi32, #tpu.memory_space<vmem>> -> memref<1x128xi32, #tpu.memory_space<vmem>>
    %dma_start3A_102 = tpu.memref_squeeze %dma_start3A_101 : memref<1x128xi32, #tpu.memory_space<vmem>> -> memref<128xi32, #tpu.memory_space<vmem>>
    %dma_start3A_103 = tpu.memref_slice %arg3[%add3A_94] : memref<32768xi32, #tpu.memory_space<hbm>> -> memref<128xi32, #tpu.memory_space<hbm>>
    tpu.enqueue_dma source(%dma_start3A_103 : memref<128xi32, #tpu.memory_space<hbm>>) target(%dma_start3A_102 : memref<128xi32, #tpu.memory_space<vmem>>) target_semaphore(%arg20 : memref<!tpu.dma_semaphore, #tpu.memory_space<semaphore_mem>>)
    %add3A_104 = arith.constant 1152 : i32
    %add3A_105 = arith.addi %mul3A_0, %add3A_104 : i32
    %dma_start3A_106 = arith.constant 9 : i32
    %dma_start3A_107 = arith.constant 0 : i32
    %dma_start3A_108 = tpu.memref_slice %arg8[%dma_start3A_106, %dma_start3A_107] : memref<16x128xi32, #tpu.memory_space<vmem>> -> memref<1x128xi32, #tpu.memory_space<vmem>>
    %dma_start3A_109 = tpu.memref_squeeze %dma_start3A_108 : memref<1x128xi32, #tpu.memory_space<vmem>> -> memref<128xi32, #tpu.memory_space<vmem>>
    %dma_start3A_110 = tpu.memref_slice %arg3[%add3A_105] : memref<32768xi32, #tpu.memory_space<hbm>> -> memref<128xi32, #tpu.memory_space<hbm>>
    %dma_start3A_111 = arith.constant 0 : i32
    %dma_start3A_112 = tpu.memref_slice %arg8[%dma_start3A_106, %dma_start3A_111] : memref<16x128xi32, #tpu.memory_space<vmem>> -> memref<1x128xi32, #tpu.memory_space<vmem>>
    %dma_start3A_113 = tpu.memref_squeeze %dma_start3A_112 : memref<1x128xi32, #tpu.memory_space<vmem>> -> memref<128xi32, #tpu.memory_space<vmem>>
    %dma_start3A_114 = tpu.memref_slice %arg3[%add3A_105] : memref<32768xi32, #tpu.memory_space<hbm>> -> memref<128xi32, #tpu.memory_space<hbm>>
    tpu.enqueue_dma source(%dma_start3A_114 : memref<128xi32, #tpu.memory_space<hbm>>) target(%dma_start3A_113 : memref<128xi32, #tpu.memory_space<vmem>>) target_semaphore(%arg20 : memref<!tpu.dma_semaphore, #tpu.memory_space<semaphore_mem>>)
    %add3A_115 = arith.constant 1280 : i32
    %add3A_116 = arith.addi %mul3A_0, %add3A_115 : i32
    %dma_start3A_117 = arith.constant 10 : i32
    %dma_start3A_118 = arith.constant 0 : i32
    %dma_start3A_119 = tpu.memref_slice %arg8[%dma_start3A_117, %dma_start3A_118] : memref<16x128xi32, #tpu.memory_space<vmem>> -> memref<1x128xi32, #tpu.memory_space<vmem>>
    %dma_start3A_120 = tpu.memref_squeeze %dma_start3A_119 : memref<1x128xi32, #tpu.memory_space<vmem>> -> memref<128xi32, #tpu.memory_space<vmem>>
    %dma_start3A_121 = tpu.memref_slice %arg3[%add3A_116] : memref<32768xi32, #tpu.memory_space<hbm>> -> memref<128xi32, #tpu.memory_space<hbm>>
    %dma_start3A_122 = arith.constant 0 : i32
    %dma_start3A_123 = tpu.memref_slice %arg8[%dma_start3A_117, %dma_start3A_122] : memref<16x128xi32, #tpu.memory_space<vmem>> -> memref<1x128xi32, #tpu.memory_space<vmem>>
    %dma_start3A_124 = tpu.memref_squeeze %dma_start3A_123 : memref<1x128xi32, #tpu.memory_space<vmem>> -> memref<128xi32, #tpu.memory_space<vmem>>
    %dma_start3A_125 = tpu.memref_slice %arg3[%add3A_116] : memref<32768xi32, #tpu.memory_space<hbm>> -> memref<128xi32, #tpu.memory_space<hbm>>
    tpu.enqueue_dma source(%dma_start3A_125 : memref<128xi32, #tpu.memory_space<hbm>>) target(%dma_start3A_124 : memref<128xi32, #tpu.memory_space<vmem>>) target_semaphore(%arg20 : memref<!tpu.dma_semaphore, #tpu.memory_space<semaphore_mem>>)
    %add3A_126 = arith.constant 1408 : i32
    %add3A_127 = arith.addi %mul3A_0, %add3A_126 : i32
    %dma_start3A_128 = arith.constant 11 : i32
    %dma_start3A_129 = arith.constant 0 : i32
    %dma_start3A_130 = tpu.memref_slice %arg8[%dma_start3A_128, %dma_start3A_129] : memref<16x128xi32, #tpu.memory_space<vmem>> -> memref<1x128xi32, #tpu.memory_space<vmem>>
    %dma_start3A_131 = tpu.memref_squeeze %dma_start3A_130 : memref<1x128xi32, #tpu.memory_space<vmem>> -> memref<128xi32, #tpu.memory_space<vmem>>
    %dma_start3A_132 = tpu.memref_slice %arg3[%add3A_127] : memref<32768xi32, #tpu.memory_space<hbm>> -> memref<128xi32, #tpu.memory_space<hbm>>
    %dma_start3A_133 = arith.constant 0 : i32
    %dma_start3A_134 = tpu.memref_slice %arg8[%dma_start3A_128, %dma_start3A_133] : memref<16x128xi32, #tpu.memory_space<vmem>> -> memref<1x128xi32, #tpu.memory_space<vmem>>
    %dma_start3A_135 = tpu.memref_squeeze %dma_start3A_134 : memref<1x128xi32, #tpu.memory_space<vmem>> -> memref<128xi32, #tpu.memory_space<vmem>>
    %dma_start3A_136 = tpu.memref_slice %arg3[%add3A_127] : memref<32768xi32, #tpu.memory_space<hbm>> -> memref<128xi32, #tpu.memory_space<hbm>>
    tpu.enqueue_dma source(%dma_start3A_136 : memref<128xi32, #tpu.memory_space<hbm>>) target(%dma_start3A_135 : memref<128xi32, #tpu.memory_space<vmem>>) target_semaphore(%arg20 : memref<!tpu.dma_semaphore, #tpu.memory_space<semaphore_mem>>)
    %add3A_137 = arith.constant 1536 : i32
    %add3A_138 = arith.addi %mul3A_0, %add3A_137 : i32
    %dma_start3A_139 = arith.constant 12 : i32
    %dma_start3A_140 = arith.constant 0 : i32
    %dma_start3A_141 = tpu.memref_slice %arg8[%dma_start3A_139, %dma_start3A_140] : memref<16x128xi32, #tpu.memory_space<vmem>> -> memref<1x128xi32, #tpu.memory_space<vmem>>
    %dma_start3A_142 = tpu.memref_squeeze %dma_start3A_141 : memref<1x128xi32, #tpu.memory_space<vmem>> -> memref<128xi32, #tpu.memory_space<vmem>>
    %dma_start3A_143 = tpu.memref_slice %arg3[%add3A_138] : memref<32768xi32, #tpu.memory_space<hbm>> -> memref<128xi32, #tpu.memory_space<hbm>>
    %dma_start3A_144 = arith.constant 0 : i32
    %dma_start3A_145 = tpu.memref_slice %arg8[%dma_start3A_139, %dma_start3A_144] : memref<16x128xi32, #tpu.memory_space<vmem>> -> memref<1x128xi32, #tpu.memory_space<vmem>>
    %dma_start3A_146 = tpu.memref_squeeze %dma_start3A_145 : memref<1x128xi32, #tpu.memory_space<vmem>> -> memref<128xi32, #tpu.memory_space<vmem>>
    %dma_start3A_147 = tpu.memref_slice %arg3[%add3A_138] : memref<32768xi32, #tpu.memory_space<hbm>> -> memref<128xi32, #tpu.memory_space<hbm>>
    tpu.enqueue_dma source(%dma_start3A_147 : memref<128xi32, #tpu.memory_space<hbm>>) target(%dma_start3A_146 : memref<128xi32, #tpu.memory_space<vmem>>) target_semaphore(%arg20 : memref<!tpu.dma_semaphore, #tpu.memory_space<semaphore_mem>>)
    %add3A_148 = arith.constant 1664 : i32
    %add3A_149 = arith.addi %mul3A_0, %add3A_148 : i32
    %dma_start3A_150 = arith.constant 13 : i32
    %dma_start3A_151 = arith.constant 0 : i32
    %dma_start3A_152 = tpu.memref_slice %arg8[%dma_start3A_150, %dma_start3A_151] : memref<16x128xi32, #tpu.memory_space<vmem>> -> memref<1x128xi32, #tpu.memory_space<vmem>>
    %dma_start3A_153 = tpu.memref_squeeze %dma_start3A_152 : memref<1x128xi32, #tpu.memory_space<vmem>> -> memref<128xi32, #tpu.memory_space<vmem>>
    %dma_start3A_154 = tpu.memref_slice %arg3[%add3A_149] : memref<32768xi32, #tpu.memory_space<hbm>> -> memref<128xi32, #tpu.memory_space<hbm>>
    %dma_start3A_155 = arith.constant 0 : i32
    %dma_start3A_156 = tpu.memref_slice %arg8[%dma_start3A_150, %dma_start3A_155] : memref<16x128xi32, #tpu.memory_space<vmem>> -> memref<1x128xi32, #tpu.memory_space<vmem>>
    %dma_start3A_157 = tpu.memref_squeeze %dma_start3A_156 : memref<1x128xi32, #tpu.memory_space<vmem>> -> memref<128xi32, #tpu.memory_space<vmem>>
    %dma_start3A_158 = tpu.memref_slice %arg3[%add3A_149] : memref<32768xi32, #tpu.memory_space<hbm>> -> memref<128xi32, #tpu.memory_space<hbm>>
    tpu.enqueue_dma source(%dma_start3A_158 : memref<128xi32, #tpu.memory_space<hbm>>) target(%dma_start3A_157 : memref<128xi32, #tpu.memory_space<vmem>>) target_semaphore(%arg20 : memref<!tpu.dma_semaphore, #tpu.memory_space<semaphore_mem>>)
    %add3A_159 = arith.constant 1792 : i32
    %add3A_160 = arith.addi %mul3A_0, %add3A_159 : i32
    %dma_start3A_161 = arith.constant 14 : i32
    %dma_start3A_162 = arith.constant 0 : i32
    %dma_start3A_163 = tpu.memref_slice %arg8[%dma_start3A_161, %dma_start3A_162] : memref<16x128xi32, #tpu.memory_space<vmem>> -> memref<1x128xi32, #tpu.memory_space<vmem>>
    %dma_start3A_164 = tpu.memref_squeeze %dma_start3A_163 : memref<1x128xi32, #tpu.memory_space<vmem>> -> memref<128xi32, #tpu.memory_space<vmem>>
    %dma_start3A_165 = tpu.memref_slice %arg3[%add3A_160] : memref<32768xi32, #tpu.memory_space<hbm>> -> memref<128xi32, #tpu.memory_space<hbm>>
    %dma_start3A_166 = arith.constant 0 : i32
    %dma_start3A_167 = tpu.memref_slice %arg8[%dma_start3A_161, %dma_start3A_166] : memref<16x128xi32, #tpu.memory_space<vmem>> -> memref<1x128xi32, #tpu.memory_space<vmem>>
    %dma_start3A_168 = tpu.memref_squeeze %dma_start3A_167 : memref<1x128xi32, #tpu.memory_space<vmem>> -> memref<128xi32, #tpu.memory_space<vmem>>
    %dma_start3A_169 = tpu.memref_slice %arg3[%add3A_160] : memref<32768xi32, #tpu.memory_space<hbm>> -> memref<128xi32, #tpu.memory_space<hbm>>
    tpu.enqueue_dma source(%dma_start3A_169 : memref<128xi32, #tpu.memory_space<hbm>>) target(%dma_start3A_168 : memref<128xi32, #tpu.memory_space<vmem>>) target_semaphore(%arg20 : memref<!tpu.dma_semaphore, #tpu.memory_space<semaphore_mem>>)
    %add3A_170 = arith.constant 1920 : i32
    %add3A_171 = arith.addi %mul3A_0, %add3A_170 : i32
    %dma_start3A_172 = arith.constant 15 : i32
    %dma_start3A_173 = arith.constant 0 : i32
    %dma_start3A_174 = tpu.memref_slice %arg8[%dma_start3A_172, %dma_start3A_173] : memref<16x128xi32, #tpu.memory_space<vmem>> -> memref<1x128xi32, #tpu.memory_space<vmem>>
    %dma_start3A_175 = tpu.memref_squeeze %dma_start3A_174 : memref<1x128xi32, #tpu.memory_space<vmem>> -> memref<128xi32, #tpu.memory_space<vmem>>
    %dma_start3A_176 = tpu.memref_slice %arg3[%add3A_171] : memref<32768xi32, #tpu.memory_space<hbm>> -> memref<128xi32, #tpu.memory_space<hbm>>
    %dma_start3A_177 = arith.constant 0 : i32
    %dma_start3A_178 = tpu.memref_slice %arg8[%dma_start3A_172, %dma_start3A_177] : memref<16x128xi32, #tpu.memory_space<vmem>> -> memref<1x128xi32, #tpu.memory_space<vmem>>
    %dma_start3A_179 = tpu.memref_squeeze %dma_start3A_178 : memref<1x128xi32, #tpu.memory_space<vmem>> -> memref<128xi32, #tpu.memory_space<vmem>>
    %dma_start3A_180 = tpu.memref_slice %arg3[%add3A_171] : memref<32768xi32, #tpu.memory_space<hbm>> -> memref<128xi32, #tpu.memory_space<hbm>>
    tpu.enqueue_dma source(%dma_start3A_180 : memref<128xi32, #tpu.memory_space<hbm>>) target(%dma_start3A_179 : memref<128xi32, #tpu.memory_space<vmem>>) target_semaphore(%arg20 : memref<!tpu.dma_semaphore, #tpu.memory_space<semaphore_mem>>)
    %broadcast_in_dim3A = arith.constant 1.000000e+00 : f32
    %broadcast_in_dim3A_181 = vector.broadcast %broadcast_in_dim3A : f32 to vector<16xf32>
    %broadcast_in_dim3A_182 = arith.constant 0.000000e+00 : f32
    %broadcast_in_dim3A_183 = vector.broadcast %broadcast_in_dim3A_182 : f32 to vector<16xf32>
    %swap3A = arith.constant 0 : index
    %swap3A_184 = tpu.vector_load %arg9[%swap3A] {strides = array<i32>} : memref<128xf32, #tpu.memory_space<vmem>>, vector<16xf32>,
    tpu.vector_store %arg9[%swap3A], %broadcast_in_dim3A_181 {strides = array<i32>} : memref<128xf32, #tpu.memory_space<vmem>>, vector<16xf32>,
    %swap3A_185 = arith.constant 16 : index
    %swap3A_186 = tpu.vector_load %arg9[%swap3A_185] {strides = array<i32>} : memref<128xf32, #tpu.memory_space<vmem>>, vector<16xf32>,
    tpu.vector_store %arg9[%swap3A_185], %broadcast_in_dim3A_181 {strides = array<i32>} : memref<128xf32, #tpu.memory_space<vmem>>, vector<16xf32>,
    %swap3A_187 = arith.constant 32 : index
    %swap3A_188 = tpu.vector_load %arg9[%swap3A_187] {strides = array<i32>} : memref<128xf32, #tpu.memory_space<vmem>>, vector<16xf32>,
    tpu.vector_store %arg9[%swap3A_187], %broadcast_in_dim3A_181 {strides = array<i32>} : memref<128xf32, #tpu.memory_space<vmem>>, vector<16xf32>,
    %swap3A_189 = arith.constant 48 : index
    %swap3A_190 = tpu.vector_load %arg9[%swap3A_189] {strides = array<i32>} : memref<128xf32, #tpu.memory_space<vmem>>, vector<16xf32>,
    tpu.vector_store %arg9[%swap3A_189], %broadcast_in_dim3A_181 {strides = array<i32>} : memref<128xf32, #tpu.memory_space<vmem>>, vector<16xf32>,
    %swap3A_191 = arith.constant 64 : index
    %swap3A_192 = tpu.vector_load %arg9[%swap3A_191] {strides = array<i32>} : memref<128xf32, #tpu.memory_space<vmem>>, vector<16xf32>,
    tpu.vector_store %arg9[%swap3A_191], %broadcast_in_dim3A_181 {strides = array<i32>} : memref<128xf32, #tpu.memory_space<vmem>>, vector<16xf32>,
    %swap3A_193 = arith.constant 80 : index
    %swap3A_194 = tpu.vector_load %arg9[%swap3A_193] {strides = array<i32>} : memref<128xf32, #tpu.memory_space<vmem>>, vector<16xf32>,
    tpu.vector_store %arg9[%swap3A_193], %broadcast_in_dim3A_181 {strides = array<i32>} : memref<128xf32, #tpu.memory_space<vmem>>, vector<16xf32>,
    %swap3A_195 = arith.constant 96 : index
    %swap3A_196 = tpu.vector_load %arg9[%swap3A_195] {strides = array<i32>} : memref<128xf32, #tpu.memory_space<vmem>>, vector<16xf32>,
    tpu.vector_store %arg9[%swap3A_195], %broadcast_in_dim3A_181 {strides = array<i32>} : memref<128xf32, #tpu.memory_space<vmem>>, vector<16xf32>,
    %swap3A_197 = arith.constant 112 : index
    %swap3A_198 = tpu.vector_load %arg9[%swap3A_197] {strides = array<i32>} : memref<128xf32, #tpu.memory_space<vmem>>, vector<16xf32>,
    tpu.vector_store %arg9[%swap3A_197], %broadcast_in_dim3A_181 {strides = array<i32>} : memref<128xf32, #tpu.memory_space<vmem>>, vector<16xf32>,
    %swap3A_199 = arith.constant 0 : index
    %swap3A_200 = tpu.vector_load %arg13[%swap3A_199] {strides = array<i32>} : memref<128xf32, #tpu.memory_space<vmem>>, vector<16xf32>,
    tpu.vector_store %arg13[%swap3A_199], %broadcast_in_dim3A_183 {strides = array<i32>} : memref<128xf32, #tpu.memory_space<vmem>>, vector<16xf32>,
    %swap3A_201 = arith.constant 16 : index
    %swap3A_202 = tpu.vector_load %arg13[%swap3A_201] {strides = array<i32>} : memref<128xf32, #tpu.memory_space<vmem>>, vector<16xf32>,
    tpu.vector_store %arg13[%swap3A_201], %broadcast_in_dim3A_183 {strides = array<i32>} : memref<128xf32, #tpu.memory_space<vmem>>, vector<16xf32>,
    %swap3A_203 = arith.constant 32 : index
    %swap3A_204 = tpu.vector_load %arg13[%swap3A_203] {strides = array<i32>} : memref<128xf32, #tpu.memory_space<vmem>>, vector<16xf32>,
    tpu.vector_store %arg13[%swap3A_203], %broadcast_in_dim3A_183 {strides = array<i32>} : memref<128xf32, #tpu.memory_space<vmem>>, vector<16xf32>,
    %swap3A_205 = arith.constant 48 : index
    %swap3A_206 = tpu.vector_load %arg13[%swap3A_205] {strides = array<i32>} : memref<128xf32, #tpu.memory_space<vmem>>, vector<16xf32>,
    tpu.vector_store %arg13[%swap3A_205], %broadcast_in_dim3A_183 {strides = array<i32>} : memref<128xf32, #tpu.memory_space<vmem>>, vector<16xf32>,
    %swap3A_207 = arith.constant 64 : index
    %swap3A_208 = tpu.vector_load %arg13[%swap3A_207] {strides = array<i32>} : memref<128xf32, #tpu.memory_space<vmem>>, vector<16xf32>,
    tpu.vector_store %arg13[%swap3A_207], %broadcast_in_dim3A_183 {strides = array<i32>} : memref<128xf32, #tpu.memory_space<vmem>>, vector<16xf32>,
    %swap3A_209 = arith.constant 80 : index
    %swap3A_210 = tpu.vector_load %arg13[%swap3A_209] {strides = array<i32>} : memref<128xf32, #tpu.memory_space<vmem>>, vector<16xf32>,
    tpu.vector_store %arg13[%swap3A_209], %broadcast_in_dim3A_183 {strides = array<i32>} : memref<128xf32, #tpu.memory_space<vmem>>, vector<16xf32>,
    %swap3A_211 = arith.constant 96 : index
    %swap3A_212 = tpu.vector_load %arg13[%swap3A_211] {strides = array<i32>} : memref<128xf32, #tpu.memory_space<vmem>>, vector<16xf32>,
    tpu.vector_store %arg13[%swap3A_211], %broadcast_in_dim3A_183 {strides = array<i32>} : memref<128xf32, #tpu.memory_space<vmem>>, vector<16xf32>,
    %swap3A_213 = arith.constant 112 : index
    %swap3A_214 = tpu.vector_load %arg13[%swap3A_213] {strides = array<i32>} : memref<128xf32, #tpu.memory_space<vmem>>, vector<16xf32>,
    tpu.vector_store %arg13[%swap3A_213], %broadcast_in_dim3A_183 {strides = array<i32>} : memref<128xf32, #tpu.memory_space<vmem>>, vector<16xf32>,
    %dma_wait3A = tpu.memref_slice %arg2[%mul3A_0] : memref<32768xf32, #tpu.memory_space<hbm>> -> memref<2048xf32, #tpu.memory_space<hbm>>
    %dma_wait3A_215 = tpu.memref_slice %arg2[%mul3A_0] : memref<32768xf32, #tpu.memory_space<hbm>> -> memref<2048xf32, #tpu.memory_space<hbm>>
    tpu.wait_dma2 semaphore(%arg20 : memref<!tpu.dma_semaphore, #tpu.memory_space<semaphore_mem>>) src(%dma_wait3A_215 : memref<2048xf32, #tpu.memory_space<hbm>>) dst(%arg5 : memref<2048xf32, #tpu.memory_space<vmem>>)
    %dma_wait3A_216 = tpu.memref_slice %arg3[%mul3A_0] : memref<32768xi32, #tpu.memory_space<hbm>> -> memref<2048xi32, #tpu.memory_space<hbm>>
    %dma_wait3A_217 = tpu.memref_slice %arg3[%mul3A_0] : memref<32768xi32, #tpu.memory_space<hbm>> -> memref<2048xi32, #tpu.memory_space<hbm>>
    tpu.wait_dma2 semaphore(%arg20 : memref<!tpu.dma_semaphore, #tpu.memory_space<semaphore_mem>>) src(%dma_wait3A_217 : memref<2048xi32, #tpu.memory_space<hbm>>) dst(%arg7 : memref<2048xi32, #tpu.memory_space<vmem>>)
    %dma_wait3A_218 = arith.constant 0 : i32
    %dma_wait3A_219 = arith.constant 0 : i32
    %dma_wait3A_220 = tpu.memref_slice %arg8[%dma_wait3A_218, %dma_wait3A_219] : memref<16x128xi32, #tpu.memory_space<vmem>> -> memref<1x128xi32, #tpu.memory_space<vmem>>
    %dma_wait3A_221 = tpu.memref_squeeze %dma_wait3A_220 : memref<1x128xi32, #tpu.memory_space<vmem>> -> memref<128xi32, #tpu.memory_space<vmem>>
    %dma_wait3A_222 = tpu.memref_slice %arg3[%add3A_6] : memref<32768xi32, #tpu.memory_space<hbm>> -> memref<128xi32, #tpu.memory_space<hbm>>
    %dma_wait3A_223 = arith.constant 0 : i32
    %dma_wait3A_224 = tpu.memref_slice %arg8[%dma_wait3A_218, %dma_wait3A_223] : memref<16x128xi32, #tpu.memory_space<vmem>> -> memref<1x128xi32, #tpu.memory_space<vmem>>
    %dma_wait3A_225 = tpu.memref_squeeze %dma_wait3A_224 : memref<1x128xi32, #tpu.memory_space<vmem>> -> memref<128xi32, #tpu.memory_space<vmem>>
    %dma_wait3A_226 = tpu.memref_slice %arg3[%add3A_6] : memref<32768xi32, #tpu.memory_space<hbm>> -> memref<128xi32, #tpu.memory_space<hbm>>
    tpu.wait_dma2 semaphore(%arg20 : memref<!tpu.dma_semaphore, #tpu.memory_space<semaphore_mem>>) src(%dma_wait3A_226 : memref<128xi32, #tpu.memory_space<hbm>>) dst(%dma_wait3A_225 : memref<128xi32, #tpu.memory_space<vmem>>)
    %dma_wait3A_227 = arith.constant 1 : i32
    %dma_wait3A_228 = arith.constant 0 : i32
    %dma_wait3A_229 = tpu.memref_slice %arg8[%dma_wait3A_227, %dma_wait3A_228] : memref<16x128xi32, #tpu.memory_space<vmem>> -> memref<1x128xi32, #tpu.memory_space<vmem>>
    %dma_wait3A_230 = tpu.memref_squeeze %dma_wait3A_229 : memref<1x128xi32, #tpu.memory_space<vmem>> -> memref<128xi32, #tpu.memory_space<vmem>>
    %dma_wait3A_231 = tpu.memref_slice %arg3[%add3A_17] : memref<32768xi32, #tpu.memory_space<hbm>> -> memref<128xi32, #tpu.memory_space<hbm>>
    %dma_wait3A_232 = arith.constant 0 : i32
    %dma_wait3A_233 = tpu.memref_slice %arg8[%dma_wait3A_227, %dma_wait3A_232] : memref<16x128xi32, #tpu.memory_space<vmem>> -> memref<1x128xi32, #tpu.memory_space<vmem>>
    %dma_wait3A_234 = tpu.memref_squeeze %dma_wait3A_233 : memref<1x128xi32, #tpu.memory_space<vmem>> -> memref<128xi32, #tpu.memory_space<vmem>>
    %dma_wait3A_235 = tpu.memref_slice %arg3[%add3A_17] : memref<32768xi32, #tpu.memory_space<hbm>> -> memref<128xi32, #tpu.memory_space<hbm>>
    tpu.wait_dma2 semaphore(%arg20 : memref<!tpu.dma_semaphore, #tpu.memory_space<semaphore_mem>>) src(%dma_wait3A_235 : memref<128xi32, #tpu.memory_space<hbm>>) dst(%dma_wait3A_234 : memref<128xi32, #tpu.memory_space<vmem>>)
    %dma_wait3A_236 = arith.constant 2 : i32
    %dma_wait3A_237 = arith.constant 0 : i32
    %dma_wait3A_238 = tpu.memref_slice %arg8[%dma_wait3A_236, %dma_wait3A_237] : memref<16x128xi32, #tpu.memory_space<vmem>> -> memref<1x128xi32, #tpu.memory_space<vmem>>
    %dma_wait3A_239 = tpu.memref_squeeze %dma_wait3A_238 : memref<1x128xi32, #tpu.memory_space<vmem>> -> memref<128xi32, #tpu.memory_space<vmem>>
    %dma_wait3A_240 = tpu.memref_slice %arg3[%add3A_28] : memref<32768xi32, #tpu.memory_space<hbm>> -> memref<128xi32, #tpu.memory_space<hbm>>
    %dma_wait3A_241 = arith.constant 0 : i32
    %dma_wait3A_242 = tpu.memref_slice %arg8[%dma_wait3A_236, %dma_wait3A_241] : memref<16x128xi32, #tpu.memory_space<vmem>> -> memref<1x128xi32, #tpu.memory_space<vmem>>
    %dma_wait3A_243 = tpu.memref_squeeze %dma_wait3A_242 : memref<1x128xi32, #tpu.memory_space<vmem>> -> memref<128xi32, #tpu.memory_space<vmem>>
    %dma_wait3A_244 = tpu.memref_slice %arg3[%add3A_28] : memref<32768xi32, #tpu.memory_space<hbm>> -> memref<128xi32, #tpu.memory_space<hbm>>
    tpu.wait_dma2 semaphore(%arg20 : memref<!tpu.dma_semaphore, #tpu.memory_space<semaphore_mem>>) src(%dma_wait3A_244 : memref<128xi32, #tpu.memory_space<hbm>>) dst(%dma_wait3A_243 : memref<128xi32, #tpu.memory_space<vmem>>)
    %dma_wait3A_245 = arith.constant 3 : i32
    %dma_wait3A_246 = arith.constant 0 : i32
    %dma_wait3A_247 = tpu.memref_slice %arg8[%dma_wait3A_245, %dma_wait3A_246] : memref<16x128xi32, #tpu.memory_space<vmem>> -> memref<1x128xi32, #tpu.memory_space<vmem>>
    %dma_wait3A_248 = tpu.memref_squeeze %dma_wait3A_247 : memref<1x128xi32, #tpu.memory_space<vmem>> -> memref<128xi32, #tpu.memory_space<vmem>>
    %dma_wait3A_249 = tpu.memref_slice %arg3[%add3A_39] : memref<32768xi32, #tpu.memory_space<hbm>> -> memref<128xi32, #tpu.memory_space<hbm>>
    %dma_wait3A_250 = arith.constant 0 : i32
    %dma_wait3A_251 = tpu.memref_slice %arg8[%dma_wait3A_245, %dma_wait3A_250] : memref<16x128xi32, #tpu.memory_space<vmem>> -> memref<1x128xi32, #tpu.memory_space<vmem>>
    %dma_wait3A_252 = tpu.memref_squeeze %dma_wait3A_251 : memref<1x128xi32, #tpu.memory_space<vmem>> -> memref<128xi32, #tpu.memory_space<vmem>>
    %dma_wait3A_253 = tpu.memref_slice %arg3[%add3A_39] : memref<32768xi32, #tpu.memory_space<hbm>> -> memref<128xi32, #tpu.memory_space<hbm>>
    tpu.wait_dma2 semaphore(%arg20 : memref<!tpu.dma_semaphore, #tpu.memory_space<semaphore_mem>>) src(%dma_wait3A_253 : memref<128xi32, #tpu.memory_space<hbm>>) dst(%dma_wait3A_252 : memref<128xi32, #tpu.memory_space<vmem>>)
    %dma_wait3A_254 = arith.constant 4 : i32
    %dma_wait3A_255 = arith.constant 0 : i32
    %dma_wait3A_256 = tpu.memref_slice %arg8[%dma_wait3A_254, %dma_wait3A_255] : memref<16x128xi32, #tpu.memory_space<vmem>> -> memref<1x128xi32, #tpu.memory_space<vmem>>
    %dma_wait3A_257 = tpu.memref_squeeze %dma_wait3A_256 : memref<1x128xi32, #tpu.memory_space<vmem>> -> memref<128xi32, #tpu.memory_space<vmem>>
    %dma_wait3A_258 = tpu.memref_slice %arg3[%add3A_50] : memref<32768xi32, #tpu.memory_space<hbm>> -> memref<128xi32, #tpu.memory_space<hbm>>
    %dma_wait3A_259 = arith.constant 0 : i32
    %dma_wait3A_260 = tpu.memref_slice %arg8[%dma_wait3A_254, %dma_wait3A_259] : memref<16x128xi32, #tpu.memory_space<vmem>> -> memref<1x128xi32, #tpu.memory_space<vmem>>
    %dma_wait3A_261 = tpu.memref_squeeze %dma_wait3A_260 : memref<1x128xi32, #tpu.memory_space<vmem>> -> memref<128xi32, #tpu.memory_space<vmem>>
    %dma_wait3A_262 = tpu.memref_slice %arg3[%add3A_50] : memref<32768xi32, #tpu.memory_space<hbm>> -> memref<128xi32, #tpu.memory_space<hbm>>
    tpu.wait_dma2 semaphore(%arg20 : memref<!tpu.dma_semaphore, #tpu.memory_space<semaphore_mem>>) src(%dma_wait3A_262 : memref<128xi32, #tpu.memory_space<hbm>>) dst(%dma_wait3A_261 : memref<128xi32, #tpu.memory_space<vmem>>)
    %dma_wait3A_263 = arith.constant 5 : i32
    %dma_wait3A_264 = arith.constant 0 : i32
    %dma_wait3A_265 = tpu.memref_slice %arg8[%dma_wait3A_263, %dma_wait3A_264] : memref<16x128xi32, #tpu.memory_space<vmem>> -> memref<1x128xi32, #tpu.memory_space<vmem>>
    %dma_wait3A_266 = tpu.memref_squeeze %dma_wait3A_265 : memref<1x128xi32, #tpu.memory_space<vmem>> -> memref<128xi32, #tpu.memory_space<vmem>>
    %dma_wait3A_267 = tpu.memref_slice %arg3[%add3A_61] : memref<32768xi32, #tpu.memory_space<hbm>> -> memref<128xi32, #tpu.memory_space<hbm>>
    %dma_wait3A_268 = arith.constant 0 : i32
    %dma_wait3A_269 = tpu.memref_slice %arg8[%dma_wait3A_263, %dma_wait3A_268] : memref<16x128xi32, #tpu.memory_space<vmem>> -> memref<1x128xi32, #tpu.memory_space<vmem>>
    %dma_wait3A_270 = tpu.memref_squeeze %dma_wait3A_269 : memref<1x128xi32, #tpu.memory_space<vmem>> -> memref<128xi32, #tpu.memory_space<vmem>>
    %dma_wait3A_271 = tpu.memref_slice %arg3[%add3A_61] : memref<32768xi32, #tpu.memory_space<hbm>> -> memref<128xi32, #tpu.memory_space<hbm>>
    tpu.wait_dma2 semaphore(%arg20 : memref<!tpu.dma_semaphore, #tpu.memory_space<semaphore_mem>>) src(%dma_wait3A_271 : memref<128xi32, #tpu.memory_space<hbm>>) dst(%dma_wait3A_270 : memref<128xi32, #tpu.memory_space<vmem>>)
    %dma_wait3A_272 = arith.constant 6 : i32
    %dma_wait3A_273 = arith.constant 0 : i32
    %dma_wait3A_274 = tpu.memref_slice %arg8[%dma_wait3A_272, %dma_wait3A_273] : memref<16x128xi32, #tpu.memory_space<vmem>> -> memref<1x128xi32, #tpu.memory_space<vmem>>
    %dma_wait3A_275 = tpu.memref_squeeze %dma_wait3A_274 : memref<1x128xi32, #tpu.memory_space<vmem>> -> memref<128xi32, #tpu.memory_space<vmem>>
    %dma_wait3A_276 = tpu.memref_slice %arg3[%add3A_72] : memref<32768xi32, #tpu.memory_space<hbm>> -> memref<128xi32, #tpu.memory_space<hbm>>
    %dma_wait3A_277 = arith.constant 0 : i32
    %dma_wait3A_278 = tpu.memref_slice %arg8[%dma_wait3A_272, %dma_wait3A_277] : memref<16x128xi32, #tpu.memory_space<vmem>> -> memref<1x128xi32, #tpu.memory_space<vmem>>
    %dma_wait3A_279 = tpu.memref_squeeze %dma_wait3A_278 : memref<1x128xi32, #tpu.memory_space<vmem>> -> memref<128xi32, #tpu.memory_space<vmem>>
    %dma_wait3A_280 = tpu.memref_slice %arg3[%add3A_72] : memref<32768xi32, #tpu.memory_space<hbm>> -> memref<128xi32, #tpu.memory_space<hbm>>
    tpu.wait_dma2 semaphore(%arg20 : memref<!tpu.dma_semaphore, #tpu.memory_space<semaphore_mem>>) src(%dma_wait3A_280 : memref<128xi32, #tpu.memory_space<hbm>>) dst(%dma_wait3A_279 : memref<128xi32, #tpu.memory_space<vmem>>)
    %dma_wait3A_281 = arith.constant 7 : i32
    %dma_wait3A_282 = arith.constant 0 : i32
    %dma_wait3A_283 = tpu.memref_slice %arg8[%dma_wait3A_281, %dma_wait3A_282] : memref<16x128xi32, #tpu.memory_space<vmem>> -> memref<1x128xi32, #tpu.memory_space<vmem>>
    %dma_wait3A_284 = tpu.memref_squeeze %dma_wait3A_283 : memref<1x128xi32, #tpu.memory_space<vmem>> -> memref<128xi32, #tpu.memory_space<vmem>>
    %dma_wait3A_285 = tpu.memref_slice %arg3[%add3A_83] : memref<32768xi32, #tpu.memory_space<hbm>> -> memref<128xi32, #tpu.memory_space<hbm>>
    %dma_wait3A_286 = arith.constant 0 : i32
    %dma_wait3A_287 = tpu.memref_slice %arg8[%dma_wait3A_281, %dma_wait3A_286] : memref<16x128xi32, #tpu.memory_space<vmem>> -> memref<1x128xi32, #tpu.memory_space<vmem>>
    %dma_wait3A_288 = tpu.memref_squeeze %dma_wait3A_287 : memref<1x128xi32, #tpu.memory_space<vmem>> -> memref<128xi32, #tpu.memory_space<vmem>>
    %dma_wait3A_289 = tpu.memref_slice %arg3[%add3A_83] : memref<32768xi32, #tpu.memory_space<hbm>> -> memref<128xi32, #tpu.memory_space<hbm>>
    tpu.wait_dma2 semaphore(%arg20 : memref<!tpu.dma_semaphore, #tpu.memory_space<semaphore_mem>>) src(%dma_wait3A_289 : memref<128xi32, #tpu.memory_space<hbm>>) dst(%dma_wait3A_288 : memref<128xi32, #tpu.memory_space<vmem>>)
    %dma_wait3A_290 = arith.constant 8 : i32
    %dma_wait3A_291 = arith.constant 0 : i32
    %dma_wait3A_292 = tpu.memref_slice %arg8[%dma_wait3A_290, %dma_wait3A_291] : memref<16x128xi32, #tpu.memory_space<vmem>> -> memref<1x128xi32, #tpu.memory_space<vmem>>
    %dma_wait3A_293 = tpu.memref_squeeze %dma_wait3A_292 : memref<1x128xi32, #tpu.memory_space<vmem>> -> memref<128xi32, #tpu.memory_space<vmem>>
    %dma_wait3A_294 = tpu.memref_slice %arg3[%add3A_94] : memref<32768xi32, #tpu.memory_space<hbm>> -> memref<128xi32, #tpu.memory_space<hbm>>
    %dma_wait3A_295 = arith.constant 0 : i32
    %dma_wait3A_296 = tpu.memref_slice %arg8[%dma_wait3A_290, %dma_wait3A_295] : memref<16x128xi32, #tpu.memory_space<vmem>> -> memref<1x128xi32, #tpu.memory_space<vmem>>
    %dma_wait3A_297 = tpu.memref_squeeze %dma_wait3A_296 : memref<1x128xi32, #tpu.memory_space<vmem>> -> memref<128xi32, #tpu.memory_space<vmem>>
    %dma_wait3A_298 = tpu.memref_slice %arg3[%add3A_94] : memref<32768xi32, #tpu.memory_space<hbm>> -> memref<128xi32, #tpu.memory_space<hbm>>
    tpu.wait_dma2 semaphore(%arg20 : memref<!tpu.dma_semaphore, #tpu.memory_space<semaphore_mem>>) src(%dma_wait3A_298 : memref<128xi32, #tpu.memory_space<hbm>>) dst(%dma_wait3A_297 : memref<128xi32, #tpu.memory_space<vmem>>)
    %dma_wait3A_299 = arith.constant 9 : i32
    %dma_wait3A_300 = arith.constant 0 : i32
    %dma_wait3A_301 = tpu.memref_slice %arg8[%dma_wait3A_299, %dma_wait3A_300] : memref<16x128xi32, #tpu.memory_space<vmem>> -> memref<1x128xi32, #tpu.memory_space<vmem>>
    %dma_wait3A_302 = tpu.memref_squeeze %dma_wait3A_301 : memref<1x128xi32, #tpu.memory_space<vmem>> -> memref<128xi32, #tpu.memory_space<vmem>>
    %dma_wait3A_303 = tpu.memref_slice %arg3[%add3A_105] : memref<32768xi32, #tpu.memory_space<hbm>> -> memref<128xi32, #tpu.memory_space<hbm>>
    %dma_wait3A_304 = arith.constant 0 : i32
    %dma_wait3A_305 = tpu.memref_slice %arg8[%dma_wait3A_299, %dma_wait3A_304] : memref<16x128xi32, #tpu.memory_space<vmem>> -> memref<1x128xi32, #tpu.memory_space<vmem>>
    %dma_wait3A_306 = tpu.memref_squeeze %dma_wait3A_305 : memref<1x128xi32, #tpu.memory_space<vmem>> -> memref<128xi32, #tpu.memory_space<vmem>>
    %dma_wait3A_307 = tpu.memref_slice %arg3[%add3A_105] : memref<32768xi32, #tpu.memory_space<hbm>> -> memref<128xi32, #tpu.memory_space<hbm>>
    tpu.wait_dma2 semaphore(%arg20 : memref<!tpu.dma_semaphore, #tpu.memory_space<semaphore_mem>>) src(%dma_wait3A_307 : memref<128xi32, #tpu.memory_space<hbm>>) dst(%dma_wait3A_306 : memref<128xi32, #tpu.memory_space<vmem>>)
    %dma_wait3A_308 = arith.constant 10 : i32
    %dma_wait3A_309 = arith.constant 0 : i32
    %dma_wait3A_310 = tpu.memref_slice %arg8[%dma_wait3A_308, %dma_wait3A_309] : memref<16x128xi32, #tpu.memory_space<vmem>> -> memref<1x128xi32, #tpu.memory_space<vmem>>
    %dma_wait3A_311 = tpu.memref_squeeze %dma_wait3A_310 : memref<1x128xi32, #tpu.memory_space<vmem>> -> memref<128xi32, #tpu.memory_space<vmem>>
    %dma_wait3A_312 = tpu.memref_slice %arg3[%add3A_116] : memref<32768xi32, #tpu.memory_space<hbm>> -> memref<128xi32, #tpu.memory_space<hbm>>
    %dma_wait3A_313 = arith.constant 0 : i32
    %dma_wait3A_314 = tpu.memref_slice %arg8[%dma_wait3A_308, %dma_wait3A_313] : memref<16x128xi32, #tpu.memory_space<vmem>> -> memref<1x128xi32, #tpu.memory_space<vmem>>
    %dma_wait3A_315 = tpu.memref_squeeze %dma_wait3A_314 : memref<1x128xi32, #tpu.memory_space<vmem>> -> memref<128xi32, #tpu.memory_space<vmem>>
    %dma_wait3A_316 = tpu.memref_slice %arg3[%add3A_116] : memref<32768xi32, #tpu.memory_space<hbm>> -> memref<128xi32, #tpu.memory_space<hbm>>
    tpu.wait_dma2 semaphore(%arg20 : memref<!tpu.dma_semaphore, #tpu.memory_space<semaphore_mem>>) src(%dma_wait3A_316 : memref<128xi32, #tpu.memory_space<hbm>>) dst(%dma_wait3A_315 : memref<128xi32, #tpu.memory_space<vmem>>)
    %dma_wait3A_317 = arith.constant 11 : i32
    %dma_wait3A_318 = arith.constant 0 : i32
    %dma_wait3A_319 = tpu.memref_slice %arg8[%dma_wait3A_317, %dma_wait3A_318] : memref<16x128xi32, #tpu.memory_space<vmem>> -> memref<1x128xi32, #tpu.memory_space<vmem>>
    %dma_wait3A_320 = tpu.memref_squeeze %dma_wait3A_319 : memref<1x128xi32, #tpu.memory_space<vmem>> -> memref<128xi32, #tpu.memory_space<vmem>>
    %dma_wait3A_321 = tpu.memref_slice %arg3[%add3A_127] : memref<32768xi32, #tpu.memory_space<hbm>> -> memref<128xi32, #tpu.memory_space<hbm>>
    %dma_wait3A_322 = arith.constant 0 : i32
    %dma_wait3A_323 = tpu.memref_slice %arg8[%dma_wait3A_317, %dma_wait3A_322] : memref<16x128xi32, #tpu.memory_space<vmem>> -> memref<1x128xi32, #tpu.memory_space<vmem>>
    %dma_wait3A_324 = tpu.memref_squeeze %dma_wait3A_323 : memref<1x128xi32, #tpu.memory_space<vmem>> -> memref<128xi32, #tpu.memory_space<vmem>>
    %dma_wait3A_325 = tpu.memref_slice %arg3[%add3A_127] : memref<32768xi32, #tpu.memory_space<hbm>> -> memref<128xi32, #tpu.memory_space<hbm>>
    tpu.wait_dma2 semaphore(%arg20 : memref<!tpu.dma_semaphore, #tpu.memory_space<semaphore_mem>>) src(%dma_wait3A_325 : memref<128xi32, #tpu.memory_space<hbm>>) dst(%dma_wait3A_324 : memref<128xi32, #tpu.memory_space<vmem>>)
    %dma_wait3A_326 = arith.constant 12 : i32
    %dma_wait3A_327 = arith.constant 0 : i32
    %dma_wait3A_328 = tpu.memref_slice %arg8[%dma_wait3A_326, %dma_wait3A_327] : memref<16x128xi32, #tpu.memory_space<vmem>> -> memref<1x128xi32, #tpu.memory_space<vmem>>
    %dma_wait3A_329 = tpu.memref_squeeze %dma_wait3A_328 : memref<1x128xi32, #tpu.memory_space<vmem>> -> memref<128xi32, #tpu.memory_space<vmem>>
    %dma_wait3A_330 = tpu.memref_slice %arg3[%add3A_138] : memref<32768xi32, #tpu.memory_space<hbm>> -> memref<128xi32, #tpu.memory_space<hbm>>
    %dma_wait3A_331 = arith.constant 0 : i32
    %dma_wait3A_332 = tpu.memref_slice %arg8[%dma_wait3A_326, %dma_wait3A_331] : memref<16x128xi32, #tpu.memory_space<vmem>> -> memref<1x128xi32, #tpu.memory_space<vmem>>
    %dma_wait3A_333 = tpu.memref_squeeze %dma_wait3A_332 : memref<1x128xi32, #tpu.memory_space<vmem>> -> memref<128xi32, #tpu.memory_space<vmem>>
    %dma_wait3A_334 = tpu.memref_slice %arg3[%add3A_138] : memref<32768xi32, #tpu.memory_space<hbm>> -> memref<128xi32, #tpu.memory_space<hbm>>
    tpu.wait_dma2 semaphore(%arg20 : memref<!tpu.dma_semaphore, #tpu.memory_space<semaphore_mem>>) src(%dma_wait3A_334 : memref<128xi32, #tpu.memory_space<hbm>>) dst(%dma_wait3A_333 : memref<128xi32, #tpu.memory_space<vmem>>)
    %dma_wait3A_335 = arith.constant 13 : i32
    %dma_wait3A_336 = arith.constant 0 : i32
    %dma_wait3A_337 = tpu.memref_slice %arg8[%dma_wait3A_335, %dma_wait3A_336] : memref<16x128xi32, #tpu.memory_space<vmem>> -> memref<1x128xi32, #tpu.memory_space<vmem>>
    %dma_wait3A_338 = tpu.memref_squeeze %dma_wait3A_337 : memref<1x128xi32, #tpu.memory_space<vmem>> -> memref<128xi32, #tpu.memory_space<vmem>>
    %dma_wait3A_339 = tpu.memref_slice %arg3[%add3A_149] : memref<32768xi32, #tpu.memory_space<hbm>> -> memref<128xi32, #tpu.memory_space<hbm>>
    %dma_wait3A_340 = arith.constant 0 : i32
    %dma_wait3A_341 = tpu.memref_slice %arg8[%dma_wait3A_335, %dma_wait3A_340] : memref<16x128xi32, #tpu.memory_space<vmem>> -> memref<1x128xi32, #tpu.memory_space<vmem>>
    %dma_wait3A_342 = tpu.memref_squeeze %dma_wait3A_341 : memref<1x128xi32, #tpu.memory_space<vmem>> -> memref<128xi32, #tpu.memory_space<vmem>>
    %dma_wait3A_343 = tpu.memref_slice %arg3[%add3A_149] : memref<32768xi32, #tpu.memory_space<hbm>> -> memref<128xi32, #tpu.memory_space<hbm>>
    tpu.wait_dma2 semaphore(%arg20 : memref<!tpu.dma_semaphore, #tpu.memory_space<semaphore_mem>>) src(%dma_wait3A_343 : memref<128xi32, #tpu.memory_space<hbm>>) dst(%dma_wait3A_342 : memref<128xi32, #tpu.memory_space<vmem>>)
    %dma_wait3A_344 = arith.constant 14 : i32
    %dma_wait3A_345 = arith.constant 0 : i32
    %dma_wait3A_346 = tpu.memref_slice %arg8[%dma_wait3A_344, %dma_wait3A_345] : memref<16x128xi32, #tpu.memory_space<vmem>> -> memref<1x128xi32, #tpu.memory_space<vmem>>
    %dma_wait3A_347 = tpu.memref_squeeze %dma_wait3A_346 : memref<1x128xi32, #tpu.memory_space<vmem>> -> memref<128xi32, #tpu.memory_space<vmem>>
    %dma_wait3A_348 = tpu.memref_slice %arg3[%add3A_160] : memref<32768xi32, #tpu.memory_space<hbm>> -> memref<128xi32, #tpu.memory_space<hbm>>
    %dma_wait3A_349 = arith.constant 0 : i32
    %dma_wait3A_350 = tpu.memref_slice %arg8[%dma_wait3A_344, %dma_wait3A_349] : memref<16x128xi32, #tpu.memory_space<vmem>> -> memref<1x128xi32, #tpu.memory_space<vmem>>
    %dma_wait3A_351 = tpu.memref_squeeze %dma_wait3A_350 : memref<1x128xi32, #tpu.memory_space<vmem>> -> memref<128xi32, #tpu.memory_space<vmem>>
    %dma_wait3A_352 = tpu.memref_slice %arg3[%add3A_160] : memref<32768xi32, #tpu.memory_space<hbm>> -> memref<128xi32, #tpu.memory_space<hbm>>
    tpu.wait_dma2 semaphore(%arg20 : memref<!tpu.dma_semaphore, #tpu.memory_space<semaphore_mem>>) src(%dma_wait3A_352 : memref<128xi32, #tpu.memory_space<hbm>>) dst(%dma_wait3A_351 : memref<128xi32, #tpu.memory_space<vmem>>)
    %dma_wait3A_353 = arith.constant 15 : i32
    %dma_wait3A_354 = arith.constant 0 : i32
    %dma_wait3A_355 = tpu.memref_slice %arg8[%dma_wait3A_353, %dma_wait3A_354] : memref<16x128xi32, #tpu.memory_space<vmem>> -> memref<1x128xi32, #tpu.memory_space<vmem>>
    %dma_wait3A_356 = tpu.memref_squeeze %dma_wait3A_355 : memref<1x128xi32, #tpu.memory_space<vmem>> -> memref<128xi32, #tpu.memory_space<vmem>>
    %dma_wait3A_357 = tpu.memref_slice %arg3[%add3A_171] : memref<32768xi32, #tpu.memory_space<hbm>> -> memref<128xi32, #tpu.memory_space<hbm>>
    %dma_wait3A_358 = arith.constant 0 : i32
    %dma_wait3A_359 = tpu.memref_slice %arg8[%dma_wait3A_353, %dma_wait3A_358] : memref<16x128xi32, #tpu.memory_space<vmem>> -> memref<1x128xi32, #tpu.memory_space<vmem>>
    %dma_wait3A_360 = tpu.memref_squeeze %dma_wait3A_359 : memref<1x128xi32, #tpu.memory_space<vmem>> -> memref<128xi32, #tpu.memory_space<vmem>>
    %dma_wait3A_361 = tpu.memref_slice %arg3[%add3A_171] : memref<32768xi32, #tpu.memory_space<hbm>> -> memref<128xi32, #tpu.memory_space<hbm>>
    tpu.wait_dma2 semaphore(%arg20 : memref<!tpu.dma_semaphore, #tpu.memory_space<semaphore_mem>>) src(%dma_wait3A_361 : memref<128xi32, #tpu.memory_space<hbm>>) dst(%dma_wait3A_360 : memref<128xi32, #tpu.memory_space<vmem>>)
    %scan3A = arith.constant 0 : i32
    %scan3A_362 = arith.constant 0 : i32
    %scan3A_363 = arith.constant 128 : i32
    %scan3A_364 = arith.addi %scan3A_362, %scan3A_363 : i32
    %scan3A_365 = arith.constant 1 : i32
    scf.for %scan3A_2295 = %scan3A_362 to %scan3A_364 step %scan3A_365  : i32 {
      %mul3A_2296 = arith.constant 16 : i32
      %mul3A_2297 = arith.muli %scan3A_2295, %mul3A_2296 : i32
      %get3A_2298 = arith.index_cast %mul3A_2297 : i32 to index
      %get3A_2299 = tpu.vector_load %arg5[%get3A_2298] {strides = array<i32>} : memref<2048xf32, #tpu.memory_space<vmem>>, vector<16xf32>,
      %mul3A_2300 = arith.mulf %get3A_2299, %get3A_2299 : vector<16xf32>
      %mul3A_2301 = arith.constant 16 : i32
      %mul3A_2302 = arith.muli %scan3A_2295, %mul3A_2301 : i32
      %swap3A_2303 = arith.index_cast %mul3A_2302 : i32 to index
      %swap3A_2304 = tpu.vector_load %arg6[%swap3A_2303] {strides = array<i32>} : memref<2048xf32, #tpu.memory_space<vmem>>, vector<16xf32>,
      tpu.vector_store %arg6[%swap3A_2303], %mul3A_2300 {strides = array<i32>} : memref<2048xf32, #tpu.memory_space<vmem>>, vector<16xf32>,
    }
    %scan3A_366 = arith.constant 128 : i32
    %dma_start3A_367 = tpu.memref_slice %arg21[%mul3A_2] : memref<2048xf32, #tpu.memory_space<vmem_shared>> -> memref<128xf32, #tpu.memory_space<vmem_shared>>
    %dma_start3A_368 = tpu.memref_slice %arg21[%mul3A_2] : memref<2048xf32, #tpu.memory_space<vmem_shared>> -> memref<128xf32, #tpu.memory_space<vmem_shared>>
    tpu.enqueue_dma source(%arg13 : memref<128xf32, #tpu.memory_space<vmem>>) target(%dma_start3A_368 : memref<128xf32, #tpu.memory_space<vmem_shared>>) target_semaphore(%arg20 : memref<!tpu.dma_semaphore, #tpu.memory_space<semaphore_mem>>)
    %dma_start3A_369 = tpu.memref_slice %arg22[%mul3A_2] : memref<2048xf32, #tpu.memory_space<vmem_shared>> -> memref<128xf32, #tpu.memory_space<vmem_shared>>
    %dma_start3A_370 = tpu.memref_slice %arg22[%mul3A_2] : memref<2048xf32, #tpu.memory_space<vmem_shared>> -> memref<128xf32, #tpu.memory_space<vmem_shared>>
    tpu.enqueue_dma source(%arg13 : memref<128xf32, #tpu.memory_space<vmem>>) target(%dma_start3A_370 : memref<128xf32, #tpu.memory_space<vmem_shared>>) target_semaphore(%arg20 : memref<!tpu.dma_semaphore, #tpu.memory_space<semaphore_mem>>)
    %dma_start3A_371 = tpu.memref_slice %arg23[%mul3A_2] : memref<2048xf32, #tpu.memory_space<vmem_shared>> -> memref<128xf32, #tpu.memory_space<vmem_shared>>
    %dma_start3A_372 = tpu.memref_slice %arg23[%mul3A_2] : memref<2048xf32, #tpu.memory_space<vmem_shared>> -> memref<128xf32, #tpu.memory_space<vmem_shared>>
    tpu.enqueue_dma source(%arg13 : memref<128xf32, #tpu.memory_space<vmem>>) target(%dma_start3A_372 : memref<128xf32, #tpu.memory_space<vmem_shared>>) target_semaphore(%arg20 : memref<!tpu.dma_semaphore, #tpu.memory_space<semaphore_mem>>)
    %eq3A = arith.constant 0 : i32
    %eq3A_373 = arith.cmpi eq, %arg1, %eq3A : i32
    %convert_element_type3A = arith.extui %eq3A_373 : i1 to i32
    %cond3A = arith.constant 0 : i32
    %cond3A_374 = arith.cmpi ne, %convert_element_type3A, %cond3A : i32
    scf.if %cond3A_374 {
      %swap3A_2295 = arith.constant 0 : index
      %swap3A_2296 = tpu.vector_load %arg15[%swap3A_2295] {strides = array<i32>} : memref<16xf32, #tpu.memory_space<vmem>>, vector<16xf32>,
      tpu.vector_store %arg15[%swap3A_2295], %broadcast_in_dim3A_183 {strides = array<i32>} : memref<16xf32, #tpu.memory_space<vmem>>, vector<16xf32>,
      "tpu.region"() ({
        %run_scoped3A = tpu.sem_alloc : memref<!tpu.dma_semaphore, #tpu.memory_space<semaphore_mem>>
        tpu.enqueue_dma source(%arg15 : memref<16xf32, #tpu.memory_space<vmem>>) target(%arg26 : memref<16xf32, #tpu.memory_space<vmem_shared>>) target_semaphore(%run_scoped3A : memref<!tpu.dma_semaphore, #tpu.memory_space<semaphore_mem>>)
        tpu.wait_dma2 semaphore(%run_scoped3A : memref<!tpu.dma_semaphore, #tpu.memory_space<semaphore_mem>>) src(%arg15 : memref<16xf32, #tpu.memory_space<vmem>>) dst(%arg26 : memref<16xf32, #tpu.memory_space<vmem_shared>>)
        tpu.yield
      }) : () -> ()
    } else {
    }
    %dma_wait3A_375 = tpu.memref_slice %arg21[%mul3A_2] : memref<2048xf32, #tpu.memory_space<vmem_shared>> -> memref<128xf32, #tpu.memory_space<vmem_shared>>
    %dma_wait3A_376 = tpu.memref_slice %arg21[%mul3A_2] : memref<2048xf32, #tpu.memory_space<vmem_shared>> -> memref<128xf32, #tpu.memory_space<vmem_shared>>
    tpu.wait_dma2 semaphore(%arg20 : memref<!tpu.dma_semaphore, #tpu.memory_space<semaphore_mem>>) src(%arg13 : memref<128xf32, #tpu.memory_space<vmem>>) dst(%dma_wait3A_376 : memref<128xf32, #tpu.memory_space<vmem_shared>>)
    %dma_wait3A_377 = tpu.memref_slice %arg22[%mul3A_2] : memref<2048xf32, #tpu.memory_space<vmem_shared>> -> memref<128xf32, #tpu.memory_space<vmem_shared>>
    %dma_wait3A_378 = tpu.memref_slice %arg22[%mul3A_2] : memref<2048xf32, #tpu.memory_space<vmem_shared>> -> memref<128xf32, #tpu.memory_space<vmem_shared>>
    tpu.wait_dma2 semaphore(%arg20 : memref<!tpu.dma_semaphore, #tpu.memory_space<semaphore_mem>>) src(%arg13 : memref<128xf32, #tpu.memory_space<vmem>>) dst(%dma_wait3A_378 : memref<128xf32, #tpu.memory_space<vmem_shared>>)
    %dma_wait3A_379 = tpu.memref_slice %arg23[%mul3A_2] : memref<2048xf32, #tpu.memory_space<vmem_shared>> -> memref<128xf32, #tpu.memory_space<vmem_shared>>
    %dma_wait3A_380 = tpu.memref_slice %arg23[%mul3A_2] : memref<2048xf32, #tpu.memory_space<vmem_shared>> -> memref<128xf32, #tpu.memory_space<vmem_shared>>
    tpu.wait_dma2 semaphore(%arg20 : memref<!tpu.dma_semaphore, #tpu.memory_space<semaphore_mem>>) src(%arg13 : memref<128xf32, #tpu.memory_space<vmem>>) dst(%dma_wait3A_380 : memref<128xf32, #tpu.memory_space<vmem_shared>>)
    %barrier3A = arith.constant 0 : index
    tpu.barrier barrier_id(%barrier3A)
    %dma_start3A_381 = arith.constant 0 : i32
    %dma_start3A_382 = arith.constant 0 : i32
    %dma_start3A_383 = tpu.memref_slice %arg5[%dma_start3A_382] : memref<2048xf32, #tpu.memory_space<vmem>> -> memref<128xf32, #tpu.memory_space<vmem>>
    %dma_start3A_384 = arith.constant 0 : i32
    %dma_start3A_385 = tpu.memref_slice %arg8[%dma_start3A_381, %dma_start3A_384] : memref<16x128xi32, #tpu.memory_space<vmem>> -> memref<1x128xi32, #tpu.memory_space<vmem>>
    %dma_start3A_386 = tpu.memref_squeeze %dma_start3A_385 : memref<1x128xi32, #tpu.memory_space<vmem>> -> memref<128xi32, #tpu.memory_space<vmem>>
    %dma_start3A_387 = arith.constant 0 : i32
    %dma_start3A_388 = tpu.memref_slice %arg21[%dma_start3A_387] : memref<2048xf32, #tpu.memory_space<vmem_shared>> -> memref<2048xf32, #tpu.memory_space<vmem_shared>>
    tpu.enqueue_indirect_dma source(%dma_start3A_383 : memref<128xf32, #tpu.memory_space<vmem>>) target(%dma_start3A_388 : memref<2048xf32, #tpu.memory_space<vmem_shared>>) offsets(%dma_start3A_386 : memref<128xi32, #tpu.memory_space<vmem>>) semaphore(%arg20 : memref<!tpu.dma_semaphore, #tpu.memory_space<semaphore_mem>>) {add = true}
    %dma_start3A_389 = arith.constant 0 : i32
    %dma_start3A_390 = arith.constant 0 : i32
    %dma_start3A_391 = tpu.memref_slice %arg8[%dma_start3A_389, %dma_start3A_390] : memref<16x128xi32, #tpu.memory_space<vmem>> -> memref<1x128xi32, #tpu.memory_space<vmem>>
    %dma_start3A_392 = tpu.memref_squeeze %dma_start3A_391 : memref<1x128xi32, #tpu.memory_space<vmem>> -> memref<128xi32, #tpu.memory_space<vmem>>
    %dma_start3A_393 = arith.constant 0 : i32
    %dma_start3A_394 = tpu.memref_slice %arg22[%dma_start3A_393] : memref<2048xf32, #tpu.memory_space<vmem_shared>> -> memref<2048xf32, #tpu.memory_space<vmem_shared>>
    tpu.enqueue_indirect_dma source(%arg9 : memref<128xf32, #tpu.memory_space<vmem>>) target(%dma_start3A_394 : memref<2048xf32, #tpu.memory_space<vmem_shared>>) offsets(%dma_start3A_392 : memref<128xi32, #tpu.memory_space<vmem>>) semaphore(%arg20 : memref<!tpu.dma_semaphore, #tpu.memory_space<semaphore_mem>>) {add = true}
    %dma_start3A_395 = arith.constant 0 : i32
    %dma_start3A_396 = arith.constant 0 : i32
    %dma_start3A_397 = tpu.memref_slice %arg6[%dma_start3A_396] : memref<2048xf32, #tpu.memory_space<vmem>> -> memref<128xf32, #tpu.memory_space<vmem>>
    %dma_start3A_398 = arith.constant 0 : i32
    %dma_start3A_399 = tpu.memref_slice %arg8[%dma_start3A_395, %dma_start3A_398] : memref<16x128xi32, #tpu.memory_space<vmem>> -> memref<1x128xi32, #tpu.memory_space<vmem>>
    %dma_start3A_400 = tpu.memref_squeeze %dma_start3A_399 : memref<1x128xi32, #tpu.memory_space<vmem>> -> memref<128xi32, #tpu.memory_space<vmem>>
    %dma_start3A_401 = arith.constant 0 : i32
    %dma_start3A_402 = tpu.memref_slice %arg23[%dma_start3A_401] : memref<2048xf32, #tpu.memory_space<vmem_shared>> -> memref<2048xf32, #tpu.memory_space<vmem_shared>>
    tpu.enqueue_indirect_dma source(%dma_start3A_397 : memref<128xf32, #tpu.memory_space<vmem>>) target(%dma_start3A_402 : memref<2048xf32, #tpu.memory_space<vmem_shared>>) offsets(%dma_start3A_400 : memref<128xi32, #tpu.memory_space<vmem>>) semaphore(%arg20 : memref<!tpu.dma_semaphore, #tpu.memory_space<semaphore_mem>>) {add = true}
    %dma_start3A_403 = arith.constant 1 : i32
    %dma_start3A_404 = arith.constant 128 : i32
    %dma_start3A_405 = tpu.memref_slice %arg5[%dma_start3A_404] : memref<2048xf32, #tpu.memory_space<vmem>> -> memref<128xf32, #tpu.memory_space<vmem>>
    %dma_start3A_406 = arith.constant 0 : i32
    %dma_start3A_407 = tpu.memref_slice %arg8[%dma_start3A_403, %dma_start3A_406] : memref<16x128xi32, #tpu.memory_space<vmem>> -> memref<1x128xi32, #tpu.memory_space<vmem>>
    %dma_start3A_408 = tpu.memref_squeeze %dma_start3A_407 : memref<1x128xi32, #tpu.memory_space<vmem>> -> memref<128xi32, #tpu.memory_space<vmem>>
    %dma_start3A_409 = arith.constant 0 : i32
    %dma_start3A_410 = tpu.memref_slice %arg21[%dma_start3A_409] : memref<2048xf32, #tpu.memory_space<vmem_shared>> -> memref<2048xf32, #tpu.memory_space<vmem_shared>>
    tpu.enqueue_indirect_dma source(%dma_start3A_405 : memref<128xf32, #tpu.memory_space<vmem>>) target(%dma_start3A_410 : memref<2048xf32, #tpu.memory_space<vmem_shared>>) offsets(%dma_start3A_408 : memref<128xi32, #tpu.memory_space<vmem>>) semaphore(%arg20 : memref<!tpu.dma_semaphore, #tpu.memory_space<semaphore_mem>>) {add = true}
    %dma_start3A_411 = arith.constant 1 : i32
    %dma_start3A_412 = arith.constant 0 : i32
    %dma_start3A_413 = tpu.memref_slice %arg8[%dma_start3A_411, %dma_start3A_412] : memref<16x128xi32, #tpu.memory_space<vmem>> -> memref<1x128xi32, #tpu.memory_space<vmem>>
    %dma_start3A_414 = tpu.memref_squeeze %dma_start3A_413 : memref<1x128xi32, #tpu.memory_space<vmem>> -> memref<128xi32, #tpu.memory_space<vmem>>
    %dma_start3A_415 = arith.constant 0 : i32
    %dma_start3A_416 = tpu.memref_slice %arg22[%dma_start3A_415] : memref<2048xf32, #tpu.memory_space<vmem_shared>> -> memref<2048xf32, #tpu.memory_space<vmem_shared>>
    tpu.enqueue_indirect_dma source(%arg9 : memref<128xf32, #tpu.memory_space<vmem>>) target(%dma_start3A_416 : memref<2048xf32, #tpu.memory_space<vmem_shared>>) offsets(%dma_start3A_414 : memref<128xi32, #tpu.memory_space<vmem>>) semaphore(%arg20 : memref<!tpu.dma_semaphore, #tpu.memory_space<semaphore_mem>>) {add = true}
    %dma_start3A_417 = arith.constant 1 : i32
    %dma_start3A_418 = arith.constant 128 : i32
    %dma_start3A_419 = tpu.memref_slice %arg6[%dma_start3A_418] : memref<2048xf32, #tpu.memory_space<vmem>> -> memref<128xf32, #tpu.memory_space<vmem>>
    %dma_start3A_420 = arith.constant 0 : i32
    %dma_start3A_421 = tpu.memref_slice %arg8[%dma_start3A_417, %dma_start3A_420] : memref<16x128xi32, #tpu.memory_space<vmem>> -> memref<1x128xi32, #tpu.memory_space<vmem>>
    %dma_start3A_422 = tpu.memref_squeeze %dma_start3A_421 : memref<1x128xi32, #tpu.memory_space<vmem>> -> memref<128xi32, #tpu.memory_space<vmem>>
    %dma_start3A_423 = arith.constant 0 : i32
    %dma_start3A_424 = tpu.memref_slice %arg23[%dma_start3A_423] : memref<2048xf32, #tpu.memory_space<vmem_shared>> -> memref<2048xf32, #tpu.memory_space<vmem_shared>>
    tpu.enqueue_indirect_dma source(%dma_start3A_419 : memref<128xf32, #tpu.memory_space<vmem>>) target(%dma_start3A_424 : memref<2048xf32, #tpu.memory_space<vmem_shared>>) offsets(%dma_start3A_422 : memref<128xi32, #tpu.memory_space<vmem>>) semaphore(%arg20 : memref<!tpu.dma_semaphore, #tpu.memory_space<semaphore_mem>>) {add = true}
    %dma_start3A_425 = arith.constant 2 : i32
    %dma_start3A_426 = arith.constant 256 : i32
    %dma_start3A_427 = tpu.memref_slice %arg5[%dma_start3A_426] : memref<2048xf32, #tpu.memory_space<vmem>> -> memref<128xf32, #tpu.memory_space<vmem>>
    %dma_start3A_428 = arith.constant 0 : i32
    %dma_start3A_429 = tpu.memref_slice %arg8[%dma_start3A_425, %dma_start3A_428] : memref<16x128xi32, #tpu.memory_space<vmem>> -> memref<1x128xi32, #tpu.memory_space<vmem>>
    %dma_start3A_430 = tpu.memref_squeeze %dma_start3A_429 : memref<1x128xi32, #tpu.memory_space<vmem>> -> memref<128xi32, #tpu.memory_space<vmem>>
    %dma_start3A_431 = arith.constant 0 : i32
    %dma_start3A_432 = tpu.memref_slice %arg21[%dma_start3A_431] : memref<2048xf32, #tpu.memory_space<vmem_shared>> -> memref<2048xf32, #tpu.memory_space<vmem_shared>>
    tpu.enqueue_indirect_dma source(%dma_start3A_427 : memref<128xf32, #tpu.memory_space<vmem>>) target(%dma_start3A_432 : memref<2048xf32, #tpu.memory_space<vmem_shared>>) offsets(%dma_start3A_430 : memref<128xi32, #tpu.memory_space<vmem>>) semaphore(%arg20 : memref<!tpu.dma_semaphore, #tpu.memory_space<semaphore_mem>>) {add = true}
    %dma_start3A_433 = arith.constant 2 : i32
    %dma_start3A_434 = arith.constant 0 : i32
    %dma_start3A_435 = tpu.memref_slice %arg8[%dma_start3A_433, %dma_start3A_434] : memref<16x128xi32, #tpu.memory_space<vmem>> -> memref<1x128xi32, #tpu.memory_space<vmem>>
    %dma_start3A_436 = tpu.memref_squeeze %dma_start3A_435 : memref<1x128xi32, #tpu.memory_space<vmem>> -> memref<128xi32, #tpu.memory_space<vmem>>
    %dma_start3A_437 = arith.constant 0 : i32
    %dma_start3A_438 = tpu.memref_slice %arg22[%dma_start3A_437] : memref<2048xf32, #tpu.memory_space<vmem_shared>> -> memref<2048xf32, #tpu.memory_space<vmem_shared>>
    tpu.enqueue_indirect_dma source(%arg9 : memref<128xf32, #tpu.memory_space<vmem>>) target(%dma_start3A_438 : memref<2048xf32, #tpu.memory_space<vmem_shared>>) offsets(%dma_start3A_436 : memref<128xi32, #tpu.memory_space<vmem>>) semaphore(%arg20 : memref<!tpu.dma_semaphore, #tpu.memory_space<semaphore_mem>>) {add = true}
    %dma_start3A_439 = arith.constant 2 : i32
    %dma_start3A_440 = arith.constant 256 : i32
    %dma_start3A_441 = tpu.memref_slice %arg6[%dma_start3A_440] : memref<2048xf32, #tpu.memory_space<vmem>> -> memref<128xf32, #tpu.memory_space<vmem>>
    %dma_start3A_442 = arith.constant 0 : i32
    %dma_start3A_443 = tpu.memref_slice %arg8[%dma_start3A_439, %dma_start3A_442] : memref<16x128xi32, #tpu.memory_space<vmem>> -> memref<1x128xi32, #tpu.memory_space<vmem>>
    %dma_start3A_444 = tpu.memref_squeeze %dma_start3A_443 : memref<1x128xi32, #tpu.memory_space<vmem>> -> memref<128xi32, #tpu.memory_space<vmem>>
    %dma_start3A_445 = arith.constant 0 : i32
    %dma_start3A_446 = tpu.memref_slice %arg23[%dma_start3A_445] : memref<2048xf32, #tpu.memory_space<vmem_shared>> -> memref<2048xf32, #tpu.memory_space<vmem_shared>>
    tpu.enqueue_indirect_dma source(%dma_start3A_441 : memref<128xf32, #tpu.memory_space<vmem>>) target(%dma_start3A_446 : memref<2048xf32, #tpu.memory_space<vmem_shared>>) offsets(%dma_start3A_444 : memref<128xi32, #tpu.memory_space<vmem>>) semaphore(%arg20 : memref<!tpu.dma_semaphore, #tpu.memory_space<semaphore_mem>>) {add = true}
    %dma_start3A_447 = arith.constant 3 : i32
    %dma_start3A_448 = arith.constant 384 : i32
    %dma_start3A_449 = tpu.memref_slice %arg5[%dma_start3A_448] : memref<2048xf32, #tpu.memory_space<vmem>> -> memref<128xf32, #tpu.memory_space<vmem>>
    %dma_start3A_450 = arith.constant 0 : i32
    %dma_start3A_451 = tpu.memref_slice %arg8[%dma_start3A_447, %dma_start3A_450] : memref<16x128xi32, #tpu.memory_space<vmem>> -> memref<1x128xi32, #tpu.memory_space<vmem>>
    %dma_start3A_452 = tpu.memref_squeeze %dma_start3A_451 : memref<1x128xi32, #tpu.memory_space<vmem>> -> memref<128xi32, #tpu.memory_space<vmem>>
    %dma_start3A_453 = arith.constant 0 : i32
    %dma_start3A_454 = tpu.memref_slice %arg21[%dma_start3A_453] : memref<2048xf32, #tpu.memory_space<vmem_shared>> -> memref<2048xf32, #tpu.memory_space<vmem_shared>>
    tpu.enqueue_indirect_dma source(%dma_start3A_449 : memref<128xf32, #tpu.memory_space<vmem>>) target(%dma_start3A_454 : memref<2048xf32, #tpu.memory_space<vmem_shared>>) offsets(%dma_start3A_452 : memref<128xi32, #tpu.memory_space<vmem>>) semaphore(%arg20 : memref<!tpu.dma_semaphore, #tpu.memory_space<semaphore_mem>>) {add = true}
    %dma_start3A_455 = arith.constant 3 : i32
    %dma_start3A_456 = arith.constant 0 : i32
    %dma_start3A_457 = tpu.memref_slice %arg8[%dma_start3A_455, %dma_start3A_456] : memref<16x128xi32, #tpu.memory_space<vmem>> -> memref<1x128xi32, #tpu.memory_space<vmem>>
    %dma_start3A_458 = tpu.memref_squeeze %dma_start3A_457 : memref<1x128xi32, #tpu.memory_space<vmem>> -> memref<128xi32, #tpu.memory_space<vmem>>
    %dma_start3A_459 = arith.constant 0 : i32
    %dma_start3A_460 = tpu.memref_slice %arg22[%dma_start3A_459] : memref<2048xf32, #tpu.memory_space<vmem_shared>> -> memref<2048xf32, #tpu.memory_space<vmem_shared>>
    tpu.enqueue_indirect_dma source(%arg9 : memref<128xf32, #tpu.memory_space<vmem>>) target(%dma_start3A_460 : memref<2048xf32, #tpu.memory_space<vmem_shared>>) offsets(%dma_start3A_458 : memref<128xi32, #tpu.memory_space<vmem>>) semaphore(%arg20 : memref<!tpu.dma_semaphore, #tpu.memory_space<semaphore_mem>>) {add = true}
    %dma_start3A_461 = arith.constant 3 : i32
    %dma_start3A_462 = arith.constant 384 : i32
    %dma_start3A_463 = tpu.memref_slice %arg6[%dma_start3A_462] : memref<2048xf32, #tpu.memory_space<vmem>> -> memref<128xf32, #tpu.memory_space<vmem>>
    %dma_start3A_464 = arith.constant 0 : i32
    %dma_start3A_465 = tpu.memref_slice %arg8[%dma_start3A_461, %dma_start3A_464] : memref<16x128xi32, #tpu.memory_space<vmem>> -> memref<1x128xi32, #tpu.memory_space<vmem>>
    %dma_start3A_466 = tpu.memref_squeeze %dma_start3A_465 : memref<1x128xi32, #tpu.memory_space<vmem>> -> memref<128xi32, #tpu.memory_space<vmem>>
    %dma_start3A_467 = arith.constant 0 : i32
    %dma_start3A_468 = tpu.memref_slice %arg23[%dma_start3A_467] : memref<2048xf32, #tpu.memory_space<vmem_shared>> -> memref<2048xf32, #tpu.memory_space<vmem_shared>>
    tpu.enqueue_indirect_dma source(%dma_start3A_463 : memref<128xf32, #tpu.memory_space<vmem>>) target(%dma_start3A_468 : memref<2048xf32, #tpu.memory_space<vmem_shared>>) offsets(%dma_start3A_466 : memref<128xi32, #tpu.memory_space<vmem>>) semaphore(%arg20 : memref<!tpu.dma_semaphore, #tpu.memory_space<semaphore_mem>>) {add = true}
    %dma_start3A_469 = arith.constant 4 : i32
    %dma_start3A_470 = arith.constant 512 : i32
    %dma_start3A_471 = tpu.memref_slice %arg5[%dma_start3A_470] : memref<2048xf32, #tpu.memory_space<vmem>> -> memref<128xf32, #tpu.memory_space<vmem>>
    %dma_start3A_472 = arith.constant 0 : i32
    %dma_start3A_473 = tpu.memref_slice %arg8[%dma_start3A_469, %dma_start3A_472] : memref<16x128xi32, #tpu.memory_space<vmem>> -> memref<1x128xi32, #tpu.memory_space<vmem>>
    %dma_start3A_474 = tpu.memref_squeeze %dma_start3A_473 : memref<1x128xi32, #tpu.memory_space<vmem>> -> memref<128xi32, #tpu.memory_space<vmem>>
    %dma_start3A_475 = arith.constant 0 : i32
    %dma_start3A_476 = tpu.memref_slice %arg21[%dma_start3A_475] : memref<2048xf32, #tpu.memory_space<vmem_shared>> -> memref<2048xf32, #tpu.memory_space<vmem_shared>>
    tpu.enqueue_indirect_dma source(%dma_start3A_471 : memref<128xf32, #tpu.memory_space<vmem>>) target(%dma_start3A_476 : memref<2048xf32, #tpu.memory_space<vmem_shared>>) offsets(%dma_start3A_474 : memref<128xi32, #tpu.memory_space<vmem>>) semaphore(%arg20 : memref<!tpu.dma_semaphore, #tpu.memory_space<semaphore_mem>>) {add = true}
    %dma_start3A_477 = arith.constant 4 : i32
    %dma_start3A_478 = arith.constant 0 : i32
    %dma_start3A_479 = tpu.memref_slice %arg8[%dma_start3A_477, %dma_start3A_478] : memref<16x128xi32, #tpu.memory_space<vmem>> -> memref<1x128xi32, #tpu.memory_space<vmem>>
    %dma_start3A_480 = tpu.memref_squeeze %dma_start3A_479 : memref<1x128xi32, #tpu.memory_space<vmem>> -> memref<128xi32, #tpu.memory_space<vmem>>
    %dma_start3A_481 = arith.constant 0 : i32
    %dma_start3A_482 = tpu.memref_slice %arg22[%dma_start3A_481] : memref<2048xf32, #tpu.memory_space<vmem_shared>> -> memref<2048xf32, #tpu.memory_space<vmem_shared>>
    tpu.enqueue_indirect_dma source(%arg9 : memref<128xf32, #tpu.memory_space<vmem>>) target(%dma_start3A_482 : memref<2048xf32, #tpu.memory_space<vmem_shared>>) offsets(%dma_start3A_480 : memref<128xi32, #tpu.memory_space<vmem>>) semaphore(%arg20 : memref<!tpu.dma_semaphore, #tpu.memory_space<semaphore_mem>>) {add = true}
    %dma_start3A_483 = arith.constant 4 : i32
    %dma_start3A_484 = arith.constant 512 : i32
    %dma_start3A_485 = tpu.memref_slice %arg6[%dma_start3A_484] : memref<2048xf32, #tpu.memory_space<vmem>> -> memref<128xf32, #tpu.memory_space<vmem>>
    %dma_start3A_486 = arith.constant 0 : i32
    %dma_start3A_487 = tpu.memref_slice %arg8[%dma_start3A_483, %dma_start3A_486] : memref<16x128xi32, #tpu.memory_space<vmem>> -> memref<1x128xi32, #tpu.memory_space<vmem>>
    %dma_start3A_488 = tpu.memref_squeeze %dma_start3A_487 : memref<1x128xi32, #tpu.memory_space<vmem>> -> memref<128xi32, #tpu.memory_space<vmem>>
    %dma_start3A_489 = arith.constant 0 : i32
    %dma_start3A_490 = tpu.memref_slice %arg23[%dma_start3A_489] : memref<2048xf32, #tpu.memory_space<vmem_shared>> -> memref<2048xf32, #tpu.memory_space<vmem_shared>>
    tpu.enqueue_indirect_dma source(%dma_start3A_485 : memref<128xf32, #tpu.memory_space<vmem>>) target(%dma_start3A_490 : memref<2048xf32, #tpu.memory_space<vmem_shared>>) offsets(%dma_start3A_488 : memref<128xi32, #tpu.memory_space<vmem>>) semaphore(%arg20 : memref<!tpu.dma_semaphore, #tpu.memory_space<semaphore_mem>>) {add = true}
    %dma_start3A_491 = arith.constant 5 : i32
    %dma_start3A_492 = arith.constant 640 : i32
    %dma_start3A_493 = tpu.memref_slice %arg5[%dma_start3A_492] : memref<2048xf32, #tpu.memory_space<vmem>> -> memref<128xf32, #tpu.memory_space<vmem>>
    %dma_start3A_494 = arith.constant 0 : i32
    %dma_start3A_495 = tpu.memref_slice %arg8[%dma_start3A_491, %dma_start3A_494] : memref<16x128xi32, #tpu.memory_space<vmem>> -> memref<1x128xi32, #tpu.memory_space<vmem>>
    %dma_start3A_496 = tpu.memref_squeeze %dma_start3A_495 : memref<1x128xi32, #tpu.memory_space<vmem>> -> memref<128xi32, #tpu.memory_space<vmem>>
    %dma_start3A_497 = arith.constant 0 : i32
    %dma_start3A_498 = tpu.memref_slice %arg21[%dma_start3A_497] : memref<2048xf32, #tpu.memory_space<vmem_shared>> -> memref<2048xf32, #tpu.memory_space<vmem_shared>>
    tpu.enqueue_indirect_dma source(%dma_start3A_493 : memref<128xf32, #tpu.memory_space<vmem>>) target(%dma_start3A_498 : memref<2048xf32, #tpu.memory_space<vmem_shared>>) offsets(%dma_start3A_496 : memref<128xi32, #tpu.memory_space<vmem>>) semaphore(%arg20 : memref<!tpu.dma_semaphore, #tpu.memory_space<semaphore_mem>>) {add = true}
    %dma_start3A_499 = arith.constant 5 : i32
    %dma_start3A_500 = arith.constant 0 : i32
    %dma_start3A_501 = tpu.memref_slice %arg8[%dma_start3A_499, %dma_start3A_500] : memref<16x128xi32, #tpu.memory_space<vmem>> -> memref<1x128xi32, #tpu.memory_space<vmem>>
    %dma_start3A_502 = tpu.memref_squeeze %dma_start3A_501 : memref<1x128xi32, #tpu.memory_space<vmem>> -> memref<128xi32, #tpu.memory_space<vmem>>
    %dma_start3A_503 = arith.constant 0 : i32
    %dma_start3A_504 = tpu.memref_slice %arg22[%dma_start3A_503] : memref<2048xf32, #tpu.memory_space<vmem_shared>> -> memref<2048xf32, #tpu.memory_space<vmem_shared>>
    tpu.enqueue_indirect_dma source(%arg9 : memref<128xf32, #tpu.memory_space<vmem>>) target(%dma_start3A_504 : memref<2048xf32, #tpu.memory_space<vmem_shared>>) offsets(%dma_start3A_502 : memref<128xi32, #tpu.memory_space<vmem>>) semaphore(%arg20 : memref<!tpu.dma_semaphore, #tpu.memory_space<semaphore_mem>>) {add = true}
    %dma_start3A_505 = arith.constant 5 : i32
    %dma_start3A_506 = arith.constant 640 : i32
    %dma_start3A_507 = tpu.memref_slice %arg6[%dma_start3A_506] : memref<2048xf32, #tpu.memory_space<vmem>> -> memref<128xf32, #tpu.memory_space<vmem>>
    %dma_start3A_508 = arith.constant 0 : i32
    %dma_start3A_509 = tpu.memref_slice %arg8[%dma_start3A_505, %dma_start3A_508] : memref<16x128xi32, #tpu.memory_space<vmem>> -> memref<1x128xi32, #tpu.memory_space<vmem>>
    %dma_start3A_510 = tpu.memref_squeeze %dma_start3A_509 : memref<1x128xi32, #tpu.memory_space<vmem>> -> memref<128xi32, #tpu.memory_space<vmem>>
    %dma_start3A_511 = arith.constant 0 : i32
    %dma_start3A_512 = tpu.memref_slice %arg23[%dma_start3A_511] : memref<2048xf32, #tpu.memory_space<vmem_shared>> -> memref<2048xf32, #tpu.memory_space<vmem_shared>>
    tpu.enqueue_indirect_dma source(%dma_start3A_507 : memref<128xf32, #tpu.memory_space<vmem>>) target(%dma_start3A_512 : memref<2048xf32, #tpu.memory_space<vmem_shared>>) offsets(%dma_start3A_510 : memref<128xi32, #tpu.memory_space<vmem>>) semaphore(%arg20 : memref<!tpu.dma_semaphore, #tpu.memory_space<semaphore_mem>>) {add = true}
    %dma_start3A_513 = arith.constant 6 : i32
    %dma_start3A_514 = arith.constant 768 : i32
    %dma_start3A_515 = tpu.memref_slice %arg5[%dma_start3A_514] : memref<2048xf32, #tpu.memory_space<vmem>> -> memref<128xf32, #tpu.memory_space<vmem>>
    %dma_start3A_516 = arith.constant 0 : i32
    %dma_start3A_517 = tpu.memref_slice %arg8[%dma_start3A_513, %dma_start3A_516] : memref<16x128xi32, #tpu.memory_space<vmem>> -> memref<1x128xi32, #tpu.memory_space<vmem>>
    %dma_start3A_518 = tpu.memref_squeeze %dma_start3A_517 : memref<1x128xi32, #tpu.memory_space<vmem>> -> memref<128xi32, #tpu.memory_space<vmem>>
    %dma_start3A_519 = arith.constant 0 : i32
    %dma_start3A_520 = tpu.memref_slice %arg21[%dma_start3A_519] : memref<2048xf32, #tpu.memory_space<vmem_shared>> -> memref<2048xf32, #tpu.memory_space<vmem_shared>>
    tpu.enqueue_indirect_dma source(%dma_start3A_515 : memref<128xf32, #tpu.memory_space<vmem>>) target(%dma_start3A_520 : memref<2048xf32, #tpu.memory_space<vmem_shared>>) offsets(%dma_start3A_518 : memref<128xi32, #tpu.memory_space<vmem>>) semaphore(%arg20 : memref<!tpu.dma_semaphore, #tpu.memory_space<semaphore_mem>>) {add = true}
    %dma_start3A_521 = arith.constant 6 : i32
    %dma_start3A_522 = arith.constant 0 : i32
    %dma_start3A_523 = tpu.memref_slice %arg8[%dma_start3A_521, %dma_start3A_522] : memref<16x128xi32, #tpu.memory_space<vmem>> -> memref<1x128xi32, #tpu.memory_space<vmem>>
    %dma_start3A_524 = tpu.memref_squeeze %dma_start3A_523 : memref<1x128xi32, #tpu.memory_space<vmem>> -> memref<128xi32, #tpu.memory_space<vmem>>
    %dma_start3A_525 = arith.constant 0 : i32
    %dma_start3A_526 = tpu.memref_slice %arg22[%dma_start3A_525] : memref<2048xf32, #tpu.memory_space<vmem_shared>> -> memref<2048xf32, #tpu.memory_space<vmem_shared>>
    tpu.enqueue_indirect_dma source(%arg9 : memref<128xf32, #tpu.memory_space<vmem>>) target(%dma_start3A_526 : memref<2048xf32, #tpu.memory_space<vmem_shared>>) offsets(%dma_start3A_524 : memref<128xi32, #tpu.memory_space<vmem>>) semaphore(%arg20 : memref<!tpu.dma_semaphore, #tpu.memory_space<semaphore_mem>>) {add = true}
    %dma_start3A_527 = arith.constant 6 : i32
    %dma_start3A_528 = arith.constant 768 : i32
    %dma_start3A_529 = tpu.memref_slice %arg6[%dma_start3A_528] : memref<2048xf32, #tpu.memory_space<vmem>> -> memref<128xf32, #tpu.memory_space<vmem>>
    %dma_start3A_530 = arith.constant 0 : i32
    %dma_start3A_531 = tpu.memref_slice %arg8[%dma_start3A_527, %dma_start3A_530] : memref<16x128xi32, #tpu.memory_space<vmem>> -> memref<1x128xi32, #tpu.memory_space<vmem>>
    %dma_start3A_532 = tpu.memref_squeeze %dma_start3A_531 : memref<1x128xi32, #tpu.memory_space<vmem>> -> memref<128xi32, #tpu.memory_space<vmem>>
    %dma_start3A_533 = arith.constant 0 : i32
    %dma_start3A_534 = tpu.memref_slice %arg23[%dma_start3A_533] : memref<2048xf32, #tpu.memory_space<vmem_shared>> -> memref<2048xf32, #tpu.memory_space<vmem_shared>>
    tpu.enqueue_indirect_dma source(%dma_start3A_529 : memref<128xf32, #tpu.memory_space<vmem>>) target(%dma_start3A_534 : memref<2048xf32, #tpu.memory_space<vmem_shared>>) offsets(%dma_start3A_532 : memref<128xi32, #tpu.memory_space<vmem>>) semaphore(%arg20 : memref<!tpu.dma_semaphore, #tpu.memory_space<semaphore_mem>>) {add = true}
    %dma_start3A_535 = arith.constant 7 : i32
    %dma_start3A_536 = arith.constant 896 : i32
    %dma_start3A_537 = tpu.memref_slice %arg5[%dma_start3A_536] : memref<2048xf32, #tpu.memory_space<vmem>> -> memref<128xf32, #tpu.memory_space<vmem>>
    %dma_start3A_538 = arith.constant 0 : i32
    %dma_start3A_539 = tpu.memref_slice %arg8[%dma_start3A_535, %dma_start3A_538] : memref<16x128xi32, #tpu.memory_space<vmem>> -> memref<1x128xi32, #tpu.memory_space<vmem>>
    %dma_start3A_540 = tpu.memref_squeeze %dma_start3A_539 : memref<1x128xi32, #tpu.memory_space<vmem>> -> memref<128xi32, #tpu.memory_space<vmem>>
    %dma_start3A_541 = arith.constant 0 : i32
    %dma_start3A_542 = tpu.memref_slice %arg21[%dma_start3A_541] : memref<2048xf32, #tpu.memory_space<vmem_shared>> -> memref<2048xf32, #tpu.memory_space<vmem_shared>>
    tpu.enqueue_indirect_dma source(%dma_start3A_537 : memref<128xf32, #tpu.memory_space<vmem>>) target(%dma_start3A_542 : memref<2048xf32, #tpu.memory_space<vmem_shared>>) offsets(%dma_start3A_540 : memref<128xi32, #tpu.memory_space<vmem>>) semaphore(%arg20 : memref<!tpu.dma_semaphore, #tpu.memory_space<semaphore_mem>>) {add = true}
    %dma_start3A_543 = arith.constant 7 : i32
    %dma_start3A_544 = arith.constant 0 : i32
    %dma_start3A_545 = tpu.memref_slice %arg8[%dma_start3A_543, %dma_start3A_544] : memref<16x128xi32, #tpu.memory_space<vmem>> -> memref<1x128xi32, #tpu.memory_space<vmem>>
    %dma_start3A_546 = tpu.memref_squeeze %dma_start3A_545 : memref<1x128xi32, #tpu.memory_space<vmem>> -> memref<128xi32, #tpu.memory_space<vmem>>
    %dma_start3A_547 = arith.constant 0 : i32
    %dma_start3A_548 = tpu.memref_slice %arg22[%dma_start3A_547] : memref<2048xf32, #tpu.memory_space<vmem_shared>> -> memref<2048xf32, #tpu.memory_space<vmem_shared>>
    tpu.enqueue_indirect_dma source(%arg9 : memref<128xf32, #tpu.memory_space<vmem>>) target(%dma_start3A_548 : memref<2048xf32, #tpu.memory_space<vmem_shared>>) offsets(%dma_start3A_546 : memref<128xi32, #tpu.memory_space<vmem>>) semaphore(%arg20 : memref<!tpu.dma_semaphore, #tpu.memory_space<semaphore_mem>>) {add = true}
    %dma_start3A_549 = arith.constant 7 : i32
    %dma_start3A_550 = arith.constant 896 : i32
    %dma_start3A_551 = tpu.memref_slice %arg6[%dma_start3A_550] : memref<2048xf32, #tpu.memory_space<vmem>> -> memref<128xf32, #tpu.memory_space<vmem>>
    %dma_start3A_552 = arith.constant 0 : i32
    %dma_start3A_553 = tpu.memref_slice %arg8[%dma_start3A_549, %dma_start3A_552] : memref<16x128xi32, #tpu.memory_space<vmem>> -> memref<1x128xi32, #tpu.memory_space<vmem>>
    %dma_start3A_554 = tpu.memref_squeeze %dma_start3A_553 : memref<1x128xi32, #tpu.memory_space<vmem>> -> memref<128xi32, #tpu.memory_space<vmem>>
    %dma_start3A_555 = arith.constant 0 : i32
    %dma_start3A_556 = tpu.memref_slice %arg23[%dma_start3A_555] : memref<2048xf32, #tpu.memory_space<vmem_shared>> -> memref<2048xf32, #tpu.memory_space<vmem_shared>>
    tpu.enqueue_indirect_dma source(%dma_start3A_551 : memref<128xf32, #tpu.memory_space<vmem>>) target(%dma_start3A_556 : memref<2048xf32, #tpu.memory_space<vmem_shared>>) offsets(%dma_start3A_554 : memref<128xi32, #tpu.memory_space<vmem>>) semaphore(%arg20 : memref<!tpu.dma_semaphore, #tpu.memory_space<semaphore_mem>>) {add = true}
    %dma_start3A_557 = arith.constant 8 : i32
    %dma_start3A_558 = arith.constant 1024 : i32
    %dma_start3A_559 = tpu.memref_slice %arg5[%dma_start3A_558] : memref<2048xf32, #tpu.memory_space<vmem>> -> memref<128xf32, #tpu.memory_space<vmem>>
    %dma_start3A_560 = arith.constant 0 : i32
    %dma_start3A_561 = tpu.memref_slice %arg8[%dma_start3A_557, %dma_start3A_560] : memref<16x128xi32, #tpu.memory_space<vmem>> -> memref<1x128xi32, #tpu.memory_space<vmem>>
    %dma_start3A_562 = tpu.memref_squeeze %dma_start3A_561 : memref<1x128xi32, #tpu.memory_space<vmem>> -> memref<128xi32, #tpu.memory_space<vmem>>
    %dma_start3A_563 = arith.constant 0 : i32
    %dma_start3A_564 = tpu.memref_slice %arg21[%dma_start3A_563] : memref<2048xf32, #tpu.memory_space<vmem_shared>> -> memref<2048xf32, #tpu.memory_space<vmem_shared>>
    tpu.enqueue_indirect_dma source(%dma_start3A_559 : memref<128xf32, #tpu.memory_space<vmem>>) target(%dma_start3A_564 : memref<2048xf32, #tpu.memory_space<vmem_shared>>) offsets(%dma_start3A_562 : memref<128xi32, #tpu.memory_space<vmem>>) semaphore(%arg20 : memref<!tpu.dma_semaphore, #tpu.memory_space<semaphore_mem>>) {add = true}
    %dma_start3A_565 = arith.constant 8 : i32
    %dma_start3A_566 = arith.constant 0 : i32
    %dma_start3A_567 = tpu.memref_slice %arg8[%dma_start3A_565, %dma_start3A_566] : memref<16x128xi32, #tpu.memory_space<vmem>> -> memref<1x128xi32, #tpu.memory_space<vmem>>
    %dma_start3A_568 = tpu.memref_squeeze %dma_start3A_567 : memref<1x128xi32, #tpu.memory_space<vmem>> -> memref<128xi32, #tpu.memory_space<vmem>>
    %dma_start3A_569 = arith.constant 0 : i32
    %dma_start3A_570 = tpu.memref_slice %arg22[%dma_start3A_569] : memref<2048xf32, #tpu.memory_space<vmem_shared>> -> memref<2048xf32, #tpu.memory_space<vmem_shared>>
    tpu.enqueue_indirect_dma source(%arg9 : memref<128xf32, #tpu.memory_space<vmem>>) target(%dma_start3A_570 : memref<2048xf32, #tpu.memory_space<vmem_shared>>) offsets(%dma_start3A_568 : memref<128xi32, #tpu.memory_space<vmem>>) semaphore(%arg20 : memref<!tpu.dma_semaphore, #tpu.memory_space<semaphore_mem>>) {add = true}
    %dma_start3A_571 = arith.constant 8 : i32
    %dma_start3A_572 = arith.constant 1024 : i32
    %dma_start3A_573 = tpu.memref_slice %arg6[%dma_start3A_572] : memref<2048xf32, #tpu.memory_space<vmem>> -> memref<128xf32, #tpu.memory_space<vmem>>
    %dma_start3A_574 = arith.constant 0 : i32
    %dma_start3A_575 = tpu.memref_slice %arg8[%dma_start3A_571, %dma_start3A_574] : memref<16x128xi32, #tpu.memory_space<vmem>> -> memref<1x128xi32, #tpu.memory_space<vmem>>
    %dma_start3A_576 = tpu.memref_squeeze %dma_start3A_575 : memref<1x128xi32, #tpu.memory_space<vmem>> -> memref<128xi32, #tpu.memory_space<vmem>>
    %dma_start3A_577 = arith.constant 0 : i32
    %dma_start3A_578 = tpu.memref_slice %arg23[%dma_start3A_577] : memref<2048xf32, #tpu.memory_space<vmem_shared>> -> memref<2048xf32, #tpu.memory_space<vmem_shared>>
    tpu.enqueue_indirect_dma source(%dma_start3A_573 : memref<128xf32, #tpu.memory_space<vmem>>) target(%dma_start3A_578 : memref<2048xf32, #tpu.memory_space<vmem_shared>>) offsets(%dma_start3A_576 : memref<128xi32, #tpu.memory_space<vmem>>) semaphore(%arg20 : memref<!tpu.dma_semaphore, #tpu.memory_space<semaphore_mem>>) {add = true}
    %dma_start3A_579 = arith.constant 9 : i32
    %dma_start3A_580 = arith.constant 1152 : i32
    %dma_start3A_581 = tpu.memref_slice %arg5[%dma_start3A_580] : memref<2048xf32, #tpu.memory_space<vmem>> -> memref<128xf32, #tpu.memory_space<vmem>>
    %dma_start3A_582 = arith.constant 0 : i32
    %dma_start3A_583 = tpu.memref_slice %arg8[%dma_start3A_579, %dma_start3A_582] : memref<16x128xi32, #tpu.memory_space<vmem>> -> memref<1x128xi32, #tpu.memory_space<vmem>>
    %dma_start3A_584 = tpu.memref_squeeze %dma_start3A_583 : memref<1x128xi32, #tpu.memory_space<vmem>> -> memref<128xi32, #tpu.memory_space<vmem>>
    %dma_start3A_585 = arith.constant 0 : i32
    %dma_start3A_586 = tpu.memref_slice %arg21[%dma_start3A_585] : memref<2048xf32, #tpu.memory_space<vmem_shared>> -> memref<2048xf32, #tpu.memory_space<vmem_shared>>
    tpu.enqueue_indirect_dma source(%dma_start3A_581 : memref<128xf32, #tpu.memory_space<vmem>>) target(%dma_start3A_586 : memref<2048xf32, #tpu.memory_space<vmem_shared>>) offsets(%dma_start3A_584 : memref<128xi32, #tpu.memory_space<vmem>>) semaphore(%arg20 : memref<!tpu.dma_semaphore, #tpu.memory_space<semaphore_mem>>) {add = true}
    %dma_start3A_587 = arith.constant 9 : i32
    %dma_start3A_588 = arith.constant 0 : i32
    %dma_start3A_589 = tpu.memref_slice %arg8[%dma_start3A_587, %dma_start3A_588] : memref<16x128xi32, #tpu.memory_space<vmem>> -> memref<1x128xi32, #tpu.memory_space<vmem>>
    %dma_start3A_590 = tpu.memref_squeeze %dma_start3A_589 : memref<1x128xi32, #tpu.memory_space<vmem>> -> memref<128xi32, #tpu.memory_space<vmem>>
    %dma_start3A_591 = arith.constant 0 : i32
    %dma_start3A_592 = tpu.memref_slice %arg22[%dma_start3A_591] : memref<2048xf32, #tpu.memory_space<vmem_shared>> -> memref<2048xf32, #tpu.memory_space<vmem_shared>>
    tpu.enqueue_indirect_dma source(%arg9 : memref<128xf32, #tpu.memory_space<vmem>>) target(%dma_start3A_592 : memref<2048xf32, #tpu.memory_space<vmem_shared>>) offsets(%dma_start3A_590 : memref<128xi32, #tpu.memory_space<vmem>>) semaphore(%arg20 : memref<!tpu.dma_semaphore, #tpu.memory_space<semaphore_mem>>) {add = true}
    %dma_start3A_593 = arith.constant 9 : i32
    %dma_start3A_594 = arith.constant 1152 : i32
    %dma_start3A_595 = tpu.memref_slice %arg6[%dma_start3A_594] : memref<2048xf32, #tpu.memory_space<vmem>> -> memref<128xf32, #tpu.memory_space<vmem>>
    %dma_start3A_596 = arith.constant 0 : i32
    %dma_start3A_597 = tpu.memref_slice %arg8[%dma_start3A_593, %dma_start3A_596] : memref<16x128xi32, #tpu.memory_space<vmem>> -> memref<1x128xi32, #tpu.memory_space<vmem>>
    %dma_start3A_598 = tpu.memref_squeeze %dma_start3A_597 : memref<1x128xi32, #tpu.memory_space<vmem>> -> memref<128xi32, #tpu.memory_space<vmem>>
    %dma_start3A_599 = arith.constant 0 : i32
    %dma_start3A_600 = tpu.memref_slice %arg23[%dma_start3A_599] : memref<2048xf32, #tpu.memory_space<vmem_shared>> -> memref<2048xf32, #tpu.memory_space<vmem_shared>>
    tpu.enqueue_indirect_dma source(%dma_start3A_595 : memref<128xf32, #tpu.memory_space<vmem>>) target(%dma_start3A_600 : memref<2048xf32, #tpu.memory_space<vmem_shared>>) offsets(%dma_start3A_598 : memref<128xi32, #tpu.memory_space<vmem>>) semaphore(%arg20 : memref<!tpu.dma_semaphore, #tpu.memory_space<semaphore_mem>>) {add = true}
    %dma_start3A_601 = arith.constant 10 : i32
    %dma_start3A_602 = arith.constant 1280 : i32
    %dma_start3A_603 = tpu.memref_slice %arg5[%dma_start3A_602] : memref<2048xf32, #tpu.memory_space<vmem>> -> memref<128xf32, #tpu.memory_space<vmem>>
    %dma_start3A_604 = arith.constant 0 : i32
    %dma_start3A_605 = tpu.memref_slice %arg8[%dma_start3A_601, %dma_start3A_604] : memref<16x128xi32, #tpu.memory_space<vmem>> -> memref<1x128xi32, #tpu.memory_space<vmem>>
    %dma_start3A_606 = tpu.memref_squeeze %dma_start3A_605 : memref<1x128xi32, #tpu.memory_space<vmem>> -> memref<128xi32, #tpu.memory_space<vmem>>
    %dma_start3A_607 = arith.constant 0 : i32
    %dma_start3A_608 = tpu.memref_slice %arg21[%dma_start3A_607] : memref<2048xf32, #tpu.memory_space<vmem_shared>> -> memref<2048xf32, #tpu.memory_space<vmem_shared>>
    tpu.enqueue_indirect_dma source(%dma_start3A_603 : memref<128xf32, #tpu.memory_space<vmem>>) target(%dma_start3A_608 : memref<2048xf32, #tpu.memory_space<vmem_shared>>) offsets(%dma_start3A_606 : memref<128xi32, #tpu.memory_space<vmem>>) semaphore(%arg20 : memref<!tpu.dma_semaphore, #tpu.memory_space<semaphore_mem>>) {add = true}
    %dma_start3A_609 = arith.constant 10 : i32
    %dma_start3A_610 = arith.constant 0 : i32
    %dma_start3A_611 = tpu.memref_slice %arg8[%dma_start3A_609, %dma_start3A_610] : memref<16x128xi32, #tpu.memory_space<vmem>> -> memref<1x128xi32, #tpu.memory_space<vmem>>
    %dma_start3A_612 = tpu.memref_squeeze %dma_start3A_611 : memref<1x128xi32, #tpu.memory_space<vmem>> -> memref<128xi32, #tpu.memory_space<vmem>>
    %dma_start3A_613 = arith.constant 0 : i32
    %dma_start3A_614 = tpu.memref_slice %arg22[%dma_start3A_613] : memref<2048xf32, #tpu.memory_space<vmem_shared>> -> memref<2048xf32, #tpu.memory_space<vmem_shared>>
    tpu.enqueue_indirect_dma source(%arg9 : memref<128xf32, #tpu.memory_space<vmem>>) target(%dma_start3A_614 : memref<2048xf32, #tpu.memory_space<vmem_shared>>) offsets(%dma_start3A_612 : memref<128xi32, #tpu.memory_space<vmem>>) semaphore(%arg20 : memref<!tpu.dma_semaphore, #tpu.memory_space<semaphore_mem>>) {add = true}
    %dma_start3A_615 = arith.constant 10 : i32
    %dma_start3A_616 = arith.constant 1280 : i32
    %dma_start3A_617 = tpu.memref_slice %arg6[%dma_start3A_616] : memref<2048xf32, #tpu.memory_space<vmem>> -> memref<128xf32, #tpu.memory_space<vmem>>
    %dma_start3A_618 = arith.constant 0 : i32
    %dma_start3A_619 = tpu.memref_slice %arg8[%dma_start3A_615, %dma_start3A_618] : memref<16x128xi32, #tpu.memory_space<vmem>> -> memref<1x128xi32, #tpu.memory_space<vmem>>
    %dma_start3A_620 = tpu.memref_squeeze %dma_start3A_619 : memref<1x128xi32, #tpu.memory_space<vmem>> -> memref<128xi32, #tpu.memory_space<vmem>>
    %dma_start3A_621 = arith.constant 0 : i32
    %dma_start3A_622 = tpu.memref_slice %arg23[%dma_start3A_621] : memref<2048xf32, #tpu.memory_space<vmem_shared>> -> memref<2048xf32, #tpu.memory_space<vmem_shared>>
    tpu.enqueue_indirect_dma source(%dma_start3A_617 : memref<128xf32, #tpu.memory_space<vmem>>) target(%dma_start3A_622 : memref<2048xf32, #tpu.memory_space<vmem_shared>>) offsets(%dma_start3A_620 : memref<128xi32, #tpu.memory_space<vmem>>) semaphore(%arg20 : memref<!tpu.dma_semaphore, #tpu.memory_space<semaphore_mem>>) {add = true}
    %dma_start3A_623 = arith.constant 11 : i32
    %dma_start3A_624 = arith.constant 1408 : i32
    %dma_start3A_625 = tpu.memref_slice %arg5[%dma_start3A_624] : memref<2048xf32, #tpu.memory_space<vmem>> -> memref<128xf32, #tpu.memory_space<vmem>>
    %dma_start3A_626 = arith.constant 0 : i32
    %dma_start3A_627 = tpu.memref_slice %arg8[%dma_start3A_623, %dma_start3A_626] : memref<16x128xi32, #tpu.memory_space<vmem>> -> memref<1x128xi32, #tpu.memory_space<vmem>>
    %dma_start3A_628 = tpu.memref_squeeze %dma_start3A_627 : memref<1x128xi32, #tpu.memory_space<vmem>> -> memref<128xi32, #tpu.memory_space<vmem>>
    %dma_start3A_629 = arith.constant 0 : i32
    %dma_start3A_630 = tpu.memref_slice %arg21[%dma_start3A_629] : memref<2048xf32, #tpu.memory_space<vmem_shared>> -> memref<2048xf32, #tpu.memory_space<vmem_shared>>
    tpu.enqueue_indirect_dma source(%dma_start3A_625 : memref<128xf32, #tpu.memory_space<vmem>>) target(%dma_start3A_630 : memref<2048xf32, #tpu.memory_space<vmem_shared>>) offsets(%dma_start3A_628 : memref<128xi32, #tpu.memory_space<vmem>>) semaphore(%arg20 : memref<!tpu.dma_semaphore, #tpu.memory_space<semaphore_mem>>) {add = true}
    %dma_start3A_631 = arith.constant 11 : i32
    %dma_start3A_632 = arith.constant 0 : i32
    %dma_start3A_633 = tpu.memref_slice %arg8[%dma_start3A_631, %dma_start3A_632] : memref<16x128xi32, #tpu.memory_space<vmem>> -> memref<1x128xi32, #tpu.memory_space<vmem>>
    %dma_start3A_634 = tpu.memref_squeeze %dma_start3A_633 : memref<1x128xi32, #tpu.memory_space<vmem>> -> memref<128xi32, #tpu.memory_space<vmem>>
    %dma_start3A_635 = arith.constant 0 : i32
    %dma_start3A_636 = tpu.memref_slice %arg22[%dma_start3A_635] : memref<2048xf32, #tpu.memory_space<vmem_shared>> -> memref<2048xf32, #tpu.memory_space<vmem_shared>>
    tpu.enqueue_indirect_dma source(%arg9 : memref<128xf32, #tpu.memory_space<vmem>>) target(%dma_start3A_636 : memref<2048xf32, #tpu.memory_space<vmem_shared>>) offsets(%dma_start3A_634 : memref<128xi32, #tpu.memory_space<vmem>>) semaphore(%arg20 : memref<!tpu.dma_semaphore, #tpu.memory_space<semaphore_mem>>) {add = true}
    %dma_start3A_637 = arith.constant 11 : i32
    %dma_start3A_638 = arith.constant 1408 : i32
    %dma_start3A_639 = tpu.memref_slice %arg6[%dma_start3A_638] : memref<2048xf32, #tpu.memory_space<vmem>> -> memref<128xf32, #tpu.memory_space<vmem>>
    %dma_start3A_640 = arith.constant 0 : i32
    %dma_start3A_641 = tpu.memref_slice %arg8[%dma_start3A_637, %dma_start3A_640] : memref<16x128xi32, #tpu.memory_space<vmem>> -> memref<1x128xi32, #tpu.memory_space<vmem>>
    %dma_start3A_642 = tpu.memref_squeeze %dma_start3A_641 : memref<1x128xi32, #tpu.memory_space<vmem>> -> memref<128xi32, #tpu.memory_space<vmem>>
    %dma_start3A_643 = arith.constant 0 : i32
    %dma_start3A_644 = tpu.memref_slice %arg23[%dma_start3A_643] : memref<2048xf32, #tpu.memory_space<vmem_shared>> -> memref<2048xf32, #tpu.memory_space<vmem_shared>>
    tpu.enqueue_indirect_dma source(%dma_start3A_639 : memref<128xf32, #tpu.memory_space<vmem>>) target(%dma_start3A_644 : memref<2048xf32, #tpu.memory_space<vmem_shared>>) offsets(%dma_start3A_642 : memref<128xi32, #tpu.memory_space<vmem>>) semaphore(%arg20 : memref<!tpu.dma_semaphore, #tpu.memory_space<semaphore_mem>>) {add = true}
    %dma_start3A_645 = arith.constant 12 : i32
    %dma_start3A_646 = arith.constant 1536 : i32
    %dma_start3A_647 = tpu.memref_slice %arg5[%dma_start3A_646] : memref<2048xf32, #tpu.memory_space<vmem>> -> memref<128xf32, #tpu.memory_space<vmem>>
    %dma_start3A_648 = arith.constant 0 : i32
    %dma_start3A_649 = tpu.memref_slice %arg8[%dma_start3A_645, %dma_start3A_648] : memref<16x128xi32, #tpu.memory_space<vmem>> -> memref<1x128xi32, #tpu.memory_space<vmem>>
    %dma_start3A_650 = tpu.memref_squeeze %dma_start3A_649 : memref<1x128xi32, #tpu.memory_space<vmem>> -> memref<128xi32, #tpu.memory_space<vmem>>
    %dma_start3A_651 = arith.constant 0 : i32
    %dma_start3A_652 = tpu.memref_slice %arg21[%dma_start3A_651] : memref<2048xf32, #tpu.memory_space<vmem_shared>> -> memref<2048xf32, #tpu.memory_space<vmem_shared>>
    tpu.enqueue_indirect_dma source(%dma_start3A_647 : memref<128xf32, #tpu.memory_space<vmem>>) target(%dma_start3A_652 : memref<2048xf32, #tpu.memory_space<vmem_shared>>) offsets(%dma_start3A_650 : memref<128xi32, #tpu.memory_space<vmem>>) semaphore(%arg20 : memref<!tpu.dma_semaphore, #tpu.memory_space<semaphore_mem>>) {add = true}
    %dma_start3A_653 = arith.constant 12 : i32
    %dma_start3A_654 = arith.constant 0 : i32
    %dma_start3A_655 = tpu.memref_slice %arg8[%dma_start3A_653, %dma_start3A_654] : memref<16x128xi32, #tpu.memory_space<vmem>> -> memref<1x128xi32, #tpu.memory_space<vmem>>
    %dma_start3A_656 = tpu.memref_squeeze %dma_start3A_655 : memref<1x128xi32, #tpu.memory_space<vmem>> -> memref<128xi32, #tpu.memory_space<vmem>>
    %dma_start3A_657 = arith.constant 0 : i32
    %dma_start3A_658 = tpu.memref_slice %arg22[%dma_start3A_657] : memref<2048xf32, #tpu.memory_space<vmem_shared>> -> memref<2048xf32, #tpu.memory_space<vmem_shared>>
    tpu.enqueue_indirect_dma source(%arg9 : memref<128xf32, #tpu.memory_space<vmem>>) target(%dma_start3A_658 : memref<2048xf32, #tpu.memory_space<vmem_shared>>) offsets(%dma_start3A_656 : memref<128xi32, #tpu.memory_space<vmem>>) semaphore(%arg20 : memref<!tpu.dma_semaphore, #tpu.memory_space<semaphore_mem>>) {add = true}
    %dma_start3A_659 = arith.constant 12 : i32
    %dma_start3A_660 = arith.constant 1536 : i32
    %dma_start3A_661 = tpu.memref_slice %arg6[%dma_start3A_660] : memref<2048xf32, #tpu.memory_space<vmem>> -> memref<128xf32, #tpu.memory_space<vmem>>
    %dma_start3A_662 = arith.constant 0 : i32
    %dma_start3A_663 = tpu.memref_slice %arg8[%dma_start3A_659, %dma_start3A_662] : memref<16x128xi32, #tpu.memory_space<vmem>> -> memref<1x128xi32, #tpu.memory_space<vmem>>
    %dma_start3A_664 = tpu.memref_squeeze %dma_start3A_663 : memref<1x128xi32, #tpu.memory_space<vmem>> -> memref<128xi32, #tpu.memory_space<vmem>>
    %dma_start3A_665 = arith.constant 0 : i32
    %dma_start3A_666 = tpu.memref_slice %arg23[%dma_start3A_665] : memref<2048xf32, #tpu.memory_space<vmem_shared>> -> memref<2048xf32, #tpu.memory_space<vmem_shared>>
    tpu.enqueue_indirect_dma source(%dma_start3A_661 : memref<128xf32, #tpu.memory_space<vmem>>) target(%dma_start3A_666 : memref<2048xf32, #tpu.memory_space<vmem_shared>>) offsets(%dma_start3A_664 : memref<128xi32, #tpu.memory_space<vmem>>) semaphore(%arg20 : memref<!tpu.dma_semaphore, #tpu.memory_space<semaphore_mem>>) {add = true}
    %dma_start3A_667 = arith.constant 13 : i32
    %dma_start3A_668 = arith.constant 1664 : i32
    %dma_start3A_669 = tpu.memref_slice %arg5[%dma_start3A_668] : memref<2048xf32, #tpu.memory_space<vmem>> -> memref<128xf32, #tpu.memory_space<vmem>>
    %dma_start3A_670 = arith.constant 0 : i32
    %dma_start3A_671 = tpu.memref_slice %arg8[%dma_start3A_667, %dma_start3A_670] : memref<16x128xi32, #tpu.memory_space<vmem>> -> memref<1x128xi32, #tpu.memory_space<vmem>>
    %dma_start3A_672 = tpu.memref_squeeze %dma_start3A_671 : memref<1x128xi32, #tpu.memory_space<vmem>> -> memref<128xi32, #tpu.memory_space<vmem>>
    %dma_start3A_673 = arith.constant 0 : i32
    %dma_start3A_674 = tpu.memref_slice %arg21[%dma_start3A_673] : memref<2048xf32, #tpu.memory_space<vmem_shared>> -> memref<2048xf32, #tpu.memory_space<vmem_shared>>
    tpu.enqueue_indirect_dma source(%dma_start3A_669 : memref<128xf32, #tpu.memory_space<vmem>>) target(%dma_start3A_674 : memref<2048xf32, #tpu.memory_space<vmem_shared>>) offsets(%dma_start3A_672 : memref<128xi32, #tpu.memory_space<vmem>>) semaphore(%arg20 : memref<!tpu.dma_semaphore, #tpu.memory_space<semaphore_mem>>) {add = true}
    %dma_start3A_675 = arith.constant 13 : i32
    %dma_start3A_676 = arith.constant 0 : i32
    %dma_start3A_677 = tpu.memref_slice %arg8[%dma_start3A_675, %dma_start3A_676] : memref<16x128xi32, #tpu.memory_space<vmem>> -> memref<1x128xi32, #tpu.memory_space<vmem>>
    %dma_start3A_678 = tpu.memref_squeeze %dma_start3A_677 : memref<1x128xi32, #tpu.memory_space<vmem>> -> memref<128xi32, #tpu.memory_space<vmem>>
    %dma_start3A_679 = arith.constant 0 : i32
    %dma_start3A_680 = tpu.memref_slice %arg22[%dma_start3A_679] : memref<2048xf32, #tpu.memory_space<vmem_shared>> -> memref<2048xf32, #tpu.memory_space<vmem_shared>>
    tpu.enqueue_indirect_dma source(%arg9 : memref<128xf32, #tpu.memory_space<vmem>>) target(%dma_start3A_680 : memref<2048xf32, #tpu.memory_space<vmem_shared>>) offsets(%dma_start3A_678 : memref<128xi32, #tpu.memory_space<vmem>>) semaphore(%arg20 : memref<!tpu.dma_semaphore, #tpu.memory_space<semaphore_mem>>) {add = true}
    %dma_start3A_681 = arith.constant 13 : i32
    %dma_start3A_682 = arith.constant 1664 : i32
    %dma_start3A_683 = tpu.memref_slice %arg6[%dma_start3A_682] : memref<2048xf32, #tpu.memory_space<vmem>> -> memref<128xf32, #tpu.memory_space<vmem>>
    %dma_start3A_684 = arith.constant 0 : i32
    %dma_start3A_685 = tpu.memref_slice %arg8[%dma_start3A_681, %dma_start3A_684] : memref<16x128xi32, #tpu.memory_space<vmem>> -> memref<1x128xi32, #tpu.memory_space<vmem>>
    %dma_start3A_686 = tpu.memref_squeeze %dma_start3A_685 : memref<1x128xi32, #tpu.memory_space<vmem>> -> memref<128xi32, #tpu.memory_space<vmem>>
    %dma_start3A_687 = arith.constant 0 : i32
    %dma_start3A_688 = tpu.memref_slice %arg23[%dma_start3A_687] : memref<2048xf32, #tpu.memory_space<vmem_shared>> -> memref<2048xf32, #tpu.memory_space<vmem_shared>>
    tpu.enqueue_indirect_dma source(%dma_start3A_683 : memref<128xf32, #tpu.memory_space<vmem>>) target(%dma_start3A_688 : memref<2048xf32, #tpu.memory_space<vmem_shared>>) offsets(%dma_start3A_686 : memref<128xi32, #tpu.memory_space<vmem>>) semaphore(%arg20 : memref<!tpu.dma_semaphore, #tpu.memory_space<semaphore_mem>>) {add = true}
    %dma_start3A_689 = arith.constant 14 : i32
    %dma_start3A_690 = arith.constant 1792 : i32
    %dma_start3A_691 = tpu.memref_slice %arg5[%dma_start3A_690] : memref<2048xf32, #tpu.memory_space<vmem>> -> memref<128xf32, #tpu.memory_space<vmem>>
    %dma_start3A_692 = arith.constant 0 : i32
    %dma_start3A_693 = tpu.memref_slice %arg8[%dma_start3A_689, %dma_start3A_692] : memref<16x128xi32, #tpu.memory_space<vmem>> -> memref<1x128xi32, #tpu.memory_space<vmem>>
    %dma_start3A_694 = tpu.memref_squeeze %dma_start3A_693 : memref<1x128xi32, #tpu.memory_space<vmem>> -> memref<128xi32, #tpu.memory_space<vmem>>
    %dma_start3A_695 = arith.constant 0 : i32
    %dma_start3A_696 = tpu.memref_slice %arg21[%dma_start3A_695] : memref<2048xf32, #tpu.memory_space<vmem_shared>> -> memref<2048xf32, #tpu.memory_space<vmem_shared>>
    tpu.enqueue_indirect_dma source(%dma_start3A_691 : memref<128xf32, #tpu.memory_space<vmem>>) target(%dma_start3A_696 : memref<2048xf32, #tpu.memory_space<vmem_shared>>) offsets(%dma_start3A_694 : memref<128xi32, #tpu.memory_space<vmem>>) semaphore(%arg20 : memref<!tpu.dma_semaphore, #tpu.memory_space<semaphore_mem>>) {add = true}
    %dma_start3A_697 = arith.constant 14 : i32
    %dma_start3A_698 = arith.constant 0 : i32
    %dma_start3A_699 = tpu.memref_slice %arg8[%dma_start3A_697, %dma_start3A_698] : memref<16x128xi32, #tpu.memory_space<vmem>> -> memref<1x128xi32, #tpu.memory_space<vmem>>
    %dma_start3A_700 = tpu.memref_squeeze %dma_start3A_699 : memref<1x128xi32, #tpu.memory_space<vmem>> -> memref<128xi32, #tpu.memory_space<vmem>>
    %dma_start3A_701 = arith.constant 0 : i32
    %dma_start3A_702 = tpu.memref_slice %arg22[%dma_start3A_701] : memref<2048xf32, #tpu.memory_space<vmem_shared>> -> memref<2048xf32, #tpu.memory_space<vmem_shared>>
    tpu.enqueue_indirect_dma source(%arg9 : memref<128xf32, #tpu.memory_space<vmem>>) target(%dma_start3A_702 : memref<2048xf32, #tpu.memory_space<vmem_shared>>) offsets(%dma_start3A_700 : memref<128xi32, #tpu.memory_space<vmem>>) semaphore(%arg20 : memref<!tpu.dma_semaphore, #tpu.memory_space<semaphore_mem>>) {add = true}
    %dma_start3A_703 = arith.constant 14 : i32
    %dma_start3A_704 = arith.constant 1792 : i32
    %dma_start3A_705 = tpu.memref_slice %arg6[%dma_start3A_704] : memref<2048xf32, #tpu.memory_space<vmem>> -> memref<128xf32, #tpu.memory_space<vmem>>
    %dma_start3A_706 = arith.constant 0 : i32
    %dma_start3A_707 = tpu.memref_slice %arg8[%dma_start3A_703, %dma_start3A_706] : memref<16x128xi32, #tpu.memory_space<vmem>> -> memref<1x128xi32, #tpu.memory_space<vmem>>
    %dma_start3A_708 = tpu.memref_squeeze %dma_start3A_707 : memref<1x128xi32, #tpu.memory_space<vmem>> -> memref<128xi32, #tpu.memory_space<vmem>>
    %dma_start3A_709 = arith.constant 0 : i32
    %dma_start3A_710 = tpu.memref_slice %arg23[%dma_start3A_709] : memref<2048xf32, #tpu.memory_space<vmem_shared>> -> memref<2048xf32, #tpu.memory_space<vmem_shared>>
    tpu.enqueue_indirect_dma source(%dma_start3A_705 : memref<128xf32, #tpu.memory_space<vmem>>) target(%dma_start3A_710 : memref<2048xf32, #tpu.memory_space<vmem_shared>>) offsets(%dma_start3A_708 : memref<128xi32, #tpu.memory_space<vmem>>) semaphore(%arg20 : memref<!tpu.dma_semaphore, #tpu.memory_space<semaphore_mem>>) {add = true}
    %dma_start3A_711 = arith.constant 15 : i32
    %dma_start3A_712 = arith.constant 1920 : i32
    %dma_start3A_713 = tpu.memref_slice %arg5[%dma_start3A_712] : memref<2048xf32, #tpu.memory_space<vmem>> -> memref<128xf32, #tpu.memory_space<vmem>>
    %dma_start3A_714 = arith.constant 0 : i32
    %dma_start3A_715 = tpu.memref_slice %arg8[%dma_start3A_711, %dma_start3A_714] : memref<16x128xi32, #tpu.memory_space<vmem>> -> memref<1x128xi32, #tpu.memory_space<vmem>>
    %dma_start3A_716 = tpu.memref_squeeze %dma_start3A_715 : memref<1x128xi32, #tpu.memory_space<vmem>> -> memref<128xi32, #tpu.memory_space<vmem>>
    %dma_start3A_717 = arith.constant 0 : i32
    %dma_start3A_718 = tpu.memref_slice %arg21[%dma_start3A_717] : memref<2048xf32, #tpu.memory_space<vmem_shared>> -> memref<2048xf32, #tpu.memory_space<vmem_shared>>
    tpu.enqueue_indirect_dma source(%dma_start3A_713 : memref<128xf32, #tpu.memory_space<vmem>>) target(%dma_start3A_718 : memref<2048xf32, #tpu.memory_space<vmem_shared>>) offsets(%dma_start3A_716 : memref<128xi32, #tpu.memory_space<vmem>>) semaphore(%arg20 : memref<!tpu.dma_semaphore, #tpu.memory_space<semaphore_mem>>) {add = true}
    %dma_start3A_719 = arith.constant 15 : i32
    %dma_start3A_720 = arith.constant 0 : i32
    %dma_start3A_721 = tpu.memref_slice %arg8[%dma_start3A_719, %dma_start3A_720] : memref<16x128xi32, #tpu.memory_space<vmem>> -> memref<1x128xi32, #tpu.memory_space<vmem>>
    %dma_start3A_722 = tpu.memref_squeeze %dma_start3A_721 : memref<1x128xi32, #tpu.memory_space<vmem>> -> memref<128xi32, #tpu.memory_space<vmem>>
    %dma_start3A_723 = arith.constant 0 : i32
    %dma_start3A_724 = tpu.memref_slice %arg22[%dma_start3A_723] : memref<2048xf32, #tpu.memory_space<vmem_shared>> -> memref<2048xf32, #tpu.memory_space<vmem_shared>>
    tpu.enqueue_indirect_dma source(%arg9 : memref<128xf32, #tpu.memory_space<vmem>>) target(%dma_start3A_724 : memref<2048xf32, #tpu.memory_space<vmem_shared>>) offsets(%dma_start3A_722 : memref<128xi32, #tpu.memory_space<vmem>>) semaphore(%arg20 : memref<!tpu.dma_semaphore, #tpu.memory_space<semaphore_mem>>) {add = true}
    %dma_start3A_725 = arith.constant 15 : i32
    %dma_start3A_726 = arith.constant 1920 : i32
    %dma_start3A_727 = tpu.memref_slice %arg6[%dma_start3A_726] : memref<2048xf32, #tpu.memory_space<vmem>> -> memref<128xf32, #tpu.memory_space<vmem>>
    %dma_start3A_728 = arith.constant 0 : i32
    %dma_start3A_729 = tpu.memref_slice %arg8[%dma_start3A_725, %dma_start3A_728] : memref<16x128xi32, #tpu.memory_space<vmem>> -> memref<1x128xi32, #tpu.memory_space<vmem>>
    %dma_start3A_730 = tpu.memref_squeeze %dma_start3A_729 : memref<1x128xi32, #tpu.memory_space<vmem>> -> memref<128xi32, #tpu.memory_space<vmem>>
    %dma_start3A_731 = arith.constant 0 : i32
    %dma_start3A_732 = tpu.memref_slice %arg23[%dma_start3A_731] : memref<2048xf32, #tpu.memory_space<vmem_shared>> -> memref<2048xf32, #tpu.memory_space<vmem_shared>>
    tpu.enqueue_indirect_dma source(%dma_start3A_727 : memref<128xf32, #tpu.memory_space<vmem>>) target(%dma_start3A_732 : memref<2048xf32, #tpu.memory_space<vmem_shared>>) offsets(%dma_start3A_730 : memref<128xi32, #tpu.memory_space<vmem>>) semaphore(%arg20 : memref<!tpu.dma_semaphore, #tpu.memory_space<semaphore_mem>>) {add = true}
    %dma_wait3A_733 = arith.constant 0 : i32
    %dma_wait3A_734 = arith.constant 0 : i32
    %dma_wait3A_735 = tpu.memref_slice %arg5[%dma_wait3A_734] : memref<2048xf32, #tpu.memory_space<vmem>> -> memref<128xf32, #tpu.memory_space<vmem>>
    %dma_wait3A_736 = arith.constant 0 : i32
    %dma_wait3A_737 = tpu.memref_slice %arg8[%dma_wait3A_733, %dma_wait3A_736] : memref<16x128xi32, #tpu.memory_space<vmem>> -> memref<1x128xi32, #tpu.memory_space<vmem>>
    %dma_wait3A_738 = tpu.memref_squeeze %dma_wait3A_737 : memref<1x128xi32, #tpu.memory_space<vmem>> -> memref<128xi32, #tpu.memory_space<vmem>>
    %dma_wait3A_739 = arith.constant 0 : i32
    %dma_wait3A_740 = tpu.memref_slice %arg21[%dma_wait3A_739] : memref<2048xf32, #tpu.memory_space<vmem_shared>> -> memref<2048xf32, #tpu.memory_space<vmem_shared>>
    tpu.wait_indirect_dma semaphore(%arg20 : memref<!tpu.dma_semaphore, #tpu.memory_space<semaphore_mem>>) src(%dma_wait3A_735 : memref<128xf32, #tpu.memory_space<vmem>>) dst(%dma_wait3A_740 : memref<2048xf32, #tpu.memory_space<vmem_shared>>)
    %dma_wait3A_741 = arith.constant 0 : i32
    %dma_wait3A_742 = arith.constant 0 : i32
    %dma_wait3A_743 = tpu.memref_slice %arg8[%dma_wait3A_741, %dma_wait3A_742] : memref<16x128xi32, #tpu.memory_space<vmem>> -> memref<1x128xi32, #tpu.memory_space<vmem>>
    %dma_wait3A_744 = tpu.memref_squeeze %dma_wait3A_743 : memref<1x128xi32, #tpu.memory_space<vmem>> -> memref<128xi32, #tpu.memory_space<vmem>>
    %dma_wait3A_745 = arith.constant 0 : i32
    %dma_wait3A_746 = tpu.memref_slice %arg22[%dma_wait3A_745] : memref<2048xf32, #tpu.memory_space<vmem_shared>> -> memref<2048xf32, #tpu.memory_space<vmem_shared>>
    tpu.wait_indirect_dma semaphore(%arg20 : memref<!tpu.dma_semaphore, #tpu.memory_space<semaphore_mem>>) src(%arg9 : memref<128xf32, #tpu.memory_space<vmem>>) dst(%dma_wait3A_746 : memref<2048xf32, #tpu.memory_space<vmem_shared>>)
    %dma_wait3A_747 = arith.constant 0 : i32
    %dma_wait3A_748 = arith.constant 0 : i32
    %dma_wait3A_749 = tpu.memref_slice %arg6[%dma_wait3A_748] : memref<2048xf32, #tpu.memory_space<vmem>> -> memref<128xf32, #tpu.memory_space<vmem>>
    %dma_wait3A_750 = arith.constant 0 : i32
    %dma_wait3A_751 = tpu.memref_slice %arg8[%dma_wait3A_747, %dma_wait3A_750] : memref<16x128xi32, #tpu.memory_space<vmem>> -> memref<1x128xi32, #tpu.memory_space<vmem>>
    %dma_wait3A_752 = tpu.memref_squeeze %dma_wait3A_751 : memref<1x128xi32, #tpu.memory_space<vmem>> -> memref<128xi32, #tpu.memory_space<vmem>>
    %dma_wait3A_753 = arith.constant 0 : i32
    %dma_wait3A_754 = tpu.memref_slice %arg23[%dma_wait3A_753] : memref<2048xf32, #tpu.memory_space<vmem_shared>> -> memref<2048xf32, #tpu.memory_space<vmem_shared>>
    tpu.wait_indirect_dma semaphore(%arg20 : memref<!tpu.dma_semaphore, #tpu.memory_space<semaphore_mem>>) src(%dma_wait3A_749 : memref<128xf32, #tpu.memory_space<vmem>>) dst(%dma_wait3A_754 : memref<2048xf32, #tpu.memory_space<vmem_shared>>)
    %dma_wait3A_755 = arith.constant 1 : i32
    %dma_wait3A_756 = arith.constant 128 : i32
    %dma_wait3A_757 = tpu.memref_slice %arg5[%dma_wait3A_756] : memref<2048xf32, #tpu.memory_space<vmem>> -> memref<128xf32, #tpu.memory_space<vmem>>
    %dma_wait3A_758 = arith.constant 0 : i32
    %dma_wait3A_759 = tpu.memref_slice %arg8[%dma_wait3A_755, %dma_wait3A_758] : memref<16x128xi32, #tpu.memory_space<vmem>> -> memref<1x128xi32, #tpu.memory_space<vmem>>
    %dma_wait3A_760 = tpu.memref_squeeze %dma_wait3A_759 : memref<1x128xi32, #tpu.memory_space<vmem>> -> memref<128xi32, #tpu.memory_space<vmem>>
    %dma_wait3A_761 = arith.constant 0 : i32
    %dma_wait3A_762 = tpu.memref_slice %arg21[%dma_wait3A_761] : memref<2048xf32, #tpu.memory_space<vmem_shared>> -> memref<2048xf32, #tpu.memory_space<vmem_shared>>
    tpu.wait_indirect_dma semaphore(%arg20 : memref<!tpu.dma_semaphore, #tpu.memory_space<semaphore_mem>>) src(%dma_wait3A_757 : memref<128xf32, #tpu.memory_space<vmem>>) dst(%dma_wait3A_762 : memref<2048xf32, #tpu.memory_space<vmem_shared>>)
    %dma_wait3A_763 = arith.constant 1 : i32
    %dma_wait3A_764 = arith.constant 0 : i32
    %dma_wait3A_765 = tpu.memref_slice %arg8[%dma_wait3A_763, %dma_wait3A_764] : memref<16x128xi32, #tpu.memory_space<vmem>> -> memref<1x128xi32, #tpu.memory_space<vmem>>
    %dma_wait3A_766 = tpu.memref_squeeze %dma_wait3A_765 : memref<1x128xi32, #tpu.memory_space<vmem>> -> memref<128xi32, #tpu.memory_space<vmem>>
    %dma_wait3A_767 = arith.constant 0 : i32
    %dma_wait3A_768 = tpu.memref_slice %arg22[%dma_wait3A_767] : memref<2048xf32, #tpu.memory_space<vmem_shared>> -> memref<2048xf32, #tpu.memory_space<vmem_shared>>
    tpu.wait_indirect_dma semaphore(%arg20 : memref<!tpu.dma_semaphore, #tpu.memory_space<semaphore_mem>>) src(%arg9 : memref<128xf32, #tpu.memory_space<vmem>>) dst(%dma_wait3A_768 : memref<2048xf32, #tpu.memory_space<vmem_shared>>)
    %dma_wait3A_769 = arith.constant 1 : i32
    %dma_wait3A_770 = arith.constant 128 : i32
    %dma_wait3A_771 = tpu.memref_slice %arg6[%dma_wait3A_770] : memref<2048xf32, #tpu.memory_space<vmem>> -> memref<128xf32, #tpu.memory_space<vmem>>
    %dma_wait3A_772 = arith.constant 0 : i32
    %dma_wait3A_773 = tpu.memref_slice %arg8[%dma_wait3A_769, %dma_wait3A_772] : memref<16x128xi32, #tpu.memory_space<vmem>> -> memref<1x128xi32, #tpu.memory_space<vmem>>
    %dma_wait3A_774 = tpu.memref_squeeze %dma_wait3A_773 : memref<1x128xi32, #tpu.memory_space<vmem>> -> memref<128xi32, #tpu.memory_space<vmem>>
    %dma_wait3A_775 = arith.constant 0 : i32
    %dma_wait3A_776 = tpu.memref_slice %arg23[%dma_wait3A_775] : memref<2048xf32, #tpu.memory_space<vmem_shared>> -> memref<2048xf32, #tpu.memory_space<vmem_shared>>
    tpu.wait_indirect_dma semaphore(%arg20 : memref<!tpu.dma_semaphore, #tpu.memory_space<semaphore_mem>>) src(%dma_wait3A_771 : memref<128xf32, #tpu.memory_space<vmem>>) dst(%dma_wait3A_776 : memref<2048xf32, #tpu.memory_space<vmem_shared>>)
    %dma_wait3A_777 = arith.constant 2 : i32
    %dma_wait3A_778 = arith.constant 256 : i32
    %dma_wait3A_779 = tpu.memref_slice %arg5[%dma_wait3A_778] : memref<2048xf32, #tpu.memory_space<vmem>> -> memref<128xf32, #tpu.memory_space<vmem>>
    %dma_wait3A_780 = arith.constant 0 : i32
    %dma_wait3A_781 = tpu.memref_slice %arg8[%dma_wait3A_777, %dma_wait3A_780] : memref<16x128xi32, #tpu.memory_space<vmem>> -> memref<1x128xi32, #tpu.memory_space<vmem>>
    %dma_wait3A_782 = tpu.memref_squeeze %dma_wait3A_781 : memref<1x128xi32, #tpu.memory_space<vmem>> -> memref<128xi32, #tpu.memory_space<vmem>>
    %dma_wait3A_783 = arith.constant 0 : i32
    %dma_wait3A_784 = tpu.memref_slice %arg21[%dma_wait3A_783] : memref<2048xf32, #tpu.memory_space<vmem_shared>> -> memref<2048xf32, #tpu.memory_space<vmem_shared>>
    tpu.wait_indirect_dma semaphore(%arg20 : memref<!tpu.dma_semaphore, #tpu.memory_space<semaphore_mem>>) src(%dma_wait3A_779 : memref<128xf32, #tpu.memory_space<vmem>>) dst(%dma_wait3A_784 : memref<2048xf32, #tpu.memory_space<vmem_shared>>)
    %dma_wait3A_785 = arith.constant 2 : i32
    %dma_wait3A_786 = arith.constant 0 : i32
    %dma_wait3A_787 = tpu.memref_slice %arg8[%dma_wait3A_785, %dma_wait3A_786] : memref<16x128xi32, #tpu.memory_space<vmem>> -> memref<1x128xi32, #tpu.memory_space<vmem>>
    %dma_wait3A_788 = tpu.memref_squeeze %dma_wait3A_787 : memref<1x128xi32, #tpu.memory_space<vmem>> -> memref<128xi32, #tpu.memory_space<vmem>>
    %dma_wait3A_789 = arith.constant 0 : i32
    %dma_wait3A_790 = tpu.memref_slice %arg22[%dma_wait3A_789] : memref<2048xf32, #tpu.memory_space<vmem_shared>> -> memref<2048xf32, #tpu.memory_space<vmem_shared>>
    tpu.wait_indirect_dma semaphore(%arg20 : memref<!tpu.dma_semaphore, #tpu.memory_space<semaphore_mem>>) src(%arg9 : memref<128xf32, #tpu.memory_space<vmem>>) dst(%dma_wait3A_790 : memref<2048xf32, #tpu.memory_space<vmem_shared>>)
    %dma_wait3A_791 = arith.constant 2 : i32
    %dma_wait3A_792 = arith.constant 256 : i32
    %dma_wait3A_793 = tpu.memref_slice %arg6[%dma_wait3A_792] : memref<2048xf32, #tpu.memory_space<vmem>> -> memref<128xf32, #tpu.memory_space<vmem>>
    %dma_wait3A_794 = arith.constant 0 : i32
    %dma_wait3A_795 = tpu.memref_slice %arg8[%dma_wait3A_791, %dma_wait3A_794] : memref<16x128xi32, #tpu.memory_space<vmem>> -> memref<1x128xi32, #tpu.memory_space<vmem>>
    %dma_wait3A_796 = tpu.memref_squeeze %dma_wait3A_795 : memref<1x128xi32, #tpu.memory_space<vmem>> -> memref<128xi32, #tpu.memory_space<vmem>>
    %dma_wait3A_797 = arith.constant 0 : i32
    %dma_wait3A_798 = tpu.memref_slice %arg23[%dma_wait3A_797] : memref<2048xf32, #tpu.memory_space<vmem_shared>> -> memref<2048xf32, #tpu.memory_space<vmem_shared>>
    tpu.wait_indirect_dma semaphore(%arg20 : memref<!tpu.dma_semaphore, #tpu.memory_space<semaphore_mem>>) src(%dma_wait3A_793 : memref<128xf32, #tpu.memory_space<vmem>>) dst(%dma_wait3A_798 : memref<2048xf32, #tpu.memory_space<vmem_shared>>)
    %dma_wait3A_799 = arith.constant 3 : i32
    %dma_wait3A_800 = arith.constant 384 : i32
    %dma_wait3A_801 = tpu.memref_slice %arg5[%dma_wait3A_800] : memref<2048xf32, #tpu.memory_space<vmem>> -> memref<128xf32, #tpu.memory_space<vmem>>
    %dma_wait3A_802 = arith.constant 0 : i32
    %dma_wait3A_803 = tpu.memref_slice %arg8[%dma_wait3A_799, %dma_wait3A_802] : memref<16x128xi32, #tpu.memory_space<vmem>> -> memref<1x128xi32, #tpu.memory_space<vmem>>
    %dma_wait3A_804 = tpu.memref_squeeze %dma_wait3A_803 : memref<1x128xi32, #tpu.memory_space<vmem>> -> memref<128xi32, #tpu.memory_space<vmem>>
    %dma_wait3A_805 = arith.constant 0 : i32
    %dma_wait3A_806 = tpu.memref_slice %arg21[%dma_wait3A_805] : memref<2048xf32, #tpu.memory_space<vmem_shared>> -> memref<2048xf32, #tpu.memory_space<vmem_shared>>
    tpu.wait_indirect_dma semaphore(%arg20 : memref<!tpu.dma_semaphore, #tpu.memory_space<semaphore_mem>>) src(%dma_wait3A_801 : memref<128xf32, #tpu.memory_space<vmem>>) dst(%dma_wait3A_806 : memref<2048xf32, #tpu.memory_space<vmem_shared>>)
    %dma_wait3A_807 = arith.constant 3 : i32
    %dma_wait3A_808 = arith.constant 0 : i32
    %dma_wait3A_809 = tpu.memref_slice %arg8[%dma_wait3A_807, %dma_wait3A_808] : memref<16x128xi32, #tpu.memory_space<vmem>> -> memref<1x128xi32, #tpu.memory_space<vmem>>
    %dma_wait3A_810 = tpu.memref_squeeze %dma_wait3A_809 : memref<1x128xi32, #tpu.memory_space<vmem>> -> memref<128xi32, #tpu.memory_space<vmem>>
    %dma_wait3A_811 = arith.constant 0 : i32
    %dma_wait3A_812 = tpu.memref_slice %arg22[%dma_wait3A_811] : memref<2048xf32, #tpu.memory_space<vmem_shared>> -> memref<2048xf32, #tpu.memory_space<vmem_shared>>
    tpu.wait_indirect_dma semaphore(%arg20 : memref<!tpu.dma_semaphore, #tpu.memory_space<semaphore_mem>>) src(%arg9 : memref<128xf32, #tpu.memory_space<vmem>>) dst(%dma_wait3A_812 : memref<2048xf32, #tpu.memory_space<vmem_shared>>)
    %dma_wait3A_813 = arith.constant 3 : i32
    %dma_wait3A_814 = arith.constant 384 : i32
    %dma_wait3A_815 = tpu.memref_slice %arg6[%dma_wait3A_814] : memref<2048xf32, #tpu.memory_space<vmem>> -> memref<128xf32, #tpu.memory_space<vmem>>
    %dma_wait3A_816 = arith.constant 0 : i32
    %dma_wait3A_817 = tpu.memref_slice %arg8[%dma_wait3A_813, %dma_wait3A_816] : memref<16x128xi32, #tpu.memory_space<vmem>> -> memref<1x128xi32, #tpu.memory_space<vmem>>
    %dma_wait3A_818 = tpu.memref_squeeze %dma_wait3A_817 : memref<1x128xi32, #tpu.memory_space<vmem>> -> memref<128xi32, #tpu.memory_space<vmem>>
    %dma_wait3A_819 = arith.constant 0 : i32
    %dma_wait3A_820 = tpu.memref_slice %arg23[%dma_wait3A_819] : memref<2048xf32, #tpu.memory_space<vmem_shared>> -> memref<2048xf32, #tpu.memory_space<vmem_shared>>
    tpu.wait_indirect_dma semaphore(%arg20 : memref<!tpu.dma_semaphore, #tpu.memory_space<semaphore_mem>>) src(%dma_wait3A_815 : memref<128xf32, #tpu.memory_space<vmem>>) dst(%dma_wait3A_820 : memref<2048xf32, #tpu.memory_space<vmem_shared>>)
    %dma_wait3A_821 = arith.constant 4 : i32
    %dma_wait3A_822 = arith.constant 512 : i32
    %dma_wait3A_823 = tpu.memref_slice %arg5[%dma_wait3A_822] : memref<2048xf32, #tpu.memory_space<vmem>> -> memref<128xf32, #tpu.memory_space<vmem>>
    %dma_wait3A_824 = arith.constant 0 : i32
    %dma_wait3A_825 = tpu.memref_slice %arg8[%dma_wait3A_821, %dma_wait3A_824] : memref<16x128xi32, #tpu.memory_space<vmem>> -> memref<1x128xi32, #tpu.memory_space<vmem>>
    %dma_wait3A_826 = tpu.memref_squeeze %dma_wait3A_825 : memref<1x128xi32, #tpu.memory_space<vmem>> -> memref<128xi32, #tpu.memory_space<vmem>>
    %dma_wait3A_827 = arith.constant 0 : i32
    %dma_wait3A_828 = tpu.memref_slice %arg21[%dma_wait3A_827] : memref<2048xf32, #tpu.memory_space<vmem_shared>> -> memref<2048xf32, #tpu.memory_space<vmem_shared>>
    tpu.wait_indirect_dma semaphore(%arg20 : memref<!tpu.dma_semaphore, #tpu.memory_space<semaphore_mem>>) src(%dma_wait3A_823 : memref<128xf32, #tpu.memory_space<vmem>>) dst(%dma_wait3A_828 : memref<2048xf32, #tpu.memory_space<vmem_shared>>)
    %dma_wait3A_829 = arith.constant 4 : i32
    %dma_wait3A_830 = arith.constant 0 : i32
    %dma_wait3A_831 = tpu.memref_slice %arg8[%dma_wait3A_829, %dma_wait3A_830] : memref<16x128xi32, #tpu.memory_space<vmem>> -> memref<1x128xi32, #tpu.memory_space<vmem>>
    %dma_wait3A_832 = tpu.memref_squeeze %dma_wait3A_831 : memref<1x128xi32, #tpu.memory_space<vmem>> -> memref<128xi32, #tpu.memory_space<vmem>>
    %dma_wait3A_833 = arith.constant 0 : i32
    %dma_wait3A_834 = tpu.memref_slice %arg22[%dma_wait3A_833] : memref<2048xf32, #tpu.memory_space<vmem_shared>> -> memref<2048xf32, #tpu.memory_space<vmem_shared>>
    tpu.wait_indirect_dma semaphore(%arg20 : memref<!tpu.dma_semaphore, #tpu.memory_space<semaphore_mem>>) src(%arg9 : memref<128xf32, #tpu.memory_space<vmem>>) dst(%dma_wait3A_834 : memref<2048xf32, #tpu.memory_space<vmem_shared>>)
    %dma_wait3A_835 = arith.constant 4 : i32
    %dma_wait3A_836 = arith.constant 512 : i32
    %dma_wait3A_837 = tpu.memref_slice %arg6[%dma_wait3A_836] : memref<2048xf32, #tpu.memory_space<vmem>> -> memref<128xf32, #tpu.memory_space<vmem>>
    %dma_wait3A_838 = arith.constant 0 : i32
    %dma_wait3A_839 = tpu.memref_slice %arg8[%dma_wait3A_835, %dma_wait3A_838] : memref<16x128xi32, #tpu.memory_space<vmem>> -> memref<1x128xi32, #tpu.memory_space<vmem>>
    %dma_wait3A_840 = tpu.memref_squeeze %dma_wait3A_839 : memref<1x128xi32, #tpu.memory_space<vmem>> -> memref<128xi32, #tpu.memory_space<vmem>>
    %dma_wait3A_841 = arith.constant 0 : i32
    %dma_wait3A_842 = tpu.memref_slice %arg23[%dma_wait3A_841] : memref<2048xf32, #tpu.memory_space<vmem_shared>> -> memref<2048xf32, #tpu.memory_space<vmem_shared>>
    tpu.wait_indirect_dma semaphore(%arg20 : memref<!tpu.dma_semaphore, #tpu.memory_space<semaphore_mem>>) src(%dma_wait3A_837 : memref<128xf32, #tpu.memory_space<vmem>>) dst(%dma_wait3A_842 : memref<2048xf32, #tpu.memory_space<vmem_shared>>)
    %dma_wait3A_843 = arith.constant 5 : i32
    %dma_wait3A_844 = arith.constant 640 : i32
    %dma_wait3A_845 = tpu.memref_slice %arg5[%dma_wait3A_844] : memref<2048xf32, #tpu.memory_space<vmem>> -> memref<128xf32, #tpu.memory_space<vmem>>
    %dma_wait3A_846 = arith.constant 0 : i32
    %dma_wait3A_847 = tpu.memref_slice %arg8[%dma_wait3A_843, %dma_wait3A_846] : memref<16x128xi32, #tpu.memory_space<vmem>> -> memref<1x128xi32, #tpu.memory_space<vmem>>
    %dma_wait3A_848 = tpu.memref_squeeze %dma_wait3A_847 : memref<1x128xi32, #tpu.memory_space<vmem>> -> memref<128xi32, #tpu.memory_space<vmem>>
    %dma_wait3A_849 = arith.constant 0 : i32
    %dma_wait3A_850 = tpu.memref_slice %arg21[%dma_wait3A_849] : memref<2048xf32, #tpu.memory_space<vmem_shared>> -> memref<2048xf32, #tpu.memory_space<vmem_shared>>
    tpu.wait_indirect_dma semaphore(%arg20 : memref<!tpu.dma_semaphore, #tpu.memory_space<semaphore_mem>>) src(%dma_wait3A_845 : memref<128xf32, #tpu.memory_space<vmem>>) dst(%dma_wait3A_850 : memref<2048xf32, #tpu.memory_space<vmem_shared>>)
    %dma_wait3A_851 = arith.constant 5 : i32
    %dma_wait3A_852 = arith.constant 0 : i32
    %dma_wait3A_853 = tpu.memref_slice %arg8[%dma_wait3A_851, %dma_wait3A_852] : memref<16x128xi32, #tpu.memory_space<vmem>> -> memref<1x128xi32, #tpu.memory_space<vmem>>
    %dma_wait3A_854 = tpu.memref_squeeze %dma_wait3A_853 : memref<1x128xi32, #tpu.memory_space<vmem>> -> memref<128xi32, #tpu.memory_space<vmem>>
    %dma_wait3A_855 = arith.constant 0 : i32
    %dma_wait3A_856 = tpu.memref_slice %arg22[%dma_wait3A_855] : memref<2048xf32, #tpu.memory_space<vmem_shared>> -> memref<2048xf32, #tpu.memory_space<vmem_shared>>
    tpu.wait_indirect_dma semaphore(%arg20 : memref<!tpu.dma_semaphore, #tpu.memory_space<semaphore_mem>>) src(%arg9 : memref<128xf32, #tpu.memory_space<vmem>>) dst(%dma_wait3A_856 : memref<2048xf32, #tpu.memory_space<vmem_shared>>)
    %dma_wait3A_857 = arith.constant 5 : i32
    %dma_wait3A_858 = arith.constant 640 : i32
    %dma_wait3A_859 = tpu.memref_slice %arg6[%dma_wait3A_858] : memref<2048xf32, #tpu.memory_space<vmem>> -> memref<128xf32, #tpu.memory_space<vmem>>
    %dma_wait3A_860 = arith.constant 0 : i32
    %dma_wait3A_861 = tpu.memref_slice %arg8[%dma_wait3A_857, %dma_wait3A_860] : memref<16x128xi32, #tpu.memory_space<vmem>> -> memref<1x128xi32, #tpu.memory_space<vmem>>
    %dma_wait3A_862 = tpu.memref_squeeze %dma_wait3A_861 : memref<1x128xi32, #tpu.memory_space<vmem>> -> memref<128xi32, #tpu.memory_space<vmem>>
    %dma_wait3A_863 = arith.constant 0 : i32
    %dma_wait3A_864 = tpu.memref_slice %arg23[%dma_wait3A_863] : memref<2048xf32, #tpu.memory_space<vmem_shared>> -> memref<2048xf32, #tpu.memory_space<vmem_shared>>
    tpu.wait_indirect_dma semaphore(%arg20 : memref<!tpu.dma_semaphore, #tpu.memory_space<semaphore_mem>>) src(%dma_wait3A_859 : memref<128xf32, #tpu.memory_space<vmem>>) dst(%dma_wait3A_864 : memref<2048xf32, #tpu.memory_space<vmem_shared>>)
    %dma_wait3A_865 = arith.constant 6 : i32
    %dma_wait3A_866 = arith.constant 768 : i32
    %dma_wait3A_867 = tpu.memref_slice %arg5[%dma_wait3A_866] : memref<2048xf32, #tpu.memory_space<vmem>> -> memref<128xf32, #tpu.memory_space<vmem>>
    %dma_wait3A_868 = arith.constant 0 : i32
    %dma_wait3A_869 = tpu.memref_slice %arg8[%dma_wait3A_865, %dma_wait3A_868] : memref<16x128xi32, #tpu.memory_space<vmem>> -> memref<1x128xi32, #tpu.memory_space<vmem>>
    %dma_wait3A_870 = tpu.memref_squeeze %dma_wait3A_869 : memref<1x128xi32, #tpu.memory_space<vmem>> -> memref<128xi32, #tpu.memory_space<vmem>>
    %dma_wait3A_871 = arith.constant 0 : i32
    %dma_wait3A_872 = tpu.memref_slice %arg21[%dma_wait3A_871] : memref<2048xf32, #tpu.memory_space<vmem_shared>> -> memref<2048xf32, #tpu.memory_space<vmem_shared>>
    tpu.wait_indirect_dma semaphore(%arg20 : memref<!tpu.dma_semaphore, #tpu.memory_space<semaphore_mem>>) src(%dma_wait3A_867 : memref<128xf32, #tpu.memory_space<vmem>>) dst(%dma_wait3A_872 : memref<2048xf32, #tpu.memory_space<vmem_shared>>)
    %dma_wait3A_873 = arith.constant 6 : i32
    %dma_wait3A_874 = arith.constant 0 : i32
    %dma_wait3A_875 = tpu.memref_slice %arg8[%dma_wait3A_873, %dma_wait3A_874] : memref<16x128xi32, #tpu.memory_space<vmem>> -> memref<1x128xi32, #tpu.memory_space<vmem>>
    %dma_wait3A_876 = tpu.memref_squeeze %dma_wait3A_875 : memref<1x128xi32, #tpu.memory_space<vmem>> -> memref<128xi32, #tpu.memory_space<vmem>>
    %dma_wait3A_877 = arith.constant 0 : i32
    %dma_wait3A_878 = tpu.memref_slice %arg22[%dma_wait3A_877] : memref<2048xf32, #tpu.memory_space<vmem_shared>> -> memref<2048xf32, #tpu.memory_space<vmem_shared>>
    tpu.wait_indirect_dma semaphore(%arg20 : memref<!tpu.dma_semaphore, #tpu.memory_space<semaphore_mem>>) src(%arg9 : memref<128xf32, #tpu.memory_space<vmem>>) dst(%dma_wait3A_878 : memref<2048xf32, #tpu.memory_space<vmem_shared>>)
    %dma_wait3A_879 = arith.constant 6 : i32
    %dma_wait3A_880 = arith.constant 768 : i32
    %dma_wait3A_881 = tpu.memref_slice %arg6[%dma_wait3A_880] : memref<2048xf32, #tpu.memory_space<vmem>> -> memref<128xf32, #tpu.memory_space<vmem>>
    %dma_wait3A_882 = arith.constant 0 : i32
    %dma_wait3A_883 = tpu.memref_slice %arg8[%dma_wait3A_879, %dma_wait3A_882] : memref<16x128xi32, #tpu.memory_space<vmem>> -> memref<1x128xi32, #tpu.memory_space<vmem>>
    %dma_wait3A_884 = tpu.memref_squeeze %dma_wait3A_883 : memref<1x128xi32, #tpu.memory_space<vmem>> -> memref<128xi32, #tpu.memory_space<vmem>>
    %dma_wait3A_885 = arith.constant 0 : i32
    %dma_wait3A_886 = tpu.memref_slice %arg23[%dma_wait3A_885] : memref<2048xf32, #tpu.memory_space<vmem_shared>> -> memref<2048xf32, #tpu.memory_space<vmem_shared>>
    tpu.wait_indirect_dma semaphore(%arg20 : memref<!tpu.dma_semaphore, #tpu.memory_space<semaphore_mem>>) src(%dma_wait3A_881 : memref<128xf32, #tpu.memory_space<vmem>>) dst(%dma_wait3A_886 : memref<2048xf32, #tpu.memory_space<vmem_shared>>)
    %dma_wait3A_887 = arith.constant 7 : i32
    %dma_wait3A_888 = arith.constant 896 : i32
    %dma_wait3A_889 = tpu.memref_slice %arg5[%dma_wait3A_888] : memref<2048xf32, #tpu.memory_space<vmem>> -> memref<128xf32, #tpu.memory_space<vmem>>
    %dma_wait3A_890 = arith.constant 0 : i32
    %dma_wait3A_891 = tpu.memref_slice %arg8[%dma_wait3A_887, %dma_wait3A_890] : memref<16x128xi32, #tpu.memory_space<vmem>> -> memref<1x128xi32, #tpu.memory_space<vmem>>
    %dma_wait3A_892 = tpu.memref_squeeze %dma_wait3A_891 : memref<1x128xi32, #tpu.memory_space<vmem>> -> memref<128xi32, #tpu.memory_space<vmem>>
    %dma_wait3A_893 = arith.constant 0 : i32
    %dma_wait3A_894 = tpu.memref_slice %arg21[%dma_wait3A_893] : memref<2048xf32, #tpu.memory_space<vmem_shared>> -> memref<2048xf32, #tpu.memory_space<vmem_shared>>
    tpu.wait_indirect_dma semaphore(%arg20 : memref<!tpu.dma_semaphore, #tpu.memory_space<semaphore_mem>>) src(%dma_wait3A_889 : memref<128xf32, #tpu.memory_space<vmem>>) dst(%dma_wait3A_894 : memref<2048xf32, #tpu.memory_space<vmem_shared>>)
    %dma_wait3A_895 = arith.constant 7 : i32
    %dma_wait3A_896 = arith.constant 0 : i32
    %dma_wait3A_897 = tpu.memref_slice %arg8[%dma_wait3A_895, %dma_wait3A_896] : memref<16x128xi32, #tpu.memory_space<vmem>> -> memref<1x128xi32, #tpu.memory_space<vmem>>
    %dma_wait3A_898 = tpu.memref_squeeze %dma_wait3A_897 : memref<1x128xi32, #tpu.memory_space<vmem>> -> memref<128xi32, #tpu.memory_space<vmem>>
    %dma_wait3A_899 = arith.constant 0 : i32
    %dma_wait3A_900 = tpu.memref_slice %arg22[%dma_wait3A_899] : memref<2048xf32, #tpu.memory_space<vmem_shared>> -> memref<2048xf32, #tpu.memory_space<vmem_shared>>
    tpu.wait_indirect_dma semaphore(%arg20 : memref<!tpu.dma_semaphore, #tpu.memory_space<semaphore_mem>>) src(%arg9 : memref<128xf32, #tpu.memory_space<vmem>>) dst(%dma_wait3A_900 : memref<2048xf32, #tpu.memory_space<vmem_shared>>)
    %dma_wait3A_901 = arith.constant 7 : i32
    %dma_wait3A_902 = arith.constant 896 : i32
    %dma_wait3A_903 = tpu.memref_slice %arg6[%dma_wait3A_902] : memref<2048xf32, #tpu.memory_space<vmem>> -> memref<128xf32, #tpu.memory_space<vmem>>
    %dma_wait3A_904 = arith.constant 0 : i32
    %dma_wait3A_905 = tpu.memref_slice %arg8[%dma_wait3A_901, %dma_wait3A_904] : memref<16x128xi32, #tpu.memory_space<vmem>> -> memref<1x128xi32, #tpu.memory_space<vmem>>
    %dma_wait3A_906 = tpu.memref_squeeze %dma_wait3A_905 : memref<1x128xi32, #tpu.memory_space<vmem>> -> memref<128xi32, #tpu.memory_space<vmem>>
    %dma_wait3A_907 = arith.constant 0 : i32
    %dma_wait3A_908 = tpu.memref_slice %arg23[%dma_wait3A_907] : memref<2048xf32, #tpu.memory_space<vmem_shared>> -> memref<2048xf32, #tpu.memory_space<vmem_shared>>
    tpu.wait_indirect_dma semaphore(%arg20 : memref<!tpu.dma_semaphore, #tpu.memory_space<semaphore_mem>>) src(%dma_wait3A_903 : memref<128xf32, #tpu.memory_space<vmem>>) dst(%dma_wait3A_908 : memref<2048xf32, #tpu.memory_space<vmem_shared>>)
    %dma_wait3A_909 = arith.constant 8 : i32
    %dma_wait3A_910 = arith.constant 1024 : i32
    %dma_wait3A_911 = tpu.memref_slice %arg5[%dma_wait3A_910] : memref<2048xf32, #tpu.memory_space<vmem>> -> memref<128xf32, #tpu.memory_space<vmem>>
    %dma_wait3A_912 = arith.constant 0 : i32
    %dma_wait3A_913 = tpu.memref_slice %arg8[%dma_wait3A_909, %dma_wait3A_912] : memref<16x128xi32, #tpu.memory_space<vmem>> -> memref<1x128xi32, #tpu.memory_space<vmem>>
    %dma_wait3A_914 = tpu.memref_squeeze %dma_wait3A_913 : memref<1x128xi32, #tpu.memory_space<vmem>> -> memref<128xi32, #tpu.memory_space<vmem>>
    %dma_wait3A_915 = arith.constant 0 : i32
    %dma_wait3A_916 = tpu.memref_slice %arg21[%dma_wait3A_915] : memref<2048xf32, #tpu.memory_space<vmem_shared>> -> memref<2048xf32, #tpu.memory_space<vmem_shared>>
    tpu.wait_indirect_dma semaphore(%arg20 : memref<!tpu.dma_semaphore, #tpu.memory_space<semaphore_mem>>) src(%dma_wait3A_911 : memref<128xf32, #tpu.memory_space<vmem>>) dst(%dma_wait3A_916 : memref<2048xf32, #tpu.memory_space<vmem_shared>>)
    %dma_wait3A_917 = arith.constant 8 : i32
    %dma_wait3A_918 = arith.constant 0 : i32
    %dma_wait3A_919 = tpu.memref_slice %arg8[%dma_wait3A_917, %dma_wait3A_918] : memref<16x128xi32, #tpu.memory_space<vmem>> -> memref<1x128xi32, #tpu.memory_space<vmem>>
    %dma_wait3A_920 = tpu.memref_squeeze %dma_wait3A_919 : memref<1x128xi32, #tpu.memory_space<vmem>> -> memref<128xi32, #tpu.memory_space<vmem>>
    %dma_wait3A_921 = arith.constant 0 : i32
    %dma_wait3A_922 = tpu.memref_slice %arg22[%dma_wait3A_921] : memref<2048xf32, #tpu.memory_space<vmem_shared>> -> memref<2048xf32, #tpu.memory_space<vmem_shared>>
    tpu.wait_indirect_dma semaphore(%arg20 : memref<!tpu.dma_semaphore, #tpu.memory_space<semaphore_mem>>) src(%arg9 : memref<128xf32, #tpu.memory_space<vmem>>) dst(%dma_wait3A_922 : memref<2048xf32, #tpu.memory_space<vmem_shared>>)
    %dma_wait3A_923 = arith.constant 8 : i32
    %dma_wait3A_924 = arith.constant 1024 : i32
    %dma_wait3A_925 = tpu.memref_slice %arg6[%dma_wait3A_924] : memref<2048xf32, #tpu.memory_space<vmem>> -> memref<128xf32, #tpu.memory_space<vmem>>
    %dma_wait3A_926 = arith.constant 0 : i32
    %dma_wait3A_927 = tpu.memref_slice %arg8[%dma_wait3A_923, %dma_wait3A_926] : memref<16x128xi32, #tpu.memory_space<vmem>> -> memref<1x128xi32, #tpu.memory_space<vmem>>
    %dma_wait3A_928 = tpu.memref_squeeze %dma_wait3A_927 : memref<1x128xi32, #tpu.memory_space<vmem>> -> memref<128xi32, #tpu.memory_space<vmem>>
    %dma_wait3A_929 = arith.constant 0 : i32
    %dma_wait3A_930 = tpu.memref_slice %arg23[%dma_wait3A_929] : memref<2048xf32, #tpu.memory_space<vmem_shared>> -> memref<2048xf32, #tpu.memory_space<vmem_shared>>
    tpu.wait_indirect_dma semaphore(%arg20 : memref<!tpu.dma_semaphore, #tpu.memory_space<semaphore_mem>>) src(%dma_wait3A_925 : memref<128xf32, #tpu.memory_space<vmem>>) dst(%dma_wait3A_930 : memref<2048xf32, #tpu.memory_space<vmem_shared>>)
    %dma_wait3A_931 = arith.constant 9 : i32
    %dma_wait3A_932 = arith.constant 1152 : i32
    %dma_wait3A_933 = tpu.memref_slice %arg5[%dma_wait3A_932] : memref<2048xf32, #tpu.memory_space<vmem>> -> memref<128xf32, #tpu.memory_space<vmem>>
    %dma_wait3A_934 = arith.constant 0 : i32
    %dma_wait3A_935 = tpu.memref_slice %arg8[%dma_wait3A_931, %dma_wait3A_934] : memref<16x128xi32, #tpu.memory_space<vmem>> -> memref<1x128xi32, #tpu.memory_space<vmem>>
    %dma_wait3A_936 = tpu.memref_squeeze %dma_wait3A_935 : memref<1x128xi32, #tpu.memory_space<vmem>> -> memref<128xi32, #tpu.memory_space<vmem>>
    %dma_wait3A_937 = arith.constant 0 : i32
    %dma_wait3A_938 = tpu.memref_slice %arg21[%dma_wait3A_937] : memref<2048xf32, #tpu.memory_space<vmem_shared>> -> memref<2048xf32, #tpu.memory_space<vmem_shared>>
    tpu.wait_indirect_dma semaphore(%arg20 : memref<!tpu.dma_semaphore, #tpu.memory_space<semaphore_mem>>) src(%dma_wait3A_933 : memref<128xf32, #tpu.memory_space<vmem>>) dst(%dma_wait3A_938 : memref<2048xf32, #tpu.memory_space<vmem_shared>>)
    %dma_wait3A_939 = arith.constant 9 : i32
    %dma_wait3A_940 = arith.constant 0 : i32
    %dma_wait3A_941 = tpu.memref_slice %arg8[%dma_wait3A_939, %dma_wait3A_940] : memref<16x128xi32, #tpu.memory_space<vmem>> -> memref<1x128xi32, #tpu.memory_space<vmem>>
    %dma_wait3A_942 = tpu.memref_squeeze %dma_wait3A_941 : memref<1x128xi32, #tpu.memory_space<vmem>> -> memref<128xi32, #tpu.memory_space<vmem>>
    %dma_wait3A_943 = arith.constant 0 : i32
    %dma_wait3A_944 = tpu.memref_slice %arg22[%dma_wait3A_943] : memref<2048xf32, #tpu.memory_space<vmem_shared>> -> memref<2048xf32, #tpu.memory_space<vmem_shared>>
    tpu.wait_indirect_dma semaphore(%arg20 : memref<!tpu.dma_semaphore, #tpu.memory_space<semaphore_mem>>) src(%arg9 : memref<128xf32, #tpu.memory_space<vmem>>) dst(%dma_wait3A_944 : memref<2048xf32, #tpu.memory_space<vmem_shared>>)
    %dma_wait3A_945 = arith.constant 9 : i32
    %dma_wait3A_946 = arith.constant 1152 : i32
    %dma_wait3A_947 = tpu.memref_slice %arg6[%dma_wait3A_946] : memref<2048xf32, #tpu.memory_space<vmem>> -> memref<128xf32, #tpu.memory_space<vmem>>
    %dma_wait3A_948 = arith.constant 0 : i32
    %dma_wait3A_949 = tpu.memref_slice %arg8[%dma_wait3A_945, %dma_wait3A_948] : memref<16x128xi32, #tpu.memory_space<vmem>> -> memref<1x128xi32, #tpu.memory_space<vmem>>
    %dma_wait3A_950 = tpu.memref_squeeze %dma_wait3A_949 : memref<1x128xi32, #tpu.memory_space<vmem>> -> memref<128xi32, #tpu.memory_space<vmem>>
    %dma_wait3A_951 = arith.constant 0 : i32
    %dma_wait3A_952 = tpu.memref_slice %arg23[%dma_wait3A_951] : memref<2048xf32, #tpu.memory_space<vmem_shared>> -> memref<2048xf32, #tpu.memory_space<vmem_shared>>
    tpu.wait_indirect_dma semaphore(%arg20 : memref<!tpu.dma_semaphore, #tpu.memory_space<semaphore_mem>>) src(%dma_wait3A_947 : memref<128xf32, #tpu.memory_space<vmem>>) dst(%dma_wait3A_952 : memref<2048xf32, #tpu.memory_space<vmem_shared>>)
    %dma_wait3A_953 = arith.constant 10 : i32
    %dma_wait3A_954 = arith.constant 1280 : i32
    %dma_wait3A_955 = tpu.memref_slice %arg5[%dma_wait3A_954] : memref<2048xf32, #tpu.memory_space<vmem>> -> memref<128xf32, #tpu.memory_space<vmem>>
    %dma_wait3A_956 = arith.constant 0 : i32
    %dma_wait3A_957 = tpu.memref_slice %arg8[%dma_wait3A_953, %dma_wait3A_956] : memref<16x128xi32, #tpu.memory_space<vmem>> -> memref<1x128xi32, #tpu.memory_space<vmem>>
    %dma_wait3A_958 = tpu.memref_squeeze %dma_wait3A_957 : memref<1x128xi32, #tpu.memory_space<vmem>> -> memref<128xi32, #tpu.memory_space<vmem>>
    %dma_wait3A_959 = arith.constant 0 : i32
    %dma_wait3A_960 = tpu.memref_slice %arg21[%dma_wait3A_959] : memref<2048xf32, #tpu.memory_space<vmem_shared>> -> memref<2048xf32, #tpu.memory_space<vmem_shared>>
    tpu.wait_indirect_dma semaphore(%arg20 : memref<!tpu.dma_semaphore, #tpu.memory_space<semaphore_mem>>) src(%dma_wait3A_955 : memref<128xf32, #tpu.memory_space<vmem>>) dst(%dma_wait3A_960 : memref<2048xf32, #tpu.memory_space<vmem_shared>>)
    %dma_wait3A_961 = arith.constant 10 : i32
    %dma_wait3A_962 = arith.constant 0 : i32
    %dma_wait3A_963 = tpu.memref_slice %arg8[%dma_wait3A_961, %dma_wait3A_962] : memref<16x128xi32, #tpu.memory_space<vmem>> -> memref<1x128xi32, #tpu.memory_space<vmem>>
    %dma_wait3A_964 = tpu.memref_squeeze %dma_wait3A_963 : memref<1x128xi32, #tpu.memory_space<vmem>> -> memref<128xi32, #tpu.memory_space<vmem>>
    %dma_wait3A_965 = arith.constant 0 : i32
    %dma_wait3A_966 = tpu.memref_slice %arg22[%dma_wait3A_965] : memref<2048xf32, #tpu.memory_space<vmem_shared>> -> memref<2048xf32, #tpu.memory_space<vmem_shared>>
    tpu.wait_indirect_dma semaphore(%arg20 : memref<!tpu.dma_semaphore, #tpu.memory_space<semaphore_mem>>) src(%arg9 : memref<128xf32, #tpu.memory_space<vmem>>) dst(%dma_wait3A_966 : memref<2048xf32, #tpu.memory_space<vmem_shared>>)
    %dma_wait3A_967 = arith.constant 10 : i32
    %dma_wait3A_968 = arith.constant 1280 : i32
    %dma_wait3A_969 = tpu.memref_slice %arg6[%dma_wait3A_968] : memref<2048xf32, #tpu.memory_space<vmem>> -> memref<128xf32, #tpu.memory_space<vmem>>
    %dma_wait3A_970 = arith.constant 0 : i32
    %dma_wait3A_971 = tpu.memref_slice %arg8[%dma_wait3A_967, %dma_wait3A_970] : memref<16x128xi32, #tpu.memory_space<vmem>> -> memref<1x128xi32, #tpu.memory_space<vmem>>
    %dma_wait3A_972 = tpu.memref_squeeze %dma_wait3A_971 : memref<1x128xi32, #tpu.memory_space<vmem>> -> memref<128xi32, #tpu.memory_space<vmem>>
    %dma_wait3A_973 = arith.constant 0 : i32
    %dma_wait3A_974 = tpu.memref_slice %arg23[%dma_wait3A_973] : memref<2048xf32, #tpu.memory_space<vmem_shared>> -> memref<2048xf32, #tpu.memory_space<vmem_shared>>
    tpu.wait_indirect_dma semaphore(%arg20 : memref<!tpu.dma_semaphore, #tpu.memory_space<semaphore_mem>>) src(%dma_wait3A_969 : memref<128xf32, #tpu.memory_space<vmem>>) dst(%dma_wait3A_974 : memref<2048xf32, #tpu.memory_space<vmem_shared>>)
    %dma_wait3A_975 = arith.constant 11 : i32
    %dma_wait3A_976 = arith.constant 1408 : i32
    %dma_wait3A_977 = tpu.memref_slice %arg5[%dma_wait3A_976] : memref<2048xf32, #tpu.memory_space<vmem>> -> memref<128xf32, #tpu.memory_space<vmem>>
    %dma_wait3A_978 = arith.constant 0 : i32
    %dma_wait3A_979 = tpu.memref_slice %arg8[%dma_wait3A_975, %dma_wait3A_978] : memref<16x128xi32, #tpu.memory_space<vmem>> -> memref<1x128xi32, #tpu.memory_space<vmem>>
    %dma_wait3A_980 = tpu.memref_squeeze %dma_wait3A_979 : memref<1x128xi32, #tpu.memory_space<vmem>> -> memref<128xi32, #tpu.memory_space<vmem>>
    %dma_wait3A_981 = arith.constant 0 : i32
    %dma_wait3A_982 = tpu.memref_slice %arg21[%dma_wait3A_981] : memref<2048xf32, #tpu.memory_space<vmem_shared>> -> memref<2048xf32, #tpu.memory_space<vmem_shared>>
    tpu.wait_indirect_dma semaphore(%arg20 : memref<!tpu.dma_semaphore, #tpu.memory_space<semaphore_mem>>) src(%dma_wait3A_977 : memref<128xf32, #tpu.memory_space<vmem>>) dst(%dma_wait3A_982 : memref<2048xf32, #tpu.memory_space<vmem_shared>>)
    %dma_wait3A_983 = arith.constant 11 : i32
    %dma_wait3A_984 = arith.constant 0 : i32
    %dma_wait3A_985 = tpu.memref_slice %arg8[%dma_wait3A_983, %dma_wait3A_984] : memref<16x128xi32, #tpu.memory_space<vmem>> -> memref<1x128xi32, #tpu.memory_space<vmem>>
    %dma_wait3A_986 = tpu.memref_squeeze %dma_wait3A_985 : memref<1x128xi32, #tpu.memory_space<vmem>> -> memref<128xi32, #tpu.memory_space<vmem>>
    %dma_wait3A_987 = arith.constant 0 : i32
    %dma_wait3A_988 = tpu.memref_slice %arg22[%dma_wait3A_987] : memref<2048xf32, #tpu.memory_space<vmem_shared>> -> memref<2048xf32, #tpu.memory_space<vmem_shared>>
    tpu.wait_indirect_dma semaphore(%arg20 : memref<!tpu.dma_semaphore, #tpu.memory_space<semaphore_mem>>) src(%arg9 : memref<128xf32, #tpu.memory_space<vmem>>) dst(%dma_wait3A_988 : memref<2048xf32, #tpu.memory_space<vmem_shared>>)
    %dma_wait3A_989 = arith.constant 11 : i32
    %dma_wait3A_990 = arith.constant 1408 : i32
    %dma_wait3A_991 = tpu.memref_slice %arg6[%dma_wait3A_990] : memref<2048xf32, #tpu.memory_space<vmem>> -> memref<128xf32, #tpu.memory_space<vmem>>
    %dma_wait3A_992 = arith.constant 0 : i32
    %dma_wait3A_993 = tpu.memref_slice %arg8[%dma_wait3A_989, %dma_wait3A_992] : memref<16x128xi32, #tpu.memory_space<vmem>> -> memref<1x128xi32, #tpu.memory_space<vmem>>
    %dma_wait3A_994 = tpu.memref_squeeze %dma_wait3A_993 : memref<1x128xi32, #tpu.memory_space<vmem>> -> memref<128xi32, #tpu.memory_space<vmem>>
    %dma_wait3A_995 = arith.constant 0 : i32
    %dma_wait3A_996 = tpu.memref_slice %arg23[%dma_wait3A_995] : memref<2048xf32, #tpu.memory_space<vmem_shared>> -> memref<2048xf32, #tpu.memory_space<vmem_shared>>
    tpu.wait_indirect_dma semaphore(%arg20 : memref<!tpu.dma_semaphore, #tpu.memory_space<semaphore_mem>>) src(%dma_wait3A_991 : memref<128xf32, #tpu.memory_space<vmem>>) dst(%dma_wait3A_996 : memref<2048xf32, #tpu.memory_space<vmem_shared>>)
    %dma_wait3A_997 = arith.constant 12 : i32
    %dma_wait3A_998 = arith.constant 1536 : i32
    %dma_wait3A_999 = tpu.memref_slice %arg5[%dma_wait3A_998] : memref<2048xf32, #tpu.memory_space<vmem>> -> memref<128xf32, #tpu.memory_space<vmem>>
    %dma_wait3A_1000 = arith.constant 0 : i32
    %dma_wait3A_1001 = tpu.memref_slice %arg8[%dma_wait3A_997, %dma_wait3A_1000] : memref<16x128xi32, #tpu.memory_space<vmem>> -> memref<1x128xi32, #tpu.memory_space<vmem>>
    %dma_wait3A_1002 = tpu.memref_squeeze %dma_wait3A_1001 : memref<1x128xi32, #tpu.memory_space<vmem>> -> memref<128xi32, #tpu.memory_space<vmem>>
    %dma_wait3A_1003 = arith.constant 0 : i32
    %dma_wait3A_1004 = tpu.memref_slice %arg21[%dma_wait3A_1003] : memref<2048xf32, #tpu.memory_space<vmem_shared>> -> memref<2048xf32, #tpu.memory_space<vmem_shared>>
    tpu.wait_indirect_dma semaphore(%arg20 : memref<!tpu.dma_semaphore, #tpu.memory_space<semaphore_mem>>) src(%dma_wait3A_999 : memref<128xf32, #tpu.memory_space<vmem>>) dst(%dma_wait3A_1004 : memref<2048xf32, #tpu.memory_space<vmem_shared>>)
    %dma_wait3A_1005 = arith.constant 12 : i32
    %dma_wait3A_1006 = arith.constant 0 : i32
    %dma_wait3A_1007 = tpu.memref_slice %arg8[%dma_wait3A_1005, %dma_wait3A_1006] : memref<16x128xi32, #tpu.memory_space<vmem>> -> memref<1x128xi32, #tpu.memory_space<vmem>>
    %dma_wait3A_1008 = tpu.memref_squeeze %dma_wait3A_1007 : memref<1x128xi32, #tpu.memory_space<vmem>> -> memref<128xi32, #tpu.memory_space<vmem>>
    %dma_wait3A_1009 = arith.constant 0 : i32
    %dma_wait3A_1010 = tpu.memref_slice %arg22[%dma_wait3A_1009] : memref<2048xf32, #tpu.memory_space<vmem_shared>> -> memref<2048xf32, #tpu.memory_space<vmem_shared>>
    tpu.wait_indirect_dma semaphore(%arg20 : memref<!tpu.dma_semaphore, #tpu.memory_space<semaphore_mem>>) src(%arg9 : memref<128xf32, #tpu.memory_space<vmem>>) dst(%dma_wait3A_1010 : memref<2048xf32, #tpu.memory_space<vmem_shared>>)
    %dma_wait3A_1011 = arith.constant 12 : i32
    %dma_wait3A_1012 = arith.constant 1536 : i32
    %dma_wait3A_1013 = tpu.memref_slice %arg6[%dma_wait3A_1012] : memref<2048xf32, #tpu.memory_space<vmem>> -> memref<128xf32, #tpu.memory_space<vmem>>
    %dma_wait3A_1014 = arith.constant 0 : i32
    %dma_wait3A_1015 = tpu.memref_slice %arg8[%dma_wait3A_1011, %dma_wait3A_1014] : memref<16x128xi32, #tpu.memory_space<vmem>> -> memref<1x128xi32, #tpu.memory_space<vmem>>
    %dma_wait3A_1016 = tpu.memref_squeeze %dma_wait3A_1015 : memref<1x128xi32, #tpu.memory_space<vmem>> -> memref<128xi32, #tpu.memory_space<vmem>>
    %dma_wait3A_1017 = arith.constant 0 : i32
    %dma_wait3A_1018 = tpu.memref_slice %arg23[%dma_wait3A_1017] : memref<2048xf32, #tpu.memory_space<vmem_shared>> -> memref<2048xf32, #tpu.memory_space<vmem_shared>>
    tpu.wait_indirect_dma semaphore(%arg20 : memref<!tpu.dma_semaphore, #tpu.memory_space<semaphore_mem>>) src(%dma_wait3A_1013 : memref<128xf32, #tpu.memory_space<vmem>>) dst(%dma_wait3A_1018 : memref<2048xf32, #tpu.memory_space<vmem_shared>>)
    %dma_wait3A_1019 = arith.constant 13 : i32
    %dma_wait3A_1020 = arith.constant 1664 : i32
    %dma_wait3A_1021 = tpu.memref_slice %arg5[%dma_wait3A_1020] : memref<2048xf32, #tpu.memory_space<vmem>> -> memref<128xf32, #tpu.memory_space<vmem>>
    %dma_wait3A_1022 = arith.constant 0 : i32
    %dma_wait3A_1023 = tpu.memref_slice %arg8[%dma_wait3A_1019, %dma_wait3A_1022] : memref<16x128xi32, #tpu.memory_space<vmem>> -> memref<1x128xi32, #tpu.memory_space<vmem>>
    %dma_wait3A_1024 = tpu.memref_squeeze %dma_wait3A_1023 : memref<1x128xi32, #tpu.memory_space<vmem>> -> memref<128xi32, #tpu.memory_space<vmem>>
    %dma_wait3A_1025 = arith.constant 0 : i32
    %dma_wait3A_1026 = tpu.memref_slice %arg21[%dma_wait3A_1025] : memref<2048xf32, #tpu.memory_space<vmem_shared>> -> memref<2048xf32, #tpu.memory_space<vmem_shared>>
    tpu.wait_indirect_dma semaphore(%arg20 : memref<!tpu.dma_semaphore, #tpu.memory_space<semaphore_mem>>) src(%dma_wait3A_1021 : memref<128xf32, #tpu.memory_space<vmem>>) dst(%dma_wait3A_1026 : memref<2048xf32, #tpu.memory_space<vmem_shared>>)
    %dma_wait3A_1027 = arith.constant 13 : i32
    %dma_wait3A_1028 = arith.constant 0 : i32
    %dma_wait3A_1029 = tpu.memref_slice %arg8[%dma_wait3A_1027, %dma_wait3A_1028] : memref<16x128xi32, #tpu.memory_space<vmem>> -> memref<1x128xi32, #tpu.memory_space<vmem>>
    %dma_wait3A_1030 = tpu.memref_squeeze %dma_wait3A_1029 : memref<1x128xi32, #tpu.memory_space<vmem>> -> memref<128xi32, #tpu.memory_space<vmem>>
    %dma_wait3A_1031 = arith.constant 0 : i32
    %dma_wait3A_1032 = tpu.memref_slice %arg22[%dma_wait3A_1031] : memref<2048xf32, #tpu.memory_space<vmem_shared>> -> memref<2048xf32, #tpu.memory_space<vmem_shared>>
    tpu.wait_indirect_dma semaphore(%arg20 : memref<!tpu.dma_semaphore, #tpu.memory_space<semaphore_mem>>) src(%arg9 : memref<128xf32, #tpu.memory_space<vmem>>) dst(%dma_wait3A_1032 : memref<2048xf32, #tpu.memory_space<vmem_shared>>)
    %dma_wait3A_1033 = arith.constant 13 : i32
    %dma_wait3A_1034 = arith.constant 1664 : i32
    %dma_wait3A_1035 = tpu.memref_slice %arg6[%dma_wait3A_1034] : memref<2048xf32, #tpu.memory_space<vmem>> -> memref<128xf32, #tpu.memory_space<vmem>>
    %dma_wait3A_1036 = arith.constant 0 : i32
    %dma_wait3A_1037 = tpu.memref_slice %arg8[%dma_wait3A_1033, %dma_wait3A_1036] : memref<16x128xi32, #tpu.memory_space<vmem>> -> memref<1x128xi32, #tpu.memory_space<vmem>>
    %dma_wait3A_1038 = tpu.memref_squeeze %dma_wait3A_1037 : memref<1x128xi32, #tpu.memory_space<vmem>> -> memref<128xi32, #tpu.memory_space<vmem>>
    %dma_wait3A_1039 = arith.constant 0 : i32
    %dma_wait3A_1040 = tpu.memref_slice %arg23[%dma_wait3A_1039] : memref<2048xf32, #tpu.memory_space<vmem_shared>> -> memref<2048xf32, #tpu.memory_space<vmem_shared>>
    tpu.wait_indirect_dma semaphore(%arg20 : memref<!tpu.dma_semaphore, #tpu.memory_space<semaphore_mem>>) src(%dma_wait3A_1035 : memref<128xf32, #tpu.memory_space<vmem>>) dst(%dma_wait3A_1040 : memref<2048xf32, #tpu.memory_space<vmem_shared>>)
    %dma_wait3A_1041 = arith.constant 14 : i32
    %dma_wait3A_1042 = arith.constant 1792 : i32
    %dma_wait3A_1043 = tpu.memref_slice %arg5[%dma_wait3A_1042] : memref<2048xf32, #tpu.memory_space<vmem>> -> memref<128xf32, #tpu.memory_space<vmem>>
    %dma_wait3A_1044 = arith.constant 0 : i32
    %dma_wait3A_1045 = tpu.memref_slice %arg8[%dma_wait3A_1041, %dma_wait3A_1044] : memref<16x128xi32, #tpu.memory_space<vmem>> -> memref<1x128xi32, #tpu.memory_space<vmem>>
    %dma_wait3A_1046 = tpu.memref_squeeze %dma_wait3A_1045 : memref<1x128xi32, #tpu.memory_space<vmem>> -> memref<128xi32, #tpu.memory_space<vmem>>
    %dma_wait3A_1047 = arith.constant 0 : i32
    %dma_wait3A_1048 = tpu.memref_slice %arg21[%dma_wait3A_1047] : memref<2048xf32, #tpu.memory_space<vmem_shared>> -> memref<2048xf32, #tpu.memory_space<vmem_shared>>
    tpu.wait_indirect_dma semaphore(%arg20 : memref<!tpu.dma_semaphore, #tpu.memory_space<semaphore_mem>>) src(%dma_wait3A_1043 : memref<128xf32, #tpu.memory_space<vmem>>) dst(%dma_wait3A_1048 : memref<2048xf32, #tpu.memory_space<vmem_shared>>)
    %dma_wait3A_1049 = arith.constant 14 : i32
    %dma_wait3A_1050 = arith.constant 0 : i32
    %dma_wait3A_1051 = tpu.memref_slice %arg8[%dma_wait3A_1049, %dma_wait3A_1050] : memref<16x128xi32, #tpu.memory_space<vmem>> -> memref<1x128xi32, #tpu.memory_space<vmem>>
    %dma_wait3A_1052 = tpu.memref_squeeze %dma_wait3A_1051 : memref<1x128xi32, #tpu.memory_space<vmem>> -> memref<128xi32, #tpu.memory_space<vmem>>
    %dma_wait3A_1053 = arith.constant 0 : i32
    %dma_wait3A_1054 = tpu.memref_slice %arg22[%dma_wait3A_1053] : memref<2048xf32, #tpu.memory_space<vmem_shared>> -> memref<2048xf32, #tpu.memory_space<vmem_shared>>
    tpu.wait_indirect_dma semaphore(%arg20 : memref<!tpu.dma_semaphore, #tpu.memory_space<semaphore_mem>>) src(%arg9 : memref<128xf32, #tpu.memory_space<vmem>>) dst(%dma_wait3A_1054 : memref<2048xf32, #tpu.memory_space<vmem_shared>>)
    %dma_wait3A_1055 = arith.constant 14 : i32
    %dma_wait3A_1056 = arith.constant 1792 : i32
    %dma_wait3A_1057 = tpu.memref_slice %arg6[%dma_wait3A_1056] : memref<2048xf32, #tpu.memory_space<vmem>> -> memref<128xf32, #tpu.memory_space<vmem>>
    %dma_wait3A_1058 = arith.constant 0 : i32
    %dma_wait3A_1059 = tpu.memref_slice %arg8[%dma_wait3A_1055, %dma_wait3A_1058] : memref<16x128xi32, #tpu.memory_space<vmem>> -> memref<1x128xi32, #tpu.memory_space<vmem>>
    %dma_wait3A_1060 = tpu.memref_squeeze %dma_wait3A_1059 : memref<1x128xi32, #tpu.memory_space<vmem>> -> memref<128xi32, #tpu.memory_space<vmem>>
    %dma_wait3A_1061 = arith.constant 0 : i32
    %dma_wait3A_1062 = tpu.memref_slice %arg23[%dma_wait3A_1061] : memref<2048xf32, #tpu.memory_space<vmem_shared>> -> memref<2048xf32, #tpu.memory_space<vmem_shared>>
    tpu.wait_indirect_dma semaphore(%arg20 : memref<!tpu.dma_semaphore, #tpu.memory_space<semaphore_mem>>) src(%dma_wait3A_1057 : memref<128xf32, #tpu.memory_space<vmem>>) dst(%dma_wait3A_1062 : memref<2048xf32, #tpu.memory_space<vmem_shared>>)
    %dma_wait3A_1063 = arith.constant 15 : i32
    %dma_wait3A_1064 = arith.constant 1920 : i32
    %dma_wait3A_1065 = tpu.memref_slice %arg5[%dma_wait3A_1064] : memref<2048xf32, #tpu.memory_space<vmem>> -> memref<128xf32, #tpu.memory_space<vmem>>
    %dma_wait3A_1066 = arith.constant 0 : i32
    %dma_wait3A_1067 = tpu.memref_slice %arg8[%dma_wait3A_1063, %dma_wait3A_1066] : memref<16x128xi32, #tpu.memory_space<vmem>> -> memref<1x128xi32, #tpu.memory_space<vmem>>
    %dma_wait3A_1068 = tpu.memref_squeeze %dma_wait3A_1067 : memref<1x128xi32, #tpu.memory_space<vmem>> -> memref<128xi32, #tpu.memory_space<vmem>>
    %dma_wait3A_1069 = arith.constant 0 : i32
    %dma_wait3A_1070 = tpu.memref_slice %arg21[%dma_wait3A_1069] : memref<2048xf32, #tpu.memory_space<vmem_shared>> -> memref<2048xf32, #tpu.memory_space<vmem_shared>>
    tpu.wait_indirect_dma semaphore(%arg20 : memref<!tpu.dma_semaphore, #tpu.memory_space<semaphore_mem>>) src(%dma_wait3A_1065 : memref<128xf32, #tpu.memory_space<vmem>>) dst(%dma_wait3A_1070 : memref<2048xf32, #tpu.memory_space<vmem_shared>>)
    %dma_wait3A_1071 = arith.constant 15 : i32
    %dma_wait3A_1072 = arith.constant 0 : i32
    %dma_wait3A_1073 = tpu.memref_slice %arg8[%dma_wait3A_1071, %dma_wait3A_1072] : memref<16x128xi32, #tpu.memory_space<vmem>> -> memref<1x128xi32, #tpu.memory_space<vmem>>
    %dma_wait3A_1074 = tpu.memref_squeeze %dma_wait3A_1073 : memref<1x128xi32, #tpu.memory_space<vmem>> -> memref<128xi32, #tpu.memory_space<vmem>>
    %dma_wait3A_1075 = arith.constant 0 : i32
    %dma_wait3A_1076 = tpu.memref_slice %arg22[%dma_wait3A_1075] : memref<2048xf32, #tpu.memory_space<vmem_shared>> -> memref<2048xf32, #tpu.memory_space<vmem_shared>>
    tpu.wait_indirect_dma semaphore(%arg20 : memref<!tpu.dma_semaphore, #tpu.memory_space<semaphore_mem>>) src(%arg9 : memref<128xf32, #tpu.memory_space<vmem>>) dst(%dma_wait3A_1076 : memref<2048xf32, #tpu.memory_space<vmem_shared>>)
    %dma_wait3A_1077 = arith.constant 15 : i32
    %dma_wait3A_1078 = arith.constant 1920 : i32
    %dma_wait3A_1079 = tpu.memref_slice %arg6[%dma_wait3A_1078] : memref<2048xf32, #tpu.memory_space<vmem>> -> memref<128xf32, #tpu.memory_space<vmem>>
    %dma_wait3A_1080 = arith.constant 0 : i32
    %dma_wait3A_1081 = tpu.memref_slice %arg8[%dma_wait3A_1077, %dma_wait3A_1080] : memref<16x128xi32, #tpu.memory_space<vmem>> -> memref<1x128xi32, #tpu.memory_space<vmem>>
    %dma_wait3A_1082 = tpu.memref_squeeze %dma_wait3A_1081 : memref<1x128xi32, #tpu.memory_space<vmem>> -> memref<128xi32, #tpu.memory_space<vmem>>
    %dma_wait3A_1083 = arith.constant 0 : i32
    %dma_wait3A_1084 = tpu.memref_slice %arg23[%dma_wait3A_1083] : memref<2048xf32, #tpu.memory_space<vmem_shared>> -> memref<2048xf32, #tpu.memory_space<vmem_shared>>
    tpu.wait_indirect_dma semaphore(%arg20 : memref<!tpu.dma_semaphore, #tpu.memory_space<semaphore_mem>>) src(%dma_wait3A_1079 : memref<128xf32, #tpu.memory_space<vmem>>) dst(%dma_wait3A_1084 : memref<2048xf32, #tpu.memory_space<vmem_shared>>)
    %barrier3A_1085 = arith.constant 0 : index
    tpu.barrier barrier_id(%barrier3A_1085)
    %dma_start3A_1086 = tpu.memref_slice %arg21[%mul3A_2] : memref<2048xf32, #tpu.memory_space<vmem_shared>> -> memref<128xf32, #tpu.memory_space<vmem_shared>>
    %dma_start3A_1087 = tpu.memref_slice %arg21[%mul3A_2] : memref<2048xf32, #tpu.memory_space<vmem_shared>> -> memref<128xf32, #tpu.memory_space<vmem_shared>>
    tpu.enqueue_dma source(%dma_start3A_1087 : memref<128xf32, #tpu.memory_space<vmem_shared>>) target(%arg10 : memref<128xf32, #tpu.memory_space<vmem>>) target_semaphore(%arg20 : memref<!tpu.dma_semaphore, #tpu.memory_space<semaphore_mem>>)
    %dma_start3A_1088 = tpu.memref_slice %arg22[%mul3A_2] : memref<2048xf32, #tpu.memory_space<vmem_shared>> -> memref<128xf32, #tpu.memory_space<vmem_shared>>
    %dma_start3A_1089 = tpu.memref_slice %arg22[%mul3A_2] : memref<2048xf32, #tpu.memory_space<vmem_shared>> -> memref<128xf32, #tpu.memory_space<vmem_shared>>
    tpu.enqueue_dma source(%dma_start3A_1089 : memref<128xf32, #tpu.memory_space<vmem_shared>>) target(%arg11 : memref<128xf32, #tpu.memory_space<vmem>>) target_semaphore(%arg20 : memref<!tpu.dma_semaphore, #tpu.memory_space<semaphore_mem>>)
    %dma_start3A_1090 = tpu.memref_slice %arg23[%mul3A_2] : memref<2048xf32, #tpu.memory_space<vmem_shared>> -> memref<128xf32, #tpu.memory_space<vmem_shared>>
    %dma_start3A_1091 = tpu.memref_slice %arg23[%mul3A_2] : memref<2048xf32, #tpu.memory_space<vmem_shared>> -> memref<128xf32, #tpu.memory_space<vmem_shared>>
    tpu.enqueue_dma source(%dma_start3A_1091 : memref<128xf32, #tpu.memory_space<vmem_shared>>) target(%arg12 : memref<128xf32, #tpu.memory_space<vmem>>) target_semaphore(%arg20 : memref<!tpu.dma_semaphore, #tpu.memory_space<semaphore_mem>>)
    %dma_wait3A_1092 = tpu.memref_slice %arg21[%mul3A_2] : memref<2048xf32, #tpu.memory_space<vmem_shared>> -> memref<128xf32, #tpu.memory_space<vmem_shared>>
    %dma_wait3A_1093 = tpu.memref_slice %arg21[%mul3A_2] : memref<2048xf32, #tpu.memory_space<vmem_shared>> -> memref<128xf32, #tpu.memory_space<vmem_shared>>
    tpu.wait_dma2 semaphore(%arg20 : memref<!tpu.dma_semaphore, #tpu.memory_space<semaphore_mem>>) src(%dma_wait3A_1093 : memref<128xf32, #tpu.memory_space<vmem_shared>>) dst(%arg10 : memref<128xf32, #tpu.memory_space<vmem>>)
    %dma_wait3A_1094 = tpu.memref_slice %arg22[%mul3A_2] : memref<2048xf32, #tpu.memory_space<vmem_shared>> -> memref<128xf32, #tpu.memory_space<vmem_shared>>
    %dma_wait3A_1095 = tpu.memref_slice %arg22[%mul3A_2] : memref<2048xf32, #tpu.memory_space<vmem_shared>> -> memref<128xf32, #tpu.memory_space<vmem_shared>>
    tpu.wait_dma2 semaphore(%arg20 : memref<!tpu.dma_semaphore, #tpu.memory_space<semaphore_mem>>) src(%dma_wait3A_1095 : memref<128xf32, #tpu.memory_space<vmem_shared>>) dst(%arg11 : memref<128xf32, #tpu.memory_space<vmem>>)
    %dma_wait3A_1096 = tpu.memref_slice %arg23[%mul3A_2] : memref<2048xf32, #tpu.memory_space<vmem_shared>> -> memref<128xf32, #tpu.memory_space<vmem_shared>>
    %dma_wait3A_1097 = tpu.memref_slice %arg23[%mul3A_2] : memref<2048xf32, #tpu.memory_space<vmem_shared>> -> memref<128xf32, #tpu.memory_space<vmem_shared>>
    tpu.wait_dma2 semaphore(%arg20 : memref<!tpu.dma_semaphore, #tpu.memory_space<semaphore_mem>>) src(%dma_wait3A_1097 : memref<128xf32, #tpu.memory_space<vmem_shared>>) dst(%arg12 : memref<128xf32, #tpu.memory_space<vmem>>)
    %get3A = arith.constant 0 : index
    %get3A_1098 = tpu.vector_load %arg10[%get3A] {strides = array<i32>} : memref<128xf32, #tpu.memory_space<vmem>>, vector<16xf32>,
    %get3A_1099 = arith.constant 0 : index
    %get3A_1100 = tpu.vector_load %arg11[%get3A_1099] {strides = array<i32>} : memref<128xf32, #tpu.memory_space<vmem>>, vector<16xf32>,
    %get3A_1101 = arith.constant 0 : index
    %get3A_1102 = tpu.vector_load %arg12[%get3A_1101] {strides = array<i32>} : memref<128xf32, #tpu.memory_space<vmem>>, vector<16xf32>,
    %add3A_1103 = arith.constant 9.99999993E-9 : f32
    %add3A_1104 = vector.broadcast %add3A_1103 : f32 to vector<16xf32>
    %add3A_1105 = arith.addf %get3A_1100, %add3A_1104 : vector<16xf32>
    %div3A = arith.divf %get3A_1098, %add3A_1105 : vector<16xf32>
    %mul3A_1106 = arith.constant 2.000000e+00 : f32
    %mul3A_1107 = vector.broadcast %mul3A_1106 : f32 to vector<16xf32>
    %mul3A_1108 = arith.mulf %mul3A_1107, %div3A : vector<16xf32>
    %mul3A_1109 = arith.mulf %mul3A_1108, %get3A_1098 : vector<16xf32>
    %sub3A = arith.subf %get3A_1102, %mul3A_1109 : vector<16xf32>
    %mul3A_1110 = arith.mulf %div3A, %div3A : vector<16xf32>
    %mul3A_1111 = arith.mulf %mul3A_1110, %get3A_1100 : vector<16xf32>
    %add3A_1112 = arith.addf %sub3A, %mul3A_1111 : vector<16xf32>
    %div3A_1113 = arith.divf %add3A_1112, %add3A_1105 : vector<16xf32>
    %add3A_1114 = arith.constant 9.99999993E-9 : f32
    %add3A_1115 = vector.broadcast %add3A_1114 : f32 to vector<16xf32>
    %add3A_1116 = arith.addf %div3A_1113, %add3A_1115 : vector<16xf32>
    %add3A_1117 = arith.constant 1.000000e+00 : f32
    %add3A_1118 = vector.broadcast %add3A_1117 : f32 to vector<16xf32>
    %add3A_1119 = arith.addf %add3A_1116, %add3A_1118 : vector<16xf32>
    %mul3A_1120 = arith.constant 5.000000e-01 : f32
    %mul3A_1121 = vector.broadcast %mul3A_1120 : f32 to vector<16xf32>
    %mul3A_1122 = arith.mulf %mul3A_1121, %add3A_1119 : vector<16xf32>
    %div3A_1123 = arith.divf %add3A_1116, %mul3A_1122 : vector<16xf32>
    %add3A_1124 = arith.addf %mul3A_1122, %div3A_1123 : vector<16xf32>
    %mul3A_1125 = arith.constant 5.000000e-01 : f32
    %mul3A_1126 = vector.broadcast %mul3A_1125 : f32 to vector<16xf32>
    %mul3A_1127 = arith.mulf %mul3A_1126, %add3A_1124 : vector<16xf32>
    %div3A_1128 = arith.divf %add3A_1116, %mul3A_1127 : vector<16xf32>
    %add3A_1129 = arith.addf %mul3A_1127, %div3A_1128 : vector<16xf32>
    %mul3A_1130 = arith.constant 5.000000e-01 : f32
    %mul3A_1131 = vector.broadcast %mul3A_1130 : f32 to vector<16xf32>
    %mul3A_1132 = arith.mulf %mul3A_1131, %add3A_1129 : vector<16xf32>
    %div3A_1133 = arith.divf %add3A_1116, %mul3A_1132 : vector<16xf32>
    %add3A_1134 = arith.addf %mul3A_1132, %div3A_1133 : vector<16xf32>
    %mul3A_1135 = arith.constant 5.000000e-01 : f32
    %mul3A_1136 = vector.broadcast %mul3A_1135 : f32 to vector<16xf32>
    %mul3A_1137 = arith.mulf %mul3A_1136, %add3A_1134 : vector<16xf32>
    %div3A_1138 = arith.divf %add3A_1116, %mul3A_1137 : vector<16xf32>
    %add3A_1139 = arith.addf %mul3A_1137, %div3A_1138 : vector<16xf32>
    %mul3A_1140 = arith.constant 5.000000e-01 : f32
    %mul3A_1141 = vector.broadcast %mul3A_1140 : f32 to vector<16xf32>
    %mul3A_1142 = arith.mulf %mul3A_1141, %add3A_1139 : vector<16xf32>
    %div3A_1143 = arith.divf %add3A_1116, %mul3A_1142 : vector<16xf32>
    %add3A_1144 = arith.addf %mul3A_1142, %div3A_1143 : vector<16xf32>
    %mul3A_1145 = arith.constant 5.000000e-01 : f32
    %mul3A_1146 = vector.broadcast %mul3A_1145 : f32 to vector<16xf32>
    %mul3A_1147 = arith.mulf %mul3A_1146, %add3A_1144 : vector<16xf32>
    %div3A_1148 = arith.divf %add3A_1116, %mul3A_1147 : vector<16xf32>
    %add3A_1149 = arith.addf %mul3A_1147, %div3A_1148 : vector<16xf32>
    %mul3A_1150 = arith.constant 5.000000e-01 : f32
    %mul3A_1151 = vector.broadcast %mul3A_1150 : f32 to vector<16xf32>
    %mul3A_1152 = arith.mulf %mul3A_1151, %add3A_1149 : vector<16xf32>
    %div3A_1153 = arith.divf %add3A_1116, %mul3A_1152 : vector<16xf32>
    %add3A_1154 = arith.addf %mul3A_1152, %div3A_1153 : vector<16xf32>
    %mul3A_1155 = arith.constant 5.000000e-01 : f32
    %mul3A_1156 = vector.broadcast %mul3A_1155 : f32 to vector<16xf32>
    %mul3A_1157 = arith.mulf %mul3A_1156, %add3A_1154 : vector<16xf32>
    %div3A_1158 = arith.divf %add3A_1116, %mul3A_1157 : vector<16xf32>
    %add3A_1159 = arith.addf %mul3A_1157, %div3A_1158 : vector<16xf32>
    %mul3A_1160 = arith.constant 5.000000e-01 : f32
    %mul3A_1161 = vector.broadcast %mul3A_1160 : f32 to vector<16xf32>
    %mul3A_1162 = arith.mulf %mul3A_1161, %add3A_1159 : vector<16xf32>
    %div3A_1163 = arith.divf %add3A_1116, %mul3A_1162 : vector<16xf32>
    %add3A_1164 = arith.addf %mul3A_1162, %div3A_1163 : vector<16xf32>
    %mul3A_1165 = arith.constant 5.000000e-01 : f32
    %mul3A_1166 = vector.broadcast %mul3A_1165 : f32 to vector<16xf32>
    %mul3A_1167 = arith.mulf %mul3A_1166, %add3A_1164 : vector<16xf32>
    %div3A_1168 = arith.divf %add3A_1116, %mul3A_1167 : vector<16xf32>
    %add3A_1169 = arith.addf %mul3A_1167, %div3A_1168 : vector<16xf32>
    %mul3A_1170 = arith.constant 5.000000e-01 : f32
    %mul3A_1171 = vector.broadcast %mul3A_1170 : f32 to vector<16xf32>
    %mul3A_1172 = arith.mulf %mul3A_1171, %add3A_1169 : vector<16xf32>
    %div3A_1173 = arith.divf %add3A_1116, %mul3A_1172 : vector<16xf32>
    %add3A_1174 = arith.addf %mul3A_1172, %div3A_1173 : vector<16xf32>
    %mul3A_1175 = arith.constant 5.000000e-01 : f32
    %mul3A_1176 = vector.broadcast %mul3A_1175 : f32 to vector<16xf32>
    %mul3A_1177 = arith.mulf %mul3A_1176, %add3A_1174 : vector<16xf32>
    %div3A_1178 = arith.divf %add3A_1116, %mul3A_1177 : vector<16xf32>
    %add3A_1179 = arith.addf %mul3A_1177, %div3A_1178 : vector<16xf32>
    %mul3A_1180 = arith.constant 5.000000e-01 : f32
    %mul3A_1181 = vector.broadcast %mul3A_1180 : f32 to vector<16xf32>
    %mul3A_1182 = arith.mulf %mul3A_1181, %add3A_1179 : vector<16xf32>
    %div3A_1183 = arith.divf %add3A_1116, %mul3A_1182 : vector<16xf32>
    %add3A_1184 = arith.addf %mul3A_1182, %div3A_1183 : vector<16xf32>
    %mul3A_1185 = arith.constant 5.000000e-01 : f32
    %mul3A_1186 = vector.broadcast %mul3A_1185 : f32 to vector<16xf32>
    %mul3A_1187 = arith.mulf %mul3A_1186, %add3A_1184 : vector<16xf32>
    %div3A_1188 = arith.divf %add3A_1116, %mul3A_1187 : vector<16xf32>
    %add3A_1189 = arith.addf %mul3A_1187, %div3A_1188 : vector<16xf32>
    %mul3A_1190 = arith.constant 5.000000e-01 : f32
    %mul3A_1191 = vector.broadcast %mul3A_1190 : f32 to vector<16xf32>
    %mul3A_1192 = arith.mulf %mul3A_1191, %add3A_1189 : vector<16xf32>
    %div3A_1193 = arith.divf %add3A_1116, %mul3A_1192 : vector<16xf32>
    %add3A_1194 = arith.addf %mul3A_1192, %div3A_1193 : vector<16xf32>
    %mul3A_1195 = arith.constant 5.000000e-01 : f32
    %mul3A_1196 = vector.broadcast %mul3A_1195 : f32 to vector<16xf32>
    %mul3A_1197 = arith.mulf %mul3A_1196, %add3A_1194 : vector<16xf32>
    %div3A_1198 = arith.divf %add3A_1116, %mul3A_1197 : vector<16xf32>
    %add3A_1199 = arith.addf %mul3A_1197, %div3A_1198 : vector<16xf32>
    %mul3A_1200 = arith.constant 5.000000e-01 : f32
    %mul3A_1201 = vector.broadcast %mul3A_1200 : f32 to vector<16xf32>
    %mul3A_1202 = arith.mulf %mul3A_1201, %add3A_1199 : vector<16xf32>
    %div3A_1203 = arith.divf %add3A_1116, %mul3A_1202 : vector<16xf32>
    %add3A_1204 = arith.addf %mul3A_1202, %div3A_1203 : vector<16xf32>
    %mul3A_1205 = arith.constant 5.000000e-01 : f32
    %mul3A_1206 = vector.broadcast %mul3A_1205 : f32 to vector<16xf32>
    %mul3A_1207 = arith.mulf %mul3A_1206, %add3A_1204 : vector<16xf32>
    %div3A_1208 = arith.divf %add3A_1116, %mul3A_1207 : vector<16xf32>
    %add3A_1209 = arith.addf %mul3A_1207, %div3A_1208 : vector<16xf32>
    %mul3A_1210 = arith.constant 5.000000e-01 : f32
    %mul3A_1211 = vector.broadcast %mul3A_1210 : f32 to vector<16xf32>
    %mul3A_1212 = arith.mulf %mul3A_1211, %add3A_1209 : vector<16xf32>
    %div3A_1213 = arith.constant 1.000000e+00 : f32
    %div3A_1214 = vector.broadcast %div3A_1213 : f32 to vector<16xf32>
    %div3A_1215 = arith.divf %div3A_1214, %mul3A_1212 : vector<16xf32>
    %swap3A_1216 = arith.constant 0 : index
    %swap3A_1217 = tpu.vector_load %arg13[%swap3A_1216] {strides = array<i32>} : memref<128xf32, #tpu.memory_space<vmem>>, vector<16xf32>,
    tpu.vector_store %arg13[%swap3A_1216], %div3A {strides = array<i32>} : memref<128xf32, #tpu.memory_space<vmem>>, vector<16xf32>,
    %swap3A_1218 = arith.constant 0 : index
    %swap3A_1219 = tpu.vector_load %arg14[%swap3A_1218] {strides = array<i32>} : memref<128xf32, #tpu.memory_space<vmem>>, vector<16xf32>,
    tpu.vector_store %arg14[%swap3A_1218], %div3A_1215 {strides = array<i32>} : memref<128xf32, #tpu.memory_space<vmem>>, vector<16xf32>,
    %mul3A_1220 = arith.mulf %get3A_1100, %div3A : vector<16xf32>
    %sub3A_1221 = arith.subf %get3A_1098, %mul3A_1220 : vector<16xf32>
    %mul3A_1222 = arith.mulf %sub3A_1221, %div3A_1215 : vector<16xf32>
    %add3A_1223 = arith.addf %broadcast_in_dim3A_183, %mul3A_1222 : vector<16xf32>
    %mul3A_1224 = arith.mulf %add3A_1112, %div3A_1215 : vector<16xf32>
    %mul3A_1225 = arith.mulf %mul3A_1224, %div3A_1215 : vector<16xf32>
    %add3A_1226 = arith.addf %broadcast_in_dim3A_183, %mul3A_1225 : vector<16xf32>
    %get3A_1227 = arith.constant 16 : index
    %get3A_1228 = tpu.vector_load %arg10[%get3A_1227] {strides = array<i32>} : memref<128xf32, #tpu.memory_space<vmem>>, vector<16xf32>,
    %get3A_1229 = arith.constant 16 : index
    %get3A_1230 = tpu.vector_load %arg11[%get3A_1229] {strides = array<i32>} : memref<128xf32, #tpu.memory_space<vmem>>, vector<16xf32>,
    %get3A_1231 = arith.constant 16 : index
    %get3A_1232 = tpu.vector_load %arg12[%get3A_1231] {strides = array<i32>} : memref<128xf32, #tpu.memory_space<vmem>>, vector<16xf32>,
    %add3A_1233 = arith.constant 9.99999993E-9 : f32
    %add3A_1234 = vector.broadcast %add3A_1233 : f32 to vector<16xf32>
    %add3A_1235 = arith.addf %get3A_1230, %add3A_1234 : vector<16xf32>
    %div3A_1236 = arith.divf %get3A_1228, %add3A_1235 : vector<16xf32>
    %mul3A_1237 = arith.constant 2.000000e+00 : f32
    %mul3A_1238 = vector.broadcast %mul3A_1237 : f32 to vector<16xf32>
    %mul3A_1239 = arith.mulf %mul3A_1238, %div3A_1236 : vector<16xf32>
    %mul3A_1240 = arith.mulf %mul3A_1239, %get3A_1228 : vector<16xf32>
    %sub3A_1241 = arith.subf %get3A_1232, %mul3A_1240 : vector<16xf32>
    %mul3A_1242 = arith.mulf %div3A_1236, %div3A_1236 : vector<16xf32>
    %mul3A_1243 = arith.mulf %mul3A_1242, %get3A_1230 : vector<16xf32>
    %add3A_1244 = arith.addf %sub3A_1241, %mul3A_1243 : vector<16xf32>
    %div3A_1245 = arith.divf %add3A_1244, %add3A_1235 : vector<16xf32>
    %add3A_1246 = arith.constant 9.99999993E-9 : f32
    %add3A_1247 = vector.broadcast %add3A_1246 : f32 to vector<16xf32>
    %add3A_1248 = arith.addf %div3A_1245, %add3A_1247 : vector<16xf32>
    %add3A_1249 = arith.constant 1.000000e+00 : f32
    %add3A_1250 = vector.broadcast %add3A_1249 : f32 to vector<16xf32>
    %add3A_1251 = arith.addf %add3A_1248, %add3A_1250 : vector<16xf32>
    %mul3A_1252 = arith.constant 5.000000e-01 : f32
    %mul3A_1253 = vector.broadcast %mul3A_1252 : f32 to vector<16xf32>
    %mul3A_1254 = arith.mulf %mul3A_1253, %add3A_1251 : vector<16xf32>
    %div3A_1255 = arith.divf %add3A_1248, %mul3A_1254 : vector<16xf32>
    %add3A_1256 = arith.addf %mul3A_1254, %div3A_1255 : vector<16xf32>
    %mul3A_1257 = arith.constant 5.000000e-01 : f32
    %mul3A_1258 = vector.broadcast %mul3A_1257 : f32 to vector<16xf32>
    %mul3A_1259 = arith.mulf %mul3A_1258, %add3A_1256 : vector<16xf32>
    %div3A_1260 = arith.divf %add3A_1248, %mul3A_1259 : vector<16xf32>
    %add3A_1261 = arith.addf %mul3A_1259, %div3A_1260 : vector<16xf32>
    %mul3A_1262 = arith.constant 5.000000e-01 : f32
    %mul3A_1263 = vector.broadcast %mul3A_1262 : f32 to vector<16xf32>
    %mul3A_1264 = arith.mulf %mul3A_1263, %add3A_1261 : vector<16xf32>
    %div3A_1265 = arith.divf %add3A_1248, %mul3A_1264 : vector<16xf32>
    %add3A_1266 = arith.addf %mul3A_1264, %div3A_1265 : vector<16xf32>
    %mul3A_1267 = arith.constant 5.000000e-01 : f32
    %mul3A_1268 = vector.broadcast %mul3A_1267 : f32 to vector<16xf32>
    %mul3A_1269 = arith.mulf %mul3A_1268, %add3A_1266 : vector<16xf32>
    %div3A_1270 = arith.divf %add3A_1248, %mul3A_1269 : vector<16xf32>
    %add3A_1271 = arith.addf %mul3A_1269, %div3A_1270 : vector<16xf32>
    %mul3A_1272 = arith.constant 5.000000e-01 : f32
    %mul3A_1273 = vector.broadcast %mul3A_1272 : f32 to vector<16xf32>
    %mul3A_1274 = arith.mulf %mul3A_1273, %add3A_1271 : vector<16xf32>
    %div3A_1275 = arith.divf %add3A_1248, %mul3A_1274 : vector<16xf32>
    %add3A_1276 = arith.addf %mul3A_1274, %div3A_1275 : vector<16xf32>
    %mul3A_1277 = arith.constant 5.000000e-01 : f32
    %mul3A_1278 = vector.broadcast %mul3A_1277 : f32 to vector<16xf32>
    %mul3A_1279 = arith.mulf %mul3A_1278, %add3A_1276 : vector<16xf32>
    %div3A_1280 = arith.divf %add3A_1248, %mul3A_1279 : vector<16xf32>
    %add3A_1281 = arith.addf %mul3A_1279, %div3A_1280 : vector<16xf32>
    %mul3A_1282 = arith.constant 5.000000e-01 : f32
    %mul3A_1283 = vector.broadcast %mul3A_1282 : f32 to vector<16xf32>
    %mul3A_1284 = arith.mulf %mul3A_1283, %add3A_1281 : vector<16xf32>
    %div3A_1285 = arith.divf %add3A_1248, %mul3A_1284 : vector<16xf32>
    %add3A_1286 = arith.addf %mul3A_1284, %div3A_1285 : vector<16xf32>
    %mul3A_1287 = arith.constant 5.000000e-01 : f32
    %mul3A_1288 = vector.broadcast %mul3A_1287 : f32 to vector<16xf32>
    %mul3A_1289 = arith.mulf %mul3A_1288, %add3A_1286 : vector<16xf32>
    %div3A_1290 = arith.divf %add3A_1248, %mul3A_1289 : vector<16xf32>
    %add3A_1291 = arith.addf %mul3A_1289, %div3A_1290 : vector<16xf32>
    %mul3A_1292 = arith.constant 5.000000e-01 : f32
    %mul3A_1293 = vector.broadcast %mul3A_1292 : f32 to vector<16xf32>
    %mul3A_1294 = arith.mulf %mul3A_1293, %add3A_1291 : vector<16xf32>
    %div3A_1295 = arith.divf %add3A_1248, %mul3A_1294 : vector<16xf32>
    %add3A_1296 = arith.addf %mul3A_1294, %div3A_1295 : vector<16xf32>
    %mul3A_1297 = arith.constant 5.000000e-01 : f32
    %mul3A_1298 = vector.broadcast %mul3A_1297 : f32 to vector<16xf32>
    %mul3A_1299 = arith.mulf %mul3A_1298, %add3A_1296 : vector<16xf32>
    %div3A_1300 = arith.divf %add3A_1248, %mul3A_1299 : vector<16xf32>
    %add3A_1301 = arith.addf %mul3A_1299, %div3A_1300 : vector<16xf32>
    %mul3A_1302 = arith.constant 5.000000e-01 : f32
    %mul3A_1303 = vector.broadcast %mul3A_1302 : f32 to vector<16xf32>
    %mul3A_1304 = arith.mulf %mul3A_1303, %add3A_1301 : vector<16xf32>
    %div3A_1305 = arith.divf %add3A_1248, %mul3A_1304 : vector<16xf32>
    %add3A_1306 = arith.addf %mul3A_1304, %div3A_1305 : vector<16xf32>
    %mul3A_1307 = arith.constant 5.000000e-01 : f32
    %mul3A_1308 = vector.broadcast %mul3A_1307 : f32 to vector<16xf32>
    %mul3A_1309 = arith.mulf %mul3A_1308, %add3A_1306 : vector<16xf32>
    %div3A_1310 = arith.divf %add3A_1248, %mul3A_1309 : vector<16xf32>
    %add3A_1311 = arith.addf %mul3A_1309, %div3A_1310 : vector<16xf32>
    %mul3A_1312 = arith.constant 5.000000e-01 : f32
    %mul3A_1313 = vector.broadcast %mul3A_1312 : f32 to vector<16xf32>
    %mul3A_1314 = arith.mulf %mul3A_1313, %add3A_1311 : vector<16xf32>
    %div3A_1315 = arith.divf %add3A_1248, %mul3A_1314 : vector<16xf32>
    %add3A_1316 = arith.addf %mul3A_1314, %div3A_1315 : vector<16xf32>
    %mul3A_1317 = arith.constant 5.000000e-01 : f32
    %mul3A_1318 = vector.broadcast %mul3A_1317 : f32 to vector<16xf32>
    %mul3A_1319 = arith.mulf %mul3A_1318, %add3A_1316 : vector<16xf32>
    %div3A_1320 = arith.divf %add3A_1248, %mul3A_1319 : vector<16xf32>
    %add3A_1321 = arith.addf %mul3A_1319, %div3A_1320 : vector<16xf32>
    %mul3A_1322 = arith.constant 5.000000e-01 : f32
    %mul3A_1323 = vector.broadcast %mul3A_1322 : f32 to vector<16xf32>
    %mul3A_1324 = arith.mulf %mul3A_1323, %add3A_1321 : vector<16xf32>
    %div3A_1325 = arith.divf %add3A_1248, %mul3A_1324 : vector<16xf32>
    %add3A_1326 = arith.addf %mul3A_1324, %div3A_1325 : vector<16xf32>
    %mul3A_1327 = arith.constant 5.000000e-01 : f32
    %mul3A_1328 = vector.broadcast %mul3A_1327 : f32 to vector<16xf32>
    %mul3A_1329 = arith.mulf %mul3A_1328, %add3A_1326 : vector<16xf32>
    %div3A_1330 = arith.divf %add3A_1248, %mul3A_1329 : vector<16xf32>
    %add3A_1331 = arith.addf %mul3A_1329, %div3A_1330 : vector<16xf32>
    %mul3A_1332 = arith.constant 5.000000e-01 : f32
    %mul3A_1333 = vector.broadcast %mul3A_1332 : f32 to vector<16xf32>
    %mul3A_1334 = arith.mulf %mul3A_1333, %add3A_1331 : vector<16xf32>
    %div3A_1335 = arith.divf %add3A_1248, %mul3A_1334 : vector<16xf32>
    %add3A_1336 = arith.addf %mul3A_1334, %div3A_1335 : vector<16xf32>
    %mul3A_1337 = arith.constant 5.000000e-01 : f32
    %mul3A_1338 = vector.broadcast %mul3A_1337 : f32 to vector<16xf32>
    %mul3A_1339 = arith.mulf %mul3A_1338, %add3A_1336 : vector<16xf32>
    %div3A_1340 = arith.divf %add3A_1248, %mul3A_1339 : vector<16xf32>
    %add3A_1341 = arith.addf %mul3A_1339, %div3A_1340 : vector<16xf32>
    %mul3A_1342 = arith.constant 5.000000e-01 : f32
    %mul3A_1343 = vector.broadcast %mul3A_1342 : f32 to vector<16xf32>
    %mul3A_1344 = arith.mulf %mul3A_1343, %add3A_1341 : vector<16xf32>
    %div3A_1345 = arith.constant 1.000000e+00 : f32
    %div3A_1346 = vector.broadcast %div3A_1345 : f32 to vector<16xf32>
    %div3A_1347 = arith.divf %div3A_1346, %mul3A_1344 : vector<16xf32>
    %swap3A_1348 = arith.constant 16 : index
    %swap3A_1349 = tpu.vector_load %arg13[%swap3A_1348] {strides = array<i32>} : memref<128xf32, #tpu.memory_space<vmem>>, vector<16xf32>,
    tpu.vector_store %arg13[%swap3A_1348], %div3A_1236 {strides = array<i32>} : memref<128xf32, #tpu.memory_space<vmem>>, vector<16xf32>,
    %swap3A_1350 = arith.constant 16 : index
    %swap3A_1351 = tpu.vector_load %arg14[%swap3A_1350] {strides = array<i32>} : memref<128xf32, #tpu.memory_space<vmem>>, vector<16xf32>,
    tpu.vector_store %arg14[%swap3A_1350], %div3A_1347 {strides = array<i32>} : memref<128xf32, #tpu.memory_space<vmem>>, vector<16xf32>,
    %mul3A_1352 = arith.mulf %get3A_1230, %div3A_1236 : vector<16xf32>
    %sub3A_1353 = arith.subf %get3A_1228, %mul3A_1352 : vector<16xf32>
    %mul3A_1354 = arith.mulf %sub3A_1353, %div3A_1347 : vector<16xf32>
    %add3A_1355 = arith.addf %add3A_1223, %mul3A_1354 : vector<16xf32>
    %mul3A_1356 = arith.mulf %add3A_1244, %div3A_1347 : vector<16xf32>
    %mul3A_1357 = arith.mulf %mul3A_1356, %div3A_1347 : vector<16xf32>
    %add3A_1358 = arith.addf %add3A_1226, %mul3A_1357 : vector<16xf32>
    %get3A_1359 = arith.constant 32 : index
    %get3A_1360 = tpu.vector_load %arg10[%get3A_1359] {strides = array<i32>} : memref<128xf32, #tpu.memory_space<vmem>>, vector<16xf32>,
    %get3A_1361 = arith.constant 32 : index
    %get3A_1362 = tpu.vector_load %arg11[%get3A_1361] {strides = array<i32>} : memref<128xf32, #tpu.memory_space<vmem>>, vector<16xf32>,
    %get3A_1363 = arith.constant 32 : index
    %get3A_1364 = tpu.vector_load %arg12[%get3A_1363] {strides = array<i32>} : memref<128xf32, #tpu.memory_space<vmem>>, vector<16xf32>,
    %add3A_1365 = arith.constant 9.99999993E-9 : f32
    %add3A_1366 = vector.broadcast %add3A_1365 : f32 to vector<16xf32>
    %add3A_1367 = arith.addf %get3A_1362, %add3A_1366 : vector<16xf32>
    %div3A_1368 = arith.divf %get3A_1360, %add3A_1367 : vector<16xf32>
    %mul3A_1369 = arith.constant 2.000000e+00 : f32
    %mul3A_1370 = vector.broadcast %mul3A_1369 : f32 to vector<16xf32>
    %mul3A_1371 = arith.mulf %mul3A_1370, %div3A_1368 : vector<16xf32>
    %mul3A_1372 = arith.mulf %mul3A_1371, %get3A_1360 : vector<16xf32>
    %sub3A_1373 = arith.subf %get3A_1364, %mul3A_1372 : vector<16xf32>
    %mul3A_1374 = arith.mulf %div3A_1368, %div3A_1368 : vector<16xf32>
    %mul3A_1375 = arith.mulf %mul3A_1374, %get3A_1362 : vector<16xf32>
    %add3A_1376 = arith.addf %sub3A_1373, %mul3A_1375 : vector<16xf32>
    %div3A_1377 = arith.divf %add3A_1376, %add3A_1367 : vector<16xf32>
    %add3A_1378 = arith.constant 9.99999993E-9 : f32
    %add3A_1379 = vector.broadcast %add3A_1378 : f32 to vector<16xf32>
    %add3A_1380 = arith.addf %div3A_1377, %add3A_1379 : vector<16xf32>
    %add3A_1381 = arith.constant 1.000000e+00 : f32
    %add3A_1382 = vector.broadcast %add3A_1381 : f32 to vector<16xf32>
    %add3A_1383 = arith.addf %add3A_1380, %add3A_1382 : vector<16xf32>
    %mul3A_1384 = arith.constant 5.000000e-01 : f32
    %mul3A_1385 = vector.broadcast %mul3A_1384 : f32 to vector<16xf32>
    %mul3A_1386 = arith.mulf %mul3A_1385, %add3A_1383 : vector<16xf32>
    %div3A_1387 = arith.divf %add3A_1380, %mul3A_1386 : vector<16xf32>
    %add3A_1388 = arith.addf %mul3A_1386, %div3A_1387 : vector<16xf32>
    %mul3A_1389 = arith.constant 5.000000e-01 : f32
    %mul3A_1390 = vector.broadcast %mul3A_1389 : f32 to vector<16xf32>
    %mul3A_1391 = arith.mulf %mul3A_1390, %add3A_1388 : vector<16xf32>
    %div3A_1392 = arith.divf %add3A_1380, %mul3A_1391 : vector<16xf32>
    %add3A_1393 = arith.addf %mul3A_1391, %div3A_1392 : vector<16xf32>
    %mul3A_1394 = arith.constant 5.000000e-01 : f32
    %mul3A_1395 = vector.broadcast %mul3A_1394 : f32 to vector<16xf32>
    %mul3A_1396 = arith.mulf %mul3A_1395, %add3A_1393 : vector<16xf32>
    %div3A_1397 = arith.divf %add3A_1380, %mul3A_1396 : vector<16xf32>
    %add3A_1398 = arith.addf %mul3A_1396, %div3A_1397 : vector<16xf32>
    %mul3A_1399 = arith.constant 5.000000e-01 : f32
    %mul3A_1400 = vector.broadcast %mul3A_1399 : f32 to vector<16xf32>
    %mul3A_1401 = arith.mulf %mul3A_1400, %add3A_1398 : vector<16xf32>
    %div3A_1402 = arith.divf %add3A_1380, %mul3A_1401 : vector<16xf32>
    %add3A_1403 = arith.addf %mul3A_1401, %div3A_1402 : vector<16xf32>
    %mul3A_1404 = arith.constant 5.000000e-01 : f32
    %mul3A_1405 = vector.broadcast %mul3A_1404 : f32 to vector<16xf32>
    %mul3A_1406 = arith.mulf %mul3A_1405, %add3A_1403 : vector<16xf32>
    %div3A_1407 = arith.divf %add3A_1380, %mul3A_1406 : vector<16xf32>
    %add3A_1408 = arith.addf %mul3A_1406, %div3A_1407 : vector<16xf32>
    %mul3A_1409 = arith.constant 5.000000e-01 : f32
    %mul3A_1410 = vector.broadcast %mul3A_1409 : f32 to vector<16xf32>
    %mul3A_1411 = arith.mulf %mul3A_1410, %add3A_1408 : vector<16xf32>
    %div3A_1412 = arith.divf %add3A_1380, %mul3A_1411 : vector<16xf32>
    %add3A_1413 = arith.addf %mul3A_1411, %div3A_1412 : vector<16xf32>
    %mul3A_1414 = arith.constant 5.000000e-01 : f32
    %mul3A_1415 = vector.broadcast %mul3A_1414 : f32 to vector<16xf32>
    %mul3A_1416 = arith.mulf %mul3A_1415, %add3A_1413 : vector<16xf32>
    %div3A_1417 = arith.divf %add3A_1380, %mul3A_1416 : vector<16xf32>
    %add3A_1418 = arith.addf %mul3A_1416, %div3A_1417 : vector<16xf32>
    %mul3A_1419 = arith.constant 5.000000e-01 : f32
    %mul3A_1420 = vector.broadcast %mul3A_1419 : f32 to vector<16xf32>
    %mul3A_1421 = arith.mulf %mul3A_1420, %add3A_1418 : vector<16xf32>
    %div3A_1422 = arith.divf %add3A_1380, %mul3A_1421 : vector<16xf32>
    %add3A_1423 = arith.addf %mul3A_1421, %div3A_1422 : vector<16xf32>
    %mul3A_1424 = arith.constant 5.000000e-01 : f32
    %mul3A_1425 = vector.broadcast %mul3A_1424 : f32 to vector<16xf32>
    %mul3A_1426 = arith.mulf %mul3A_1425, %add3A_1423 : vector<16xf32>
    %div3A_1427 = arith.divf %add3A_1380, %mul3A_1426 : vector<16xf32>
    %add3A_1428 = arith.addf %mul3A_1426, %div3A_1427 : vector<16xf32>
    %mul3A_1429 = arith.constant 5.000000e-01 : f32
    %mul3A_1430 = vector.broadcast %mul3A_1429 : f32 to vector<16xf32>
    %mul3A_1431 = arith.mulf %mul3A_1430, %add3A_1428 : vector<16xf32>
    %div3A_1432 = arith.divf %add3A_1380, %mul3A_1431 : vector<16xf32>
    %add3A_1433 = arith.addf %mul3A_1431, %div3A_1432 : vector<16xf32>
    %mul3A_1434 = arith.constant 5.000000e-01 : f32
    %mul3A_1435 = vector.broadcast %mul3A_1434 : f32 to vector<16xf32>
    %mul3A_1436 = arith.mulf %mul3A_1435, %add3A_1433 : vector<16xf32>
    %div3A_1437 = arith.divf %add3A_1380, %mul3A_1436 : vector<16xf32>
    %add3A_1438 = arith.addf %mul3A_1436, %div3A_1437 : vector<16xf32>
    %mul3A_1439 = arith.constant 5.000000e-01 : f32
    %mul3A_1440 = vector.broadcast %mul3A_1439 : f32 to vector<16xf32>
    %mul3A_1441 = arith.mulf %mul3A_1440, %add3A_1438 : vector<16xf32>
    %div3A_1442 = arith.divf %add3A_1380, %mul3A_1441 : vector<16xf32>
    %add3A_1443 = arith.addf %mul3A_1441, %div3A_1442 : vector<16xf32>
    %mul3A_1444 = arith.constant 5.000000e-01 : f32
    %mul3A_1445 = vector.broadcast %mul3A_1444 : f32 to vector<16xf32>
    %mul3A_1446 = arith.mulf %mul3A_1445, %add3A_1443 : vector<16xf32>
    %div3A_1447 = arith.divf %add3A_1380, %mul3A_1446 : vector<16xf32>
    %add3A_1448 = arith.addf %mul3A_1446, %div3A_1447 : vector<16xf32>
    %mul3A_1449 = arith.constant 5.000000e-01 : f32
    %mul3A_1450 = vector.broadcast %mul3A_1449 : f32 to vector<16xf32>
    %mul3A_1451 = arith.mulf %mul3A_1450, %add3A_1448 : vector<16xf32>
    %div3A_1452 = arith.divf %add3A_1380, %mul3A_1451 : vector<16xf32>
    %add3A_1453 = arith.addf %mul3A_1451, %div3A_1452 : vector<16xf32>
    %mul3A_1454 = arith.constant 5.000000e-01 : f32
    %mul3A_1455 = vector.broadcast %mul3A_1454 : f32 to vector<16xf32>
    %mul3A_1456 = arith.mulf %mul3A_1455, %add3A_1453 : vector<16xf32>
    %div3A_1457 = arith.divf %add3A_1380, %mul3A_1456 : vector<16xf32>
    %add3A_1458 = arith.addf %mul3A_1456, %div3A_1457 : vector<16xf32>
    %mul3A_1459 = arith.constant 5.000000e-01 : f32
    %mul3A_1460 = vector.broadcast %mul3A_1459 : f32 to vector<16xf32>
    %mul3A_1461 = arith.mulf %mul3A_1460, %add3A_1458 : vector<16xf32>
    %div3A_1462 = arith.divf %add3A_1380, %mul3A_1461 : vector<16xf32>
    %add3A_1463 = arith.addf %mul3A_1461, %div3A_1462 : vector<16xf32>
    %mul3A_1464 = arith.constant 5.000000e-01 : f32
    %mul3A_1465 = vector.broadcast %mul3A_1464 : f32 to vector<16xf32>
    %mul3A_1466 = arith.mulf %mul3A_1465, %add3A_1463 : vector<16xf32>
    %div3A_1467 = arith.divf %add3A_1380, %mul3A_1466 : vector<16xf32>
    %add3A_1468 = arith.addf %mul3A_1466, %div3A_1467 : vector<16xf32>
    %mul3A_1469 = arith.constant 5.000000e-01 : f32
    %mul3A_1470 = vector.broadcast %mul3A_1469 : f32 to vector<16xf32>
    %mul3A_1471 = arith.mulf %mul3A_1470, %add3A_1468 : vector<16xf32>
    %div3A_1472 = arith.divf %add3A_1380, %mul3A_1471 : vector<16xf32>
    %add3A_1473 = arith.addf %mul3A_1471, %div3A_1472 : vector<16xf32>
    %mul3A_1474 = arith.constant 5.000000e-01 : f32
    %mul3A_1475 = vector.broadcast %mul3A_1474 : f32 to vector<16xf32>
    %mul3A_1476 = arith.mulf %mul3A_1475, %add3A_1473 : vector<16xf32>
    %div3A_1477 = arith.constant 1.000000e+00 : f32
    %div3A_1478 = vector.broadcast %div3A_1477 : f32 to vector<16xf32>
    %div3A_1479 = arith.divf %div3A_1478, %mul3A_1476 : vector<16xf32>
    %swap3A_1480 = arith.constant 32 : index
    %swap3A_1481 = tpu.vector_load %arg13[%swap3A_1480] {strides = array<i32>} : memref<128xf32, #tpu.memory_space<vmem>>, vector<16xf32>,
    tpu.vector_store %arg13[%swap3A_1480], %div3A_1368 {strides = array<i32>} : memref<128xf32, #tpu.memory_space<vmem>>, vector<16xf32>,
    %swap3A_1482 = arith.constant 32 : index
    %swap3A_1483 = tpu.vector_load %arg14[%swap3A_1482] {strides = array<i32>} : memref<128xf32, #tpu.memory_space<vmem>>, vector<16xf32>,
    tpu.vector_store %arg14[%swap3A_1482], %div3A_1479 {strides = array<i32>} : memref<128xf32, #tpu.memory_space<vmem>>, vector<16xf32>,
    %mul3A_1484 = arith.mulf %get3A_1362, %div3A_1368 : vector<16xf32>
    %sub3A_1485 = arith.subf %get3A_1360, %mul3A_1484 : vector<16xf32>
    %mul3A_1486 = arith.mulf %sub3A_1485, %div3A_1479 : vector<16xf32>
    %add3A_1487 = arith.addf %add3A_1355, %mul3A_1486 : vector<16xf32>
    %mul3A_1488 = arith.mulf %add3A_1376, %div3A_1479 : vector<16xf32>
    %mul3A_1489 = arith.mulf %mul3A_1488, %div3A_1479 : vector<16xf32>
    %add3A_1490 = arith.addf %add3A_1358, %mul3A_1489 : vector<16xf32>
    %get3A_1491 = arith.constant 48 : index
    %get3A_1492 = tpu.vector_load %arg10[%get3A_1491] {strides = array<i32>} : memref<128xf32, #tpu.memory_space<vmem>>, vector<16xf32>,
    %get3A_1493 = arith.constant 48 : index
    %get3A_1494 = tpu.vector_load %arg11[%get3A_1493] {strides = array<i32>} : memref<128xf32, #tpu.memory_space<vmem>>, vector<16xf32>,
    %get3A_1495 = arith.constant 48 : index
    %get3A_1496 = tpu.vector_load %arg12[%get3A_1495] {strides = array<i32>} : memref<128xf32, #tpu.memory_space<vmem>>, vector<16xf32>,
    %add3A_1497 = arith.constant 9.99999993E-9 : f32
    %add3A_1498 = vector.broadcast %add3A_1497 : f32 to vector<16xf32>
    %add3A_1499 = arith.addf %get3A_1494, %add3A_1498 : vector<16xf32>
    %div3A_1500 = arith.divf %get3A_1492, %add3A_1499 : vector<16xf32>
    %mul3A_1501 = arith.constant 2.000000e+00 : f32
    %mul3A_1502 = vector.broadcast %mul3A_1501 : f32 to vector<16xf32>
    %mul3A_1503 = arith.mulf %mul3A_1502, %div3A_1500 : vector<16xf32>
    %mul3A_1504 = arith.mulf %mul3A_1503, %get3A_1492 : vector<16xf32>
    %sub3A_1505 = arith.subf %get3A_1496, %mul3A_1504 : vector<16xf32>
    %mul3A_1506 = arith.mulf %div3A_1500, %div3A_1500 : vector<16xf32>
    %mul3A_1507 = arith.mulf %mul3A_1506, %get3A_1494 : vector<16xf32>
    %add3A_1508 = arith.addf %sub3A_1505, %mul3A_1507 : vector<16xf32>
    %div3A_1509 = arith.divf %add3A_1508, %add3A_1499 : vector<16xf32>
    %add3A_1510 = arith.constant 9.99999993E-9 : f32
    %add3A_1511 = vector.broadcast %add3A_1510 : f32 to vector<16xf32>
    %add3A_1512 = arith.addf %div3A_1509, %add3A_1511 : vector<16xf32>
    %add3A_1513 = arith.constant 1.000000e+00 : f32
    %add3A_1514 = vector.broadcast %add3A_1513 : f32 to vector<16xf32>
    %add3A_1515 = arith.addf %add3A_1512, %add3A_1514 : vector<16xf32>
    %mul3A_1516 = arith.constant 5.000000e-01 : f32
    %mul3A_1517 = vector.broadcast %mul3A_1516 : f32 to vector<16xf32>
    %mul3A_1518 = arith.mulf %mul3A_1517, %add3A_1515 : vector<16xf32>
    %div3A_1519 = arith.divf %add3A_1512, %mul3A_1518 : vector<16xf32>
    %add3A_1520 = arith.addf %mul3A_1518, %div3A_1519 : vector<16xf32>
    %mul3A_1521 = arith.constant 5.000000e-01 : f32
    %mul3A_1522 = vector.broadcast %mul3A_1521 : f32 to vector<16xf32>
    %mul3A_1523 = arith.mulf %mul3A_1522, %add3A_1520 : vector<16xf32>
    %div3A_1524 = arith.divf %add3A_1512, %mul3A_1523 : vector<16xf32>
    %add3A_1525 = arith.addf %mul3A_1523, %div3A_1524 : vector<16xf32>
    %mul3A_1526 = arith.constant 5.000000e-01 : f32
    %mul3A_1527 = vector.broadcast %mul3A_1526 : f32 to vector<16xf32>
    %mul3A_1528 = arith.mulf %mul3A_1527, %add3A_1525 : vector<16xf32>
    %div3A_1529 = arith.divf %add3A_1512, %mul3A_1528 : vector<16xf32>
    %add3A_1530 = arith.addf %mul3A_1528, %div3A_1529 : vector<16xf32>
    %mul3A_1531 = arith.constant 5.000000e-01 : f32
    %mul3A_1532 = vector.broadcast %mul3A_1531 : f32 to vector<16xf32>
    %mul3A_1533 = arith.mulf %mul3A_1532, %add3A_1530 : vector<16xf32>
    %div3A_1534 = arith.divf %add3A_1512, %mul3A_1533 : vector<16xf32>
    %add3A_1535 = arith.addf %mul3A_1533, %div3A_1534 : vector<16xf32>
    %mul3A_1536 = arith.constant 5.000000e-01 : f32
    %mul3A_1537 = vector.broadcast %mul3A_1536 : f32 to vector<16xf32>
    %mul3A_1538 = arith.mulf %mul3A_1537, %add3A_1535 : vector<16xf32>
    %div3A_1539 = arith.divf %add3A_1512, %mul3A_1538 : vector<16xf32>
    %add3A_1540 = arith.addf %mul3A_1538, %div3A_1539 : vector<16xf32>
    %mul3A_1541 = arith.constant 5.000000e-01 : f32
    %mul3A_1542 = vector.broadcast %mul3A_1541 : f32 to vector<16xf32>
    %mul3A_1543 = arith.mulf %mul3A_1542, %add3A_1540 : vector<16xf32>
    %div3A_1544 = arith.divf %add3A_1512, %mul3A_1543 : vector<16xf32>
    %add3A_1545 = arith.addf %mul3A_1543, %div3A_1544 : vector<16xf32>
    %mul3A_1546 = arith.constant 5.000000e-01 : f32
    %mul3A_1547 = vector.broadcast %mul3A_1546 : f32 to vector<16xf32>
    %mul3A_1548 = arith.mulf %mul3A_1547, %add3A_1545 : vector<16xf32>
    %div3A_1549 = arith.divf %add3A_1512, %mul3A_1548 : vector<16xf32>
    %add3A_1550 = arith.addf %mul3A_1548, %div3A_1549 : vector<16xf32>
    %mul3A_1551 = arith.constant 5.000000e-01 : f32
    %mul3A_1552 = vector.broadcast %mul3A_1551 : f32 to vector<16xf32>
    %mul3A_1553 = arith.mulf %mul3A_1552, %add3A_1550 : vector<16xf32>
    %div3A_1554 = arith.divf %add3A_1512, %mul3A_1553 : vector<16xf32>
    %add3A_1555 = arith.addf %mul3A_1553, %div3A_1554 : vector<16xf32>
    %mul3A_1556 = arith.constant 5.000000e-01 : f32
    %mul3A_1557 = vector.broadcast %mul3A_1556 : f32 to vector<16xf32>
    %mul3A_1558 = arith.mulf %mul3A_1557, %add3A_1555 : vector<16xf32>
    %div3A_1559 = arith.divf %add3A_1512, %mul3A_1558 : vector<16xf32>
    %add3A_1560 = arith.addf %mul3A_1558, %div3A_1559 : vector<16xf32>
    %mul3A_1561 = arith.constant 5.000000e-01 : f32
    %mul3A_1562 = vector.broadcast %mul3A_1561 : f32 to vector<16xf32>
    %mul3A_1563 = arith.mulf %mul3A_1562, %add3A_1560 : vector<16xf32>
    %div3A_1564 = arith.divf %add3A_1512, %mul3A_1563 : vector<16xf32>
    %add3A_1565 = arith.addf %mul3A_1563, %div3A_1564 : vector<16xf32>
    %mul3A_1566 = arith.constant 5.000000e-01 : f32
    %mul3A_1567 = vector.broadcast %mul3A_1566 : f32 to vector<16xf32>
    %mul3A_1568 = arith.mulf %mul3A_1567, %add3A_1565 : vector<16xf32>
    %div3A_1569 = arith.divf %add3A_1512, %mul3A_1568 : vector<16xf32>
    %add3A_1570 = arith.addf %mul3A_1568, %div3A_1569 : vector<16xf32>
    %mul3A_1571 = arith.constant 5.000000e-01 : f32
    %mul3A_1572 = vector.broadcast %mul3A_1571 : f32 to vector<16xf32>
    %mul3A_1573 = arith.mulf %mul3A_1572, %add3A_1570 : vector<16xf32>
    %div3A_1574 = arith.divf %add3A_1512, %mul3A_1573 : vector<16xf32>
    %add3A_1575 = arith.addf %mul3A_1573, %div3A_1574 : vector<16xf32>
    %mul3A_1576 = arith.constant 5.000000e-01 : f32
    %mul3A_1577 = vector.broadcast %mul3A_1576 : f32 to vector<16xf32>
    %mul3A_1578 = arith.mulf %mul3A_1577, %add3A_1575 : vector<16xf32>
    %div3A_1579 = arith.divf %add3A_1512, %mul3A_1578 : vector<16xf32>
    %add3A_1580 = arith.addf %mul3A_1578, %div3A_1579 : vector<16xf32>
    %mul3A_1581 = arith.constant 5.000000e-01 : f32
    %mul3A_1582 = vector.broadcast %mul3A_1581 : f32 to vector<16xf32>
    %mul3A_1583 = arith.mulf %mul3A_1582, %add3A_1580 : vector<16xf32>
    %div3A_1584 = arith.divf %add3A_1512, %mul3A_1583 : vector<16xf32>
    %add3A_1585 = arith.addf %mul3A_1583, %div3A_1584 : vector<16xf32>
    %mul3A_1586 = arith.constant 5.000000e-01 : f32
    %mul3A_1587 = vector.broadcast %mul3A_1586 : f32 to vector<16xf32>
    %mul3A_1588 = arith.mulf %mul3A_1587, %add3A_1585 : vector<16xf32>
    %div3A_1589 = arith.divf %add3A_1512, %mul3A_1588 : vector<16xf32>
    %add3A_1590 = arith.addf %mul3A_1588, %div3A_1589 : vector<16xf32>
    %mul3A_1591 = arith.constant 5.000000e-01 : f32
    %mul3A_1592 = vector.broadcast %mul3A_1591 : f32 to vector<16xf32>
    %mul3A_1593 = arith.mulf %mul3A_1592, %add3A_1590 : vector<16xf32>
    %div3A_1594 = arith.divf %add3A_1512, %mul3A_1593 : vector<16xf32>
    %add3A_1595 = arith.addf %mul3A_1593, %div3A_1594 : vector<16xf32>
    %mul3A_1596 = arith.constant 5.000000e-01 : f32
    %mul3A_1597 = vector.broadcast %mul3A_1596 : f32 to vector<16xf32>
    %mul3A_1598 = arith.mulf %mul3A_1597, %add3A_1595 : vector<16xf32>
    %div3A_1599 = arith.divf %add3A_1512, %mul3A_1598 : vector<16xf32>
    %add3A_1600 = arith.addf %mul3A_1598, %div3A_1599 : vector<16xf32>
    %mul3A_1601 = arith.constant 5.000000e-01 : f32
    %mul3A_1602 = vector.broadcast %mul3A_1601 : f32 to vector<16xf32>
    %mul3A_1603 = arith.mulf %mul3A_1602, %add3A_1600 : vector<16xf32>
    %div3A_1604 = arith.divf %add3A_1512, %mul3A_1603 : vector<16xf32>
    %add3A_1605 = arith.addf %mul3A_1603, %div3A_1604 : vector<16xf32>
    %mul3A_1606 = arith.constant 5.000000e-01 : f32
    %mul3A_1607 = vector.broadcast %mul3A_1606 : f32 to vector<16xf32>
    %mul3A_1608 = arith.mulf %mul3A_1607, %add3A_1605 : vector<16xf32>
    %div3A_1609 = arith.constant 1.000000e+00 : f32
    %div3A_1610 = vector.broadcast %div3A_1609 : f32 to vector<16xf32>
    %div3A_1611 = arith.divf %div3A_1610, %mul3A_1608 : vector<16xf32>
    %swap3A_1612 = arith.constant 48 : index
    %swap3A_1613 = tpu.vector_load %arg13[%swap3A_1612] {strides = array<i32>} : memref<128xf32, #tpu.memory_space<vmem>>, vector<16xf32>,
    tpu.vector_store %arg13[%swap3A_1612], %div3A_1500 {strides = array<i32>} : memref<128xf32, #tpu.memory_space<vmem>>, vector<16xf32>,
    %swap3A_1614 = arith.constant 48 : index
    %swap3A_1615 = tpu.vector_load %arg14[%swap3A_1614] {strides = array<i32>} : memref<128xf32, #tpu.memory_space<vmem>>, vector<16xf32>,
    tpu.vector_store %arg14[%swap3A_1614], %div3A_1611 {strides = array<i32>} : memref<128xf32, #tpu.memory_space<vmem>>, vector<16xf32>,
    %mul3A_1616 = arith.mulf %get3A_1494, %div3A_1500 : vector<16xf32>
    %sub3A_1617 = arith.subf %get3A_1492, %mul3A_1616 : vector<16xf32>
    %mul3A_1618 = arith.mulf %sub3A_1617, %div3A_1611 : vector<16xf32>
    %add3A_1619 = arith.addf %add3A_1487, %mul3A_1618 : vector<16xf32>
    %mul3A_1620 = arith.mulf %add3A_1508, %div3A_1611 : vector<16xf32>
    %mul3A_1621 = arith.mulf %mul3A_1620, %div3A_1611 : vector<16xf32>
    %add3A_1622 = arith.addf %add3A_1490, %mul3A_1621 : vector<16xf32>
    %get3A_1623 = arith.constant 64 : index
    %get3A_1624 = tpu.vector_load %arg10[%get3A_1623] {strides = array<i32>} : memref<128xf32, #tpu.memory_space<vmem>>, vector<16xf32>,
    %get3A_1625 = arith.constant 64 : index
    %get3A_1626 = tpu.vector_load %arg11[%get3A_1625] {strides = array<i32>} : memref<128xf32, #tpu.memory_space<vmem>>, vector<16xf32>,
    %get3A_1627 = arith.constant 64 : index
    %get3A_1628 = tpu.vector_load %arg12[%get3A_1627] {strides = array<i32>} : memref<128xf32, #tpu.memory_space<vmem>>, vector<16xf32>,
    %add3A_1629 = arith.constant 9.99999993E-9 : f32
    %add3A_1630 = vector.broadcast %add3A_1629 : f32 to vector<16xf32>
    %add3A_1631 = arith.addf %get3A_1626, %add3A_1630 : vector<16xf32>
    %div3A_1632 = arith.divf %get3A_1624, %add3A_1631 : vector<16xf32>
    %mul3A_1633 = arith.constant 2.000000e+00 : f32
    %mul3A_1634 = vector.broadcast %mul3A_1633 : f32 to vector<16xf32>
    %mul3A_1635 = arith.mulf %mul3A_1634, %div3A_1632 : vector<16xf32>
    %mul3A_1636 = arith.mulf %mul3A_1635, %get3A_1624 : vector<16xf32>
    %sub3A_1637 = arith.subf %get3A_1628, %mul3A_1636 : vector<16xf32>
    %mul3A_1638 = arith.mulf %div3A_1632, %div3A_1632 : vector<16xf32>
    %mul3A_1639 = arith.mulf %mul3A_1638, %get3A_1626 : vector<16xf32>
    %add3A_1640 = arith.addf %sub3A_1637, %mul3A_1639 : vector<16xf32>
    %div3A_1641 = arith.divf %add3A_1640, %add3A_1631 : vector<16xf32>
    %add3A_1642 = arith.constant 9.99999993E-9 : f32
    %add3A_1643 = vector.broadcast %add3A_1642 : f32 to vector<16xf32>
    %add3A_1644 = arith.addf %div3A_1641, %add3A_1643 : vector<16xf32>
    %add3A_1645 = arith.constant 1.000000e+00 : f32
    %add3A_1646 = vector.broadcast %add3A_1645 : f32 to vector<16xf32>
    %add3A_1647 = arith.addf %add3A_1644, %add3A_1646 : vector<16xf32>
    %mul3A_1648 = arith.constant 5.000000e-01 : f32
    %mul3A_1649 = vector.broadcast %mul3A_1648 : f32 to vector<16xf32>
    %mul3A_1650 = arith.mulf %mul3A_1649, %add3A_1647 : vector<16xf32>
    %div3A_1651 = arith.divf %add3A_1644, %mul3A_1650 : vector<16xf32>
    %add3A_1652 = arith.addf %mul3A_1650, %div3A_1651 : vector<16xf32>
    %mul3A_1653 = arith.constant 5.000000e-01 : f32
    %mul3A_1654 = vector.broadcast %mul3A_1653 : f32 to vector<16xf32>
    %mul3A_1655 = arith.mulf %mul3A_1654, %add3A_1652 : vector<16xf32>
    %div3A_1656 = arith.divf %add3A_1644, %mul3A_1655 : vector<16xf32>
    %add3A_1657 = arith.addf %mul3A_1655, %div3A_1656 : vector<16xf32>
    %mul3A_1658 = arith.constant 5.000000e-01 : f32
    %mul3A_1659 = vector.broadcast %mul3A_1658 : f32 to vector<16xf32>
    %mul3A_1660 = arith.mulf %mul3A_1659, %add3A_1657 : vector<16xf32>
    %div3A_1661 = arith.divf %add3A_1644, %mul3A_1660 : vector<16xf32>
    %add3A_1662 = arith.addf %mul3A_1660, %div3A_1661 : vector<16xf32>
    %mul3A_1663 = arith.constant 5.000000e-01 : f32
    %mul3A_1664 = vector.broadcast %mul3A_1663 : f32 to vector<16xf32>
    %mul3A_1665 = arith.mulf %mul3A_1664, %add3A_1662 : vector<16xf32>
    %div3A_1666 = arith.divf %add3A_1644, %mul3A_1665 : vector<16xf32>
    %add3A_1667 = arith.addf %mul3A_1665, %div3A_1666 : vector<16xf32>
    %mul3A_1668 = arith.constant 5.000000e-01 : f32
    %mul3A_1669 = vector.broadcast %mul3A_1668 : f32 to vector<16xf32>
    %mul3A_1670 = arith.mulf %mul3A_1669, %add3A_1667 : vector<16xf32>
    %div3A_1671 = arith.divf %add3A_1644, %mul3A_1670 : vector<16xf32>
    %add3A_1672 = arith.addf %mul3A_1670, %div3A_1671 : vector<16xf32>
    %mul3A_1673 = arith.constant 5.000000e-01 : f32
    %mul3A_1674 = vector.broadcast %mul3A_1673 : f32 to vector<16xf32>
    %mul3A_1675 = arith.mulf %mul3A_1674, %add3A_1672 : vector<16xf32>
    %div3A_1676 = arith.divf %add3A_1644, %mul3A_1675 : vector<16xf32>
    %add3A_1677 = arith.addf %mul3A_1675, %div3A_1676 : vector<16xf32>
    %mul3A_1678 = arith.constant 5.000000e-01 : f32
    %mul3A_1679 = vector.broadcast %mul3A_1678 : f32 to vector<16xf32>
    %mul3A_1680 = arith.mulf %mul3A_1679, %add3A_1677 : vector<16xf32>
    %div3A_1681 = arith.divf %add3A_1644, %mul3A_1680 : vector<16xf32>
    %add3A_1682 = arith.addf %mul3A_1680, %div3A_1681 : vector<16xf32>
    %mul3A_1683 = arith.constant 5.000000e-01 : f32
    %mul3A_1684 = vector.broadcast %mul3A_1683 : f32 to vector<16xf32>
    %mul3A_1685 = arith.mulf %mul3A_1684, %add3A_1682 : vector<16xf32>
    %div3A_1686 = arith.divf %add3A_1644, %mul3A_1685 : vector<16xf32>
    %add3A_1687 = arith.addf %mul3A_1685, %div3A_1686 : vector<16xf32>
    %mul3A_1688 = arith.constant 5.000000e-01 : f32
    %mul3A_1689 = vector.broadcast %mul3A_1688 : f32 to vector<16xf32>
    %mul3A_1690 = arith.mulf %mul3A_1689, %add3A_1687 : vector<16xf32>
    %div3A_1691 = arith.divf %add3A_1644, %mul3A_1690 : vector<16xf32>
    %add3A_1692 = arith.addf %mul3A_1690, %div3A_1691 : vector<16xf32>
    %mul3A_1693 = arith.constant 5.000000e-01 : f32
    %mul3A_1694 = vector.broadcast %mul3A_1693 : f32 to vector<16xf32>
    %mul3A_1695 = arith.mulf %mul3A_1694, %add3A_1692 : vector<16xf32>
    %div3A_1696 = arith.divf %add3A_1644, %mul3A_1695 : vector<16xf32>
    %add3A_1697 = arith.addf %mul3A_1695, %div3A_1696 : vector<16xf32>
    %mul3A_1698 = arith.constant 5.000000e-01 : f32
    %mul3A_1699 = vector.broadcast %mul3A_1698 : f32 to vector<16xf32>
    %mul3A_1700 = arith.mulf %mul3A_1699, %add3A_1697 : vector<16xf32>
    %div3A_1701 = arith.divf %add3A_1644, %mul3A_1700 : vector<16xf32>
    %add3A_1702 = arith.addf %mul3A_1700, %div3A_1701 : vector<16xf32>
    %mul3A_1703 = arith.constant 5.000000e-01 : f32
    %mul3A_1704 = vector.broadcast %mul3A_1703 : f32 to vector<16xf32>
    %mul3A_1705 = arith.mulf %mul3A_1704, %add3A_1702 : vector<16xf32>
    %div3A_1706 = arith.divf %add3A_1644, %mul3A_1705 : vector<16xf32>
    %add3A_1707 = arith.addf %mul3A_1705, %div3A_1706 : vector<16xf32>
    %mul3A_1708 = arith.constant 5.000000e-01 : f32
    %mul3A_1709 = vector.broadcast %mul3A_1708 : f32 to vector<16xf32>
    %mul3A_1710 = arith.mulf %mul3A_1709, %add3A_1707 : vector<16xf32>
    %div3A_1711 = arith.divf %add3A_1644, %mul3A_1710 : vector<16xf32>
    %add3A_1712 = arith.addf %mul3A_1710, %div3A_1711 : vector<16xf32>
    %mul3A_1713 = arith.constant 5.000000e-01 : f32
    %mul3A_1714 = vector.broadcast %mul3A_1713 : f32 to vector<16xf32>
    %mul3A_1715 = arith.mulf %mul3A_1714, %add3A_1712 : vector<16xf32>
    %div3A_1716 = arith.divf %add3A_1644, %mul3A_1715 : vector<16xf32>
    %add3A_1717 = arith.addf %mul3A_1715, %div3A_1716 : vector<16xf32>
    %mul3A_1718 = arith.constant 5.000000e-01 : f32
    %mul3A_1719 = vector.broadcast %mul3A_1718 : f32 to vector<16xf32>
    %mul3A_1720 = arith.mulf %mul3A_1719, %add3A_1717 : vector<16xf32>
    %div3A_1721 = arith.divf %add3A_1644, %mul3A_1720 : vector<16xf32>
    %add3A_1722 = arith.addf %mul3A_1720, %div3A_1721 : vector<16xf32>
    %mul3A_1723 = arith.constant 5.000000e-01 : f32
    %mul3A_1724 = vector.broadcast %mul3A_1723 : f32 to vector<16xf32>
    %mul3A_1725 = arith.mulf %mul3A_1724, %add3A_1722 : vector<16xf32>
    %div3A_1726 = arith.divf %add3A_1644, %mul3A_1725 : vector<16xf32>
    %add3A_1727 = arith.addf %mul3A_1725, %div3A_1726 : vector<16xf32>
    %mul3A_1728 = arith.constant 5.000000e-01 : f32
    %mul3A_1729 = vector.broadcast %mul3A_1728 : f32 to vector<16xf32>
    %mul3A_1730 = arith.mulf %mul3A_1729, %add3A_1727 : vector<16xf32>
    %div3A_1731 = arith.divf %add3A_1644, %mul3A_1730 : vector<16xf32>
    %add3A_1732 = arith.addf %mul3A_1730, %div3A_1731 : vector<16xf32>
    %mul3A_1733 = arith.constant 5.000000e-01 : f32
    %mul3A_1734 = vector.broadcast %mul3A_1733 : f32 to vector<16xf32>
    %mul3A_1735 = arith.mulf %mul3A_1734, %add3A_1732 : vector<16xf32>
    %div3A_1736 = arith.divf %add3A_1644, %mul3A_1735 : vector<16xf32>
    %add3A_1737 = arith.addf %mul3A_1735, %div3A_1736 : vector<16xf32>
    %mul3A_1738 = arith.constant 5.000000e-01 : f32
    %mul3A_1739 = vector.broadcast %mul3A_1738 : f32 to vector<16xf32>
    %mul3A_1740 = arith.mulf %mul3A_1739, %add3A_1737 : vector<16xf32>
    %div3A_1741 = arith.constant 1.000000e+00 : f32
    %div3A_1742 = vector.broadcast %div3A_1741 : f32 to vector<16xf32>
    %div3A_1743 = arith.divf %div3A_1742, %mul3A_1740 : vector<16xf32>
    %swap3A_1744 = arith.constant 64 : index
    %swap3A_1745 = tpu.vector_load %arg13[%swap3A_1744] {strides = array<i32>} : memref<128xf32, #tpu.memory_space<vmem>>, vector<16xf32>,
    tpu.vector_store %arg13[%swap3A_1744], %div3A_1632 {strides = array<i32>} : memref<128xf32, #tpu.memory_space<vmem>>, vector<16xf32>,
    %swap3A_1746 = arith.constant 64 : index
    %swap3A_1747 = tpu.vector_load %arg14[%swap3A_1746] {strides = array<i32>} : memref<128xf32, #tpu.memory_space<vmem>>, vector<16xf32>,
    tpu.vector_store %arg14[%swap3A_1746], %div3A_1743 {strides = array<i32>} : memref<128xf32, #tpu.memory_space<vmem>>, vector<16xf32>,
    %mul3A_1748 = arith.mulf %get3A_1626, %div3A_1632 : vector<16xf32>
    %sub3A_1749 = arith.subf %get3A_1624, %mul3A_1748 : vector<16xf32>
    %mul3A_1750 = arith.mulf %sub3A_1749, %div3A_1743 : vector<16xf32>
    %add3A_1751 = arith.addf %add3A_1619, %mul3A_1750 : vector<16xf32>
    %mul3A_1752 = arith.mulf %add3A_1640, %div3A_1743 : vector<16xf32>
    %mul3A_1753 = arith.mulf %mul3A_1752, %div3A_1743 : vector<16xf32>
    %add3A_1754 = arith.addf %add3A_1622, %mul3A_1753 : vector<16xf32>
    %get3A_1755 = arith.constant 80 : index
    %get3A_1756 = tpu.vector_load %arg10[%get3A_1755] {strides = array<i32>} : memref<128xf32, #tpu.memory_space<vmem>>, vector<16xf32>,
    %get3A_1757 = arith.constant 80 : index
    %get3A_1758 = tpu.vector_load %arg11[%get3A_1757] {strides = array<i32>} : memref<128xf32, #tpu.memory_space<vmem>>, vector<16xf32>,
    %get3A_1759 = arith.constant 80 : index
    %get3A_1760 = tpu.vector_load %arg12[%get3A_1759] {strides = array<i32>} : memref<128xf32, #tpu.memory_space<vmem>>, vector<16xf32>,
    %add3A_1761 = arith.constant 9.99999993E-9 : f32
    %add3A_1762 = vector.broadcast %add3A_1761 : f32 to vector<16xf32>
    %add3A_1763 = arith.addf %get3A_1758, %add3A_1762 : vector<16xf32>
    %div3A_1764 = arith.divf %get3A_1756, %add3A_1763 : vector<16xf32>
    %mul3A_1765 = arith.constant 2.000000e+00 : f32
    %mul3A_1766 = vector.broadcast %mul3A_1765 : f32 to vector<16xf32>
    %mul3A_1767 = arith.mulf %mul3A_1766, %div3A_1764 : vector<16xf32>
    %mul3A_1768 = arith.mulf %mul3A_1767, %get3A_1756 : vector<16xf32>
    %sub3A_1769 = arith.subf %get3A_1760, %mul3A_1768 : vector<16xf32>
    %mul3A_1770 = arith.mulf %div3A_1764, %div3A_1764 : vector<16xf32>
    %mul3A_1771 = arith.mulf %mul3A_1770, %get3A_1758 : vector<16xf32>
    %add3A_1772 = arith.addf %sub3A_1769, %mul3A_1771 : vector<16xf32>
    %div3A_1773 = arith.divf %add3A_1772, %add3A_1763 : vector<16xf32>
    %add3A_1774 = arith.constant 9.99999993E-9 : f32
    %add3A_1775 = vector.broadcast %add3A_1774 : f32 to vector<16xf32>
    %add3A_1776 = arith.addf %div3A_1773, %add3A_1775 : vector<16xf32>
    %add3A_1777 = arith.constant 1.000000e+00 : f32
    %add3A_1778 = vector.broadcast %add3A_1777 : f32 to vector<16xf32>
    %add3A_1779 = arith.addf %add3A_1776, %add3A_1778 : vector<16xf32>
    %mul3A_1780 = arith.constant 5.000000e-01 : f32
    %mul3A_1781 = vector.broadcast %mul3A_1780 : f32 to vector<16xf32>
    %mul3A_1782 = arith.mulf %mul3A_1781, %add3A_1779 : vector<16xf32>
    %div3A_1783 = arith.divf %add3A_1776, %mul3A_1782 : vector<16xf32>
    %add3A_1784 = arith.addf %mul3A_1782, %div3A_1783 : vector<16xf32>
    %mul3A_1785 = arith.constant 5.000000e-01 : f32
    %mul3A_1786 = vector.broadcast %mul3A_1785 : f32 to vector<16xf32>
    %mul3A_1787 = arith.mulf %mul3A_1786, %add3A_1784 : vector<16xf32>
    %div3A_1788 = arith.divf %add3A_1776, %mul3A_1787 : vector<16xf32>
    %add3A_1789 = arith.addf %mul3A_1787, %div3A_1788 : vector<16xf32>
    %mul3A_1790 = arith.constant 5.000000e-01 : f32
    %mul3A_1791 = vector.broadcast %mul3A_1790 : f32 to vector<16xf32>
    %mul3A_1792 = arith.mulf %mul3A_1791, %add3A_1789 : vector<16xf32>
    %div3A_1793 = arith.divf %add3A_1776, %mul3A_1792 : vector<16xf32>
    %add3A_1794 = arith.addf %mul3A_1792, %div3A_1793 : vector<16xf32>
    %mul3A_1795 = arith.constant 5.000000e-01 : f32
    %mul3A_1796 = vector.broadcast %mul3A_1795 : f32 to vector<16xf32>
    %mul3A_1797 = arith.mulf %mul3A_1796, %add3A_1794 : vector<16xf32>
    %div3A_1798 = arith.divf %add3A_1776, %mul3A_1797 : vector<16xf32>
    %add3A_1799 = arith.addf %mul3A_1797, %div3A_1798 : vector<16xf32>
    %mul3A_1800 = arith.constant 5.000000e-01 : f32
    %mul3A_1801 = vector.broadcast %mul3A_1800 : f32 to vector<16xf32>
    %mul3A_1802 = arith.mulf %mul3A_1801, %add3A_1799 : vector<16xf32>
    %div3A_1803 = arith.divf %add3A_1776, %mul3A_1802 : vector<16xf32>
    %add3A_1804 = arith.addf %mul3A_1802, %div3A_1803 : vector<16xf32>
    %mul3A_1805 = arith.constant 5.000000e-01 : f32
    %mul3A_1806 = vector.broadcast %mul3A_1805 : f32 to vector<16xf32>
    %mul3A_1807 = arith.mulf %mul3A_1806, %add3A_1804 : vector<16xf32>
    %div3A_1808 = arith.divf %add3A_1776, %mul3A_1807 : vector<16xf32>
    %add3A_1809 = arith.addf %mul3A_1807, %div3A_1808 : vector<16xf32>
    %mul3A_1810 = arith.constant 5.000000e-01 : f32
    %mul3A_1811 = vector.broadcast %mul3A_1810 : f32 to vector<16xf32>
    %mul3A_1812 = arith.mulf %mul3A_1811, %add3A_1809 : vector<16xf32>
    %div3A_1813 = arith.divf %add3A_1776, %mul3A_1812 : vector<16xf32>
    %add3A_1814 = arith.addf %mul3A_1812, %div3A_1813 : vector<16xf32>
    %mul3A_1815 = arith.constant 5.000000e-01 : f32
    %mul3A_1816 = vector.broadcast %mul3A_1815 : f32 to vector<16xf32>
    %mul3A_1817 = arith.mulf %mul3A_1816, %add3A_1814 : vector<16xf32>
    %div3A_1818 = arith.divf %add3A_1776, %mul3A_1817 : vector<16xf32>
    %add3A_1819 = arith.addf %mul3A_1817, %div3A_1818 : vector<16xf32>
    %mul3A_1820 = arith.constant 5.000000e-01 : f32
    %mul3A_1821 = vector.broadcast %mul3A_1820 : f32 to vector<16xf32>
    %mul3A_1822 = arith.mulf %mul3A_1821, %add3A_1819 : vector<16xf32>
    %div3A_1823 = arith.divf %add3A_1776, %mul3A_1822 : vector<16xf32>
    %add3A_1824 = arith.addf %mul3A_1822, %div3A_1823 : vector<16xf32>
    %mul3A_1825 = arith.constant 5.000000e-01 : f32
    %mul3A_1826 = vector.broadcast %mul3A_1825 : f32 to vector<16xf32>
    %mul3A_1827 = arith.mulf %mul3A_1826, %add3A_1824 : vector<16xf32>
    %div3A_1828 = arith.divf %add3A_1776, %mul3A_1827 : vector<16xf32>
    %add3A_1829 = arith.addf %mul3A_1827, %div3A_1828 : vector<16xf32>
    %mul3A_1830 = arith.constant 5.000000e-01 : f32
    %mul3A_1831 = vector.broadcast %mul3A_1830 : f32 to vector<16xf32>
    %mul3A_1832 = arith.mulf %mul3A_1831, %add3A_1829 : vector<16xf32>
    %div3A_1833 = arith.divf %add3A_1776, %mul3A_1832 : vector<16xf32>
    %add3A_1834 = arith.addf %mul3A_1832, %div3A_1833 : vector<16xf32>
    %mul3A_1835 = arith.constant 5.000000e-01 : f32
    %mul3A_1836 = vector.broadcast %mul3A_1835 : f32 to vector<16xf32>
    %mul3A_1837 = arith.mulf %mul3A_1836, %add3A_1834 : vector<16xf32>
    %div3A_1838 = arith.divf %add3A_1776, %mul3A_1837 : vector<16xf32>
    %add3A_1839 = arith.addf %mul3A_1837, %div3A_1838 : vector<16xf32>
    %mul3A_1840 = arith.constant 5.000000e-01 : f32
    %mul3A_1841 = vector.broadcast %mul3A_1840 : f32 to vector<16xf32>
    %mul3A_1842 = arith.mulf %mul3A_1841, %add3A_1839 : vector<16xf32>
    %div3A_1843 = arith.divf %add3A_1776, %mul3A_1842 : vector<16xf32>
    %add3A_1844 = arith.addf %mul3A_1842, %div3A_1843 : vector<16xf32>
    %mul3A_1845 = arith.constant 5.000000e-01 : f32
    %mul3A_1846 = vector.broadcast %mul3A_1845 : f32 to vector<16xf32>
    %mul3A_1847 = arith.mulf %mul3A_1846, %add3A_1844 : vector<16xf32>
    %div3A_1848 = arith.divf %add3A_1776, %mul3A_1847 : vector<16xf32>
    %add3A_1849 = arith.addf %mul3A_1847, %div3A_1848 : vector<16xf32>
    %mul3A_1850 = arith.constant 5.000000e-01 : f32
    %mul3A_1851 = vector.broadcast %mul3A_1850 : f32 to vector<16xf32>
    %mul3A_1852 = arith.mulf %mul3A_1851, %add3A_1849 : vector<16xf32>
    %div3A_1853 = arith.divf %add3A_1776, %mul3A_1852 : vector<16xf32>
    %add3A_1854 = arith.addf %mul3A_1852, %div3A_1853 : vector<16xf32>
    %mul3A_1855 = arith.constant 5.000000e-01 : f32
    %mul3A_1856 = vector.broadcast %mul3A_1855 : f32 to vector<16xf32>
    %mul3A_1857 = arith.mulf %mul3A_1856, %add3A_1854 : vector<16xf32>
    %div3A_1858 = arith.divf %add3A_1776, %mul3A_1857 : vector<16xf32>
    %add3A_1859 = arith.addf %mul3A_1857, %div3A_1858 : vector<16xf32>
    %mul3A_1860 = arith.constant 5.000000e-01 : f32
    %mul3A_1861 = vector.broadcast %mul3A_1860 : f32 to vector<16xf32>
    %mul3A_1862 = arith.mulf %mul3A_1861, %add3A_1859 : vector<16xf32>
    %div3A_1863 = arith.divf %add3A_1776, %mul3A_1862 : vector<16xf32>
    %add3A_1864 = arith.addf %mul3A_1862, %div3A_1863 : vector<16xf32>
    %mul3A_1865 = arith.constant 5.000000e-01 : f32
    %mul3A_1866 = vector.broadcast %mul3A_1865 : f32 to vector<16xf32>
    %mul3A_1867 = arith.mulf %mul3A_1866, %add3A_1864 : vector<16xf32>
    %div3A_1868 = arith.divf %add3A_1776, %mul3A_1867 : vector<16xf32>
    %add3A_1869 = arith.addf %mul3A_1867, %div3A_1868 : vector<16xf32>
    %mul3A_1870 = arith.constant 5.000000e-01 : f32
    %mul3A_1871 = vector.broadcast %mul3A_1870 : f32 to vector<16xf32>
    %mul3A_1872 = arith.mulf %mul3A_1871, %add3A_1869 : vector<16xf32>
    %div3A_1873 = arith.constant 1.000000e+00 : f32
    %div3A_1874 = vector.broadcast %div3A_1873 : f32 to vector<16xf32>
    %div3A_1875 = arith.divf %div3A_1874, %mul3A_1872 : vector<16xf32>
    %swap3A_1876 = arith.constant 80 : index
    %swap3A_1877 = tpu.vector_load %arg13[%swap3A_1876] {strides = array<i32>} : memref<128xf32, #tpu.memory_space<vmem>>, vector<16xf32>,
    tpu.vector_store %arg13[%swap3A_1876], %div3A_1764 {strides = array<i32>} : memref<128xf32, #tpu.memory_space<vmem>>, vector<16xf32>,
    %swap3A_1878 = arith.constant 80 : index
    %swap3A_1879 = tpu.vector_load %arg14[%swap3A_1878] {strides = array<i32>} : memref<128xf32, #tpu.memory_space<vmem>>, vector<16xf32>,
    tpu.vector_store %arg14[%swap3A_1878], %div3A_1875 {strides = array<i32>} : memref<128xf32, #tpu.memory_space<vmem>>, vector<16xf32>,
    %mul3A_1880 = arith.mulf %get3A_1758, %div3A_1764 : vector<16xf32>
    %sub3A_1881 = arith.subf %get3A_1756, %mul3A_1880 : vector<16xf32>
    %mul3A_1882 = arith.mulf %sub3A_1881, %div3A_1875 : vector<16xf32>
    %add3A_1883 = arith.addf %add3A_1751, %mul3A_1882 : vector<16xf32>
    %mul3A_1884 = arith.mulf %add3A_1772, %div3A_1875 : vector<16xf32>
    %mul3A_1885 = arith.mulf %mul3A_1884, %div3A_1875 : vector<16xf32>
    %add3A_1886 = arith.addf %add3A_1754, %mul3A_1885 : vector<16xf32>
    %get3A_1887 = arith.constant 96 : index
    %get3A_1888 = tpu.vector_load %arg10[%get3A_1887] {strides = array<i32>} : memref<128xf32, #tpu.memory_space<vmem>>, vector<16xf32>,
    %get3A_1889 = arith.constant 96 : index
    %get3A_1890 = tpu.vector_load %arg11[%get3A_1889] {strides = array<i32>} : memref<128xf32, #tpu.memory_space<vmem>>, vector<16xf32>,
    %get3A_1891 = arith.constant 96 : index
    %get3A_1892 = tpu.vector_load %arg12[%get3A_1891] {strides = array<i32>} : memref<128xf32, #tpu.memory_space<vmem>>, vector<16xf32>,
    %add3A_1893 = arith.constant 9.99999993E-9 : f32
    %add3A_1894 = vector.broadcast %add3A_1893 : f32 to vector<16xf32>
    %add3A_1895 = arith.addf %get3A_1890, %add3A_1894 : vector<16xf32>
    %div3A_1896 = arith.divf %get3A_1888, %add3A_1895 : vector<16xf32>
    %mul3A_1897 = arith.constant 2.000000e+00 : f32
    %mul3A_1898 = vector.broadcast %mul3A_1897 : f32 to vector<16xf32>
    %mul3A_1899 = arith.mulf %mul3A_1898, %div3A_1896 : vector<16xf32>
    %mul3A_1900 = arith.mulf %mul3A_1899, %get3A_1888 : vector<16xf32>
    %sub3A_1901 = arith.subf %get3A_1892, %mul3A_1900 : vector<16xf32>
    %mul3A_1902 = arith.mulf %div3A_1896, %div3A_1896 : vector<16xf32>
    %mul3A_1903 = arith.mulf %mul3A_1902, %get3A_1890 : vector<16xf32>
    %add3A_1904 = arith.addf %sub3A_1901, %mul3A_1903 : vector<16xf32>
    %div3A_1905 = arith.divf %add3A_1904, %add3A_1895 : vector<16xf32>
    %add3A_1906 = arith.constant 9.99999993E-9 : f32
    %add3A_1907 = vector.broadcast %add3A_1906 : f32 to vector<16xf32>
    %add3A_1908 = arith.addf %div3A_1905, %add3A_1907 : vector<16xf32>
    %add3A_1909 = arith.constant 1.000000e+00 : f32
    %add3A_1910 = vector.broadcast %add3A_1909 : f32 to vector<16xf32>
    %add3A_1911 = arith.addf %add3A_1908, %add3A_1910 : vector<16xf32>
    %mul3A_1912 = arith.constant 5.000000e-01 : f32
    %mul3A_1913 = vector.broadcast %mul3A_1912 : f32 to vector<16xf32>
    %mul3A_1914 = arith.mulf %mul3A_1913, %add3A_1911 : vector<16xf32>
    %div3A_1915 = arith.divf %add3A_1908, %mul3A_1914 : vector<16xf32>
    %add3A_1916 = arith.addf %mul3A_1914, %div3A_1915 : vector<16xf32>
    %mul3A_1917 = arith.constant 5.000000e-01 : f32
    %mul3A_1918 = vector.broadcast %mul3A_1917 : f32 to vector<16xf32>
    %mul3A_1919 = arith.mulf %mul3A_1918, %add3A_1916 : vector<16xf32>
    %div3A_1920 = arith.divf %add3A_1908, %mul3A_1919 : vector<16xf32>
    %add3A_1921 = arith.addf %mul3A_1919, %div3A_1920 : vector<16xf32>
    %mul3A_1922 = arith.constant 5.000000e-01 : f32
    %mul3A_1923 = vector.broadcast %mul3A_1922 : f32 to vector<16xf32>
    %mul3A_1924 = arith.mulf %mul3A_1923, %add3A_1921 : vector<16xf32>
    %div3A_1925 = arith.divf %add3A_1908, %mul3A_1924 : vector<16xf32>
    %add3A_1926 = arith.addf %mul3A_1924, %div3A_1925 : vector<16xf32>
    %mul3A_1927 = arith.constant 5.000000e-01 : f32
    %mul3A_1928 = vector.broadcast %mul3A_1927 : f32 to vector<16xf32>
    %mul3A_1929 = arith.mulf %mul3A_1928, %add3A_1926 : vector<16xf32>
    %div3A_1930 = arith.divf %add3A_1908, %mul3A_1929 : vector<16xf32>
    %add3A_1931 = arith.addf %mul3A_1929, %div3A_1930 : vector<16xf32>
    %mul3A_1932 = arith.constant 5.000000e-01 : f32
    %mul3A_1933 = vector.broadcast %mul3A_1932 : f32 to vector<16xf32>
    %mul3A_1934 = arith.mulf %mul3A_1933, %add3A_1931 : vector<16xf32>
    %div3A_1935 = arith.divf %add3A_1908, %mul3A_1934 : vector<16xf32>
    %add3A_1936 = arith.addf %mul3A_1934, %div3A_1935 : vector<16xf32>
    %mul3A_1937 = arith.constant 5.000000e-01 : f32
    %mul3A_1938 = vector.broadcast %mul3A_1937 : f32 to vector<16xf32>
    %mul3A_1939 = arith.mulf %mul3A_1938, %add3A_1936 : vector<16xf32>
    %div3A_1940 = arith.divf %add3A_1908, %mul3A_1939 : vector<16xf32>
    %add3A_1941 = arith.addf %mul3A_1939, %div3A_1940 : vector<16xf32>
    %mul3A_1942 = arith.constant 5.000000e-01 : f32
    %mul3A_1943 = vector.broadcast %mul3A_1942 : f32 to vector<16xf32>
    %mul3A_1944 = arith.mulf %mul3A_1943, %add3A_1941 : vector<16xf32>
    %div3A_1945 = arith.divf %add3A_1908, %mul3A_1944 : vector<16xf32>
    %add3A_1946 = arith.addf %mul3A_1944, %div3A_1945 : vector<16xf32>
    %mul3A_1947 = arith.constant 5.000000e-01 : f32
    %mul3A_1948 = vector.broadcast %mul3A_1947 : f32 to vector<16xf32>
    %mul3A_1949 = arith.mulf %mul3A_1948, %add3A_1946 : vector<16xf32>
    %div3A_1950 = arith.divf %add3A_1908, %mul3A_1949 : vector<16xf32>
    %add3A_1951 = arith.addf %mul3A_1949, %div3A_1950 : vector<16xf32>
    %mul3A_1952 = arith.constant 5.000000e-01 : f32
    %mul3A_1953 = vector.broadcast %mul3A_1952 : f32 to vector<16xf32>
    %mul3A_1954 = arith.mulf %mul3A_1953, %add3A_1951 : vector<16xf32>
    %div3A_1955 = arith.divf %add3A_1908, %mul3A_1954 : vector<16xf32>
    %add3A_1956 = arith.addf %mul3A_1954, %div3A_1955 : vector<16xf32>
    %mul3A_1957 = arith.constant 5.000000e-01 : f32
    %mul3A_1958 = vector.broadcast %mul3A_1957 : f32 to vector<16xf32>
    %mul3A_1959 = arith.mulf %mul3A_1958, %add3A_1956 : vector<16xf32>
    %div3A_1960 = arith.divf %add3A_1908, %mul3A_1959 : vector<16xf32>
    %add3A_1961 = arith.addf %mul3A_1959, %div3A_1960 : vector<16xf32>
    %mul3A_1962 = arith.constant 5.000000e-01 : f32
    %mul3A_1963 = vector.broadcast %mul3A_1962 : f32 to vector<16xf32>
    %mul3A_1964 = arith.mulf %mul3A_1963, %add3A_1961 : vector<16xf32>
    %div3A_1965 = arith.divf %add3A_1908, %mul3A_1964 : vector<16xf32>
    %add3A_1966 = arith.addf %mul3A_1964, %div3A_1965 : vector<16xf32>
    %mul3A_1967 = arith.constant 5.000000e-01 : f32
    %mul3A_1968 = vector.broadcast %mul3A_1967 : f32 to vector<16xf32>
    %mul3A_1969 = arith.mulf %mul3A_1968, %add3A_1966 : vector<16xf32>
    %div3A_1970 = arith.divf %add3A_1908, %mul3A_1969 : vector<16xf32>
    %add3A_1971 = arith.addf %mul3A_1969, %div3A_1970 : vector<16xf32>
    %mul3A_1972 = arith.constant 5.000000e-01 : f32
    %mul3A_1973 = vector.broadcast %mul3A_1972 : f32 to vector<16xf32>
    %mul3A_1974 = arith.mulf %mul3A_1973, %add3A_1971 : vector<16xf32>
    %div3A_1975 = arith.divf %add3A_1908, %mul3A_1974 : vector<16xf32>
    %add3A_1976 = arith.addf %mul3A_1974, %div3A_1975 : vector<16xf32>
    %mul3A_1977 = arith.constant 5.000000e-01 : f32
    %mul3A_1978 = vector.broadcast %mul3A_1977 : f32 to vector<16xf32>
    %mul3A_1979 = arith.mulf %mul3A_1978, %add3A_1976 : vector<16xf32>
    %div3A_1980 = arith.divf %add3A_1908, %mul3A_1979 : vector<16xf32>
    %add3A_1981 = arith.addf %mul3A_1979, %div3A_1980 : vector<16xf32>
    %mul3A_1982 = arith.constant 5.000000e-01 : f32
    %mul3A_1983 = vector.broadcast %mul3A_1982 : f32 to vector<16xf32>
    %mul3A_1984 = arith.mulf %mul3A_1983, %add3A_1981 : vector<16xf32>
    %div3A_1985 = arith.divf %add3A_1908, %mul3A_1984 : vector<16xf32>
    %add3A_1986 = arith.addf %mul3A_1984, %div3A_1985 : vector<16xf32>
    %mul3A_1987 = arith.constant 5.000000e-01 : f32
    %mul3A_1988 = vector.broadcast %mul3A_1987 : f32 to vector<16xf32>
    %mul3A_1989 = arith.mulf %mul3A_1988, %add3A_1986 : vector<16xf32>
    %div3A_1990 = arith.divf %add3A_1908, %mul3A_1989 : vector<16xf32>
    %add3A_1991 = arith.addf %mul3A_1989, %div3A_1990 : vector<16xf32>
    %mul3A_1992 = arith.constant 5.000000e-01 : f32
    %mul3A_1993 = vector.broadcast %mul3A_1992 : f32 to vector<16xf32>
    %mul3A_1994 = arith.mulf %mul3A_1993, %add3A_1991 : vector<16xf32>
    %div3A_1995 = arith.divf %add3A_1908, %mul3A_1994 : vector<16xf32>
    %add3A_1996 = arith.addf %mul3A_1994, %div3A_1995 : vector<16xf32>
    %mul3A_1997 = arith.constant 5.000000e-01 : f32
    %mul3A_1998 = vector.broadcast %mul3A_1997 : f32 to vector<16xf32>
    %mul3A_1999 = arith.mulf %mul3A_1998, %add3A_1996 : vector<16xf32>
    %div3A_2000 = arith.divf %add3A_1908, %mul3A_1999 : vector<16xf32>
    %add3A_2001 = arith.addf %mul3A_1999, %div3A_2000 : vector<16xf32>
    %mul3A_2002 = arith.constant 5.000000e-01 : f32
    %mul3A_2003 = vector.broadcast %mul3A_2002 : f32 to vector<16xf32>
    %mul3A_2004 = arith.mulf %mul3A_2003, %add3A_2001 : vector<16xf32>
    %div3A_2005 = arith.constant 1.000000e+00 : f32
    %div3A_2006 = vector.broadcast %div3A_2005 : f32 to vector<16xf32>
    %div3A_2007 = arith.divf %div3A_2006, %mul3A_2004 : vector<16xf32>
    %swap3A_2008 = arith.constant 96 : index
    %swap3A_2009 = tpu.vector_load %arg13[%swap3A_2008] {strides = array<i32>} : memref<128xf32, #tpu.memory_space<vmem>>, vector<16xf32>,
    tpu.vector_store %arg13[%swap3A_2008], %div3A_1896 {strides = array<i32>} : memref<128xf32, #tpu.memory_space<vmem>>, vector<16xf32>,
    %swap3A_2010 = arith.constant 96 : index
    %swap3A_2011 = tpu.vector_load %arg14[%swap3A_2010] {strides = array<i32>} : memref<128xf32, #tpu.memory_space<vmem>>, vector<16xf32>,
    tpu.vector_store %arg14[%swap3A_2010], %div3A_2007 {strides = array<i32>} : memref<128xf32, #tpu.memory_space<vmem>>, vector<16xf32>,
    %mul3A_2012 = arith.mulf %get3A_1890, %div3A_1896 : vector<16xf32>
    %sub3A_2013 = arith.subf %get3A_1888, %mul3A_2012 : vector<16xf32>
    %mul3A_2014 = arith.mulf %sub3A_2013, %div3A_2007 : vector<16xf32>
    %add3A_2015 = arith.addf %add3A_1883, %mul3A_2014 : vector<16xf32>
    %mul3A_2016 = arith.mulf %add3A_1904, %div3A_2007 : vector<16xf32>
    %mul3A_2017 = arith.mulf %mul3A_2016, %div3A_2007 : vector<16xf32>
    %add3A_2018 = arith.addf %add3A_1886, %mul3A_2017 : vector<16xf32>
    %get3A_2019 = arith.constant 112 : index
    %get3A_2020 = tpu.vector_load %arg10[%get3A_2019] {strides = array<i32>} : memref<128xf32, #tpu.memory_space<vmem>>, vector<16xf32>,
    %get3A_2021 = arith.constant 112 : index
    %get3A_2022 = tpu.vector_load %arg11[%get3A_2021] {strides = array<i32>} : memref<128xf32, #tpu.memory_space<vmem>>, vector<16xf32>,
    %get3A_2023 = arith.constant 112 : index
    %get3A_2024 = tpu.vector_load %arg12[%get3A_2023] {strides = array<i32>} : memref<128xf32, #tpu.memory_space<vmem>>, vector<16xf32>,
    %add3A_2025 = arith.constant 9.99999993E-9 : f32
    %add3A_2026 = vector.broadcast %add3A_2025 : f32 to vector<16xf32>
    %add3A_2027 = arith.addf %get3A_2022, %add3A_2026 : vector<16xf32>
    %div3A_2028 = arith.divf %get3A_2020, %add3A_2027 : vector<16xf32>
    %mul3A_2029 = arith.constant 2.000000e+00 : f32
    %mul3A_2030 = vector.broadcast %mul3A_2029 : f32 to vector<16xf32>
    %mul3A_2031 = arith.mulf %mul3A_2030, %div3A_2028 : vector<16xf32>
    %mul3A_2032 = arith.mulf %mul3A_2031, %get3A_2020 : vector<16xf32>
    %sub3A_2033 = arith.subf %get3A_2024, %mul3A_2032 : vector<16xf32>
    %mul3A_2034 = arith.mulf %div3A_2028, %div3A_2028 : vector<16xf32>
    %mul3A_2035 = arith.mulf %mul3A_2034, %get3A_2022 : vector<16xf32>
    %add3A_2036 = arith.addf %sub3A_2033, %mul3A_2035 : vector<16xf32>
    %div3A_2037 = arith.divf %add3A_2036, %add3A_2027 : vector<16xf32>
    %add3A_2038 = arith.constant 9.99999993E-9 : f32
    %add3A_2039 = vector.broadcast %add3A_2038 : f32 to vector<16xf32>
    %add3A_2040 = arith.addf %div3A_2037, %add3A_2039 : vector<16xf32>
    %add3A_2041 = arith.constant 1.000000e+00 : f32
    %add3A_2042 = vector.broadcast %add3A_2041 : f32 to vector<16xf32>
    %add3A_2043 = arith.addf %add3A_2040, %add3A_2042 : vector<16xf32>
    %mul3A_2044 = arith.constant 5.000000e-01 : f32
    %mul3A_2045 = vector.broadcast %mul3A_2044 : f32 to vector<16xf32>
    %mul3A_2046 = arith.mulf %mul3A_2045, %add3A_2043 : vector<16xf32>
    %div3A_2047 = arith.divf %add3A_2040, %mul3A_2046 : vector<16xf32>
    %add3A_2048 = arith.addf %mul3A_2046, %div3A_2047 : vector<16xf32>
    %mul3A_2049 = arith.constant 5.000000e-01 : f32
    %mul3A_2050 = vector.broadcast %mul3A_2049 : f32 to vector<16xf32>
    %mul3A_2051 = arith.mulf %mul3A_2050, %add3A_2048 : vector<16xf32>
    %div3A_2052 = arith.divf %add3A_2040, %mul3A_2051 : vector<16xf32>
    %add3A_2053 = arith.addf %mul3A_2051, %div3A_2052 : vector<16xf32>
    %mul3A_2054 = arith.constant 5.000000e-01 : f32
    %mul3A_2055 = vector.broadcast %mul3A_2054 : f32 to vector<16xf32>
    %mul3A_2056 = arith.mulf %mul3A_2055, %add3A_2053 : vector<16xf32>
    %div3A_2057 = arith.divf %add3A_2040, %mul3A_2056 : vector<16xf32>
    %add3A_2058 = arith.addf %mul3A_2056, %div3A_2057 : vector<16xf32>
    %mul3A_2059 = arith.constant 5.000000e-01 : f32
    %mul3A_2060 = vector.broadcast %mul3A_2059 : f32 to vector<16xf32>
    %mul3A_2061 = arith.mulf %mul3A_2060, %add3A_2058 : vector<16xf32>
    %div3A_2062 = arith.divf %add3A_2040, %mul3A_2061 : vector<16xf32>
    %add3A_2063 = arith.addf %mul3A_2061, %div3A_2062 : vector<16xf32>
    %mul3A_2064 = arith.constant 5.000000e-01 : f32
    %mul3A_2065 = vector.broadcast %mul3A_2064 : f32 to vector<16xf32>
    %mul3A_2066 = arith.mulf %mul3A_2065, %add3A_2063 : vector<16xf32>
    %div3A_2067 = arith.divf %add3A_2040, %mul3A_2066 : vector<16xf32>
    %add3A_2068 = arith.addf %mul3A_2066, %div3A_2067 : vector<16xf32>
    %mul3A_2069 = arith.constant 5.000000e-01 : f32
    %mul3A_2070 = vector.broadcast %mul3A_2069 : f32 to vector<16xf32>
    %mul3A_2071 = arith.mulf %mul3A_2070, %add3A_2068 : vector<16xf32>
    %div3A_2072 = arith.divf %add3A_2040, %mul3A_2071 : vector<16xf32>
    %add3A_2073 = arith.addf %mul3A_2071, %div3A_2072 : vector<16xf32>
    %mul3A_2074 = arith.constant 5.000000e-01 : f32
    %mul3A_2075 = vector.broadcast %mul3A_2074 : f32 to vector<16xf32>
    %mul3A_2076 = arith.mulf %mul3A_2075, %add3A_2073 : vector<16xf32>
    %div3A_2077 = arith.divf %add3A_2040, %mul3A_2076 : vector<16xf32>
    %add3A_2078 = arith.addf %mul3A_2076, %div3A_2077 : vector<16xf32>
    %mul3A_2079 = arith.constant 5.000000e-01 : f32
    %mul3A_2080 = vector.broadcast %mul3A_2079 : f32 to vector<16xf32>
    %mul3A_2081 = arith.mulf %mul3A_2080, %add3A_2078 : vector<16xf32>
    %div3A_2082 = arith.divf %add3A_2040, %mul3A_2081 : vector<16xf32>
    %add3A_2083 = arith.addf %mul3A_2081, %div3A_2082 : vector<16xf32>
    %mul3A_2084 = arith.constant 5.000000e-01 : f32
    %mul3A_2085 = vector.broadcast %mul3A_2084 : f32 to vector<16xf32>
    %mul3A_2086 = arith.mulf %mul3A_2085, %add3A_2083 : vector<16xf32>
    %div3A_2087 = arith.divf %add3A_2040, %mul3A_2086 : vector<16xf32>
    %add3A_2088 = arith.addf %mul3A_2086, %div3A_2087 : vector<16xf32>
    %mul3A_2089 = arith.constant 5.000000e-01 : f32
    %mul3A_2090 = vector.broadcast %mul3A_2089 : f32 to vector<16xf32>
    %mul3A_2091 = arith.mulf %mul3A_2090, %add3A_2088 : vector<16xf32>
    %div3A_2092 = arith.divf %add3A_2040, %mul3A_2091 : vector<16xf32>
    %add3A_2093 = arith.addf %mul3A_2091, %div3A_2092 : vector<16xf32>
    %mul3A_2094 = arith.constant 5.000000e-01 : f32
    %mul3A_2095 = vector.broadcast %mul3A_2094 : f32 to vector<16xf32>
    %mul3A_2096 = arith.mulf %mul3A_2095, %add3A_2093 : vector<16xf32>
    %div3A_2097 = arith.divf %add3A_2040, %mul3A_2096 : vector<16xf32>
    %add3A_2098 = arith.addf %mul3A_2096, %div3A_2097 : vector<16xf32>
    %mul3A_2099 = arith.constant 5.000000e-01 : f32
    %mul3A_2100 = vector.broadcast %mul3A_2099 : f32 to vector<16xf32>
    %mul3A_2101 = arith.mulf %mul3A_2100, %add3A_2098 : vector<16xf32>
    %div3A_2102 = arith.divf %add3A_2040, %mul3A_2101 : vector<16xf32>
    %add3A_2103 = arith.addf %mul3A_2101, %div3A_2102 : vector<16xf32>
    %mul3A_2104 = arith.constant 5.000000e-01 : f32
    %mul3A_2105 = vector.broadcast %mul3A_2104 : f32 to vector<16xf32>
    %mul3A_2106 = arith.mulf %mul3A_2105, %add3A_2103 : vector<16xf32>
    %div3A_2107 = arith.divf %add3A_2040, %mul3A_2106 : vector<16xf32>
    %add3A_2108 = arith.addf %mul3A_2106, %div3A_2107 : vector<16xf32>
    %mul3A_2109 = arith.constant 5.000000e-01 : f32
    %mul3A_2110 = vector.broadcast %mul3A_2109 : f32 to vector<16xf32>
    %mul3A_2111 = arith.mulf %mul3A_2110, %add3A_2108 : vector<16xf32>
    %div3A_2112 = arith.divf %add3A_2040, %mul3A_2111 : vector<16xf32>
    %add3A_2113 = arith.addf %mul3A_2111, %div3A_2112 : vector<16xf32>
    %mul3A_2114 = arith.constant 5.000000e-01 : f32
    %mul3A_2115 = vector.broadcast %mul3A_2114 : f32 to vector<16xf32>
    %mul3A_2116 = arith.mulf %mul3A_2115, %add3A_2113 : vector<16xf32>
    %div3A_2117 = arith.divf %add3A_2040, %mul3A_2116 : vector<16xf32>
    %add3A_2118 = arith.addf %mul3A_2116, %div3A_2117 : vector<16xf32>
    %mul3A_2119 = arith.constant 5.000000e-01 : f32
    %mul3A_2120 = vector.broadcast %mul3A_2119 : f32 to vector<16xf32>
    %mul3A_2121 = arith.mulf %mul3A_2120, %add3A_2118 : vector<16xf32>
    %div3A_2122 = arith.divf %add3A_2040, %mul3A_2121 : vector<16xf32>
    %add3A_2123 = arith.addf %mul3A_2121, %div3A_2122 : vector<16xf32>
    %mul3A_2124 = arith.constant 5.000000e-01 : f32
    %mul3A_2125 = vector.broadcast %mul3A_2124 : f32 to vector<16xf32>
    %mul3A_2126 = arith.mulf %mul3A_2125, %add3A_2123 : vector<16xf32>
    %div3A_2127 = arith.divf %add3A_2040, %mul3A_2126 : vector<16xf32>
    %add3A_2128 = arith.addf %mul3A_2126, %div3A_2127 : vector<16xf32>
    %mul3A_2129 = arith.constant 5.000000e-01 : f32
    %mul3A_2130 = vector.broadcast %mul3A_2129 : f32 to vector<16xf32>
    %mul3A_2131 = arith.mulf %mul3A_2130, %add3A_2128 : vector<16xf32>
    %div3A_2132 = arith.divf %add3A_2040, %mul3A_2131 : vector<16xf32>
    %add3A_2133 = arith.addf %mul3A_2131, %div3A_2132 : vector<16xf32>
    %mul3A_2134 = arith.constant 5.000000e-01 : f32
    %mul3A_2135 = vector.broadcast %mul3A_2134 : f32 to vector<16xf32>
    %mul3A_2136 = arith.mulf %mul3A_2135, %add3A_2133 : vector<16xf32>
    %div3A_2137 = arith.constant 1.000000e+00 : f32
    %div3A_2138 = vector.broadcast %div3A_2137 : f32 to vector<16xf32>
    %div3A_2139 = arith.divf %div3A_2138, %mul3A_2136 : vector<16xf32>
    %swap3A_2140 = arith.constant 112 : index
    %swap3A_2141 = tpu.vector_load %arg13[%swap3A_2140] {strides = array<i32>} : memref<128xf32, #tpu.memory_space<vmem>>, vector<16xf32>,
    tpu.vector_store %arg13[%swap3A_2140], %div3A_2028 {strides = array<i32>} : memref<128xf32, #tpu.memory_space<vmem>>, vector<16xf32>,
    %swap3A_2142 = arith.constant 112 : index
    %swap3A_2143 = tpu.vector_load %arg14[%swap3A_2142] {strides = array<i32>} : memref<128xf32, #tpu.memory_space<vmem>>, vector<16xf32>,
    tpu.vector_store %arg14[%swap3A_2142], %div3A_2139 {strides = array<i32>} : memref<128xf32, #tpu.memory_space<vmem>>, vector<16xf32>,
    %mul3A_2144 = arith.mulf %get3A_2022, %div3A_2028 : vector<16xf32>
    %sub3A_2145 = arith.subf %get3A_2020, %mul3A_2144 : vector<16xf32>
    %mul3A_2146 = arith.mulf %sub3A_2145, %div3A_2139 : vector<16xf32>
    %add3A_2147 = arith.addf %add3A_2015, %mul3A_2146 : vector<16xf32>
    %mul3A_2148 = arith.mulf %add3A_2036, %div3A_2139 : vector<16xf32>
    %mul3A_2149 = arith.mulf %mul3A_2148, %div3A_2139 : vector<16xf32>
    %add3A_2150 = arith.addf %add3A_2018, %mul3A_2149 : vector<16xf32>
    %iota3A = tpu.iota {dimensions = array<i32: 0>} : vector<16xi32>
    %mul3A_2151 = arith.constant 0 : i32
    %mul3A_2152 = vector.broadcast %mul3A_2151 : i32 to vector<16xi32>
    %mul3A_2153 = arith.muli %iota3A, %mul3A_2152 : vector<16xi32>
    %swap3A_2154 = arith.constant 0 : index
    %swap3A_2155 = tpu.vector_load %arg15[%swap3A_2154] {strides = array<i32>} : memref<16xf32, #tpu.memory_space<vmem>>, vector<16xf32>,
    tpu.vector_store %arg15[%swap3A_2154], %add3A_2147 {strides = array<i32>} : memref<16xf32, #tpu.memory_space<vmem>>, vector<16xf32>,
    %swap3A_2156 = arith.constant 0 : index
    %swap3A_2157 = tpu.vector_load %arg16[%swap3A_2156] {strides = array<i32>} : memref<16xf32, #tpu.memory_space<vmem>>, vector<16xf32>,
    tpu.vector_store %arg16[%swap3A_2156], %add3A_2150 {strides = array<i32>} : memref<16xf32, #tpu.memory_space<vmem>>, vector<16xf32>,
    %dma_start3A_2158 = tpu.memref_slice %arg24[%mul3A_2] : memref<2048xf32, #tpu.memory_space<vmem_shared>> -> memref<128xf32, #tpu.memory_space<vmem_shared>>
    %dma_start3A_2159 = tpu.memref_slice %arg24[%mul3A_2] : memref<2048xf32, #tpu.memory_space<vmem_shared>> -> memref<128xf32, #tpu.memory_space<vmem_shared>>
    tpu.enqueue_dma source(%arg13 : memref<128xf32, #tpu.memory_space<vmem>>) target(%dma_start3A_2159 : memref<128xf32, #tpu.memory_space<vmem_shared>>) target_semaphore(%arg20 : memref<!tpu.dma_semaphore, #tpu.memory_space<semaphore_mem>>)
    %dma_start3A_2160 = tpu.memref_slice %arg25[%mul3A_2] : memref<2048xf32, #tpu.memory_space<vmem_shared>> -> memref<128xf32, #tpu.memory_space<vmem_shared>>
    %dma_start3A_2161 = tpu.memref_slice %arg25[%mul3A_2] : memref<2048xf32, #tpu.memory_space<vmem_shared>> -> memref<128xf32, #tpu.memory_space<vmem_shared>>
    tpu.enqueue_dma source(%arg14 : memref<128xf32, #tpu.memory_space<vmem>>) target(%dma_start3A_2161 : memref<128xf32, #tpu.memory_space<vmem_shared>>) target_semaphore(%arg20 : memref<!tpu.dma_semaphore, #tpu.memory_space<semaphore_mem>>)
    %dma_start3A_2162 = arith.constant 0 : i32
    %dma_start3A_2163 = tpu.memref_slice %arg26[%dma_start3A_2162] : memref<16xf32, #tpu.memory_space<vmem_shared>> -> memref<16xf32, #tpu.memory_space<vmem_shared>>
    tpu.enqueue_indirect_dma source(%arg15 : memref<16xf32, #tpu.memory_space<vmem>>) target(%dma_start3A_2163 : memref<16xf32, #tpu.memory_space<vmem_shared>>) offsets(%mul3A_2153 : vector<16xi32>) semaphore(%arg20 : memref<!tpu.dma_semaphore, #tpu.memory_space<semaphore_mem>>) {add = true}
    %add3A_2164 = arith.constant 1 : i32
    %add3A_2165 = vector.broadcast %add3A_2164 : i32 to vector<16xi32>
    %add3A_2166 = arith.addi %mul3A_2153, %add3A_2165 : vector<16xi32>
    %dma_start3A_2167 = arith.constant 0 : i32
    %dma_start3A_2168 = tpu.memref_slice %arg26[%dma_start3A_2167] : memref<16xf32, #tpu.memory_space<vmem_shared>> -> memref<16xf32, #tpu.memory_space<vmem_shared>>
    tpu.enqueue_indirect_dma source(%arg16 : memref<16xf32, #tpu.memory_space<vmem>>) target(%dma_start3A_2168 : memref<16xf32, #tpu.memory_space<vmem_shared>>) offsets(%add3A_2166 : vector<16xi32>) semaphore(%arg20 : memref<!tpu.dma_semaphore, #tpu.memory_space<semaphore_mem>>) {add = true}
    %dma_wait3A_2169 = tpu.memref_slice %arg24[%mul3A_2] : memref<2048xf32, #tpu.memory_space<vmem_shared>> -> memref<128xf32, #tpu.memory_space<vmem_shared>>
    %dma_wait3A_2170 = tpu.memref_slice %arg24[%mul3A_2] : memref<2048xf32, #tpu.memory_space<vmem_shared>> -> memref<128xf32, #tpu.memory_space<vmem_shared>>
    tpu.wait_dma2 semaphore(%arg20 : memref<!tpu.dma_semaphore, #tpu.memory_space<semaphore_mem>>) src(%arg13 : memref<128xf32, #tpu.memory_space<vmem>>) dst(%dma_wait3A_2170 : memref<128xf32, #tpu.memory_space<vmem_shared>>)
    %dma_wait3A_2171 = tpu.memref_slice %arg25[%mul3A_2] : memref<2048xf32, #tpu.memory_space<vmem_shared>> -> memref<128xf32, #tpu.memory_space<vmem_shared>>
    %dma_wait3A_2172 = tpu.memref_slice %arg25[%mul3A_2] : memref<2048xf32, #tpu.memory_space<vmem_shared>> -> memref<128xf32, #tpu.memory_space<vmem_shared>>
    tpu.wait_dma2 semaphore(%arg20 : memref<!tpu.dma_semaphore, #tpu.memory_space<semaphore_mem>>) src(%arg14 : memref<128xf32, #tpu.memory_space<vmem>>) dst(%dma_wait3A_2172 : memref<128xf32, #tpu.memory_space<vmem_shared>>)
    %dma_wait3A_2173 = arith.constant 0 : i32
    %dma_wait3A_2174 = tpu.memref_slice %arg26[%dma_wait3A_2173] : memref<16xf32, #tpu.memory_space<vmem_shared>> -> memref<16xf32, #tpu.memory_space<vmem_shared>>
    tpu.wait_indirect_dma semaphore(%arg20 : memref<!tpu.dma_semaphore, #tpu.memory_space<semaphore_mem>>) src(%arg15 : memref<16xf32, #tpu.memory_space<vmem>>) dst(%dma_wait3A_2174 : memref<16xf32, #tpu.memory_space<vmem_shared>>)
    %dma_wait3A_2175 = arith.constant 0 : i32
    %dma_wait3A_2176 = tpu.memref_slice %arg26[%dma_wait3A_2175] : memref<16xf32, #tpu.memory_space<vmem_shared>> -> memref<16xf32, #tpu.memory_space<vmem_shared>>
    tpu.wait_indirect_dma semaphore(%arg20 : memref<!tpu.dma_semaphore, #tpu.memory_space<semaphore_mem>>) src(%arg16 : memref<16xf32, #tpu.memory_space<vmem>>) dst(%dma_wait3A_2176 : memref<16xf32, #tpu.memory_space<vmem_shared>>)
    %barrier3A_2177 = arith.constant 0 : index
    tpu.barrier barrier_id(%barrier3A_2177)
    "tpu.region"() ({
      %run_scoped3A = tpu.sem_alloc : memref<!tpu.dma_semaphore, #tpu.memory_space<semaphore_mem>>
      tpu.enqueue_dma source(%arg26 : memref<16xf32, #tpu.memory_space<vmem_shared>>) target(%arg16 : memref<16xf32, #tpu.memory_space<vmem>>) target_semaphore(%run_scoped3A : memref<!tpu.dma_semaphore, #tpu.memory_space<semaphore_mem>>)
      tpu.wait_dma2 semaphore(%run_scoped3A : memref<!tpu.dma_semaphore, #tpu.memory_space<semaphore_mem>>) src(%arg26 : memref<16xf32, #tpu.memory_space<vmem_shared>>) dst(%arg16 : memref<16xf32, #tpu.memory_space<vmem>>)
      tpu.yield
    }) : () -> ()
    %gather3A = tpu.vector_load_idx %arg16[%mul3A_2153] : memref<16xf32, #tpu.memory_space<vmem>>[vector<16xi32>], vector<16xf32>,
    %mul3A_2178 = arith.constant 3.05175781E-5 : f32
    %mul3A_2179 = vector.broadcast %mul3A_2178 : f32 to vector<16xf32>
    %mul3A_2180 = arith.mulf %gather3A, %mul3A_2179 : vector<16xf32>
    %add3A_2181 = arith.constant 1 : i32
    %add3A_2182 = vector.broadcast %add3A_2181 : i32 to vector<16xi32>
    %add3A_2183 = arith.addi %mul3A_2153, %add3A_2182 : vector<16xi32>
    %gather3A_2184 = tpu.vector_load_idx %arg16[%add3A_2183] : memref<16xf32, #tpu.memory_space<vmem>>[vector<16xi32>], vector<16xf32>,
    %mul3A_2185 = arith.constant 3.05175781E-5 : f32
    %mul3A_2186 = vector.broadcast %mul3A_2185 : f32 to vector<16xf32>
    %mul3A_2187 = arith.mulf %gather3A_2184, %mul3A_2186 : vector<16xf32>
    %mul3A_2188 = arith.mulf %mul3A_2180, %mul3A_2180 : vector<16xf32>
    %sub3A_2189 = arith.subf %mul3A_2187, %mul3A_2188 : vector<16xf32>
    %add3A_2190 = arith.constant 1.000000e+00 : f32
    %add3A_2191 = vector.broadcast %add3A_2190 : f32 to vector<16xf32>
    %add3A_2192 = arith.addf %sub3A_2189, %add3A_2191 : vector<16xf32>
    %mul3A_2193 = arith.constant 5.000000e-01 : f32
    %mul3A_2194 = vector.broadcast %mul3A_2193 : f32 to vector<16xf32>
    %mul3A_2195 = arith.mulf %mul3A_2194, %add3A_2192 : vector<16xf32>
    %div3A_2196 = arith.divf %sub3A_2189, %mul3A_2195 : vector<16xf32>
    %add3A_2197 = arith.addf %mul3A_2195, %div3A_2196 : vector<16xf32>
    %mul3A_2198 = arith.constant 5.000000e-01 : f32
    %mul3A_2199 = vector.broadcast %mul3A_2198 : f32 to vector<16xf32>
    %mul3A_2200 = arith.mulf %mul3A_2199, %add3A_2197 : vector<16xf32>
    %div3A_2201 = arith.divf %sub3A_2189, %mul3A_2200 : vector<16xf32>
    %add3A_2202 = arith.addf %mul3A_2200, %div3A_2201 : vector<16xf32>
    %mul3A_2203 = arith.constant 5.000000e-01 : f32
    %mul3A_2204 = vector.broadcast %mul3A_2203 : f32 to vector<16xf32>
    %mul3A_2205 = arith.mulf %mul3A_2204, %add3A_2202 : vector<16xf32>
    %div3A_2206 = arith.divf %sub3A_2189, %mul3A_2205 : vector<16xf32>
    %add3A_2207 = arith.addf %mul3A_2205, %div3A_2206 : vector<16xf32>
    %mul3A_2208 = arith.constant 5.000000e-01 : f32
    %mul3A_2209 = vector.broadcast %mul3A_2208 : f32 to vector<16xf32>
    %mul3A_2210 = arith.mulf %mul3A_2209, %add3A_2207 : vector<16xf32>
    %div3A_2211 = arith.divf %sub3A_2189, %mul3A_2210 : vector<16xf32>
    %add3A_2212 = arith.addf %mul3A_2210, %div3A_2211 : vector<16xf32>
    %mul3A_2213 = arith.constant 5.000000e-01 : f32
    %mul3A_2214 = vector.broadcast %mul3A_2213 : f32 to vector<16xf32>
    %mul3A_2215 = arith.mulf %mul3A_2214, %add3A_2212 : vector<16xf32>
    %div3A_2216 = arith.divf %sub3A_2189, %mul3A_2215 : vector<16xf32>
    %add3A_2217 = arith.addf %mul3A_2215, %div3A_2216 : vector<16xf32>
    %mul3A_2218 = arith.constant 5.000000e-01 : f32
    %mul3A_2219 = vector.broadcast %mul3A_2218 : f32 to vector<16xf32>
    %mul3A_2220 = arith.mulf %mul3A_2219, %add3A_2217 : vector<16xf32>
    %div3A_2221 = arith.divf %sub3A_2189, %mul3A_2220 : vector<16xf32>
    %add3A_2222 = arith.addf %mul3A_2220, %div3A_2221 : vector<16xf32>
    %mul3A_2223 = arith.constant 5.000000e-01 : f32
    %mul3A_2224 = vector.broadcast %mul3A_2223 : f32 to vector<16xf32>
    %mul3A_2225 = arith.mulf %mul3A_2224, %add3A_2222 : vector<16xf32>
    %div3A_2226 = arith.divf %sub3A_2189, %mul3A_2225 : vector<16xf32>
    %add3A_2227 = arith.addf %mul3A_2225, %div3A_2226 : vector<16xf32>
    %mul3A_2228 = arith.constant 5.000000e-01 : f32
    %mul3A_2229 = vector.broadcast %mul3A_2228 : f32 to vector<16xf32>
    %mul3A_2230 = arith.mulf %mul3A_2229, %add3A_2227 : vector<16xf32>
    %div3A_2231 = arith.divf %sub3A_2189, %mul3A_2230 : vector<16xf32>
    %add3A_2232 = arith.addf %mul3A_2230, %div3A_2231 : vector<16xf32>
    %mul3A_2233 = arith.constant 5.000000e-01 : f32
    %mul3A_2234 = vector.broadcast %mul3A_2233 : f32 to vector<16xf32>
    %mul3A_2235 = arith.mulf %mul3A_2234, %add3A_2232 : vector<16xf32>
    %div3A_2236 = arith.divf %sub3A_2189, %mul3A_2235 : vector<16xf32>
    %add3A_2237 = arith.addf %mul3A_2235, %div3A_2236 : vector<16xf32>
    %mul3A_2238 = arith.constant 5.000000e-01 : f32
    %mul3A_2239 = vector.broadcast %mul3A_2238 : f32 to vector<16xf32>
    %mul3A_2240 = arith.mulf %mul3A_2239, %add3A_2237 : vector<16xf32>
    %div3A_2241 = arith.divf %sub3A_2189, %mul3A_2240 : vector<16xf32>
    %add3A_2242 = arith.addf %mul3A_2240, %div3A_2241 : vector<16xf32>
    %mul3A_2243 = arith.constant 5.000000e-01 : f32
    %mul3A_2244 = vector.broadcast %mul3A_2243 : f32 to vector<16xf32>
    %mul3A_2245 = arith.mulf %mul3A_2244, %add3A_2242 : vector<16xf32>
    %div3A_2246 = arith.divf %sub3A_2189, %mul3A_2245 : vector<16xf32>
    %add3A_2247 = arith.addf %mul3A_2245, %div3A_2246 : vector<16xf32>
    %mul3A_2248 = arith.constant 5.000000e-01 : f32
    %mul3A_2249 = vector.broadcast %mul3A_2248 : f32 to vector<16xf32>
    %mul3A_2250 = arith.mulf %mul3A_2249, %add3A_2247 : vector<16xf32>
    %div3A_2251 = arith.divf %sub3A_2189, %mul3A_2250 : vector<16xf32>
    %add3A_2252 = arith.addf %mul3A_2250, %div3A_2251 : vector<16xf32>
    %mul3A_2253 = arith.constant 5.000000e-01 : f32
    %mul3A_2254 = vector.broadcast %mul3A_2253 : f32 to vector<16xf32>
    %mul3A_2255 = arith.mulf %mul3A_2254, %add3A_2252 : vector<16xf32>
    %div3A_2256 = arith.divf %sub3A_2189, %mul3A_2255 : vector<16xf32>
    %add3A_2257 = arith.addf %mul3A_2255, %div3A_2256 : vector<16xf32>
    %mul3A_2258 = arith.constant 5.000000e-01 : f32
    %mul3A_2259 = vector.broadcast %mul3A_2258 : f32 to vector<16xf32>
    %mul3A_2260 = arith.mulf %mul3A_2259, %add3A_2257 : vector<16xf32>
    %div3A_2261 = arith.divf %sub3A_2189, %mul3A_2260 : vector<16xf32>
    %add3A_2262 = arith.addf %mul3A_2260, %div3A_2261 : vector<16xf32>
    %mul3A_2263 = arith.constant 5.000000e-01 : f32
    %mul3A_2264 = vector.broadcast %mul3A_2263 : f32 to vector<16xf32>
    %mul3A_2265 = arith.mulf %mul3A_2264, %add3A_2262 : vector<16xf32>
    %div3A_2266 = arith.divf %sub3A_2189, %mul3A_2265 : vector<16xf32>
    %add3A_2267 = arith.addf %mul3A_2265, %div3A_2266 : vector<16xf32>
    %mul3A_2268 = arith.constant 5.000000e-01 : f32
    %mul3A_2269 = vector.broadcast %mul3A_2268 : f32 to vector<16xf32>
    %mul3A_2270 = arith.mulf %mul3A_2269, %add3A_2267 : vector<16xf32>
    %div3A_2271 = arith.divf %sub3A_2189, %mul3A_2270 : vector<16xf32>
    %add3A_2272 = arith.addf %mul3A_2270, %div3A_2271 : vector<16xf32>
    %mul3A_2273 = arith.constant 5.000000e-01 : f32
    %mul3A_2274 = vector.broadcast %mul3A_2273 : f32 to vector<16xf32>
    %mul3A_2275 = arith.mulf %mul3A_2274, %add3A_2272 : vector<16xf32>
    %div3A_2276 = arith.divf %sub3A_2189, %mul3A_2275 : vector<16xf32>
    %add3A_2277 = arith.addf %mul3A_2275, %div3A_2276 : vector<16xf32>
    %mul3A_2278 = arith.constant 5.000000e-01 : f32
    %mul3A_2279 = vector.broadcast %mul3A_2278 : f32 to vector<16xf32>
    %mul3A_2280 = arith.mulf %mul3A_2279, %add3A_2277 : vector<16xf32>
    %div3A_2281 = arith.divf %sub3A_2189, %mul3A_2280 : vector<16xf32>
    %add3A_2282 = arith.addf %mul3A_2280, %div3A_2281 : vector<16xf32>
    %mul3A_2283 = arith.constant 5.000000e-01 : f32
    %mul3A_2284 = vector.broadcast %mul3A_2283 : f32 to vector<16xf32>
    %mul3A_2285 = arith.mulf %mul3A_2284, %add3A_2282 : vector<16xf32>
    %add3A_2286 = arith.constant 9.99999993E-9 : f32
    %add3A_2287 = vector.broadcast %add3A_2286 : f32 to vector<16xf32>
    %add3A_2288 = arith.addf %mul3A_2285, %add3A_2287 : vector<16xf32>
    %div3A_2289 = arith.divf %mul3A_2180, %add3A_2288 : vector<16xf32>
    tpu.enqueue_dma source(%arg24 : memref<2048xf32, #tpu.memory_space<vmem_shared>>) target(%arg17 : memref<2048xf32, #tpu.memory_space<vmem>>) target_semaphore(%arg20 : memref<!tpu.dma_semaphore, #tpu.memory_space<semaphore_mem>>)
    tpu.enqueue_dma source(%arg25 : memref<2048xf32, #tpu.memory_space<vmem_shared>>) target(%arg18 : memref<2048xf32, #tpu.memory_space<vmem>>) target_semaphore(%arg20 : memref<!tpu.dma_semaphore, #tpu.memory_space<semaphore_mem>>)
    tpu.wait_dma2 semaphore(%arg20 : memref<!tpu.dma_semaphore, #tpu.memory_space<semaphore_mem>>) src(%arg24 : memref<2048xf32, #tpu.memory_space<vmem_shared>>) dst(%arg17 : memref<2048xf32, #tpu.memory_space<vmem>>)
    tpu.wait_dma2 semaphore(%arg20 : memref<!tpu.dma_semaphore, #tpu.memory_space<semaphore_mem>>) src(%arg25 : memref<2048xf32, #tpu.memory_space<vmem_shared>>) dst(%arg18 : memref<2048xf32, #tpu.memory_space<vmem>>)
    %scan3A_2290 = arith.constant 0 : i32
    %scan3A_2291 = arith.constant 128 : i32
    %scan3A_2292 = arith.addi %scan3A_2290, %scan3A_2291 : i32
    %scan3A_2293 = arith.constant 1 : i32
    scf.for %scan3A_2295 = %scan3A_2290 to %scan3A_2292 step %scan3A_2293  : i32 {
      %mul3A_2296 = arith.constant 16 : i32
      %mul3A_2297 = arith.muli %scan3A_2295, %mul3A_2296 : i32
      %get3A_2298 = arith.index_cast %mul3A_2297 : i32 to index
      %get3A_2299 = tpu.vector_load %arg7[%get3A_2298] {strides = array<i32>} : memref<2048xi32, #tpu.memory_space<vmem>>, vector<16xi32>,
      %mul3A_2300 = arith.constant 16 : i32
      %mul3A_2301 = arith.muli %scan3A_2295, %mul3A_2300 : i32
      %get3A_2302 = arith.index_cast %mul3A_2301 : i32 to index
      %get3A_2303 = tpu.vector_load %arg5[%get3A_2302] {strides = array<i32>} : memref<2048xf32, #tpu.memory_space<vmem>>, vector<16xf32>,
      %gather3A_2304 = tpu.vector_load_idx %arg17[%get3A_2299] : memref<2048xf32, #tpu.memory_space<vmem>>[vector<16xi32>], vector<16xf32>,
      %gather3A_2305 = tpu.vector_load_idx %arg18[%get3A_2299] : memref<2048xf32, #tpu.memory_space<vmem>>[vector<16xi32>], vector<16xf32>,
      %sub3A_2306 = arith.subf %get3A_2303, %gather3A_2304 : vector<16xf32>
      %mul3A_2307 = arith.mulf %sub3A_2306, %gather3A_2305 : vector<16xf32>
      %sub3A_2308 = arith.subf %mul3A_2307, %div3A_2289 : vector<16xf32>
      %mul3A_2309 = arith.constant 16 : i32
      %mul3A_2310 = arith.muli %scan3A_2295, %mul3A_2309 : i32
      %swap3A_2311 = arith.index_cast %mul3A_2310 : i32 to index
      %swap3A_2312 = tpu.vector_load %arg19[%swap3A_2311] {strides = array<i32>} : memref<2048xf32, #tpu.memory_space<vmem>>, vector<16xf32>,
      tpu.vector_store %arg19[%swap3A_2311], %sub3A_2308 {strides = array<i32>} : memref<2048xf32, #tpu.memory_space<vmem>>, vector<16xf32>,
    }
    %scan3A_2294 = arith.constant 128 : i32
    "tpu.region"() ({
      %run_scoped3A = tpu.sem_alloc : memref<!tpu.dma_semaphore, #tpu.memory_space<semaphore_mem>>
      %dma_start3A_2295 = tpu.memref_slice %arg4[%mul3A_0] : memref<32768xf32, #tpu.memory_space<hbm>> -> memref<2048xf32, #tpu.memory_space<hbm>>
      %dma_start3A_2296 = tpu.memref_slice %arg4[%mul3A_0] : memref<32768xf32, #tpu.memory_space<hbm>> -> memref<2048xf32, #tpu.memory_space<hbm>>
      tpu.enqueue_dma source(%arg19 : memref<2048xf32, #tpu.memory_space<vmem>>) target(%dma_start3A_2296 : memref<2048xf32, #tpu.memory_space<hbm>>) target_semaphore(%run_scoped3A : memref<!tpu.dma_semaphore, #tpu.memory_space<semaphore_mem>>)
      %dma_wait3A_2297 = tpu.memref_slice %arg4[%mul3A_0] : memref<32768xf32, #tpu.memory_space<hbm>> -> memref<2048xf32, #tpu.memory_space<hbm>>
      %dma_wait3A_2298 = tpu.memref_slice %arg4[%mul3A_0] : memref<32768xf32, #tpu.memory_space<hbm>> -> memref<2048xf32, #tpu.memory_space<hbm>>
      tpu.wait_dma2 semaphore(%run_scoped3A : memref<!tpu.dma_semaphore, #tpu.memory_space<semaphore_mem>>) src(%arg19 : memref<2048xf32, #tpu.memory_space<vmem>>) dst(%dma_wait3A_2298 : memref<2048xf32, #tpu.memory_space<hbm>>)
      tpu.yield
    }) : () -> ()
    return
  }
}

module attributes {stable_mosaic.version = 14 : i64} {
  func.func @_tc_loss_body(%arg0: i32, %arg1: memref<4096x256xf32, #tpu.memory_space<vmem>>, %arg2: memref<4096xi32, #tpu.memory_space<vmem>>, %arg3: memref<4096xf32, #tpu.memory_space<vmem>>, %arg4: memref<4096xf32, #tpu.memory_space<vmem>>, %arg5: memref<256x64xf32, #tpu.memory_space<vmem>>, %arg6: memref<1x64xf32, #tpu.memory_space<vmem>>, %arg7: memref<64x64xf32, #tpu.memory_space<vmem>>, %arg8: memref<64x1xf32, #tpu.memory_space<vmem>>, %arg9: memref<1x2xf32, #tpu.memory_space<smem>>, %arg10: memref<1x1xf32, #tpu.memory_space<smem>>, %arg11: memref<1x1xf32, #tpu.memory_space<smem>>) attributes {dimension_semantics = [#tpu.dimension_semantics<arbitrary>], iteration_bounds = array<i64: 8>, scalar_prefetch = 0 : i64, scratch_operands = 0 : i64, tpu.core_type = #tpu.core_type<tc>, window_params = [{transform_indices = @transform_0, window_bounds = array<i64: 4096, 256>}, {transform_indices = @transform_1, window_bounds = array<i64: 4096>}, {transform_indices = @transform_2, window_bounds = array<i64: 4096>}, {transform_indices = @transform_3, window_bounds = array<i64: 4096>}, {pipeline_mode = #tpu.pipeline_mode<synchronous>, transform_indices = @transform_4, window_bounds = array<i64: 256, 64>}, {pipeline_mode = #tpu.pipeline_mode<synchronous>, transform_indices = @transform_5, window_bounds = array<i64: 1, 64>}, {pipeline_mode = #tpu.pipeline_mode<synchronous>, transform_indices = @transform_6, window_bounds = array<i64: 64, 64>}, {pipeline_mode = #tpu.pipeline_mode<synchronous>, transform_indices = @transform_7, window_bounds = array<i64: 64, 1>}, {transform_indices = @transform_8, window_bounds = array<i64: 1, 2>}, {transform_indices = @transform_9, window_bounds = array<i64: 1, 1>}, {transform_indices = @transform_10, window_bounds = array<i64: 1, 1>}]} {
    %get3A = arith.constant 0 : index
    %get3A_0 = arith.constant 0 : index
    %get3A_1 = vector.load %arg1[%get3A, %get3A_0] : memref<4096x256xf32, #tpu.memory_space<vmem>>, vector<4096x256xf32>
    %get3A_2 = arith.constant 0 : index
    %get3A_3 = arith.constant 0 : index
    %get3A_4 = vector.load %arg5[%get3A_2, %get3A_3] : memref<256x64xf32, #tpu.memory_space<vmem>>, vector<256x64xf32>
    %dot_general3A = arith.constant dense<0.000000e+00> : vector<4096x64xf32>
    %dot_general3A_5 = tpu.matmul %get3A_1, %get3A_4, %dot_general3A {dimension_numbers = #tpu.dot_dimension_numbers<[1], [0], [0], [1], [0, 0, 1, 1], [], []>, transpose_lhs_hint = false} : vector<4096x256xf32>, vector<256x64xf32>, vector<4096x64xf32> -> vector<4096x64xf32>
    %get3A_6 = arith.constant 0 : index
    %get3A_7 = arith.constant 0 : index
    %get3A_8 = vector.load %arg6[%get3A_6, %get3A_7] : memref<1x64xf32, #tpu.memory_space<vmem>>, vector<1x64xf32>
    %add3A = vector.broadcast %get3A_8 : vector<1x64xf32> to vector<4096x64xf32>
    %add3A_9 = arith.addf %dot_general3A_5, %add3A : vector<4096x64xf32>
    %tanh3A = math.tanh %add3A_9 : vector<4096x64xf32>
    %get3A_10 = arith.constant 0 : index
    %get3A_11 = arith.constant 0 : index
    %get3A_12 = vector.load %arg7[%get3A_10, %get3A_11] : memref<64x64xf32, #tpu.memory_space<vmem>>, vector<64x64xf32>
    %dot_general3A_13 = arith.constant dense<0.000000e+00> : vector<64x4096xf32>
    %dot_general3A_14 = tpu.matmul %get3A_12, %tanh3A, %dot_general3A_13 {dimension_numbers = #tpu.dot_dimension_numbers<[0], [1], [1], [0], [0, 1, 1, 0], [], []>, transpose_lhs_hint = false} : vector<64x64xf32>, vector<4096x64xf32>, vector<64x4096xf32> -> vector<64x4096xf32>
    %get3A_15 = arith.constant 0 : index
    %get3A_16 = arith.constant 0 : index
    %get3A_17 = vector.load %arg8[%get3A_15, %get3A_16] : memref<64x1xf32, #tpu.memory_space<vmem>>, vector<64x1xf32>
    %add3A_18 = vector.broadcast %get3A_17 : vector<64x1xf32> to vector<64x4096xf32>
    %add3A_19 = arith.addf %dot_general3A_14, %add3A_18 : vector<64x4096xf32>
    %reduce_max3A = arith.constant dense<0xFF800000> : vector<4096xf32>
    %reduce_max3A_20 = vector.multi_reduction <maximumf>, %add3A_19, %reduce_max3A [0] : vector<64x4096xf32> to vector<4096xf32>
    %broadcast_in_dim3A = vector.shape_cast %reduce_max3A_20 : vector<4096xf32> to vector<1x4096xf32>
    %sub3A = vector.broadcast %broadcast_in_dim3A : vector<1x4096xf32> to vector<64x4096xf32>
    %sub3A_21 = arith.subf %add3A_19, %sub3A : vector<64x4096xf32>
    %exp3A = math.exp %sub3A_21 : vector<64x4096xf32>
    %reduce_sum3A = arith.constant dense<0.000000e+00> : vector<4096xf32>
    %reduce_sum3A_22 = vector.multi_reduction <add>, %exp3A, %reduce_sum3A [0] : vector<64x4096xf32> to vector<4096xf32>
    %broadcast_in_dim3A_23 = vector.shape_cast %reduce_sum3A_22 : vector<4096xf32> to vector<1x4096xf32>
    %log3A = math.log %broadcast_in_dim3A_23 : vector<1x4096xf32>
    %add3A_24 = arith.addf %log3A, %broadcast_in_dim3A : vector<1x4096xf32>
    %get3A_25 = arith.constant 0 : index
    %get3A_26 = vector.load %arg2[%get3A_25] : memref<4096xi32, #tpu.memory_space<vmem>>, vector<4096xi32>
    %reshape3A = vector.shape_cast %get3A_26 : vector<4096xi32> to vector<1x4096xi32>
    %iota3A = tpu.iota {dimensions = array<i32: 0>} : vector<64x4096xi32>
    %eq3A = vector.broadcast %reshape3A : vector<1x4096xi32> to vector<64x4096xi32>
    %eq3A_27 = arith.cmpi eq, %iota3A, %eq3A : vector<64x4096xi32>
    %jit3A = arith.constant 0.000000e+00 : f32
    %broadcast_in_dim3A_28 = vector.broadcast %jit3A : f32 to vector<64x4096xf32>
    %select_n3A = arith.select %eq3A_27, %add3A_19, %broadcast_in_dim3A_28 : vector<64x4096xi1>, vector<64x4096xf32>
    %reduce_sum3A_29 = arith.constant dense<0.000000e+00> : vector<4096xf32>
    %reduce_sum3A_30 = vector.multi_reduction <add>, %select_n3A, %reduce_sum3A_29 [0] : vector<64x4096xf32> to vector<4096xf32>
    %broadcast_in_dim3A_31 = vector.shape_cast %reduce_sum3A_30 : vector<4096xf32> to vector<1x4096xf32>
    %mul3A = arith.mulf %exp3A, %add3A_19 : vector<64x4096xf32>
    %reduce_sum3A_32 = arith.constant dense<0.000000e+00> : vector<4096xf32>
    %reduce_sum3A_33 = vector.multi_reduction <add>, %mul3A, %reduce_sum3A_32 [0] : vector<64x4096xf32> to vector<4096xf32>
    %broadcast_in_dim3A_34 = vector.shape_cast %reduce_sum3A_33 : vector<4096xf32> to vector<1x4096xf32>
    %div3A = arith.divf %broadcast_in_dim3A_34, %broadcast_in_dim3A_23 : vector<1x4096xf32>
    %sub3A_35 = arith.subf %add3A_24, %div3A : vector<1x4096xf32>
    %reduce_sum3A_36 = vector.shape_cast %sub3A_35 : vector<1x4096xf32> to vector<1x1x4096xf32>
    %reduce_sum3A_37 = arith.constant dense<0.000000e+00> : vector<1xf32>
    %reduce_sum3A_38 = vector.multi_reduction <add>, %reduce_sum3A_36, %reduce_sum3A_37 [1, 2] : vector<1x1x4096xf32> to vector<1xf32>
    %reduce_sum3A_39 = vector.shape_cast %reduce_sum3A_38 : vector<1xf32> to vector<1x1x1xf32>
    %reduce_sum3A_40 = vector.extract %reduce_sum3A_39[0, 0, 0] : f32 from vector<1x1x1xf32>
    %sub3A_41 = arith.subf %broadcast_in_dim3A_31, %add3A_24 : vector<1x4096xf32>
    %get3A_42 = arith.constant 0 : index
    %get3A_43 = vector.load %arg3[%get3A_42] : memref<4096xf32, #tpu.memory_space<vmem>>, vector<4096xf32>
    %reshape3A_44 = vector.shape_cast %get3A_43 : vector<4096xf32> to vector<1x4096xf32>
    %sub3A_45 = arith.subf %sub3A_41, %reshape3A_44 : vector<1x4096xf32>
    %exp3A_46 = math.exp %sub3A_45 : vector<1x4096xf32>
    %get3A_47 = arith.constant 0 : index
    %get3A_48 = vector.load %arg4[%get3A_47] : memref<4096xf32, #tpu.memory_space<vmem>>, vector<4096xf32>
    %reshape3A_49 = vector.shape_cast %get3A_48 : vector<4096xf32> to vector<1x4096xf32>
    %get3A_50 = arith.constant 0 : index
    %get3A_51 = arith.constant 0 : index
    %get3A_52 = memref.load %arg9[%get3A_50, %get3A_51] : memref<1x2xf32, #tpu.memory_space<smem>>
    %get3A_53 = arith.constant 0 : index
    %get3A_54 = arith.constant 1 : index
    %get3A_55 = memref.load %arg9[%get3A_53, %get3A_54] : memref<1x2xf32, #tpu.memory_space<smem>>
    %mul3A_56 = arith.mulf %exp3A_46, %reshape3A_49 : vector<1x4096xf32>
    %max3A = vector.broadcast %get3A_52 : f32 to vector<1x4096xf32>
    %max3A_57 = arith.maximumf %max3A, %exp3A_46 : vector<1x4096xf32>
    %min3A = vector.broadcast %get3A_55 : f32 to vector<1x4096xf32>
    %min3A_58 = arith.minimumf %min3A, %max3A_57 : vector<1x4096xf32>
    %mul3A_59 = arith.mulf %min3A_58, %reshape3A_49 : vector<1x4096xf32>
    %min3A_60 = arith.minimumf %mul3A_56, %mul3A_59 : vector<1x4096xf32>
    %reduce_sum3A_61 = vector.shape_cast %min3A_60 : vector<1x4096xf32> to vector<1x1x4096xf32>
    %reduce_sum3A_62 = arith.constant dense<0.000000e+00> : vector<1xf32>
    %reduce_sum3A_63 = vector.multi_reduction <add>, %reduce_sum3A_61, %reduce_sum3A_62 [1, 2] : vector<1x1x4096xf32> to vector<1xf32>
    %reduce_sum3A_64 = vector.shape_cast %reduce_sum3A_63 : vector<1xf32> to vector<1x1x1xf32>
    %reduce_sum3A_65 = vector.extract %reduce_sum3A_64[0, 0, 0] : f32 from vector<1x1x1xf32>
    %eq3A_66 = arith.constant 0 : i32
    %eq3A_67 = arith.cmpi eq, %arg0, %eq3A_66 : i32
    %convert_element_type3A = arith.extui %eq3A_67 : i1 to i32
    %cond3A = arith.constant 0 : i32
    %cond3A_68 = arith.cmpi ne, %convert_element_type3A, %cond3A : i32
    scf.if %cond3A_68 {
      %swap3A_82 = arith.constant 0.000000e+00 : f32
      %swap3A_83 = arith.constant 0 : index
      %swap3A_84 = arith.constant 0 : index
      %swap3A_85 = memref.load %arg10[%swap3A_83, %swap3A_84] : memref<1x1xf32, #tpu.memory_space<smem>>
      memref.store %swap3A_82, %arg10[%swap3A_83, %swap3A_84] : memref<1x1xf32, #tpu.memory_space<smem>>
      %swap3A_86 = arith.constant 0.000000e+00 : f32
      %swap3A_87 = arith.constant 0 : index
      %swap3A_88 = arith.constant 0 : index
      %swap3A_89 = memref.load %arg11[%swap3A_87, %swap3A_88] : memref<1x1xf32, #tpu.memory_space<smem>>
      memref.store %swap3A_86, %arg11[%swap3A_87, %swap3A_88] : memref<1x1xf32, #tpu.memory_space<smem>>
    } else {
    }
    %get3A_69 = arith.constant 0 : index
    %get3A_70 = arith.constant 0 : index
    %get3A_71 = memref.load %arg10[%get3A_69, %get3A_70] : memref<1x1xf32, #tpu.memory_space<smem>>
    %add3A_72 = arith.addf %get3A_71, %reduce_sum3A_65 : f32
    %swap3A = arith.constant 0 : index
    %swap3A_73 = arith.constant 0 : index
    %swap3A_74 = memref.load %arg10[%swap3A, %swap3A_73] : memref<1x1xf32, #tpu.memory_space<smem>>
    memref.store %add3A_72, %arg10[%swap3A, %swap3A_73] : memref<1x1xf32, #tpu.memory_space<smem>>
    %get3A_75 = arith.constant 0 : index
    %get3A_76 = arith.constant 0 : index
    %get3A_77 = memref.load %arg11[%get3A_75, %get3A_76] : memref<1x1xf32, #tpu.memory_space<smem>>
    %add3A_78 = arith.addf %get3A_77, %reduce_sum3A_40 : f32
    %swap3A_79 = arith.constant 0 : index
    %swap3A_80 = arith.constant 0 : index
    %swap3A_81 = memref.load %arg11[%swap3A_79, %swap3A_80] : memref<1x1xf32, #tpu.memory_space<smem>>
    memref.store %add3A_78, %arg11[%swap3A_79, %swap3A_80] : memref<1x1xf32, #tpu.memory_space<smem>>
    return
  }
  func.func @transform_0(%arg0: i32) -> (i32, i32) {
    %c0_i32 = arith.constant 0 : i32
    %c0_i32_0 = arith.constant 0 : i32
    return %arg0, %c0_i32 : i32, i32
  }
  func.func @transform_1(%arg0: i32) -> i32 {
    %c0_i32 = arith.constant 0 : i32
    return %arg0 : i32
  }
  func.func @transform_2(%arg0: i32) -> i32 {
    %c0_i32 = arith.constant 0 : i32
    return %arg0 : i32
  }
  func.func @transform_3(%arg0: i32) -> i32 {
    %c0_i32 = arith.constant 0 : i32
    return %arg0 : i32
  }
  func.func @transform_4(%arg0: i32) -> (i32, i32) {
    %c0_i32 = arith.constant 0 : i32
    %c0_i32_0 = arith.constant 0 : i32
    %c0_i32_1 = arith.constant 0 : i32
    return %c0_i32, %c0_i32_0 : i32, i32
  }
  func.func @transform_5(%arg0: i32) -> (i32, i32) {
    %c0_i32 = arith.constant 0 : i32
    %c0_i32_0 = arith.constant 0 : i32
    %c0_i32_1 = arith.constant 0 : i32
    return %c0_i32, %c0_i32_0 : i32, i32
  }
  func.func @transform_6(%arg0: i32) -> (i32, i32) {
    %c0_i32 = arith.constant 0 : i32
    %c0_i32_0 = arith.constant 0 : i32
    %c0_i32_1 = arith.constant 0 : i32
    return %c0_i32, %c0_i32_0 : i32, i32
  }
  func.func @transform_7(%arg0: i32) -> (i32, i32) {
    %c0_i32 = arith.constant 0 : i32
    %c0_i32_0 = arith.constant 0 : i32
    %c0_i32_1 = arith.constant 0 : i32
    return %c0_i32, %c0_i32_0 : i32, i32
  }
  func.func @transform_8(%arg0: i32) -> (i32, i32) {
    %c0_i32 = arith.constant 0 : i32
    %c0_i32_0 = arith.constant 0 : i32
    %c0_i32_1 = arith.constant 0 : i32
    return %c0_i32, %c0_i32_0 : i32, i32
  }
  func.func @transform_9(%arg0: i32) -> (i32, i32) {
    %c0_i32 = arith.constant 0 : i32
    %c0_i32_0 = arith.constant 0 : i32
    %c0_i32_1 = arith.constant 0 : i32
    return %c0_i32, %c0_i32_0 : i32, i32
  }
  func.func @transform_10(%arg0: i32) -> (i32, i32) {
    %c0_i32 = arith.constant 0 : i32
    %c0_i32_0 = arith.constant 0 : i32
    %c0_i32_1 = arith.constant 0 : i32
    return %c0_i32, %c0_i32_0 : i32, i32
  }
}

</mosaic_0001>

<sc_bundles>
// kernel: kernel.4.cloned.1.call-start
scs
__scs_entry_jumppad:
0x0: {  	(pc) =	sbr.rel $0x88, $3  }
0x1: {  	(tag) =	ssettag $0x0;
	lr =	simm.s32 $0x1  }
0x2: {  	[smem:$0x3F96] =	sst lr;
	_ =	strace $0xD0000000  }
0x3: {  	_ = 	snop  }
0x4: {  	_ = 	snop  }
0x5: {  	_ = 	snop  }
0x6: {  	_ = 	snop  }
0x7: {  	_ = 	snop  }
__scs_overlays_trampoline_lowered:
0x8: {  	[smem:$0x3FA5] =	sst s0  }
0x9: {  	[smem:$0x3FA6] =	sst s1  }
0xa: {  	[smem:$0x3FA7] =	sst s2  }
0xb: {  	[smem:$0x3FA8] =	sst s3  }
0xc: {  	[smem:$0x3FA9] =	sst s4  }
0xd: {  	[smem:$0x3FAA] =	sst s5  }
0xe: {  	[smem:$0x3FAB] =	sst s6  }
0xf: {  	[smem:$0x3FAC] =	sst s7  }
0x10: {  	[smem:$0x3FAD] =	sst s8  }
0x11: {  	[smem:$0x3FAE] =	sst s9;
	s0 =	simm.s32 @!p0 $0x0  }
0x12: {  	s1 =	sld [smem:$0x3F94];
	s0 =	simm.s32 @p0 $0x1  }
0x13: {  	[smem:$0x3FAF] =	sst s0;
	s0 =	simm.s32 @!p1 $0x0  }
0x14: {  	s2 =	sld [smem:$0x3F93];
	s0 =	simm.s32 @p1 $0x1  }
0x15: {  	[smem:$0x3FB0] =	sst s0;
	s0 =	simm.s32 @!p2 $0x0  }
0x16: {  	s3 =	sld [smem:$0x3FDB];
	s0 =	simm.s32 @p2 $0x1  }
0x17: {  	s4 =	simm.s32 $0x1BF5;
	[smem:$0x3FB2] =	sst s0  }
0x18: {  	s0 =	sld [smem:$0x3F95];
	_ =	swait.ge [sflag:s4], $0x0  }
0x19: {  	s7 =	sld [smem:$0x3F96]  }
0x1a: {  	s8 =	sadd.s32 $0xFFFFE003, lr  }
0x1b: {  	s9 =	sadd.s32 $0xFFFFFEF7, lr;
	s5 =	simm.s32 $0xFFFFFFFF;
	p2 =	slt.u32 s8, $0xFFFFF086  }
0x1c: {  	p1 =	slt.u32 s9, $0xF7A;
	s5 =	simm.s32 @!p2 $0x0  }
0x1d: {  	s5 =	simm.s32 @p1 $0x1;
	p0 =	seq.s32 s7, s2  }
0x1e: {  	s7 =	smul.u32 @!p0 $0xF7A, s2;
	p2 =	seq.s32 @!p0 s5, $0x0  }
0x1f: {  	s9 =	smul.u32 $0xF7A, s1;
	s8 =	simm.s32 @!p0 $0x1BF5;
	p2 =	por !p2, p0  }
0x20: {  	[sflag:s8] =	ssyncset.s32 @!p0 $0xFFFFF086;
	s6 =	sadd.s32 @!p0 s3, s7;
	s7 =	simm.s32 @!p0 $0x108  }
0x21: {  	s3 =	sadd.s32 s3, s9;
	s6 =	sadd.s32 @!p0 $0x88, s6;
	s7 =	simm.s32 @p2 $0x1082  }
0x22: {  	[simem:s7], [sflag:s8] =	dma.local @!p0 [hbm:s6], $0xF7A  }
0x23: {  	s9 =	sor.u32 $0xD0000000, s2;
	s6 =	simm.s32 $0x108;
	_ =	swait.ge @!p0 [sflag:s8], $0x0  }
0x24: {  	s3 =	sadd.s32 $0x88, s3;
	s6 =	simm.s32 @!p1 $0x1082;
	[sflag:s4] =	ssyncset.s32 $0xFFFFF086  }
0x25: {  	[simem:s6], [sflag:s4] =	dma.local [hbm:s3], $0xF7A  }
0x26: {  	[smem:$0x3F96] =	sst s1;
	(tag) =	ssettag s2;
	_ =	strace s9  }
0x27: {  	s1 =	sld [smem:$0x3FA6]  }
0x28: {  	s2 =	sld [smem:$0x3FA7]  }
0x29: {  	s4 =	sld [smem:$0x3FA9]  }
0x2a: {  	p0 =	seq.s32 s5, $0x0;
	s5 =	sld [smem:$0x3FAA]  }
0x2b: {  	s6 =	sld [smem:$0x3FAB]  }
0x2c: {  	s7 =	sld [smem:$0x3FAC]  }
0x2d: {  	s3 =	simm.s32 $0x108;
	s8 =	sld [smem:$0x3FAD]  }
0x2e: {  	s3 =	simm.s32 @!p0 $0x1082;
	s9 =	sld [smem:$0x3FAE]  }
0x2f: {  	lr =	sadd.s32 s0, s3;
	s0 =	sld [smem:$0x3FA5]  }
0x30: {  	s3 =	sld [smem:$0x3FA8]  }
0x31: {  	[smem:$0x3FB1] =	sst s10  }
0x32: {  	s10 =	sld [smem:$0x3FAF];
	_ =	sdelay $0x3  }
0x33: {  	p0 =	seq.s32 s10, $0x1;
	s10 =	sld [smem:$0x3FB1];
	_ =	sdelay $0x3  }
0x34: {  	[smem:$0x3FB1] =	sst s10  }
0x35: {  	s10 =	sld [smem:$0x3FB0];
	_ =	sdelay $0x3  }
0x36: {  	p1 =	seq.s32 s10, $0x1;
	s10 =	sld [smem:$0x3FB1];
	_ =	sdelay $0x3  }
0x37: {  	[smem:$0x3FB1] =	sst s10  }
0x38: {  	s10 =	sld [smem:$0x3FB2]  }
0x39: {  	_ = 	snop;
	(pc) =	sbr.ind lr, $3  }
0x3a: {  	_ = 	snop  }
0x3b: {  	_ = 	snop  }
0x3c: {  	p2 =	seq.s32 s10, $0x1;
	s10 =	sld [smem:$0x3FB1]  }
0x3d: {  	_ =	shalt  }
0x3e: {  	_ =	shalt  }
0x3f: {  	_ =	shalt  }
0x40: {  	_ =	shalt  }
0x41: {  	_ =	shalt  }
0x42: {  	_ =	shalt  }
0x43: {  	_ =	shalt  }
0x44: {  	_ =	shalt  }
0x45: {  	_ =	shalt  }
0x46: {  	_ =	shalt  }
0x47: {  	_ =	shalt  }
0x48: {  	_ =	shalt  }
0x49: {  	_ =	shalt  }
0x4a: {  	_ =	shalt  }
0x4b: {  	_ =	shalt  }
0x4c: {  	_ =	shalt  }
0x4d: {  	_ =	shalt  }
0x4e: {  	_ =	shalt  }
0x4f: {  	_ =	shalt  }
0x50: {  	_ =	shalt  }
0x51: {  	_ =	shalt  }
0x52: {  	_ =	shalt  }
0x53: {  	_ =	shalt  }
0x54: {  	_ =	shalt  }
0x55: {  	_ =	shalt  }
0x56: {  	_ =	shalt  }
0x57: {  	_ =	shalt  }
0x58: {  	_ =	shalt  }
0x59: {  	_ =	shalt  }
0x5a: {  	_ =	shalt  }
0x5b: {  	_ =	shalt  }
0x5c: {  	_ =	shalt  }
0x5d: {  	_ =	shalt  }
0x5e: {  	_ =	shalt  }
0x5f: {  	_ =	shalt  }
0x60: {  	_ =	shalt  }
0x61: {  	_ =	shalt  }
0x62: {  	_ =	shalt  }
0x63: {  	_ =	shalt  }
0x64: {  	_ =	shalt  }
0x65: {  	_ =	shalt  }
0x66: {  	_ =	shalt  }
0x67: {  	_ =	shalt  }
0x68: {  	_ =	shalt  }
0x69: {  	_ =	shalt  }
0x6a: {  	_ =	shalt  }
0x6b: {  	_ =	shalt  }
0x6c: {  	_ =	shalt  }
0x6d: {  	_ =	shalt  }
0x6e: {  	_ =	shalt  }
0x6f: {  	_ =	shalt  }
0x70: {  	_ =	shalt  }
0x71: {  	_ =	shalt  }
0x72: {  	_ =	shalt  }
0x73: {  	_ =	shalt  }
0x74: {  	_ =	shalt  }
0x75: {  	_ =	shalt  }
0x76: {  	_ =	shalt  }
0x77: {  	_ =	shalt  }
0x78: {  	_ =	shalt  }
0x79: {  	_ =	shalt  }
0x7a: {  	_ =	shalt  }
0x7b: {  	_ =	shalt  }
0x7c: {  	_ =	shalt  }
0x7d: {  	_ =	shalt  }
0x7e: {  	_ =	shalt  }
0x7f: {  	_ =	shalt  }
0x80: {  	_ =	shalt  }
0x81: {  	_ =	shalt  }
0x82: {  	_ =	shalt  }
0x83: {  	_ =	shalt  }
0x84: {  	_ =	shalt  }
0x85: {  	_ =	shalt  }
0x86: {  	_ =	shalt  }
0x87: {  	_ =	shalt  }
.Lfunc_end0:
.L_simem_size_0:
called_computation_lowered:
.L_overlay_start_0:
0x88: {  	s0 =	sld [smem:$0x3FD9]  }
0x89: {  	s1 =	sld [smem:$0x3FFE];
	_ =	sdelay $0x3  }
0x8a: {  	s0 =	sadd.s32 s1, s0  }
0x8b: {  	[smem:$0x3FBD] =	sst s0  }
0x8c: {  	_ = 	snop  }
0x8d: {  	s0 =	sld [smem:$0x3FC7]  }
0x8e: {  	s16 =	sld [smem:$0x3FC6];
	(tm) =	ssettm $0x1  }
0x8f: {  	s2 =	sld [smem:$0x3FFB];
	_ =	sdelay $0x3  }
0x90: {  	_ =	strace s2  }
0x91: {  	s2 =	sld [smem:$0x3FFC];
	_ =	sdelay $0x3  }
0x92: {  	_ =	strace s2  }
0x93: {  	s2 =	sld [smem:$0x3FFD];
	_ =	sdelay $0x3  }
0x94: {  	_ =	strace s2  }
0x95: {  	_ =	strace $0x8FFFFFFF  }
0x96: {  	s17 =	sld [smem:$0x3FDB];
	_ =	sdelay $0x1  }
0x97: {  	s3 =	simm.s32 $_scs_section_size  }
0x98: {  	s4 =	simm.s32 $_size__tile_overlayer_lowered;
	s5 =	simm.s32 $_tile_overlayer_lowered  }
0x99: {  	s20 =	simm.s32 $0x1BFF;
	s19 =	sshll.u32 s5, $0x1;
	s2 =	sadd.s32 s3, s17  }
0x9a: {  	s6 =	simm.s32 $0x0;
	s18 =	sshll.u32 s4, $0x1;
	s4 =	sadd.s32 s19, s2  }
0x9b: {  	[timem:s6], [sflag:s20] =	dma.local [hbm:s4], s18  }
0x9c: {  	_ =	swait.ge [sflag:s20], s18  }
0x9d: {  	s3 =	ssub.s32 $0x0, s18;
	[sflag:s20] =	ssyncset.done $0x0  }
0x9e: {  	[sflag:s20] =	ssyncadd.s32 s3;
	_ =	sdelay $0x1  }
0x9f: {  	s21 =	simm.s32 $0x1B8B  }
0xa0: {  	_ =	swait.ge [sflag:s21], $0x1  }
0xa1: {  	[sflag:s21] =	ssyncset.done $0x0  }
0xa2: {  	s23 =	simm.s32 $0x1B8E;
	s22 =	sld [smem:$0x3FFE];
	[sflag:s21] =	ssyncadd.s32 $0xFFFFFFFF  }
0xa3: {  	s24 =	simm.s32 $execute0_lowered;
	[smem:$0x3FD2] =	sst s23  }
0xa4: {  	s4 =	sshll.u32 s24, $0x1;
	_ =	strace $0x80000046;
	[dreg:$0x1] =	wrdreg $0xFFFFFFFF  }
0xa5: {  	s25 =	simm.s32 $_size_execute0_lowered;
	s2 =	sadd.s32 s2, s4;
	[dreg:$0x0] =	wrdreg $0x0  }
0xa6: {  	s4 =	sshll.u32 s25, $0x1;
	[dreg:$0x2] =	wrdreg s2  }
0xa7: {  	[dreg:$0x3] =	wrdreg s4  }
0xa8: {  	[dreg:$0x4] =	wrdreg $0xC0  }
0xa9: {  	_ =	task [dreg:s6], $0x5FFFF  }
0xaa: {  	[dreg:$0x1] =	wrdreg $0xFFFFFFFF  }
0xab: {  	[dreg:$0x0] =	wrdreg $0x60  }
0xac: {  	[dreg:$0x2] =	wrdreg s0  }
0xad: {  	[dreg:$0x3] =	wrdreg s16  }
0xae: {  	[dreg:$0x4] =	wrdreg s22  }
0xaf: {  	[dreg:$0x5] =	wrdreg $0x3C000  }
0xb0: {  	[dreg:$0x6] =	wrdreg $0x3C800  }
0xb1: {  	[dreg:$0x7] =	wrdreg $0x3D000  }
0xb2: {  	[dreg:$0x8] =	wrdreg $0x3E800  }
0xb3: {  	[dreg:$0x9] =	wrdreg $0x3D800  }
0xb4: {  	[dreg:$0xa] =	wrdreg $0x3E000  }
0xb5: {  	[dreg:$0xb] =	wrdreg $0x9  }
0xb6: {  	_ =	task.clear_ibuf [dreg:s6], $0xCFFFF;
	_ =	strace $0x90000046  }
0xb7: {  	s26 =	simm.s32 $0x9;
	_ =	strace $0x80000048  }
0xb8: {  	_ =	swait.ge [sflag:s26], $0x1  }
0xb9: {  	[sflag:s26] =	ssyncadd.s32 $0xFFFFFFFF  }
0xba: {  	_ =	strace $0x90000048  }
0xbb: {  	_ =	sfence  }
0xbc: {  	s28 =	sld [smem:$0x0];
	_ =	sdelay $0x1  }
0xbd: {  	s29 =	srdreg.scid  }
0xbe: {  	s30 =	sshll.u32 s29, $0xD;
	s31 =	sshrl.u32 s29, $0x2  }
0xbf: {  	s1 =	sand.u32 $0x1, s29;
	s2 =	sand.u32 $0x4000, s30;
	s0 =	sadd.s32 s31, s28  }
0xc0: {  	s1 =	sor.u32 s2, s1;
	s0 =	sshll.u32 s0, $0x11  }
0xc1: {  	s0 =	sor.u32 s0, s1  }
0xc2: {  	s0 =	sadd.s32 $0x8F2B, s0  }
0xc3: {  	[sflag:s0] =	ssyncadd.remote.s32 $0x1  }
0xc4: {  	_ =	sfence.sel $0xFFFF  }
0xc5: {  	[dreg:$0x0] =	wrdreg $0xFFFFFFFF;
	(pc) =	sbr.abs _section_cstart, $3  }
0xc6: {  	[dreg:$0x1] =	wrdreg $0xFFFFFFFF  }
0xc7: {  	_ =	task.clear_ibuf [dreg:s6], $0x2FFFF;
	_ =	strace $0x9FFFFFFF  }
0xc8: {  	(tm) =	ssettm $0x7FFFFFFF  }
0xc9: {  	_ =	shalt  }
tec
execute0_lowered:
.L_overlay_start_1:
0x0: {  	(tag) =	ssettag $0x1  }
0x1: {  	s7 =	rddreg [dreg:$0x0]  }
0x2: {  	s8 =	rddreg [dreg:$0x1]  }
0x3: {  	s5 =	rddreg [dreg:$0x2]  }
0x4: {  	s10 =	rddreg [dreg:$0x3]  }
0x5: {  	s11 =	rddreg [dreg:$0x4]  }
0x6: {  	s9 =	rddreg [dreg:$0x5]  }
0x7: {  	s4 =	rddreg [dreg:$0x6]  }
0x8: {  	s3 =	rddreg [dreg:$0x7]  }
0x9: {  	s2 =	rddreg [dreg:$0x8];
	s12 =	simm.s32 $0x0;
	s6 =	stileid.u32  }
0xa: {  	[smem:$0x7FF] =	sst s12;
	s1 =	sshll.u32 s6, $0x8  }
0xb: {  	s0 =	rddreg [dreg:$0x9];
	_ =	strace $0x80000047;
	s7 =	sadd.s32 s7, s1  }
0xc: {  	[tilespmem:s12], [sflag:$0x1] =	stream.linear.gather [hbm4b:s7+s12], $0x800, $0x38;
	[tilespmem:$0x3E88] =	vst v63  }
0xd: {  	s18 =	simm.s32 $0x1000;
	s7 =	sadd.s32 s8, s1  }
0xe: {  	[tilespmem:s18], [sflag:$0x1] =	stream.linear.gather [hbm4b:s7+s12], $0x800, $0x38;
	[tilespmem:$0x3E88] =	vst v63  }
0xf: {  	s19 =	simm.s32 $0x1800  }
0x10: {  	[tilespmem:s19], [sflag:$0x1] =	stream.linear.gather [hbm4b:s7+s12], $0x80, $0x38;
	[tilespmem:$0x3E88] =	vst v63  }
0x11: {  	s13 =	simm.s32 $0x1880;
	s20 =	sadd.s32 $0x10, s7  }
0x12: {  	[tilespmem:s13], [sflag:$0x1] =	stream.linear.gather [hbm4b:s20+s12], $0x80, $0x38;
	[tilespmem:$0x3E88] =	vst v63  }
0x13: {  	s22 =	simm.s32 $0x1900;
	s21 =	sadd.s32 $0x20, s7  }
0x14: {  	[tilespmem:s22], [sflag:$0x1] =	stream.linear.gather [hbm4b:s21+s12], $0x80, $0x38;
	[tilespmem:$0x3E88] =	vst v63  }
0x15: {  	s24 =	simm.s32 $0x1980;
	s23 =	sadd.s32 $0x30, s7  }
0x16: {  	[tilespmem:s24], [sflag:$0x1] =	stream.linear.gather [hbm4b:s23+s12], $0x80, $0x38;
	[tilespmem:$0x3E88] =	vst v63  }
0x17: {  	s26 =	simm.s32 $0x1A00;
	s25 =	sadd.s32 $0x40, s7  }
0x18: {  	[tilespmem:s26], [sflag:$0x1] =	stream.linear.gather [hbm4b:s25+s12], $0x80, $0x38;
	[tilespmem:$0x3E88] =	vst v63  }
0x19: {  	s29 =	simm.s32 $0x1A80;
	s28 =	sadd.s32 $0x50, s7  }
0x1a: {  	[tilespmem:s29], [sflag:$0x1] =	stream.linear.gather [hbm4b:s28+s12], $0x80, $0x38;
	[tilespmem:$0x3E88] =	vst v63  }
0x1b: {  	s31 =	simm.s32 $0x1B00;
	s30 =	sadd.s32 $0x60, s7  }
0x1c: {  	[tilespmem:s31], [sflag:$0x1] =	stream.linear.gather [hbm4b:s30+s12], $0x80, $0x38;
	[tilespmem:$0x3E88] =	vst v63  }
0x1d: {  	s14 =	simm.s32 $0x1B80;
	s13 =	sadd.s32 $0x70, s7  }
0x1e: {  	[tilespmem:s14], [sflag:$0x1] =	stream.linear.gather [hbm4b:s13+s12], $0x80, $0x38;
	[tilespmem:$0x3E88] =	vst v63  }
0x1f: {  	s16 =	simm.s32 $0x1C00;
	s15 =	sadd.s32 $0x80, s7  }
0x20: {  	[tilespmem:s16], [sflag:$0x1] =	stream.linear.gather [hbm4b:s15+s12], $0x80, $0x38;
	[tilespmem:$0x3E88] =	vst v63  }
0x21: {  	s17 =	sadd.s32 $0x90, s7;
	s18 =	simm.s32 $0x1C80  }
0x22: {  	[tilespmem:s18], [sflag:$0x1] =	stream.linear.gather [hbm4b:s17+s12], $0x80, $0x38;
	[tilespmem:$0x3E88] =	vst v63  }
0x23: {  	s19 =	sadd.s32 $0xA0, s7;
	s20 =	simm.s32 $0x1D00  }
0x24: {  	[tilespmem:s20], [sflag:$0x1] =	stream.linear.gather [hbm4b:s19+s12], $0x80, $0x38;
	[tilespmem:$0x3E88] =	vst v63  }
0x25: {  	s21 =	sadd.s32 $0xB0, s7;
	s22 =	simm.s32 $0x1D80  }
0x26: {  	[tilespmem:s22], [sflag:$0x1] =	stream.linear.gather [hbm4b:s21+s12], $0x80, $0x38;
	[tilespmem:$0x3E88] =	vst v63  }
0x27: {  	s23 =	sadd.s32 $0xC0, s7;
	s24 =	simm.s32 $0x1E00  }
0x28: {  	[tilespmem:s24], [sflag:$0x1] =	stream.linear.gather [hbm4b:s23+s12], $0x80, $0x38;
	[tilespmem:$0x3E88] =	vst v63  }
0x29: {  	s25 =	sadd.s32 $0xD0, s7;
	s26 =	simm.s32 $0x1E80  }
0x2a: {  	[tilespmem:s26], [sflag:$0x1] =	stream.linear.gather [hbm4b:s25+s12], $0x80, $0x38;
	[tilespmem:$0x3E88] =	vst v63  }
0x2b: {  	s28 =	sadd.s32 $0xE0, s7;
	s29 =	simm.s32 $0x1F00  }
0x2c: {  	[tilespmem:s29], [sflag:$0x1] =	stream.linear.gather [hbm4b:s28+s12], $0x80, $0x38;
	[tilespmem:$0x3E88] =	vst v63  }
0x2d: {  	s7 =	sadd.s32 $0xF0, s7;
	s30 =	simm.s32 $0x1F80  }
0x2e: {  	v0 =	vimm.f32 $1.000000000e+00;
	[tilespmem:s30], [sflag:$0x1] =	stream.linear.gather [hbm4b:s7+s12], $0x80, $0x38;
	[tilespmem:$0x3E88] =	vst v63  }
0x2f: {  	[tilespmem:$0x2000] =	vst v0  }
0x30: {  	[tilespmem:$0x2010] =	vst v0  }
0x31: {  	[tilespmem:$0x2020] =	vst v0  }
0x32: {  	[tilespmem:$0x2030] =	vst v0  }
0x33: {  	[tilespmem:$0x2040] =	vst v0  }
0x34: {  	[tilespmem:$0x2050] =	vst v0  }
0x35: {  	[tilespmem:$0x2060] =	vst v0  }
0x36: {  	[tilespmem:$0x2070] =	vst v0;
	v0 =	vimm.f32 $0.0e+00  }
0x37: {  	[tilespmem:$0x2200] =	vst v0  }
0x38: {  	[tilespmem:$0x2210] =	vst v0  }
0x39: {  	[tilespmem:$0x2220] =	vst v0  }
0x3a: {  	[tilespmem:$0x2230] =	vst v0  }
0x3b: {  	[tilespmem:$0x2240] =	vst v0  }
0x3c: {  	[tilespmem:$0x2250] =	vst v0  }
0x3d: {  	[tilespmem:$0x2260] =	vst v0  }
0x3e: {  	s31 =	simm.s32 $0x1;
	[tilespmem:$0x2270] =	vst v0  }
0x3f: {  	_ =	swait.ge [sflag:s31], $0x800  }
0x40: {  	[sflag:s31] =	ssyncset.done $0x0  }
0x41: {  	[sflag:s31] =	ssyncadd.s32 $0xFFFFF800  }
0x42: {  	_ =	swait.ge [sflag:s31], $0x800  }
0x43: {  	[sflag:s31] =	ssyncset.done $0x0  }
0x44: {  	[sflag:s31] =	ssyncadd.s32 $0xFFFFF800  }
0x45: {  	_ =	swait.ge [sflag:s31], $0x80  }
0x46: {  	[sflag:s31] =	ssyncset.done $0x0  }
0x47: {  	[sflag:s31] =	ssyncadd.s32 $0xFFFFFF80  }
0x48: {  	_ =	swait.ge [sflag:s31], $0x80  }
0x49: {  	[sflag:s31] =	ssyncset.done $0x0  }
0x4a: {  	[sflag:s31] =	ssyncadd.s32 $0xFFFFFF80  }
0x4b: {  	_ =	swait.ge [sflag:s31], $0x80  }
0x4c: {  	[sflag:s31] =	ssyncset.done $0x0  }
0x4d: {  	[sflag:s31] =	ssyncadd.s32 $0xFFFFFF80  }
0x4e: {  	_ =	swait.ge [sflag:s31], $0x80  }
0x4f: {  	[sflag:s31] =	ssyncset.done $0x0  }
0x50: {  	[sflag:s31] =	ssyncadd.s32 $0xFFFFFF80  }
0x51: {  	_ =	swait.ge [sflag:s31], $0x80  }
0x52: {  	[sflag:s31] =	ssyncset.done $0x0  }
0x53: {  	[sflag:s31] =	ssyncadd.s32 $0xFFFFFF80  }
0x54: {  	_ =	swait.ge [sflag:s31], $0x80  }
0x55: {  	[sflag:s31] =	ssyncset.done $0x0  }
0x56: {  	[sflag:s31] =	ssyncadd.s32 $0xFFFFFF80  }
0x57: {  	_ =	swait.ge [sflag:s31], $0x80  }
0x58: {  	[sflag:s31] =	ssyncset.done $0x0  }
0x59: {  	[sflag:s31] =	ssyncadd.s32 $0xFFFFFF80  }
0x5a: {  	_ =	swait.ge [sflag:s31], $0x80  }
0x5b: {  	[sflag:s31] =	ssyncset.done $0x0  }
0x5c: {  	[sflag:s31] =	ssyncadd.s32 $0xFFFFFF80  }
0x5d: {  	_ =	swait.ge [sflag:s31], $0x80  }
0x5e: {  	[sflag:s31] =	ssyncset.done $0x0  }
0x5f: {  	[sflag:s31] =	ssyncadd.s32 $0xFFFFFF80  }
0x60: {  	_ =	swait.ge [sflag:s31], $0x80  }
0x61: {  	[sflag:s31] =	ssyncset.done $0x0  }
0x62: {  	[sflag:s31] =	ssyncadd.s32 $0xFFFFFF80  }
0x63: {  	_ =	swait.ge [sflag:s31], $0x80  }
0x64: {  	[sflag:s31] =	ssyncset.done $0x0  }
0x65: {  	[sflag:s31] =	ssyncadd.s32 $0xFFFFFF80  }
0x66: {  	_ =	swait.ge [sflag:s31], $0x80  }
0x67: {  	[sflag:s31] =	ssyncset.done $0x0  }
0x68: {  	[sflag:s31] =	ssyncadd.s32 $0xFFFFFF80  }
0x69: {  	_ =	swait.ge [sflag:s31], $0x80  }
0x6a: {  	[sflag:s31] =	ssyncset.done $0x0  }
0x6b: {  	[sflag:s31] =	ssyncadd.s32 $0xFFFFFF80  }
0x6c: {  	_ =	swait.ge [sflag:s31], $0x80  }
0x6d: {  	[sflag:s31] =	ssyncset.done $0x0  }
0x6e: {  	[sflag:s31] =	ssyncadd.s32 $0xFFFFFF80  }
0x6f: {  	_ =	swait.ge [sflag:s31], $0x80  }
0x70: {  	[sflag:s31] =	ssyncset.done $0x0  }
0x71: {  	[sflag:s31] =	ssyncadd.s32 $0xFFFFFF80  }
0x72: {  	_ =	swait.ge [sflag:s31], $0x80  }
0x73: {  	[sflag:s31] =	ssyncset.done $0x0  }
0x74: {  	s8 =	simm.s32 $0x0;
	[sflag:s31] =	ssyncadd.s32 $0xFFFFFF80  }
0x75: {  	v0 =	vld [tilespmem:s8+$0x0]  }
0x76: {  	s5 =	sadd.s32 $0x1000, s5;
	s7 =	simm.s32 $0x40  }
.LBB2_1:
0x77: {  	p0 =	sne.s32 s7, $0x1FC0  }
.Ltmp0:
0x78: {  	_ = 	snop;
	(pc) =	sbr.rel @p0 .LBB2_1-.Ltmp0, $4  }
0x79: {  	_ = 	snop  }
0x7a: {  	s12 =	sshra.s32 s7, $0x2;
	s7 =	sadd.s32 $0x40, s7;
	v1 =	vmul.f32 v0, v0  }
0x7b: {  	v0 =	vld [tilespmem:s12+$0x0]  }
0x7c: {  	[tilespmem:s8+$0x800] =	vst v1;
	s8 =	smov.u32 s12  }
0x7d: {  	_ =	sdelay $0x2  }
0x7e: {  	v0 =	vmul.f32 v0, v0  }
0x7f: {  	s7 =	sshll.u32 s6, $0x7  }
0x80: {  	s12 =	sadd.s32 s7, s10;
	[tilespmem:s8+$0x800] =	vst v0;
	s8 =	simm.s32 $0x2200  }
0x81: {  	[spmem:s12] =	stream.linear.scatter [tilespmem:s8], [sflag:$0x1], $0x80, $0x38;
	[tilespmem:$0x3E88] =	vst v63  }
0x82: {  	s13 =	sadd.s32 s7, s11  }
0x83: {  	[spmem:s13] =	stream.linear.scatter [tilespmem:s8], [sflag:$0x1], $0x80, $0x38;
	[tilespmem:$0x3E88] =	vst v63  }
0x84: {  	p0 =	sne.s32 s6, $0x0;
	s14 =	sadd.s32 s7, s9  }
0x85: {  	v0 =	vimm.f32 @!p0 $0.0e+00;
	[spmem:s14] =	stream.linear.scatter [tilespmem:s8], [sflag:$0x1], $0x80, $0x38;
	[tilespmem:$0x3E88] =	vst v63  }
0x86: {  	s6 =	simm.s32 @!p0 $0x2300;
	[tilespmem:$0x2300] =	vst @!p0 v0  }
0x87: {  	[spmem:s4] =	stream.linear.scatter @!p0 [tilespmem:s6], [sflag:$0x2], $0x80, $0x38;
	[tilespmem:$0x3E88] =	vst v63  }
0x88: {  	s6 =	simm.s32 @!p0 $0x2  }
0x89: {  	_ =	swait.ge @!p0 [sflag:s6], $0x80  }
0x8a: {  	[sflag:s6] =	ssyncset.done @!p0 $0x0  }
0x8b: {  	[sflag:s6] =	ssyncadd.s32 @!p0 $0xFFFFFF80;
	s6 =	simm.s32 $0x1  }
0x8c: {  	_ =	swait.ge [sflag:s6], $0x80  }
0x8d: {  	[sflag:s6] =	ssyncset.done $0x0  }
0x8e: {  	[sflag:s6] =	ssyncadd.s32 $0xFFFFFF80  }
0x8f: {  	_ =	swait.ge [sflag:s6], $0x80  }
0x90: {  	[sflag:s6] =	ssyncset.done $0x0  }
0x91: {  	[sflag:s6] =	ssyncadd.s32 $0xFFFFFF80  }
0x92: {  	_ =	swait.ge [sflag:s6], $0x80  }
0x93: {  	[sflag:s6] =	ssyncset.done $0x0  }
0x94: {  	s15 =	simm.s32 $0x80;
	[sflag:s6] =	ssyncadd.s32 $0xFFFFFF80  }
0x95: {  	s17 =	simm.s32 $0x1800;
	s16 =	simm.s32 $0x0;
	[bflag:$0x0] =	sbarrier.arrive $0xFFFF  }
0x96: {  	[spmem:s10] =	stream.indirect.scatter.add.f32 [tilespmem:s16], [sflag:$0x1], $0x1, s17, s15, $0xb8;
	[tilespmem:$0x3E88] =	vst v63  }
0x97: {  	s16 =	simm.s32 $0x2000  }
0x98: {  	[spmem:s11] =	stream.indirect.scatter.add.f32 [tilespmem:s16], [sflag:$0x1], $0x1, s17, s15, $0xb8;
	[tilespmem:$0x3E88] =	vst v63  }
0x99: {  	s18 =	simm.s32 $0x800  }
0x9a: {  	[spmem:s9] =	stream.indirect.scatter.add.f32 [tilespmem:s18], [sflag:$0x1], $0x1, s17, s15, $0xb8;
	[tilespmem:$0x3E88] =	vst v63  }
0x9b: {  	s28 =	simm.s32 $0x1880  }
0x9c: {  	[spmem:s10] =	stream.indirect.scatter.add.f32 [tilespmem:s15], [sflag:$0x1], $0x1, s28, s15, $0xb8;
	[tilespmem:$0x3E88] =	vst v63  }
0x9d: {  	_ = 	snop  }
0x9e: {  	[spmem:s11] =	stream.indirect.scatter.add.f32 [tilespmem:s16], [sflag:$0x1], $0x1, s28, s15, $0xb8;
	[tilespmem:$0x3E88] =	vst v63  }
0x9f: {  	s29 =	simm.s32 $0x880  }
0xa0: {  	[spmem:s9] =	stream.indirect.scatter.add.f32 [tilespmem:s29], [sflag:$0x1], $0x1, s28, s15, $0xb8;
	[tilespmem:$0x3E88] =	vst v63  }
0xa1: {  	s30 =	simm.s32 $0x1900;
	s31 =	simm.s32 $0x100  }
0xa2: {  	[spmem:s10] =	stream.indirect.scatter.add.f32 [tilespmem:s31], [sflag:$0x1], $0x1, s30, s15, $0xb8;
	[tilespmem:$0x3E88] =	vst v63  }
0xa3: {  	_ = 	snop  }
0xa4: {  	[spmem:s11] =	stream.indirect.scatter.add.f32 [tilespmem:s16], [sflag:$0x1], $0x1, s30, s15, $0xb8;
	[tilespmem:$0x3E88] =	vst v63  }
0xa5: {  	s19 =	simm.s32 $0x900  }
0xa6: {  	[spmem:s9] =	stream.indirect.scatter.add.f32 [tilespmem:s19], [sflag:$0x1], $0x1, s30, s15, $0xb8;
	[tilespmem:$0x3E88] =	vst v63  }
0xa7: {  	s20 =	simm.s32 $0x1980;
	s21 =	simm.s32 $0x180  }
0xa8: {  	[spmem:s10] =	stream.indirect.scatter.add.f32 [tilespmem:s21], [sflag:$0x1], $0x1, s20, s15, $0xb8;
	[tilespmem:$0x3E88] =	vst v63  }
0xa9: {  	_ = 	snop  }
0xaa: {  	[spmem:s11] =	stream.indirect.scatter.add.f32 [tilespmem:s16], [sflag:$0x1], $0x1, s20, s15, $0xb8;
	[tilespmem:$0x3E88] =	vst v63  }
0xab: {  	s22 =	simm.s32 $0x980  }
0xac: {  	[spmem:s9] =	stream.indirect.scatter.add.f32 [tilespmem:s22], [sflag:$0x1], $0x1, s20, s15, $0xb8;
	[tilespmem:$0x3E88] =	vst v63  }
0xad: {  	s23 =	simm.s32 $0x1A00;
	s24 =	simm.s32 $0x200  }
0xae: {  	[spmem:s10] =	stream.indirect.scatter.add.f32 [tilespmem:s24], [sflag:$0x1], $0x1, s23, s15, $0xb8;
	[tilespmem:$0x3E88] =	vst v63  }
0xaf: {  	_ = 	snop  }
0xb0: {  	[spmem:s11] =	stream.indirect.scatter.add.f32 [tilespmem:s16], [sflag:$0x1], $0x1, s23, s15, $0xb8;
	[tilespmem:$0x3E88] =	vst v63  }
0xb1: {  	s25 =	simm.s32 $0xA00  }
0xb2: {  	[spmem:s9] =	stream.indirect.scatter.add.f32 [tilespmem:s25], [sflag:$0x1], $0x1, s23, s15, $0xb8;
	[tilespmem:$0x3E88] =	vst v63  }
0xb3: {  	s26 =	simm.s32 $0x1A80;
	s28 =	simm.s32 $0x280  }
0xb4: {  	[spmem:s10] =	stream.indirect.scatter.add.f32 [tilespmem:s28], [sflag:$0x1], $0x1, s26, s15, $0xb8;
	[tilespmem:$0x3E88] =	vst v63  }
0xb5: {  	_ = 	snop  }
0xb6: {  	[spmem:s11] =	stream.indirect.scatter.add.f32 [tilespmem:s16], [sflag:$0x1], $0x1, s26, s15, $0xb8;
	[tilespmem:$0x3E88] =	vst v63  }
0xb7: {  	s29 =	simm.s32 $0xA80  }
0xb8: {  	[spmem:s9] =	stream.indirect.scatter.add.f32 [tilespmem:s29], [sflag:$0x1], $0x1, s26, s15, $0xb8;
	[tilespmem:$0x3E88] =	vst v63  }
0xb9: {  	s31 =	simm.s32 $0x300;
	s30 =	simm.s32 $0x1B00  }
0xba: {  	[spmem:s10] =	stream.indirect.scatter.add.f32 [tilespmem:s31], [sflag:$0x1], $0x1, s30, s15, $0xb8;
	[tilespmem:$0x3E88] =	vst v63  }
0xbb: {  	_ = 	snop  }
0xbc: {  	[spmem:s11] =	stream.indirect.scatter.add.f32 [tilespmem:s16], [sflag:$0x1], $0x1, s30, s15, $0xb8;
	[tilespmem:$0x3E88] =	vst v63  }
0xbd: {  	s19 =	simm.s32 $0xB00  }
0xbe: {  	[spmem:s9] =	stream.indirect.scatter.add.f32 [tilespmem:s19], [sflag:$0x1], $0x1, s30, s15, $0xb8;
	[tilespmem:$0x3E88] =	vst v63  }
0xbf: {  	s21 =	simm.s32 $0x380;
	s20 =	simm.s32 $0x1B80  }
0xc0: {  	[spmem:s10] =	stream.indirect.scatter.add.f32 [tilespmem:s21], [sflag:$0x1], $0x1, s20, s15, $0xb8;
	[tilespmem:$0x3E88] =	vst v63  }
0xc1: {  	_ = 	snop  }
0xc2: {  	[spmem:s11] =	stream.indirect.scatter.add.f32 [tilespmem:s16], [sflag:$0x1], $0x1, s20, s15, $0xb8;
	[tilespmem:$0x3E88] =	vst v63  }
0xc3: {  	s22 =	simm.s32 $0xB80  }
0xc4: {  	[spmem:s9] =	stream.indirect.scatter.add.f32 [tilespmem:s22], [sflag:$0x1], $0x1, s20, s15, $0xb8;
	[tilespmem:$0x3E88] =	vst v63  }
0xc5: {  	s24 =	simm.s32 $0x400;
	s23 =	simm.s32 $0x1C00  }
0xc6: {  	[spmem:s10] =	stream.indirect.scatter.add.f32 [tilespmem:s24], [sflag:$0x1], $0x1, s23, s15, $0xb8;
	[tilespmem:$0x3E88] =	vst v63  }
0xc7: {  	_ = 	snop  }
0xc8: {  	[spmem:s11] =	stream.indirect.scatter.add.f32 [tilespmem:s16], [sflag:$0x1], $0x1, s23, s15, $0xb8;
	[tilespmem:$0x3E88] =	vst v63  }
0xc9: {  	s25 =	simm.s32 $0xC00  }
0xca: {  	[spmem:s9] =	stream.indirect.scatter.add.f32 [tilespmem:s25], [sflag:$0x1], $0x1, s23, s15, $0xb8;
	[tilespmem:$0x3E88] =	vst v63  }
0xcb: {  	s28 =	simm.s32 $0x480;
	s26 =	simm.s32 $0x1C80  }
0xcc: {  	[spmem:s10] =	stream.indirect.scatter.add.f32 [tilespmem:s28], [sflag:$0x1], $0x1, s26, s15, $0xb8;
	[tilespmem:$0x3E88] =	vst v63  }
0xcd: {  	_ = 	snop  }
0xce: {  	[spmem:s11] =	stream.indirect.scatter.add.f32 [tilespmem:s16], [sflag:$0x1], $0x1, s26, s15, $0xb8;
	[tilespmem:$0x3E88] =	vst v63  }
0xcf: {  	s29 =	simm.s32 $0xC80  }
0xd0: {  	[spmem:s9] =	stream.indirect.scatter.add.f32 [tilespmem:s29], [sflag:$0x1], $0x1, s26, s15, $0xb8;
	[tilespmem:$0x3E88] =	vst v63  }
0xd1: {  	s31 =	simm.s32 $0x500;
	s30 =	simm.s32 $0x1D00  }
0xd2: {  	[spmem:s10] =	stream.indirect.scatter.add.f32 [tilespmem:s31], [sflag:$0x1], $0x1, s30, s15, $0xb8;
	[tilespmem:$0x3E88] =	vst v63  }
0xd3: {  	_ = 	snop  }
0xd4: {  	[spmem:s11] =	stream.indirect.scatter.add.f32 [tilespmem:s16], [sflag:$0x1], $0x1, s30, s15, $0xb8;
	[tilespmem:$0x3E88] =	vst v63  }
0xd5: {  	s19 =	simm.s32 $0xD00  }
0xd6: {  	[spmem:s9] =	stream.indirect.scatter.add.f32 [tilespmem:s19], [sflag:$0x1], $0x1, s30, s15, $0xb8;
	[tilespmem:$0x3E88] =	vst v63  }
0xd7: {  	s21 =	simm.s32 $0x580;
	s20 =	simm.s32 $0x1D80  }
0xd8: {  	[spmem:s10] =	stream.indirect.scatter.add.f32 [tilespmem:s21], [sflag:$0x1], $0x1, s20, s15, $0xb8;
	[tilespmem:$0x3E88] =	vst v63  }
0xd9: {  	_ = 	snop  }
0xda: {  	[spmem:s11] =	stream.indirect.scatter.add.f32 [tilespmem:s16], [sflag:$0x1], $0x1, s20, s15, $0xb8;
	[tilespmem:$0x3E88] =	vst v63  }
0xdb: {  	s22 =	simm.s32 $0xD80  }
0xdc: {  	[spmem:s9] =	stream.indirect.scatter.add.f32 [tilespmem:s22], [sflag:$0x1], $0x1, s20, s15, $0xb8;
	[tilespmem:$0x3E88] =	vst v63  }
0xdd: {  	s24 =	simm.s32 $0x600;
	s23 =	simm.s32 $0x1E00  }
0xde: {  	[spmem:s10] =	stream.indirect.scatter.add.f32 [tilespmem:s24], [sflag:$0x1], $0x1, s23, s15, $0xb8;
	[tilespmem:$0x3E88] =	vst v63  }
0xdf: {  	_ = 	snop  }
0xe0: {  	[spmem:s11] =	stream.indirect.scatter.add.f32 [tilespmem:s16], [sflag:$0x1], $0x1, s23, s15, $0xb8;
	[tilespmem:$0x3E88] =	vst v63  }
0xe1: {  	s25 =	simm.s32 $0xE00  }
0xe2: {  	[spmem:s9] =	stream.indirect.scatter.add.f32 [tilespmem:s25], [sflag:$0x1], $0x1, s23, s15, $0xb8;
	[tilespmem:$0x3E88] =	vst v63  }
0xe3: {  	s28 =	simm.s32 $0x680;
	s26 =	simm.s32 $0x1E80  }
0xe4: {  	[spmem:s10] =	stream.indirect.scatter.add.f32 [tilespmem:s28], [sflag:$0x1], $0x1, s26, s15, $0xb8;
	[tilespmem:$0x3E88] =	vst v63  }
0xe5: {  	_ = 	snop  }
0xe6: {  	[spmem:s11] =	stream.indirect.scatter.add.f32 [tilespmem:s16], [sflag:$0x1], $0x1, s26, s15, $0xb8;
	[tilespmem:$0x3E88] =	vst v63  }
0xe7: {  	s29 =	simm.s32 $0xE80  }
0xe8: {  	[spmem:s9] =	stream.indirect.scatter.add.f32 [tilespmem:s29], [sflag:$0x1], $0x1, s26, s15, $0xb8;
	[tilespmem:$0x3E88] =	vst v63  }
0xe9: {  	s31 =	simm.s32 $0x700;
	s30 =	simm.s32 $0x1F00  }
0xea: {  	[spmem:s10] =	stream.indirect.scatter.add.f32 [tilespmem:s31], [sflag:$0x1], $0x1, s30, s15, $0xb8;
	[tilespmem:$0x3E88] =	vst v63  }
0xeb: {  	_ = 	snop  }
0xec: {  	[spmem:s11] =	stream.indirect.scatter.add.f32 [tilespmem:s16], [sflag:$0x1], $0x1, s30, s15, $0xb8;
	[tilespmem:$0x3E88] =	vst v63  }
0xed: {  	s19 =	simm.s32 $0xF00  }
0xee: {  	[spmem:s9] =	stream.indirect.scatter.add.f32 [tilespmem:s19], [sflag:$0x1], $0x1, s30, s15, $0xb8;
	[tilespmem:$0x3E88] =	vst v63  }
0xef: {  	s21 =	simm.s32 $0x780;
	s20 =	simm.s32 $0x1F80  }
0xf0: {  	[spmem:s10] =	stream.indirect.scatter.add.f32 [tilespmem:s21], [sflag:$0x1], $0x1, s20, s15, $0xb8;
	[tilespmem:$0x3E88] =	vst v63  }
0xf1: {  	_ = 	snop  }
0xf2: {  	[spmem:s11] =	stream.indirect.scatter.add.f32 [tilespmem:s16], [sflag:$0x1], $0x1, s20, s15, $0xb8;
	[tilespmem:$0x3E88] =	vst v63  }
0xf3: {  	s22 =	simm.s32 $0xF80  }
0xf4: {  	[spmem:s9] =	stream.indirect.scatter.add.f32 [tilespmem:s22], [sflag:$0x1], $0x1, s20, s15, $0xb8;
	[tilespmem:$0x3E88] =	vst v63  }
0xf5: {  	_ =	swait.ge [sflag:s6], $0x80  }
0xf6: {  	[sflag:s6] =	ssyncset.done $0x0  }
0xf7: {  	[sflag:s6] =	ssyncadd.s32 $0xFFFFFF80  }
0xf8: {  	_ =	swait.ge [sflag:s6], $0x80  }
0xf9: {  	[sflag:s6] =	ssyncset.done $0x0  }
0xfa: {  	[sflag:s6] =	ssyncadd.s32 $0xFFFFFF80  }
0xfb: {  	_ =	swait.ge [sflag:s6], $0x80  }
0xfc: {  	[sflag:s6] =	ssyncset.done $0x0  }
0xfd: {  	[sflag:s6] =	ssyncadd.s32 $0xFFFFFF80  }
0xfe: {  	_ =	swait.ge [sflag:s6], $0x80  }
0xff: {  	[sflag:s6] =	ssyncset.done $0x0  }
0x100: {  	[sflag:s6] =	ssyncadd.s32 $0xFFFFFF80  }
0x101: {  	_ =	swait.ge [sflag:s6], $0x80  }
0x102: {  	[sflag:s6] =	ssyncset.done $0x0  }
0x103: {  	[sflag:s6] =	ssyncadd.s32 $0xFFFFFF80  }
0x104: {  	_ =	swait.ge [sflag:s6], $0x80  }
0x105: {  	[sflag:s6] =	ssyncset.done $0x0  }
0x106: {  	[sflag:s6] =	ssyncadd.s32 $0xFFFFFF80  }
0x107: {  	_ =	swait.ge [sflag:s6], $0x80  }
0x108: {  	[sflag:s6] =	ssyncset.done $0x0  }
0x109: {  	[sflag:s6] =	ssyncadd.s32 $0xFFFFFF80  }
0x10a: {  	_ =	swait.ge [sflag:s6], $0x80  }
0x10b: {  	[sflag:s6] =	ssyncset.done $0x0  }
0x10c: {  	[sflag:s6] =	ssyncadd.s32 $0xFFFFFF80  }
0x10d: {  	_ =	swait.ge [sflag:s6], $0x80  }
0x10e: {  	[sflag:s6] =	ssyncset.done $0x0  }
0x10f: {  	[sflag:s6] =	ssyncadd.s32 $0xFFFFFF80  }
0x110: {  	_ =	swait.ge [sflag:s6], $0x80  }
0x111: {  	[sflag:s6] =	ssyncset.done $0x0  }
0x112: {  	[sflag:s6] =	ssyncadd.s32 $0xFFFFFF80  }
0x113: {  	_ =	swait.ge [sflag:s6], $0x80  }
0x114: {  	[sflag:s6] =	ssyncset.done $0x0  }
0x115: {  	[sflag:s6] =	ssyncadd.s32 $0xFFFFFF80  }
0x116: {  	_ =	swait.ge [sflag:s6], $0x80  }
0x117: {  	[sflag:s6] =	ssyncset.done $0x0  }
0x118: {  	[sflag:s6] =	ssyncadd.s32 $0xFFFFFF80  }
0x119: {  	_ =	swait.ge [sflag:s6], $0x80  }
0x11a: {  	[sflag:s6] =	ssyncset.done $0x0  }
0x11b: {  	[sflag:s6] =	ssyncadd.s32 $0xFFFFFF80  }
0x11c: {  	_ =	swait.ge [sflag:s6], $0x80  }
0x11d: {  	[sflag:s6] =	ssyncset.done $0x0  }
0x11e: {  	[sflag:s6] =	ssyncadd.s32 $0xFFFFFF80  }
0x11f: {  	_ =	swait.ge [sflag:s6], $0x80  }
0x120: {  	[sflag:s6] =	ssyncset.done $0x0  }
0x121: {  	[sflag:s6] =	ssyncadd.s32 $0xFFFFFF80  }
0x122: {  	_ =	swait.ge [sflag:s6], $0x80  }
0x123: {  	[sflag:s6] =	ssyncset.done $0x0  }
0x124: {  	[sflag:s6] =	ssyncadd.s32 $0xFFFFFF80  }
0x125: {  	_ =	swait.ge [sflag:s6], $0x80  }
0x126: {  	[sflag:s6] =	ssyncset.done $0x0  }
0x127: {  	[sflag:s6] =	ssyncadd.s32 $0xFFFFFF80  }
0x128: {  	_ =	swait.ge [sflag:s6], $0x80  }
0x129: {  	[sflag:s6] =	ssyncset.done $0x0  }
0x12a: {  	[sflag:s6] =	ssyncadd.s32 $0xFFFFFF80  }
0x12b: {  	_ =	swait.ge [sflag:s6], $0x80  }
0x12c: {  	[sflag:s6] =	ssyncset.done $0x0  }
0x12d: {  	[sflag:s6] =	ssyncadd.s32 $0xFFFFFF80  }
0x12e: {  	_ =	swait.ge [sflag:s6], $0x80  }
0x12f: {  	[sflag:s6] =	ssyncset.done $0x0  }
0x130: {  	[sflag:s6] =	ssyncadd.s32 $0xFFFFFF80  }
0x131: {  	_ =	swait.ge [sflag:s6], $0x80  }
0x132: {  	[sflag:s6] =	ssyncset.done $0x0  }
0x133: {  	[sflag:s6] =	ssyncadd.s32 $0xFFFFFF80  }
0x134: {  	_ =	swait.ge [sflag:s6], $0x80  }
0x135: {  	[sflag:s6] =	ssyncset.done $0x0  }
0x136: {  	[sflag:s6] =	ssyncadd.s32 $0xFFFFFF80  }
0x137: {  	_ =	swait.ge [sflag:s6], $0x80  }
0x138: {  	[sflag:s6] =	ssyncset.done $0x0  }
0x139: {  	[sflag:s6] =	ssyncadd.s32 $0xFFFFFF80  }
0x13a: {  	_ =	swait.ge [sflag:s6], $0x80  }
0x13b: {  	[sflag:s6] =	ssyncset.done $0x0  }
0x13c: {  	[sflag:s6] =	ssyncadd.s32 $0xFFFFFF80  }
0x13d: {  	_ =	swait.ge [sflag:s6], $0x80  }
0x13e: {  	[sflag:s6] =	ssyncset.done $0x0  }
0x13f: {  	[sflag:s6] =	ssyncadd.s32 $0xFFFFFF80  }
0x140: {  	_ =	swait.ge [sflag:s6], $0x80  }
0x141: {  	[sflag:s6] =	ssyncset.done $0x0  }
0x142: {  	[sflag:s6] =	ssyncadd.s32 $0xFFFFFF80  }
0x143: {  	_ =	swait.ge [sflag:s6], $0x80  }
0x144: {  	[sflag:s6] =	ssyncset.done $0x0  }
0x145: {  	[sflag:s6] =	ssyncadd.s32 $0xFFFFFF80  }
0x146: {  	_ =	swait.ge [sflag:s6], $0x80  }
0x147: {  	[sflag:s6] =	ssyncset.done $0x0  }
0x148: {  	[sflag:s6] =	ssyncadd.s32 $0xFFFFFF80  }
0x149: {  	_ =	swait.ge [sflag:s6], $0x80  }
0x14a: {  	[sflag:s6] =	ssyncset.done $0x0  }
0x14b: {  	[sflag:s6] =	ssyncadd.s32 $0xFFFFFF80  }
0x14c: {  	_ =	swait.ge [sflag:s6], $0x80  }
0x14d: {  	[sflag:s6] =	ssyncset.done $0x0  }
0x14e: {  	[sflag:s6] =	ssyncadd.s32 $0xFFFFFF80  }
0x14f: {  	_ =	swait.ge [sflag:s6], $0x80  }
0x150: {  	[sflag:s6] =	ssyncset.done $0x0  }
0x151: {  	[sflag:s6] =	ssyncadd.s32 $0xFFFFFF80  }
0x152: {  	_ =	swait.ge [sflag:s6], $0x80  }
0x153: {  	[sflag:s6] =	ssyncset.done $0x0  }
0x154: {  	[sflag:s6] =	ssyncadd.s32 $0xFFFFFF80  }
0x155: {  	_ =	swait.ge [sflag:s6], $0x80  }
0x156: {  	[sflag:s6] =	ssyncset.done $0x0  }
0x157: {  	[sflag:s6] =	ssyncadd.s32 $0xFFFFFF80  }
0x158: {  	_ =	swait.ge [sflag:s6], $0x80  }
0x159: {  	[sflag:s6] =	ssyncset.done $0x0  }
0x15a: {  	[sflag:s6] =	ssyncadd.s32 $0xFFFFFF80  }
0x15b: {  	_ =	swait.ge [sflag:s6], $0x80  }
0x15c: {  	[sflag:s6] =	ssyncset.done $0x0  }
0x15d: {  	[sflag:s6] =	ssyncadd.s32 $0xFFFFFF80  }
0x15e: {  	_ =	swait.ge [sflag:s6], $0x80  }
0x15f: {  	[sflag:s6] =	ssyncset.done $0x0  }
0x160: {  	[sflag:s6] =	ssyncadd.s32 $0xFFFFFF80  }
0x161: {  	_ =	swait.ge [sflag:s6], $0x80  }
0x162: {  	[sflag:s6] =	ssyncset.done $0x0  }
0x163: {  	[sflag:s6] =	ssyncadd.s32 $0xFFFFFF80  }
0x164: {  	_ =	swait.ge [sflag:s6], $0x80  }
0x165: {  	[sflag:s6] =	ssyncset.done $0x0  }
0x166: {  	[sflag:s6] =	ssyncadd.s32 $0xFFFFFF80  }
0x167: {  	_ =	swait.ge [sflag:s6], $0x80  }
0x168: {  	[sflag:s6] =	ssyncset.done $0x0  }
0x169: {  	[sflag:s6] =	ssyncadd.s32 $0xFFFFFF80  }
0x16a: {  	_ =	swait.ge [sflag:s6], $0x80  }
0x16b: {  	[sflag:s6] =	ssyncset.done $0x0  }
0x16c: {  	[sflag:s6] =	ssyncadd.s32 $0xFFFFFF80  }
0x16d: {  	_ =	swait.ge [sflag:s6], $0x80  }
0x16e: {  	[sflag:s6] =	ssyncset.done $0x0  }
0x16f: {  	[sflag:s6] =	ssyncadd.s32 $0xFFFFFF80  }
0x170: {  	_ =	swait.ge [sflag:s6], $0x80  }
0x171: {  	[sflag:s6] =	ssyncset.done $0x0  }
0x172: {  	[sflag:s6] =	ssyncadd.s32 $0xFFFFFF80  }
0x173: {  	_ =	swait.ge [sflag:s6], $0x80  }
0x174: {  	[sflag:s6] =	ssyncset.done $0x0  }
0x175: {  	[sflag:s6] =	ssyncadd.s32 $0xFFFFFF80  }
0x176: {  	_ =	swait.ge [sflag:s6], $0x80  }
0x177: {  	[sflag:s6] =	ssyncset.done $0x0  }
0x178: {  	[sflag:s6] =	ssyncadd.s32 $0xFFFFFF80  }
0x179: {  	_ =	swait.ge [sflag:s6], $0x80  }
0x17a: {  	[sflag:s6] =	ssyncset.done $0x0  }
0x17b: {  	[sflag:s6] =	ssyncadd.s32 $0xFFFFFF80  }
0x17c: {  	_ =	swait.ge [sflag:s6], $0x80  }
0x17d: {  	[sflag:s6] =	ssyncset.done $0x0  }
0x17e: {  	[sflag:s6] =	ssyncadd.s32 $0xFFFFFF80  }
0x17f: {  	_ =	swait.ge [sflag:s6], $0x80  }
0x180: {  	[sflag:s6] =	ssyncset.done $0x0  }
0x181: {  	[sflag:s6] =	ssyncadd.s32 $0xFFFFFF80  }
0x182: {  	_ =	swait.ge [sflag:s6], $0x80  }
0x183: {  	[sflag:s6] =	ssyncset.done $0x0  }
0x184: {  	[sflag:s6] =	ssyncadd.s32 $0xFFFFFF80  }
0x185: {  	s23 =	simm.s32 $0x2080;
	[bflag:$0x0] =	sbarrier.arrive $0xFFFF  }
0x186: {  	[tilespmem:s23], [sflag:$0x1] =	stream.linear.gather [spmem:s12], $0x80, $0x38;
	[tilespmem:$0x3E88] =	vst v63  }
0x187: {  	s24 =	simm.s32 $0x2100  }
0x188: {  	[tilespmem:s24], [sflag:$0x1] =	stream.linear.gather [spmem:s13], $0x80, $0x38;
	[tilespmem:$0x3E88] =	vst v63  }
0x189: {  	s25 =	simm.s32 $0x2180  }
0x18a: {  	[tilespmem:s25], [sflag:$0x1] =	stream.linear.gather [spmem:s14], $0x80, $0x38;
	[tilespmem:$0x3E88] =	vst v63  }
0x18b: {  	_ =	swait.ge [sflag:s6], $0x80  }
0x18c: {  	[sflag:s6] =	ssyncset.done $0x0  }
0x18d: {  	[sflag:s6] =	ssyncadd.s32 $0xFFFFFF80  }
0x18e: {  	_ =	swait.ge [sflag:s6], $0x80  }
0x18f: {  	[sflag:s6] =	ssyncset.done $0x0  }
0x190: {  	[sflag:s6] =	ssyncadd.s32 $0xFFFFFF80  }
0x191: {  	_ =	swait.ge [sflag:s6], $0x80  }
0x192: {  	[sflag:s6] =	ssyncset.done $0x0  }
0x193: {  	[sflag:s6] =	ssyncadd.s32 $0xFFFFFF80  }
0x194: {  	v1 =	vld [tilespmem:$0x2100];
	_ =	sdelay $0x4  }
0x195: {  	v0 =	vadd.f32 $9.999999930e-09, v1;
	_ =	sdelay $0x1  }
0x196: {  	(erf) = vrcp.f32 v0;
	_ =	sdelay $0x4  }
0x197: {  	v2 =	vld [tilespmem:$0x2080];
	_ =	sdelay $0x3  }
0x198: {  	v4 =	vpop (erf)  }
0x199: {  	v0 =	vmul.f32 v4, v2  }
0x19a: {  	v3 =	vld [tilespmem:$0x2180]  }
0x19b: {  	v5 =	vadd.f32 v0, v0;
	_ =	sdelay $0x1  }
0x19c: {  	v6 =	vmul.f32 v0, v0;
	v5 =	vmul.f32 v5, v2;
	_ =	sdelay $0x1  }
0x19d: {  	v3 =	vsub.f32 v3, v5;
	v5 =	vmul.f32 v6, v1;
	_ =	sdelay $0x1  }
0x19e: {  	v3 =	vadd.f32 v3, v5;
	_ =	sdelay $0x1  }
0x19f: {  	v4 =	vmul.f32 v3, v4;
	_ =	sdelay $0x1  }
0x1a0: {  	v4 =	vadd.f32 $9.999999930e-09, v4;
	_ =	sdelay $0x1  }
0x1a1: {  	v5 =	vadd.f32 $1.000000000e+00, v4;
	_ =	sdelay $0x1  }
0x1a2: {  	v5 =	vmul.f32 $5.000000000e-01, v5;
	_ =	sdelay $0x1  }
0x1a3: {  	(erf) = vrcp.f32 v5;
	_ =	sdelay $0x8  }
0x1a4: {  	v18 =	vpop (erf)  }
0x1a5: {  	v6 =	vmul.f32 v18, v4;
	_ =	sdelay $0x1  }
0x1a6: {  	v5 =	vadd.f32 v6, v5;
	_ =	sdelay $0x1  }
0x1a7: {  	v5 =	vmul.f32 $5.000000000e-01, v5;
	_ =	sdelay $0x1  }
0x1a8: {  	(erf) = vrcp.f32 v5;
	_ =	sdelay $0x8  }
0x1a9: {  	v19 =	vpop (erf)  }
0x1aa: {  	v6 =	vmul.f32 v19, v4;
	_ =	sdelay $0x1  }
0x1ab: {  	v5 =	vadd.f32 v6, v5;
	_ =	sdelay $0x1  }
0x1ac: {  	v5 =	vmul.f32 $5.000000000e-01, v5;
	_ =	sdelay $0x1  }
0x1ad: {  	(erf) = vrcp.f32 v5;
	_ =	sdelay $0x8  }
0x1ae: {  	v20 =	vpop (erf)  }
0x1af: {  	v6 =	vmul.f32 v20, v4;
	_ =	sdelay $0x1  }
0x1b0: {  	v5 =	vadd.f32 v6, v5;
	_ =	sdelay $0x1  }
0x1b1: {  	v5 =	vmul.f32 $5.000000000e-01, v5;
	_ =	sdelay $0x1  }
0x1b2: {  	(erf) = vrcp.f32 v5;
	_ =	sdelay $0x8  }
0x1b3: {  	v21 =	vpop (erf)  }
0x1b4: {  	v6 =	vmul.f32 v21, v4;
	_ =	sdelay $0x1  }
0x1b5: {  	v5 =	vadd.f32 v6, v5;
	_ =	sdelay $0x1  }
0x1b6: {  	v5 =	vmul.f32 $5.000000000e-01, v5;
	_ =	sdelay $0x1  }
0x1b7: {  	(erf) = vrcp.f32 v5;
	_ =	sdelay $0x8  }
0x1b8: {  	v22 =	vpop (erf)  }
0x1b9: {  	v6 =	vmul.f32 v22, v4;
	_ =	sdelay $0x1  }
0x1ba: {  	v5 =	vadd.f32 v6, v5;
	_ =	sdelay $0x1  }
0x1bb: {  	v5 =	vmul.f32 $5.000000000e-01, v5;
	_ =	sdelay $0x1  }
0x1bc: {  	(erf) = vrcp.f32 v5;
	_ =	sdelay $0x8  }
0x1bd: {  	v23 =	vpop (erf)  }
0x1be: {  	v6 =	vmul.f32 v23, v4;
	_ =	sdelay $0x1  }
0x1bf: {  	v5 =	vadd.f32 v6, v5;
	_ =	sdelay $0x1  }
0x1c0: {  	v5 =	vmul.f32 $5.000000000e-01, v5;
	_ =	sdelay $0x1  }
0x1c1: {  	(erf) = vrcp.f32 v5;
	_ =	sdelay $0x8  }
0x1c2: {  	v24 =	vpop (erf)  }
0x1c3: {  	v6 =	vmul.f32 v24, v4;
	_ =	sdelay $0x1  }
0x1c4: {  	v5 =	vadd.f32 v6, v5;
	_ =	sdelay $0x1  }
0x1c5: {  	v5 =	vmul.f32 $5.000000000e-01, v5;
	_ =	sdelay $0x1  }
0x1c6: {  	(erf) = vrcp.f32 v5;
	_ =	sdelay $0x8  }
0x1c7: {  	v25 =	vpop (erf)  }
0x1c8: {  	v6 =	vmul.f32 v25, v4;
	_ =	sdelay $0x1  }
0x1c9: {  	v5 =	vadd.f32 v6, v5;
	_ =	sdelay $0x1  }
0x1ca: {  	v5 =	vmul.f32 $5.000000000e-01, v5;
	_ =	sdelay $0x1  }
0x1cb: {  	(erf) = vrcp.f32 v5;
	_ =	sdelay $0x8  }
0x1cc: {  	v26 =	vpop (erf)  }
0x1cd: {  	v6 =	vmul.f32 v26, v4;
	_ =	sdelay $0x1  }
0x1ce: {  	v5 =	vadd.f32 v6, v5;
	_ =	sdelay $0x1  }
0x1cf: {  	v5 =	vmul.f32 $5.000000000e-01, v5;
	_ =	sdelay $0x1  }
0x1d0: {  	(erf) = vrcp.f32 v5;
	_ =	sdelay $0x8  }
0x1d1: {  	v27 =	vpop (erf)  }
0x1d2: {  	v6 =	vmul.f32 v27, v4;
	_ =	sdelay $0x1  }
0x1d3: {  	v5 =	vadd.f32 v6, v5;
	_ =	sdelay $0x1  }
0x1d4: {  	v5 =	vmul.f32 $5.000000000e-01, v5;
	_ =	sdelay $0x1  }
0x1d5: {  	(erf) = vrcp.f32 v5;
	_ =	sdelay $0x8  }
0x1d6: {  	v28 =	vpop (erf)  }
0x1d7: {  	v6 =	vmul.f32 v28, v4;
	_ =	sdelay $0x1  }
0x1d8: {  	v5 =	vadd.f32 v6, v5;
	_ =	sdelay $0x1  }
0x1d9: {  	v5 =	vmul.f32 $5.000000000e-01, v5;
	_ =	sdelay $0x1  }
0x1da: {  	(erf) = vrcp.f32 v5;
	_ =	sdelay $0x8  }
0x1db: {  	v29 =	vpop (erf)  }
0x1dc: {  	v6 =	vmul.f32 v29, v4;
	_ =	sdelay $0x1  }
0x1dd: {  	v5 =	vadd.f32 v6, v5;
	_ =	sdelay $0x1  }
0x1de: {  	v5 =	vmul.f32 $5.000000000e-01, v5;
	_ =	sdelay $0x1  }
0x1df: {  	(erf) = vrcp.f32 v5;
	_ =	sdelay $0x8  }
0x1e0: {  	v30 =	vpop (erf)  }
0x1e1: {  	v6 =	vmul.f32 v30, v4;
	_ =	sdelay $0x1  }
0x1e2: {  	v5 =	vadd.f32 v6, v5;
	_ =	sdelay $0x1  }
0x1e3: {  	v5 =	vmul.f32 $5.000000000e-01, v5;
	_ =	sdelay $0x1  }
0x1e4: {  	(erf) = vrcp.f32 v5;
	_ =	sdelay $0x8  }
0x1e5: {  	v31 =	vpop (erf)  }
0x1e6: {  	v6 =	vmul.f32 v31, v4;
	_ =	sdelay $0x1  }
0x1e7: {  	v5 =	vadd.f32 v6, v5;
	_ =	sdelay $0x1  }
0x1e8: {  	v5 =	vmul.f32 $5.000000000e-01, v5;
	_ =	sdelay $0x1  }
0x1e9: {  	(erf) = vrcp.f32 v5;
	_ =	sdelay $0x8  }
0x1ea: {  	v32 =	vpop (erf)  }
0x1eb: {  	v6 =	vmul.f32 v32, v4;
	_ =	sdelay $0x1  }
0x1ec: {  	v5 =	vadd.f32 v6, v5;
	_ =	sdelay $0x1  }
0x1ed: {  	v5 =	vmul.f32 $5.000000000e-01, v5;
	_ =	sdelay $0x1  }
0x1ee: {  	(erf) = vrcp.f32 v5;
	_ =	sdelay $0x8  }
0x1ef: {  	v33 =	vpop (erf)  }
0x1f0: {  	v6 =	vmul.f32 v33, v4;
	_ =	sdelay $0x1  }
0x1f1: {  	v5 =	vadd.f32 v6, v5;
	_ =	sdelay $0x1  }
0x1f2: {  	v5 =	vmul.f32 $5.000000000e-01, v5;
	_ =	sdelay $0x1  }
0x1f3: {  	(erf) = vrcp.f32 v5;
	_ =	sdelay $0x8  }
0x1f4: {  	v34 =	vpop (erf)  }
0x1f5: {  	v6 =	vmul.f32 v34, v4;
	_ =	sdelay $0x1  }
0x1f6: {  	v5 =	vadd.f32 v6, v5;
	_ =	sdelay $0x1  }
0x1f7: {  	v5 =	vmul.f32 $5.000000000e-01, v5;
	_ =	sdelay $0x1  }
0x1f8: {  	(erf) = vrcp.f32 v5;
	_ =	sdelay $0x8  }
0x1f9: {  	v35 =	vpop (erf)  }
0x1fa: {  	v6 =	vld [tilespmem:$0x2110];
	v4 =	vmul.f32 v35, v4;
	_ =	sdelay $0x1  }
0x1fb: {  	v4 =	vadd.f32 v4, v5;
	_ =	sdelay $0x1  }
0x1fc: {  	v4 =	vmul.f32 $5.000000000e-01, v4  }
0x1fd: {  	v5 =	vadd.f32 $9.999999930e-09, v6  }
0x1fe: {  	(erf) = vrcp.f32 v4  }
0x1ff: {  	(erf) = vrcp.f32 v5;
	_ =	sdelay $0x4  }
0x200: {  	v7 =	vld [tilespmem:$0x2090];
	_ =	sdelay $0x2  }
0x201: {  	v5 =	vpop (erf)  }
0x202: {  	v9 =	vpop (erf)  }
0x203: {  	v4 =	vmul.f32 v9, v7  }
0x204: {  	v8 =	vld [tilespmem:$0x2190]  }
0x205: {  	v10 =	vadd.f32 v4, v4;
	_ =	sdelay $0x1  }
0x206: {  	v11 =	vmul.f32 v4, v4;
	v10 =	vmul.f32 v10, v7;
	_ =	sdelay $0x1  }
0x207: {  	v36 =	vmul.f32 v11, v6;
	v8 =	vsub.f32 v8, v10;
	_ =	sdelay $0x1  }
0x208: {  	v8 =	vadd.f32 v8, v36;
	_ =	sdelay $0x1  }
0x209: {  	v9 =	vmul.f32 v8, v9;
	_ =	sdelay $0x1  }
0x20a: {  	v9 =	vadd.f32 $9.999999930e-09, v9;
	_ =	sdelay $0x1  }
0x20b: {  	v37 =	vadd.f32 $1.000000000e+00, v9;
	_ =	sdelay $0x1  }
0x20c: {  	v10 =	vmul.f32 $5.000000000e-01, v37;
	_ =	sdelay $0x1  }
0x20d: {  	(erf) = vrcp.f32 v10;
	_ =	sdelay $0x8  }
0x20e: {  	v38 =	vpop (erf)  }
0x20f: {  	v11 =	vmul.f32 v38, v9;
	_ =	sdelay $0x1  }
0x210: {  	v10 =	vadd.f32 v11, v10;
	_ =	sdelay $0x1  }
0x211: {  	v10 =	vmul.f32 $5.000000000e-01, v10;
	_ =	sdelay $0x1  }
0x212: {  	(erf) = vrcp.f32 v10;
	_ =	sdelay $0x8  }
0x213: {  	v39 =	vpop (erf)  }
0x214: {  	v11 =	vmul.f32 v39, v9;
	_ =	sdelay $0x1  }
0x215: {  	v10 =	vadd.f32 v11, v10;
	_ =	sdelay $0x1  }
0x216: {  	v10 =	vmul.f32 $5.000000000e-01, v10;
	_ =	sdelay $0x1  }
0x217: {  	(erf) = vrcp.f32 v10;
	_ =	sdelay $0x8  }
0x218: {  	v40 =	vpop (erf)  }
0x219: {  	v11 =	vmul.f32 v40, v9;
	_ =	sdelay $0x1  }
0x21a: {  	v10 =	vadd.f32 v11, v10;
	_ =	sdelay $0x1  }
0x21b: {  	v10 =	vmul.f32 $5.000000000e-01, v10;
	_ =	sdelay $0x1  }
0x21c: {  	(erf) = vrcp.f32 v10;
	_ =	sdelay $0x8  }
0x21d: {  	v41 =	vpop (erf)  }
0x21e: {  	v11 =	vmul.f32 v41, v9;
	_ =	sdelay $0x1  }
0x21f: {  	v10 =	vadd.f32 v11, v10;
	_ =	sdelay $0x1  }
0x220: {  	v10 =	vmul.f32 $5.000000000e-01, v10;
	_ =	sdelay $0x1  }
0x221: {  	(erf) = vrcp.f32 v10;
	_ =	sdelay $0x8  }
0x222: {  	v42 =	vpop (erf)  }
0x223: {  	v11 =	vmul.f32 v42, v9;
	_ =	sdelay $0x1  }
0x224: {  	v10 =	vadd.f32 v11, v10;
	_ =	sdelay $0x1  }
0x225: {  	v10 =	vmul.f32 $5.000000000e-01, v10;
	_ =	sdelay $0x1  }
0x226: {  	(erf) = vrcp.f32 v10;
	_ =	sdelay $0x8  }
0x227: {  	v43 =	vpop (erf)  }
0x228: {  	v11 =	vmul.f32 v43, v9;
	_ =	sdelay $0x1  }
0x229: {  	v10 =	vadd.f32 v11, v10;
	_ =	sdelay $0x1  }
0x22a: {  	v10 =	vmul.f32 $5.000000000e-01, v10;
	_ =	sdelay $0x1  }
0x22b: {  	(erf) = vrcp.f32 v10;
	_ =	sdelay $0x8  }
0x22c: {  	v44 =	vpop (erf)  }
0x22d: {  	v11 =	vmul.f32 v44, v9;
	_ =	sdelay $0x1  }
0x22e: {  	v10 =	vadd.f32 v11, v10;
	_ =	sdelay $0x1  }
0x22f: {  	v10 =	vmul.f32 $5.000000000e-01, v10;
	_ =	sdelay $0x1  }
0x230: {  	(erf) = vrcp.f32 v10;
	_ =	sdelay $0x8  }
0x231: {  	v45 =	vpop (erf)  }
0x232: {  	v11 =	vmul.f32 v45, v9;
	_ =	sdelay $0x1  }
0x233: {  	v10 =	vadd.f32 v11, v10;
	_ =	sdelay $0x1  }
0x234: {  	v10 =	vmul.f32 $5.000000000e-01, v10;
	_ =	sdelay $0x1  }
0x235: {  	(erf) = vrcp.f32 v10;
	_ =	sdelay $0x8  }
0x236: {  	v46 =	vpop (erf)  }
0x237: {  	v11 =	vmul.f32 v46, v9;
	_ =	sdelay $0x1  }
0x238: {  	v10 =	vadd.f32 v11, v10;
	_ =	sdelay $0x1  }
0x239: {  	v10 =	vmul.f32 $5.000000000e-01, v10;
	_ =	sdelay $0x1  }
0x23a: {  	(erf) = vrcp.f32 v10;
	_ =	sdelay $0x8  }
0x23b: {  	v47 =	vpop (erf)  }
0x23c: {  	v11 =	vmul.f32 v47, v9;
	_ =	sdelay $0x1  }
0x23d: {  	v10 =	vadd.f32 v11, v10;
	_ =	sdelay $0x1  }
0x23e: {  	v10 =	vmul.f32 $5.000000000e-01, v10;
	_ =	sdelay $0x1  }
0x23f: {  	(erf) = vrcp.f32 v10;
	_ =	sdelay $0x8  }
0x240: {  	v48 =	vpop (erf)  }
0x241: {  	v11 =	vmul.f32 v48, v9;
	_ =	sdelay $0x1  }
0x242: {  	v10 =	vadd.f32 v11, v10;
	_ =	sdelay $0x1  }
0x243: {  	v10 =	vmul.f32 $5.000000000e-01, v10;
	_ =	sdelay $0x1  }
0x244: {  	(erf) = vrcp.f32 v10;
	_ =	sdelay $0x8  }
0x245: {  	v49 =	vpop (erf)  }
0x246: {  	v11 =	vmul.f32 v49, v9;
	_ =	sdelay $0x1  }
0x247: {  	v10 =	vadd.f32 v11, v10;
	_ =	sdelay $0x1  }
0x248: {  	v10 =	vmul.f32 $5.000000000e-01, v10;
	_ =	sdelay $0x1  }
0x249: {  	(erf) = vrcp.f32 v10;
	_ =	sdelay $0x8  }
0x24a: {  	v50 =	vpop (erf)  }
0x24b: {  	v11 =	vmul.f32 v50, v9;
	_ =	sdelay $0x1  }
0x24c: {  	v10 =	vadd.f32 v11, v10;
	_ =	sdelay $0x1  }
0x24d: {  	v10 =	vmul.f32 $5.000000000e-01, v10;
	_ =	sdelay $0x1  }
0x24e: {  	(erf) = vrcp.f32 v10;
	_ =	sdelay $0x8  }
0x24f: {  	v51 =	vpop (erf)  }
0x250: {  	v11 =	vmul.f32 v51, v9;
	_ =	sdelay $0x1  }
0x251: {  	v10 =	vadd.f32 v11, v10;
	_ =	sdelay $0x1  }
0x252: {  	v10 =	vmul.f32 $5.000000000e-01, v10;
	_ =	sdelay $0x1  }
0x253: {  	(erf) = vrcp.f32 v10;
	_ =	sdelay $0x8  }
0x254: {  	v52 =	vpop (erf)  }
0x255: {  	v11 =	vmul.f32 v52, v9;
	_ =	sdelay $0x1  }
0x256: {  	v10 =	vadd.f32 v11, v10;
	_ =	sdelay $0x1  }
0x257: {  	v10 =	vmul.f32 $5.000000000e-01, v10;
	_ =	sdelay $0x1  }
0x258: {  	(erf) = vrcp.f32 v10;
	_ =	sdelay $0x8  }
0x259: {  	v53 =	vpop (erf)  }
0x25a: {  	v11 =	vmul.f32 v53, v9;
	_ =	sdelay $0x1  }
0x25b: {  	v10 =	vadd.f32 v11, v10;
	_ =	sdelay $0x1  }
0x25c: {  	v10 =	vmul.f32 $5.000000000e-01, v10;
	_ =	sdelay $0x1  }
0x25d: {  	(erf) = vrcp.f32 v10;
	_ =	sdelay $0x8  }
0x25e: {  	v54 =	vpop (erf)  }
0x25f: {  	v11 =	vmul.f32 v54, v9;
	_ =	sdelay $0x1  }
0x260: {  	v10 =	vadd.f32 v11, v10;
	_ =	sdelay $0x1  }
0x261: {  	v10 =	vmul.f32 $5.000000000e-01, v10;
	_ =	sdelay $0x1  }
0x262: {  	(erf) = vrcp.f32 v10;
	_ =	sdelay $0x8  }
0x263: {  	v55 =	vpop (erf)  }
0x264: {  	v11 =	vld [tilespmem:$0x2120];
	v9 =	vmul.f32 v55, v9;
	_ =	sdelay $0x1  }
0x265: {  	v9 =	vadd.f32 v9, v10;
	_ =	sdelay $0x1  }
0x266: {  	v9 =	vmul.f32 $5.000000000e-01, v9  }
0x267: {  	v56 =	vadd.f32 $9.999999930e-09, v11  }
0x268: {  	(erf) = vrcp.f32 v9  }
0x269: {  	(erf) = vrcp.f32 v56;
	_ =	sdelay $0x4  }
0x26a: {  	v12 =	vld [tilespmem:$0x20A0];
	_ =	sdelay $0x2  }
0x26b: {  	v10 =	vpop (erf)  }
0x26c: {  	v14 =	vpop (erf)  }
0x26d: {  	v9 =	vmul.f32 v14, v12  }
0x26e: {  	v13 =	vld [tilespmem:$0x21A0]  }
0x26f: {  	v15 =	vadd.f32 v9, v9;
	_ =	sdelay $0x1  }
0x270: {  	v16 =	vmul.f32 v9, v9;
	v15 =	vmul.f32 v15, v12;
	_ =	sdelay $0x1  }
0x271: {  	v57 =	vmul.f32 v16, v11;
	v13 =	vsub.f32 v13, v15;
	_ =	sdelay $0x1  }
0x272: {  	v13 =	vadd.f32 v13, v57;
	_ =	sdelay $0x1  }
0x273: {  	v14 =	vmul.f32 v13, v14;
	_ =	sdelay $0x1  }
0x274: {  	v14 =	vadd.f32 $9.999999930e-09, v14;
	_ =	sdelay $0x1  }
0x275: {  	v58 =	vadd.f32 $1.000000000e+00, v14;
	_ =	sdelay $0x1  }
0x276: {  	v15 =	vmul.f32 $5.000000000e-01, v58;
	_ =	sdelay $0x1  }
0x277: {  	(erf) = vrcp.f32 v15;
	_ =	sdelay $0x8  }
0x278: {  	v59 =	vpop (erf)  }
0x279: {  	v16 =	vmul.f32 v59, v14;
	_ =	sdelay $0x1  }
0x27a: {  	v15 =	vadd.f32 v16, v15;
	_ =	sdelay $0x1  }
0x27b: {  	v15 =	vmul.f32 $5.000000000e-01, v15;
	_ =	sdelay $0x1  }
0x27c: {  	(erf) = vrcp.f32 v15;
	_ =	sdelay $0x8  }
0x27d: {  	v60 =	vpop (erf)  }
0x27e: {  	v16 =	vmul.f32 v60, v14;
	_ =	sdelay $0x1  }
0x27f: {  	v15 =	vadd.f32 v16, v15;
	_ =	sdelay $0x1  }
0x280: {  	v15 =	vmul.f32 $5.000000000e-01, v15;
	_ =	sdelay $0x1  }
0x281: {  	(erf) = vrcp.f32 v15;
	_ =	sdelay $0x8  }
0x282: {  	v61 =	vpop (erf)  }
0x283: {  	v16 =	vmul.f32 v61, v14;
	_ =	sdelay $0x1  }
0x284: {  	v15 =	vadd.f32 v16, v15;
	_ =	sdelay $0x1  }
0x285: {  	v15 =	vmul.f32 $5.000000000e-01, v15;
	_ =	sdelay $0x1  }
0x286: {  	(erf) = vrcp.f32 v15;
	_ =	sdelay $0x8  }
0x287: {  	v62 =	vpop (erf)  }
0x288: {  	v16 =	vmul.f32 v62, v14;
	_ =	sdelay $0x1  }
0x289: {  	v15 =	vadd.f32 v16, v15;
	_ =	sdelay $0x1  }
0x28a: {  	v15 =	vmul.f32 $5.000000000e-01, v15;
	_ =	sdelay $0x1  }
0x28b: {  	(erf) = vrcp.f32 v15;
	_ =	sdelay $0x8  }
0x28c: {  	v63 =	vpop (erf)  }
0x28d: {  	v16 =	vmul.f32 v63, v14;
	_ =	sdelay $0x1  }
0x28e: {  	v15 =	vadd.f32 v16, v15;
	_ =	sdelay $0x1  }
0x28f: {  	v15 =	vmul.f32 $5.000000000e-01, v15;
	_ =	sdelay $0x1  }
0x290: {  	(erf) = vrcp.f32 v15;
	_ =	sdelay $0x8  }
0x291: {  	v20 =	vpop (erf)  }
0x292: {  	v16 =	vmul.f32 v20, v14;
	_ =	sdelay $0x1  }
0x293: {  	v15 =	vadd.f32 v16, v15;
	_ =	sdelay $0x1  }
0x294: {  	v15 =	vmul.f32 $5.000000000e-01, v15;
	_ =	sdelay $0x1  }
0x295: {  	(erf) = vrcp.f32 v15;
	_ =	sdelay $0x8  }
0x296: {  	v21 =	vpop (erf)  }
0x297: {  	v16 =	vmul.f32 v21, v14;
	_ =	sdelay $0x1  }
0x298: {  	v15 =	vadd.f32 v16, v15;
	_ =	sdelay $0x1  }
0x299: {  	v15 =	vmul.f32 $5.000000000e-01, v15;
	_ =	sdelay $0x1  }
0x29a: {  	(erf) = vrcp.f32 v15;
	_ =	sdelay $0x8  }
0x29b: {  	v22 =	vpop (erf)  }
0x29c: {  	v16 =	vmul.f32 v22, v14;
	_ =	sdelay $0x1  }
0x29d: {  	v15 =	vadd.f32 v16, v15;
	_ =	sdelay $0x1  }
0x29e: {  	v15 =	vmul.f32 $5.000000000e-01, v15;
	_ =	sdelay $0x1  }
0x29f: {  	(erf) = vrcp.f32 v15;
	_ =	sdelay $0x8  }
0x2a0: {  	v23 =	vpop (erf)  }
0x2a1: {  	v16 =	vmul.f32 v23, v14;
	_ =	sdelay $0x1  }
0x2a2: {  	v15 =	vadd.f32 v16, v15;
	_ =	sdelay $0x1  }
0x2a3: {  	v15 =	vmul.f32 $5.000000000e-01, v15;
	_ =	sdelay $0x1  }
0x2a4: {  	(erf) = vrcp.f32 v15;
	_ =	sdelay $0x8  }
0x2a5: {  	v24 =	vpop (erf)  }
0x2a6: {  	v16 =	vmul.f32 v24, v14;
	_ =	sdelay $0x1  }
0x2a7: {  	v15 =	vadd.f32 v16, v15;
	_ =	sdelay $0x1  }
0x2a8: {  	v15 =	vmul.f32 $5.000000000e-01, v15;
	_ =	sdelay $0x1  }
0x2a9: {  	(erf) = vrcp.f32 v15;
	_ =	sdelay $0x8  }
0x2aa: {  	v25 =	vpop (erf)  }
0x2ab: {  	v16 =	vmul.f32 v25, v14;
	_ =	sdelay $0x1  }
0x2ac: {  	v15 =	vadd.f32 v16, v15;
	_ =	sdelay $0x1  }
0x2ad: {  	v15 =	vmul.f32 $5.000000000e-01, v15;
	_ =	sdelay $0x1  }
0x2ae: {  	(erf) = vrcp.f32 v15;
	_ =	sdelay $0x8  }
0x2af: {  	v26 =	vpop (erf)  }
0x2b0: {  	v16 =	vmul.f32 v26, v14;
	_ =	sdelay $0x1  }
0x2b1: {  	v15 =	vadd.f32 v16, v15;
	_ =	sdelay $0x1  }
0x2b2: {  	v15 =	vmul.f32 $5.000000000e-01, v15;
	_ =	sdelay $0x1  }
0x2b3: {  	(erf) = vrcp.f32 v15;
	_ =	sdelay $0x8  }
0x2b4: {  	v27 =	vpop (erf)  }
0x2b5: {  	v16 =	vmul.f32 v27, v14;
	_ =	sdelay $0x1  }
0x2b6: {  	v15 =	vadd.f32 v16, v15;
	_ =	sdelay $0x1  }
0x2b7: {  	v15 =	vmul.f32 $5.000000000e-01, v15;
	_ =	sdelay $0x1  }
0x2b8: {  	(erf) = vrcp.f32 v15;
	_ =	sdelay $0x8  }
0x2b9: {  	v28 =	vpop (erf)  }
0x2ba: {  	v16 =	vmul.f32 v28, v14;
	_ =	sdelay $0x1  }
0x2bb: {  	v15 =	vadd.f32 v16, v15;
	_ =	sdelay $0x1  }
0x2bc: {  	v15 =	vmul.f32 $5.000000000e-01, v15;
	_ =	sdelay $0x1  }
0x2bd: {  	(erf) = vrcp.f32 v15;
	_ =	sdelay $0x8  }
0x2be: {  	v29 =	vpop (erf)  }
0x2bf: {  	v16 =	vmul.f32 v29, v14;
	_ =	sdelay $0x1  }
0x2c0: {  	v15 =	vadd.f32 v16, v15;
	_ =	sdelay $0x1  }
0x2c1: {  	v15 =	vmul.f32 $5.000000000e-01, v15;
	_ =	sdelay $0x1  }
0x2c2: {  	(erf) = vrcp.f32 v15;
	_ =	sdelay $0x8  }
0x2c3: {  	v30 =	vpop (erf)  }
0x2c4: {  	v16 =	vmul.f32 v30, v14;
	_ =	sdelay $0x1  }
0x2c5: {  	v15 =	vadd.f32 v16, v15;
	_ =	sdelay $0x1  }
0x2c6: {  	v15 =	vmul.f32 $5.000000000e-01, v15;
	_ =	sdelay $0x1  }
0x2c7: {  	(erf) = vrcp.f32 v15;
	_ =	sdelay $0x8  }
0x2c8: {  	v31 =	vpop (erf)  }
0x2c9: {  	v16 =	vmul.f32 v31, v14;
	_ =	sdelay $0x1  }
0x2ca: {  	v15 =	vadd.f32 v16, v15;
	_ =	sdelay $0x1  }
0x2cb: {  	v15 =	vmul.f32 $5.000000000e-01, v15;
	_ =	sdelay $0x1  }
0x2cc: {  	(erf) = vrcp.f32 v15;
	_ =	sdelay $0x8  }
0x2cd: {  	v32 =	vpop (erf)  }
0x2ce: {  	v17 =	vld [tilespmem:$0x2130];
	v14 =	vmul.f32 v32, v14;
	_ =	sdelay $0x1  }
0x2cf: {  	v14 =	vadd.f32 v14, v15;
	_ =	sdelay $0x1  }
0x2d0: {  	v14 =	vmul.f32 $5.000000000e-01, v14  }
0x2d1: {  	v33 =	vadd.f32 $9.999999930e-09, v17  }
0x2d2: {  	(erf) = vrcp.f32 v14  }
0x2d3: {  	(erf) = vrcp.f32 v33;
	_ =	sdelay $0x4  }
0x2d4: {  	v16 =	vld [tilespmem:$0x20B0];
	_ =	sdelay $0x2  }
0x2d5: {  	v15 =	vpop (erf)  }
0x2d6: {  	v19 =	vpop (erf)  }
0x2d7: {  	v14 =	vmul.f32 v19, v16  }
0x2d8: {  	v18 =	vld [tilespmem:$0x21B0]  }
0x2d9: {  	v20 =	vadd.f32 v14, v14;
	_ =	sdelay $0x1  }
0x2da: {  	v21 =	vmul.f32 v14, v14;
	v20 =	vmul.f32 v20, v16;
	_ =	sdelay $0x1  }
0x2db: {  	v34 =	vmul.f32 v21, v17;
	v18 =	vsub.f32 v18, v20;
	_ =	sdelay $0x1  }
0x2dc: {  	v18 =	vadd.f32 v18, v34;
	_ =	sdelay $0x1  }
0x2dd: {  	v19 =	vmul.f32 v18, v19;
	_ =	sdelay $0x1  }
0x2de: {  	v19 =	vadd.f32 $9.999999930e-09, v19;
	_ =	sdelay $0x1  }
0x2df: {  	v35 =	vadd.f32 $1.000000000e+00, v19;
	_ =	sdelay $0x1  }
0x2e0: {  	v20 =	vmul.f32 $5.000000000e-01, v35;
	_ =	sdelay $0x1  }
0x2e1: {  	(erf) = vrcp.f32 v20;
	_ =	sdelay $0x8  }
0x2e2: {  	v36 =	vpop (erf)  }
0x2e3: {  	v21 =	vmul.f32 v36, v19;
	_ =	sdelay $0x1  }
0x2e4: {  	v20 =	vadd.f32 v21, v20;
	_ =	sdelay $0x1  }
0x2e5: {  	v20 =	vmul.f32 $5.000000000e-01, v20;
	_ =	sdelay $0x1  }
0x2e6: {  	(erf) = vrcp.f32 v20;
	_ =	sdelay $0x8  }
0x2e7: {  	v37 =	vpop (erf)  }
0x2e8: {  	v21 =	vmul.f32 v37, v19;
	_ =	sdelay $0x1  }
0x2e9: {  	v20 =	vadd.f32 v21, v20;
	_ =	sdelay $0x1  }
0x2ea: {  	v20 =	vmul.f32 $5.000000000e-01, v20;
	_ =	sdelay $0x1  }
0x2eb: {  	(erf) = vrcp.f32 v20;
	_ =	sdelay $0x8  }
0x2ec: {  	v38 =	vpop (erf)  }
0x2ed: {  	v21 =	vmul.f32 v38, v19;
	_ =	sdelay $0x1  }
0x2ee: {  	v20 =	vadd.f32 v21, v20;
	_ =	sdelay $0x1  }
0x2ef: {  	v20 =	vmul.f32 $5.000000000e-01, v20;
	_ =	sdelay $0x1  }
0x2f0: {  	(erf) = vrcp.f32 v20;
	_ =	sdelay $0x8  }
0x2f1: {  	v39 =	vpop (erf)  }
0x2f2: {  	v21 =	vmul.f32 v39, v19;
	_ =	sdelay $0x1  }
0x2f3: {  	v20 =	vadd.f32 v21, v20;
	_ =	sdelay $0x1  }
0x2f4: {  	v20 =	vmul.f32 $5.000000000e-01, v20;
	_ =	sdelay $0x1  }
0x2f5: {  	(erf) = vrcp.f32 v20;
	_ =	sdelay $0x8  }
0x2f6: {  	v40 =	vpop (erf)  }
0x2f7: {  	v21 =	vmul.f32 v40, v19;
	_ =	sdelay $0x1  }
0x2f8: {  	v20 =	vadd.f32 v21, v20;
	_ =	sdelay $0x1  }
0x2f9: {  	v20 =	vmul.f32 $5.000000000e-01, v20;
	_ =	sdelay $0x1  }
0x2fa: {  	(erf) = vrcp.f32 v20;
	_ =	sdelay $0x8  }
0x2fb: {  	v41 =	vpop (erf)  }
0x2fc: {  	v21 =	vmul.f32 v41, v19;
	_ =	sdelay $0x1  }
0x2fd: {  	v20 =	vadd.f32 v21, v20;
	_ =	sdelay $0x1  }
0x2fe: {  	v20 =	vmul.f32 $5.000000000e-01, v20;
	_ =	sdelay $0x1  }
0x2ff: {  	(erf) = vrcp.f32 v20;
	_ =	sdelay $0x8  }
0x300: {  	v42 =	vpop (erf)  }
0x301: {  	v21 =	vmul.f32 v42, v19;
	_ =	sdelay $0x1  }
0x302: {  	v20 =	vadd.f32 v21, v20;
	_ =	sdelay $0x1  }
0x303: {  	v20 =	vmul.f32 $5.000000000e-01, v20;
	_ =	sdelay $0x1  }
0x304: {  	(erf) = vrcp.f32 v20;
	_ =	sdelay $0x8  }
0x305: {  	v43 =	vpop (erf)  }
0x306: {  	v21 =	vmul.f32 v43, v19;
	_ =	sdelay $0x1  }
0x307: {  	v20 =	vadd.f32 v21, v20;
	_ =	sdelay $0x1  }
0x308: {  	v20 =	vmul.f32 $5.000000000e-01, v20;
	_ =	sdelay $0x1  }
0x309: {  	(erf) = vrcp.f32 v20;
	_ =	sdelay $0x8  }
0x30a: {  	v44 =	vpop (erf)  }
0x30b: {  	v21 =	vmul.f32 v44, v19;
	_ =	sdelay $0x1  }
0x30c: {  	v20 =	vadd.f32 v21, v20;
	_ =	sdelay $0x1  }
0x30d: {  	v20 =	vmul.f32 $5.000000000e-01, v20;
	_ =	sdelay $0x1  }
0x30e: {  	(erf) = vrcp.f32 v20;
	_ =	sdelay $0x8  }
0x30f: {  	v45 =	vpop (erf)  }
0x310: {  	v21 =	vmul.f32 v45, v19;
	_ =	sdelay $0x1  }
0x311: {  	v20 =	vadd.f32 v21, v20;
	_ =	sdelay $0x1  }
0x312: {  	v20 =	vmul.f32 $5.000000000e-01, v20;
	_ =	sdelay $0x1  }
0x313: {  	(erf) = vrcp.f32 v20;
	_ =	sdelay $0x8  }
0x314: {  	v46 =	vpop (erf)  }
0x315: {  	v21 =	vmul.f32 v46, v19;
	_ =	sdelay $0x1  }
0x316: {  	v20 =	vadd.f32 v21, v20;
	_ =	sdelay $0x1  }
0x317: {  	v20 =	vmul.f32 $5.000000000e-01, v20;
	_ =	sdelay $0x1  }
0x318: {  	(erf) = vrcp.f32 v20;
	_ =	sdelay $0x8  }
0x319: {  	v47 =	vpop (erf)  }
0x31a: {  	v21 =	vmul.f32 v47, v19;
	_ =	sdelay $0x1  }
0x31b: {  	v20 =	vadd.f32 v21, v20;
	_ =	sdelay $0x1  }
0x31c: {  	v20 =	vmul.f32 $5.000000000e-01, v20;
	_ =	sdelay $0x1  }
0x31d: {  	(erf) = vrcp.f32 v20;
	_ =	sdelay $0x8  }
0x31e: {  	v48 =	vpop (erf)  }
0x31f: {  	v21 =	vmul.f32 v48, v19;
	_ =	sdelay $0x1  }
0x320: {  	v20 =	vadd.f32 v21, v20;
	_ =	sdelay $0x1  }
0x321: {  	v20 =	vmul.f32 $5.000000000e-01, v20;
	_ =	sdelay $0x1  }
0x322: {  	(erf) = vrcp.f32 v20;
	_ =	sdelay $0x8  }
0x323: {  	v49 =	vpop (erf)  }
0x324: {  	v21 =	vmul.f32 v49, v19;
	_ =	sdelay $0x1  }
0x325: {  	v20 =	vadd.f32 v21, v20;
	_ =	sdelay $0x1  }
0x326: {  	v20 =	vmul.f32 $5.000000000e-01, v20;
	_ =	sdelay $0x1  }
0x327: {  	(erf) = vrcp.f32 v20;
	_ =	sdelay $0x8  }
0x328: {  	v50 =	vpop (erf)  }
0x329: {  	v21 =	vmul.f32 v50, v19;
	_ =	sdelay $0x1  }
0x32a: {  	v20 =	vadd.f32 v21, v20;
	_ =	sdelay $0x1  }
0x32b: {  	v20 =	vmul.f32 $5.000000000e-01, v20;
	_ =	sdelay $0x1  }
0x32c: {  	(erf) = vrcp.f32 v20;
	_ =	sdelay $0x8  }
0x32d: {  	v51 =	vpop (erf)  }
0x32e: {  	v21 =	vmul.f32 v51, v19;
	_ =	sdelay $0x1  }
0x32f: {  	v20 =	vadd.f32 v21, v20;
	_ =	sdelay $0x1  }
0x330: {  	v20 =	vmul.f32 $5.000000000e-01, v20;
	_ =	sdelay $0x1  }
0x331: {  	(erf) = vrcp.f32 v20;
	_ =	sdelay $0x8  }
0x332: {  	v52 =	vpop (erf)  }
0x333: {  	v21 =	vmul.f32 v52, v19;
	_ =	sdelay $0x1  }
0x334: {  	v20 =	vadd.f32 v21, v20;
	_ =	sdelay $0x1  }
0x335: {  	v20 =	vmul.f32 $5.000000000e-01, v20;
	_ =	sdelay $0x1  }
0x336: {  	(erf) = vrcp.f32 v20;
	_ =	sdelay $0x8  }
0x337: {  	v53 =	vpop (erf)  }
0x338: {  	v22 =	vld [tilespmem:$0x2140];
	v19 =	vmul.f32 v53, v19;
	_ =	sdelay $0x1  }
0x339: {  	v19 =	vadd.f32 v19, v20;
	_ =	sdelay $0x1  }
0x33a: {  	v19 =	vmul.f32 $5.000000000e-01, v19  }
0x33b: {  	v54 =	vadd.f32 $9.999999930e-09, v22  }
0x33c: {  	(erf) = vrcp.f32 v19  }
0x33d: {  	(erf) = vrcp.f32 v54;
	_ =	sdelay $0x4  }
0x33e: {  	v21 =	vld [tilespmem:$0x20C0];
	_ =	sdelay $0x2  }
0x33f: {  	v20 =	vpop (erf)  }
0x340: {  	v24 =	vpop (erf)  }
0x341: {  	v19 =	vmul.f32 v24, v21  }
0x342: {  	v23 =	vld [tilespmem:$0x21C0]  }
0x343: {  	v25 =	vadd.f32 v19, v19;
	_ =	sdelay $0x1  }
0x344: {  	v26 =	vmul.f32 v19, v19;
	v25 =	vmul.f32 v25, v21;
	_ =	sdelay $0x1  }
0x345: {  	v55 =	vmul.f32 v26, v22;
	v23 =	vsub.f32 v23, v25;
	_ =	sdelay $0x1  }
0x346: {  	v23 =	vadd.f32 v23, v55;
	_ =	sdelay $0x1  }
0x347: {  	v24 =	vmul.f32 v23, v24;
	_ =	sdelay $0x1  }
0x348: {  	v24 =	vadd.f32 $9.999999930e-09, v24;
	_ =	sdelay $0x1  }
0x349: {  	v56 =	vadd.f32 $1.000000000e+00, v24;
	_ =	sdelay $0x1  }
0x34a: {  	v25 =	vmul.f32 $5.000000000e-01, v56;
	_ =	sdelay $0x1  }
0x34b: {  	(erf) = vrcp.f32 v25;
	_ =	sdelay $0x8  }
0x34c: {  	v57 =	vpop (erf)  }
0x34d: {  	v26 =	vmul.f32 v57, v24;
	_ =	sdelay $0x1  }
0x34e: {  	v25 =	vadd.f32 v26, v25;
	_ =	sdelay $0x1  }
0x34f: {  	v25 =	vmul.f32 $5.000000000e-01, v25;
	_ =	sdelay $0x1  }
0x350: {  	(erf) = vrcp.f32 v25;
	_ =	sdelay $0x8  }
0x351: {  	v58 =	vpop (erf)  }
0x352: {  	v26 =	vmul.f32 v58, v24;
	_ =	sdelay $0x1  }
0x353: {  	v25 =	vadd.f32 v26, v25;
	_ =	sdelay $0x1  }
0x354: {  	v25 =	vmul.f32 $5.000000000e-01, v25;
	_ =	sdelay $0x1  }
0x355: {  	(erf) = vrcp.f32 v25;
	_ =	sdelay $0x8  }
0x356: {  	v59 =	vpop (erf)  }
0x357: {  	v26 =	vmul.f32 v59, v24;
	_ =	sdelay $0x1  }
0x358: {  	v25 =	vadd.f32 v26, v25;
	_ =	sdelay $0x1  }
0x359: {  	v25 =	vmul.f32 $5.000000000e-01, v25;
	_ =	sdelay $0x1  }
0x35a: {  	(erf) = vrcp.f32 v25;
	_ =	sdelay $0x8  }
0x35b: {  	v60 =	vpop (erf)  }
0x35c: {  	v26 =	vmul.f32 v60, v24;
	_ =	sdelay $0x1  }
0x35d: {  	v25 =	vadd.f32 v26, v25;
	_ =	sdelay $0x1  }
0x35e: {  	v25 =	vmul.f32 $5.000000000e-01, v25;
	_ =	sdelay $0x1  }
0x35f: {  	(erf) = vrcp.f32 v25;
	_ =	sdelay $0x8  }
0x360: {  	v61 =	vpop (erf)  }
0x361: {  	v26 =	vmul.f32 v61, v24;
	_ =	sdelay $0x1  }
0x362: {  	v25 =	vadd.f32 v26, v25;
	_ =	sdelay $0x1  }
0x363: {  	v25 =	vmul.f32 $5.000000000e-01, v25;
	_ =	sdelay $0x1  }
0x364: {  	(erf) = vrcp.f32 v25;
	_ =	sdelay $0x8  }
0x365: {  	v62 =	vpop (erf)  }
0x366: {  	v26 =	vmul.f32 v62, v24;
	_ =	sdelay $0x1  }
0x367: {  	v25 =	vadd.f32 v26, v25;
	_ =	sdelay $0x1  }
0x368: {  	v25 =	vmul.f32 $5.000000000e-01, v25;
	_ =	sdelay $0x1  }
0x369: {  	(erf) = vrcp.f32 v25;
	_ =	sdelay $0x8  }
0x36a: {  	v63 =	vpop (erf)  }
0x36b: {  	v26 =	vmul.f32 v63, v24;
	_ =	sdelay $0x1  }
0x36c: {  	v25 =	vadd.f32 v26, v25;
	_ =	sdelay $0x1  }
0x36d: {  	v25 =	vmul.f32 $5.000000000e-01, v25;
	_ =	sdelay $0x1  }
0x36e: {  	(erf) = vrcp.f32 v25;
	_ =	sdelay $0x8  }
0x36f: {  	v28 =	vpop (erf)  }
0x370: {  	v26 =	vmul.f32 v28, v24;
	_ =	sdelay $0x1  }
0x371: {  	v25 =	vadd.f32 v26, v25;
	_ =	sdelay $0x1  }
0x372: {  	v25 =	vmul.f32 $5.000000000e-01, v25;
	_ =	sdelay $0x1  }
0x373: {  	(erf) = vrcp.f32 v25;
	_ =	sdelay $0x8  }
0x374: {  	v29 =	vpop (erf)  }
0x375: {  	v26 =	vmul.f32 v29, v24;
	_ =	sdelay $0x1  }
0x376: {  	v25 =	vadd.f32 v26, v25;
	_ =	sdelay $0x1  }
0x377: {  	v25 =	vmul.f32 $5.000000000e-01, v25;
	_ =	sdelay $0x1  }
0x378: {  	(erf) = vrcp.f32 v25;
	_ =	sdelay $0x8  }
0x379: {  	v30 =	vpop (erf)  }
0x37a: {  	v26 =	vmul.f32 v30, v24;
	_ =	sdelay $0x1  }
0x37b: {  	v25 =	vadd.f32 v26, v25;
	_ =	sdelay $0x1  }
0x37c: {  	v25 =	vmul.f32 $5.000000000e-01, v25;
	_ =	sdelay $0x1  }
0x37d: {  	(erf) = vrcp.f32 v25;
	_ =	sdelay $0x8  }
0x37e: {  	v31 =	vpop (erf)  }
0x37f: {  	v26 =	vmul.f32 v31, v24;
	_ =	sdelay $0x1  }
0x380: {  	v25 =	vadd.f32 v26, v25;
	_ =	sdelay $0x1  }
0x381: {  	v25 =	vmul.f32 $5.000000000e-01, v25;
	_ =	sdelay $0x1  }
0x382: {  	(erf) = vrcp.f32 v25;
	_ =	sdelay $0x8  }
0x383: {  	v32 =	vpop (erf)  }
0x384: {  	v26 =	vmul.f32 v32, v24;
	_ =	sdelay $0x1  }
0x385: {  	v25 =	vadd.f32 v26, v25;
	_ =	sdelay $0x1  }
0x386: {  	v25 =	vmul.f32 $5.000000000e-01, v25;
	_ =	sdelay $0x1  }
0x387: {  	(erf) = vrcp.f32 v25;
	_ =	sdelay $0x8  }
0x388: {  	v33 =	vpop (erf)  }
0x389: {  	v26 =	vmul.f32 v33, v24;
	_ =	sdelay $0x1  }
0x38a: {  	v25 =	vadd.f32 v26, v25;
	_ =	sdelay $0x1  }
0x38b: {  	v25 =	vmul.f32 $5.000000000e-01, v25;
	_ =	sdelay $0x1  }
0x38c: {  	(erf) = vrcp.f32 v25;
	_ =	sdelay $0x8  }
0x38d: {  	v34 =	vpop (erf)  }
0x38e: {  	v26 =	vmul.f32 v34, v24;
	_ =	sdelay $0x1  }
0x38f: {  	v25 =	vadd.f32 v26, v25;
	_ =	sdelay $0x1  }
0x390: {  	v25 =	vmul.f32 $5.000000000e-01, v25;
	_ =	sdelay $0x1  }
0x391: {  	(erf) = vrcp.f32 v25;
	_ =	sdelay $0x8  }
0x392: {  	v35 =	vpop (erf)  }
0x393: {  	v26 =	vmul.f32 v35, v24;
	_ =	sdelay $0x1  }
0x394: {  	v25 =	vadd.f32 v26, v25;
	_ =	sdelay $0x1  }
0x395: {  	v25 =	vmul.f32 $5.000000000e-01, v25;
	_ =	sdelay $0x1  }
0x396: {  	(erf) = vrcp.f32 v25;
	_ =	sdelay $0x8  }
0x397: {  	v36 =	vpop (erf)  }
0x398: {  	v26 =	vmul.f32 v36, v24;
	_ =	sdelay $0x1  }
0x399: {  	v25 =	vadd.f32 v26, v25;
	_ =	sdelay $0x1  }
0x39a: {  	v25 =	vmul.f32 $5.000000000e-01, v25;
	_ =	sdelay $0x1  }
0x39b: {  	(erf) = vrcp.f32 v25;
	_ =	sdelay $0x8  }
0x39c: {  	v37 =	vpop (erf)  }
0x39d: {  	v26 =	vmul.f32 v37, v24;
	_ =	sdelay $0x1  }
0x39e: {  	v25 =	vadd.f32 v26, v25;
	_ =	sdelay $0x1  }
0x39f: {  	v25 =	vmul.f32 $5.000000000e-01, v25;
	_ =	sdelay $0x1  }
0x3a0: {  	(erf) = vrcp.f32 v25;
	_ =	sdelay $0x8  }
0x3a1: {  	v38 =	vpop (erf)  }
0x3a2: {  	v27 =	vld [tilespmem:$0x2150];
	v24 =	vmul.f32 v38, v24;
	_ =	sdelay $0x1  }
0x3a3: {  	v24 =	vadd.f32 v24, v25;
	_ =	sdelay $0x1  }
0x3a4: {  	v24 =	vmul.f32 $5.000000000e-01, v24  }
0x3a5: {  	v39 =	vadd.f32 $9.999999930e-09, v27  }
0x3a6: {  	(erf) = vrcp.f32 v24  }
0x3a7: {  	(erf) = vrcp.f32 v39;
	_ =	sdelay $0x4  }
0x3a8: {  	v26 =	vld [tilespmem:$0x20D0];
	_ =	sdelay $0x2  }
0x3a9: {  	v25 =	vpop (erf)  }
0x3aa: {  	v29 =	vpop (erf)  }
0x3ab: {  	v24 =	vmul.f32 v29, v26  }
0x3ac: {  	v28 =	vld [tilespmem:$0x21D0]  }
0x3ad: {  	v30 =	vadd.f32 v24, v24;
	_ =	sdelay $0x1  }
0x3ae: {  	v31 =	vmul.f32 v24, v24;
	v30 =	vmul.f32 v30, v26;
	_ =	sdelay $0x1  }
0x3af: {  	v40 =	vmul.f32 v31, v27;
	v28 =	vsub.f32 v28, v30;
	_ =	sdelay $0x1  }
0x3b0: {  	v28 =	vadd.f32 v28, v40;
	_ =	sdelay $0x1  }
0x3b1: {  	v29 =	vmul.f32 v28, v29;
	_ =	sdelay $0x1  }
0x3b2: {  	v29 =	vadd.f32 $9.999999930e-09, v29;
	_ =	sdelay $0x1  }
0x3b3: {  	v41 =	vadd.f32 $1.000000000e+00, v29;
	_ =	sdelay $0x1  }
0x3b4: {  	v30 =	vmul.f32 $5.000000000e-01, v41;
	_ =	sdelay $0x1  }
0x3b5: {  	(erf) = vrcp.f32 v30;
	_ =	sdelay $0x8  }
0x3b6: {  	v42 =	vpop (erf)  }
0x3b7: {  	v31 =	vmul.f32 v42, v29;
	_ =	sdelay $0x1  }
0x3b8: {  	v30 =	vadd.f32 v31, v30;
	_ =	sdelay $0x1  }
0x3b9: {  	v30 =	vmul.f32 $5.000000000e-01, v30;
	_ =	sdelay $0x1  }
0x3ba: {  	(erf) = vrcp.f32 v30;
	_ =	sdelay $0x8  }
0x3bb: {  	v43 =	vpop (erf)  }
0x3bc: {  	v31 =	vmul.f32 v43, v29;
	_ =	sdelay $0x1  }
0x3bd: {  	v30 =	vadd.f32 v31, v30;
	_ =	sdelay $0x1  }
0x3be: {  	v30 =	vmul.f32 $5.000000000e-01, v30;
	_ =	sdelay $0x1  }
0x3bf: {  	(erf) = vrcp.f32 v30;
	_ =	sdelay $0x8  }
0x3c0: {  	v44 =	vpop (erf)  }
0x3c1: {  	v31 =	vmul.f32 v44, v29;
	_ =	sdelay $0x1  }
0x3c2: {  	v30 =	vadd.f32 v31, v30;
	_ =	sdelay $0x1  }
0x3c3: {  	v30 =	vmul.f32 $5.000000000e-01, v30;
	_ =	sdelay $0x1  }
0x3c4: {  	(erf) = vrcp.f32 v30;
	_ =	sdelay $0x8  }
0x3c5: {  	v45 =	vpop (erf)  }
0x3c6: {  	v31 =	vmul.f32 v45, v29;
	_ =	sdelay $0x1  }
0x3c7: {  	v30 =	vadd.f32 v31, v30;
	_ =	sdelay $0x1  }
0x3c8: {  	v30 =	vmul.f32 $5.000000000e-01, v30;
	_ =	sdelay $0x1  }
0x3c9: {  	(erf) = vrcp.f32 v30;
	_ =	sdelay $0x8  }
0x3ca: {  	v46 =	vpop (erf)  }
0x3cb: {  	v31 =	vmul.f32 v46, v29;
	_ =	sdelay $0x1  }
0x3cc: {  	v30 =	vadd.f32 v31, v30;
	_ =	sdelay $0x1  }
0x3cd: {  	v30 =	vmul.f32 $5.000000000e-01, v30;
	_ =	sdelay $0x1  }
0x3ce: {  	(erf) = vrcp.f32 v30;
	_ =	sdelay $0x8  }
0x3cf: {  	v47 =	vpop (erf)  }
0x3d0: {  	v31 =	vmul.f32 v47, v29;
	_ =	sdelay $0x1  }
0x3d1: {  	v30 =	vadd.f32 v31, v30;
	_ =	sdelay $0x1  }
0x3d2: {  	v30 =	vmul.f32 $5.000000000e-01, v30;
	_ =	sdelay $0x1  }
0x3d3: {  	(erf) = vrcp.f32 v30;
	_ =	sdelay $0x8  }
0x3d4: {  	v48 =	vpop (erf)  }
0x3d5: {  	v31 =	vmul.f32 v48, v29;
	_ =	sdelay $0x1  }
0x3d6: {  	v30 =	vadd.f32 v31, v30;
	_ =	sdelay $0x1  }
0x3d7: {  	v30 =	vmul.f32 $5.000000000e-01, v30;
	_ =	sdelay $0x1  }
0x3d8: {  	(erf) = vrcp.f32 v30;
	_ =	sdelay $0x8  }
0x3d9: {  	v49 =	vpop (erf)  }
0x3da: {  	v31 =	vmul.f32 v49, v29;
	_ =	sdelay $0x1  }
0x3db: {  	v30 =	vadd.f32 v31, v30;
	_ =	sdelay $0x1  }
0x3dc: {  	v30 =	vmul.f32 $5.000000000e-01, v30;
	_ =	sdelay $0x1  }
0x3dd: {  	(erf) = vrcp.f32 v30;
	_ =	sdelay $0x8  }
0x3de: {  	v50 =	vpop (erf)  }
0x3df: {  	v31 =	vmul.f32 v50, v29;
	_ =	sdelay $0x1  }
0x3e0: {  	v30 =	vadd.f32 v31, v30;
	_ =	sdelay $0x1  }
0x3e1: {  	v30 =	vmul.f32 $5.000000000e-01, v30;
	_ =	sdelay $0x1  }
0x3e2: {  	(erf) = vrcp.f32 v30;
	_ =	sdelay $0x8  }
0x3e3: {  	v51 =	vpop (erf)  }
0x3e4: {  	v31 =	vmul.f32 v51, v29;
	_ =	sdelay $0x1  }
0x3e5: {  	v30 =	vadd.f32 v31, v30;
	_ =	sdelay $0x1  }
0x3e6: {  	v30 =	vmul.f32 $5.000000000e-01, v30;
	_ =	sdelay $0x1  }
0x3e7: {  	(erf) = vrcp.f32 v30;
	_ =	sdelay $0x8  }
0x3e8: {  	v52 =	vpop (erf)  }
0x3e9: {  	v31 =	vmul.f32 v52, v29;
	_ =	sdelay $0x1  }
0x3ea: {  	v30 =	vadd.f32 v31, v30;
	_ =	sdelay $0x1  }
0x3eb: {  	v30 =	vmul.f32 $5.000000000e-01, v30;
	_ =	sdelay $0x1  }
0x3ec: {  	(erf) = vrcp.f32 v30;
	_ =	sdelay $0x8  }
0x3ed: {  	v53 =	vpop (erf)  }
0x3ee: {  	v31 =	vmul.f32 v53, v29;
	_ =	sdelay $0x1  }
0x3ef: {  	v30 =	vadd.f32 v31, v30;
	_ =	sdelay $0x1  }
0x3f0: {  	v30 =	vmul.f32 $5.000000000e-01, v30;
	_ =	sdelay $0x1  }
0x3f1: {  	(erf) = vrcp.f32 v30;
	_ =	sdelay $0x8  }
0x3f2: {  	v54 =	vpop (erf)  }
0x3f3: {  	v31 =	vmul.f32 v54, v29;
	_ =	sdelay $0x1  }
0x3f4: {  	v30 =	vadd.f32 v31, v30;
	_ =	sdelay $0x1  }
0x3f5: {  	v30 =	vmul.f32 $5.000000000e-01, v30;
	_ =	sdelay $0x1  }
0x3f6: {  	(erf) = vrcp.f32 v30;
	_ =	sdelay $0x8  }
0x3f7: {  	v55 =	vpop (erf)  }
0x3f8: {  	v31 =	vmul.f32 v55, v29;
	_ =	sdelay $0x1  }
0x3f9: {  	v30 =	vadd.f32 v31, v30;
	_ =	sdelay $0x1  }
0x3fa: {  	v30 =	vmul.f32 $5.000000000e-01, v30;
	_ =	sdelay $0x1  }
0x3fb: {  	(erf) = vrcp.f32 v30;
	_ =	sdelay $0x8  }
0x3fc: {  	v56 =	vpop (erf)  }
0x3fd: {  	v31 =	vmul.f32 v56, v29;
	_ =	sdelay $0x1  }
0x3fe: {  	v30 =	vadd.f32 v31, v30;
	_ =	sdelay $0x1  }
0x3ff: {  	v30 =	vmul.f32 $5.000000000e-01, v30;
	_ =	sdelay $0x1  }
0x400: {  	(erf) = vrcp.f32 v30;
	_ =	sdelay $0x8  }
0x401: {  	v57 =	vpop (erf)  }
0x402: {  	v31 =	vmul.f32 v57, v29;
	_ =	sdelay $0x1  }
0x403: {  	v30 =	vadd.f32 v31, v30;
	_ =	sdelay $0x1  }
0x404: {  	v30 =	vmul.f32 $5.000000000e-01, v30;
	_ =	sdelay $0x1  }
0x405: {  	(erf) = vrcp.f32 v30;
	_ =	sdelay $0x8  }
0x406: {  	v58 =	vpop (erf)  }
0x407: {  	v31 =	vmul.f32 v58, v29;
	_ =	sdelay $0x1  }
0x408: {  	v30 =	vadd.f32 v31, v30;
	_ =	sdelay $0x1  }
0x409: {  	v30 =	vmul.f32 $5.000000000e-01, v30;
	_ =	sdelay $0x1  }
0x40a: {  	(erf) = vrcp.f32 v30;
	_ =	sdelay $0x8  }
0x40b: {  	v59 =	vpop (erf)  }
0x40c: {  	v32 =	vld [tilespmem:$0x2160];
	v29 =	vmul.f32 v59, v29;
	_ =	sdelay $0x1  }
0x40d: {  	v29 =	vadd.f32 v29, v30;
	_ =	sdelay $0x1  }
0x40e: {  	v29 =	vmul.f32 $5.000000000e-01, v29  }
0x40f: {  	v60 =	vadd.f32 $9.999999930e-09, v32  }
0x410: {  	(erf) = vrcp.f32 v29  }
0x411: {  	(erf) = vrcp.f32 v60;
	_ =	sdelay $0x4  }
0x412: {  	v31 =	vld [tilespmem:$0x20E0];
	_ =	sdelay $0x2  }
0x413: {  	v30 =	vpop (erf)  }
0x414: {  	v34 =	vpop (erf)  }
0x415: {  	v29 =	vmul.f32 v34, v31  }
0x416: {  	v33 =	vld [tilespmem:$0x21E0]  }
0x417: {  	v35 =	vadd.f32 v29, v29;
	_ =	sdelay $0x1  }
0x418: {  	v36 =	vmul.f32 v29, v29;
	v35 =	vmul.f32 v35, v31;
	_ =	sdelay $0x1  }
0x419: {  	v61 =	vmul.f32 v36, v32;
	v33 =	vsub.f32 v33, v35;
	_ =	sdelay $0x1  }
0x41a: {  	v33 =	vadd.f32 v33, v61;
	_ =	sdelay $0x1  }
0x41b: {  	v34 =	vmul.f32 v33, v34;
	_ =	sdelay $0x1  }
0x41c: {  	v34 =	vadd.f32 $9.999999930e-09, v34;
	_ =	sdelay $0x1  }
0x41d: {  	v62 =	vadd.f32 $1.000000000e+00, v34;
	_ =	sdelay $0x1  }
0x41e: {  	v35 =	vmul.f32 $5.000000000e-01, v62;
	_ =	sdelay $0x1  }
0x41f: {  	(erf) = vrcp.f32 v35;
	_ =	sdelay $0x8  }
0x420: {  	v63 =	vpop (erf)  }
0x421: {  	v36 =	vmul.f32 v63, v34;
	_ =	sdelay $0x1  }
0x422: {  	v35 =	vadd.f32 v36, v35;
	_ =	sdelay $0x1  }
0x423: {  	v35 =	vmul.f32 $5.000000000e-01, v35;
	_ =	sdelay $0x1  }
0x424: {  	(erf) = vrcp.f32 v35;
	_ =	sdelay $0x8  }
0x425: {  	v40 =	vpop (erf)  }
0x426: {  	v36 =	vmul.f32 v40, v34;
	_ =	sdelay $0x1  }
0x427: {  	v35 =	vadd.f32 v36, v35;
	_ =	sdelay $0x1  }
0x428: {  	v35 =	vmul.f32 $5.000000000e-01, v35;
	_ =	sdelay $0x1  }
0x429: {  	(erf) = vrcp.f32 v35;
	_ =	sdelay $0x8  }
0x42a: {  	v41 =	vpop (erf)  }
0x42b: {  	v36 =	vmul.f32 v41, v34;
	_ =	sdelay $0x1  }
0x42c: {  	v35 =	vadd.f32 v36, v35;
	_ =	sdelay $0x1  }
0x42d: {  	v35 =	vmul.f32 $5.000000000e-01, v35;
	_ =	sdelay $0x1  }
0x42e: {  	(erf) = vrcp.f32 v35;
	_ =	sdelay $0x8  }
0x42f: {  	v42 =	vpop (erf)  }
0x430: {  	v36 =	vmul.f32 v42, v34;
	_ =	sdelay $0x1  }
0x431: {  	v35 =	vadd.f32 v36, v35;
	_ =	sdelay $0x1  }
0x432: {  	v35 =	vmul.f32 $5.000000000e-01, v35;
	_ =	sdelay $0x1  }
0x433: {  	(erf) = vrcp.f32 v35;
	_ =	sdelay $0x8  }
0x434: {  	v43 =	vpop (erf)  }
0x435: {  	v36 =	vmul.f32 v43, v34;
	_ =	sdelay $0x1  }
0x436: {  	v35 =	vadd.f32 v36, v35;
	_ =	sdelay $0x1  }
0x437: {  	v35 =	vmul.f32 $5.000000000e-01, v35;
	_ =	sdelay $0x1  }
0x438: {  	(erf) = vrcp.f32 v35;
	_ =	sdelay $0x8  }
0x439: {  	v44 =	vpop (erf)  }
0x43a: {  	v36 =	vmul.f32 v44, v34;
	_ =	sdelay $0x1  }
0x43b: {  	v35 =	vadd.f32 v36, v35;
	_ =	sdelay $0x1  }
0x43c: {  	v35 =	vmul.f32 $5.000000000e-01, v35;
	_ =	sdelay $0x1  }
0x43d: {  	(erf) = vrcp.f32 v35;
	_ =	sdelay $0x8  }
0x43e: {  	v45 =	vpop (erf)  }
0x43f: {  	v36 =	vmul.f32 v45, v34;
	_ =	sdelay $0x1  }
0x440: {  	v35 =	vadd.f32 v36, v35;
	_ =	sdelay $0x1  }
0x441: {  	v35 =	vmul.f32 $5.000000000e-01, v35;
	_ =	sdelay $0x1  }
0x442: {  	(erf) = vrcp.f32 v35;
	_ =	sdelay $0x8  }
0x443: {  	v46 =	vpop (erf)  }
0x444: {  	v36 =	vmul.f32 v46, v34;
	_ =	sdelay $0x1  }
0x445: {  	v35 =	vadd.f32 v36, v35;
	_ =	sdelay $0x1  }
0x446: {  	v35 =	vmul.f32 $5.000000000e-01, v35;
	_ =	sdelay $0x1  }
0x447: {  	(erf) = vrcp.f32 v35;
	_ =	sdelay $0x8  }
0x448: {  	v47 =	vpop (erf)  }
0x449: {  	v36 =	vmul.f32 v47, v34;
	_ =	sdelay $0x1  }
0x44a: {  	v35 =	vadd.f32 v36, v35;
	_ =	sdelay $0x1  }
0x44b: {  	v35 =	vmul.f32 $5.000000000e-01, v35;
	_ =	sdelay $0x1  }
0x44c: {  	(erf) = vrcp.f32 v35;
	_ =	sdelay $0x8  }
0x44d: {  	v48 =	vpop (erf)  }
0x44e: {  	v36 =	vmul.f32 v48, v34;
	_ =	sdelay $0x1  }
0x44f: {  	v35 =	vadd.f32 v36, v35;
	_ =	sdelay $0x1  }
0x450: {  	v35 =	vmul.f32 $5.000000000e-01, v35;
	_ =	sdelay $0x1  }
0x451: {  	(erf) = vrcp.f32 v35;
	_ =	sdelay $0x8  }
0x452: {  	v49 =	vpop (erf)  }
0x453: {  	v36 =	vmul.f32 v49, v34;
	_ =	sdelay $0x1  }
0x454: {  	v35 =	vadd.f32 v36, v35;
	_ =	sdelay $0x1  }
0x455: {  	v35 =	vmul.f32 $5.000000000e-01, v35;
	_ =	sdelay $0x1  }
0x456: {  	(erf) = vrcp.f32 v35;
	_ =	sdelay $0x8  }
0x457: {  	v50 =	vpop (erf)  }
0x458: {  	v36 =	vmul.f32 v50, v34;
	_ =	sdelay $0x1  }
0x459: {  	v35 =	vadd.f32 v36, v35;
	_ =	sdelay $0x1  }
0x45a: {  	v35 =	vmul.f32 $5.000000000e-01, v35;
	_ =	sdelay $0x1  }
0x45b: {  	(erf) = vrcp.f32 v35;
	_ =	sdelay $0x8  }
0x45c: {  	v51 =	vpop (erf)  }
0x45d: {  	v36 =	vmul.f32 v51, v34;
	_ =	sdelay $0x1  }
0x45e: {  	v35 =	vadd.f32 v36, v35;
	_ =	sdelay $0x1  }
0x45f: {  	v35 =	vmul.f32 $5.000000000e-01, v35;
	_ =	sdelay $0x1  }
0x460: {  	(erf) = vrcp.f32 v35;
	_ =	sdelay $0x8  }
0x461: {  	v52 =	vpop (erf)  }
0x462: {  	v36 =	vmul.f32 v52, v34;
	_ =	sdelay $0x1  }
0x463: {  	v35 =	vadd.f32 v36, v35;
	_ =	sdelay $0x1  }
0x464: {  	v35 =	vmul.f32 $5.000000000e-01, v35;
	_ =	sdelay $0x1  }
0x465: {  	(erf) = vrcp.f32 v35;
	_ =	sdelay $0x8  }
0x466: {  	v53 =	vpop (erf)  }
0x467: {  	v36 =	vmul.f32 v53, v34;
	_ =	sdelay $0x1  }
0x468: {  	v35 =	vadd.f32 v36, v35;
	_ =	sdelay $0x1  }
0x469: {  	v35 =	vmul.f32 $5.000000000e-01, v35;
	_ =	sdelay $0x1  }
0x46a: {  	(erf) = vrcp.f32 v35;
	_ =	sdelay $0x8  }
0x46b: {  	v54 =	vpop (erf)  }
0x46c: {  	v36 =	vmul.f32 v54, v34;
	_ =	sdelay $0x1  }
0x46d: {  	v35 =	vadd.f32 v36, v35;
	_ =	sdelay $0x1  }
0x46e: {  	v35 =	vmul.f32 $5.000000000e-01, v35;
	_ =	sdelay $0x1  }
0x46f: {  	(erf) = vrcp.f32 v35;
	_ =	sdelay $0x8  }
0x470: {  	v55 =	vpop (erf)  }
0x471: {  	v36 =	vmul.f32 v55, v34;
	_ =	sdelay $0x1  }
0x472: {  	v35 =	vadd.f32 v36, v35;
	_ =	sdelay $0x1  }
0x473: {  	v35 =	vmul.f32 $5.000000000e-01, v35;
	_ =	sdelay $0x1  }
0x474: {  	(erf) = vrcp.f32 v35;
	_ =	sdelay $0x8  }
0x475: {  	v56 =	vpop (erf)  }
0x476: {  	v37 =	vld [tilespmem:$0x2170];
	v34 =	vmul.f32 v56, v34;
	_ =	sdelay $0x1  }
0x477: {  	v34 =	vadd.f32 v34, v35;
	_ =	sdelay $0x1  }
0x478: {  	v34 =	vmul.f32 $5.000000000e-01, v34  }
0x479: {  	v57 =	vadd.f32 $9.999999930e-09, v37  }
0x47a: {  	(erf) = vrcp.f32 v34  }
0x47b: {  	(erf) = vrcp.f32 v57;
	_ =	sdelay $0x4  }
0x47c: {  	v36 =	vld [tilespmem:$0x20F0];
	_ =	sdelay $0x2  }
0x47d: {  	v35 =	vpop (erf)  }
0x47e: {  	v39 =	vpop (erf)  }
0x47f: {  	v34 =	vmul.f32 v39, v36  }
0x480: {  	v38 =	vld [tilespmem:$0x21F0]  }
0x481: {  	v40 =	vadd.f32 v34, v34;
	_ =	sdelay $0x1  }
0x482: {  	v41 =	vmul.f32 v34, v34;
	v40 =	vmul.f32 v40, v36;
	_ =	sdelay $0x1  }
0x483: {  	v58 =	vmul.f32 v41, v37;
	v38 =	vsub.f32 v38, v40;
	_ =	sdelay $0x1  }
0x484: {  	v38 =	vadd.f32 v38, v58;
	_ =	sdelay $0x1  }
0x485: {  	v39 =	vmul.f32 v38, v39;
	_ =	sdelay $0x1  }
0x486: {  	v39 =	vadd.f32 $9.999999930e-09, v39;
	_ =	sdelay $0x1  }
0x487: {  	v59 =	vadd.f32 $1.000000000e+00, v39;
	_ =	sdelay $0x1  }
0x488: {  	v40 =	vmul.f32 $5.000000000e-01, v59;
	_ =	sdelay $0x1  }
0x489: {  	(erf) = vrcp.f32 v40;
	_ =	sdelay $0x8  }
0x48a: {  	v60 =	vpop (erf)  }
0x48b: {  	v41 =	vmul.f32 v60, v39;
	_ =	sdelay $0x1  }
0x48c: {  	v40 =	vadd.f32 v41, v40;
	_ =	sdelay $0x1  }
0x48d: {  	v40 =	vmul.f32 $5.000000000e-01, v40;
	_ =	sdelay $0x1  }
0x48e: {  	(erf) = vrcp.f32 v40;
	_ =	sdelay $0x8  }
0x48f: {  	v61 =	vpop (erf)  }
0x490: {  	v41 =	vmul.f32 v61, v39;
	_ =	sdelay $0x1  }
0x491: {  	v40 =	vadd.f32 v41, v40;
	_ =	sdelay $0x1  }
0x492: {  	v40 =	vmul.f32 $5.000000000e-01, v40;
	_ =	sdelay $0x1  }
0x493: {  	(erf) = vrcp.f32 v40;
	_ =	sdelay $0x8  }
0x494: {  	v62 =	vpop (erf)  }
0x495: {  	v41 =	vmul.f32 v62, v39;
	_ =	sdelay $0x1  }
0x496: {  	v40 =	vadd.f32 v41, v40;
	_ =	sdelay $0x1  }
0x497: {  	v40 =	vmul.f32 $5.000000000e-01, v40;
	_ =	sdelay $0x1  }
0x498: {  	(erf) = vrcp.f32 v40;
	_ =	sdelay $0x8  }
0x499: {  	v63 =	vpop (erf)  }
0x49a: {  	v41 =	vmul.f32 v63, v39;
	_ =	sdelay $0x1  }
0x49b: {  	v40 =	vadd.f32 v41, v40;
	_ =	sdelay $0x1  }
0x49c: {  	v40 =	vmul.f32 $5.000000000e-01, v40;
	_ =	sdelay $0x1  }
0x49d: {  	(erf) = vrcp.f32 v40;
	_ =	sdelay $0x8  }
0x49e: {  	v44 =	vpop (erf)  }
0x49f: {  	v41 =	vmul.f32 v44, v39;
	_ =	sdelay $0x1  }
0x4a0: {  	v40 =	vadd.f32 v41, v40;
	_ =	sdelay $0x1  }
0x4a1: {  	v40 =	vmul.f32 $5.000000000e-01, v40;
	_ =	sdelay $0x1  }
0x4a2: {  	(erf) = vrcp.f32 v40;
	_ =	sdelay $0x8  }
0x4a3: {  	v45 =	vpop (erf)  }
0x4a4: {  	v41 =	vmul.f32 v45, v39;
	_ =	sdelay $0x1  }
0x4a5: {  	v40 =	vadd.f32 v41, v40;
	_ =	sdelay $0x1  }
0x4a6: {  	v40 =	vmul.f32 $5.000000000e-01, v40;
	_ =	sdelay $0x1  }
0x4a7: {  	(erf) = vrcp.f32 v40;
	_ =	sdelay $0x8  }
0x4a8: {  	v46 =	vpop (erf)  }
0x4a9: {  	v41 =	vmul.f32 v46, v39;
	_ =	sdelay $0x1  }
0x4aa: {  	v40 =	vadd.f32 v41, v40;
	_ =	sdelay $0x1  }
0x4ab: {  	v40 =	vmul.f32 $5.000000000e-01, v40;
	_ =	sdelay $0x1  }
0x4ac: {  	(erf) = vrcp.f32 v40;
	_ =	sdelay $0x8  }
0x4ad: {  	v47 =	vpop (erf)  }
0x4ae: {  	v41 =	vmul.f32 v47, v39;
	_ =	sdelay $0x1  }
0x4af: {  	v40 =	vadd.f32 v41, v40;
	_ =	sdelay $0x1  }
0x4b0: {  	v40 =	vmul.f32 $5.000000000e-01, v40;
	_ =	sdelay $0x1  }
0x4b1: {  	(erf) = vrcp.f32 v40;
	_ =	sdelay $0x8  }
0x4b2: {  	v48 =	vpop (erf)  }
0x4b3: {  	v41 =	vmul.f32 v48, v39;
	_ =	sdelay $0x1  }
0x4b4: {  	v40 =	vadd.f32 v41, v40;
	_ =	sdelay $0x1  }
0x4b5: {  	v40 =	vmul.f32 $5.000000000e-01, v40;
	_ =	sdelay $0x1  }
0x4b6: {  	(erf) = vrcp.f32 v40;
	_ =	sdelay $0x8  }
0x4b7: {  	v49 =	vpop (erf)  }
0x4b8: {  	v41 =	vmul.f32 v49, v39;
	_ =	sdelay $0x1  }
0x4b9: {  	v40 =	vadd.f32 v41, v40;
	_ =	sdelay $0x1  }
0x4ba: {  	v40 =	vmul.f32 $5.000000000e-01, v40;
	_ =	sdelay $0x1  }
0x4bb: {  	(erf) = vrcp.f32 v40;
	_ =	sdelay $0x8  }
0x4bc: {  	v50 =	vpop (erf)  }
0x4bd: {  	v41 =	vmul.f32 v50, v39;
	_ =	sdelay $0x1  }
0x4be: {  	v40 =	vadd.f32 v41, v40;
	_ =	sdelay $0x1  }
0x4bf: {  	v40 =	vmul.f32 $5.000000000e-01, v40;
	_ =	sdelay $0x1  }
0x4c0: {  	(erf) = vrcp.f32 v40;
	_ =	sdelay $0x8  }
0x4c1: {  	v51 =	vpop (erf)  }
0x4c2: {  	v41 =	vmul.f32 v51, v39;
	_ =	sdelay $0x1  }
0x4c3: {  	v40 =	vadd.f32 v41, v40;
	_ =	sdelay $0x1  }
0x4c4: {  	v40 =	vmul.f32 $5.000000000e-01, v40;
	_ =	sdelay $0x1  }
0x4c5: {  	(erf) = vrcp.f32 v40;
	_ =	sdelay $0x8  }
0x4c6: {  	v52 =	vpop (erf)  }
0x4c7: {  	v41 =	vmul.f32 v52, v39;
	_ =	sdelay $0x1  }
0x4c8: {  	v40 =	vadd.f32 v41, v40;
	_ =	sdelay $0x1  }
0x4c9: {  	v40 =	vmul.f32 $5.000000000e-01, v40;
	_ =	sdelay $0x1  }
0x4ca: {  	(erf) = vrcp.f32 v40;
	_ =	sdelay $0x8  }
0x4cb: {  	v53 =	vpop (erf)  }
0x4cc: {  	v41 =	vmul.f32 v53, v39;
	_ =	sdelay $0x1  }
0x4cd: {  	v40 =	vadd.f32 v41, v40;
	_ =	sdelay $0x1  }
0x4ce: {  	v40 =	vmul.f32 $5.000000000e-01, v40;
	_ =	sdelay $0x1  }
0x4cf: {  	(erf) = vrcp.f32 v40;
	_ =	sdelay $0x8  }
0x4d0: {  	v54 =	vpop (erf)  }
0x4d1: {  	v41 =	vmul.f32 v54, v39;
	_ =	sdelay $0x1  }
0x4d2: {  	v40 =	vadd.f32 v41, v40;
	_ =	sdelay $0x1  }
0x4d3: {  	v40 =	vmul.f32 $5.000000000e-01, v40;
	_ =	sdelay $0x1  }
0x4d4: {  	(erf) = vrcp.f32 v40;
	_ =	sdelay $0x8  }
0x4d5: {  	v55 =	vpop (erf)  }
0x4d6: {  	v41 =	vmul.f32 v55, v39;
	_ =	sdelay $0x1  }
0x4d7: {  	v40 =	vadd.f32 v41, v40;
	_ =	sdelay $0x1  }
0x4d8: {  	v40 =	vmul.f32 $5.000000000e-01, v40;
	_ =	sdelay $0x1  }
0x4d9: {  	(erf) = vrcp.f32 v40;
	_ =	sdelay $0x8  }
0x4da: {  	v56 =	vpop (erf)  }
0x4db: {  	v41 =	vmul.f32 v56, v39;
	_ =	sdelay $0x1  }
0x4dc: {  	v40 =	vadd.f32 v41, v40;
	_ =	sdelay $0x1  }
0x4dd: {  	v40 =	vmul.f32 $5.000000000e-01, v40;
	_ =	sdelay $0x1  }
0x4de: {  	(erf) = vrcp.f32 v40;
	_ =	sdelay $0x1  }
0x4df: {  	v1 =	vmul.f32 v0, v1;
	_ =	sdelay $0x1  }
0x4e0: {  	v1 =	vsub.f32 v2, v1;
	v2 =	vmul.f32 v4, v6;
	_ =	sdelay $0x1  }
0x4e1: {  	v1 =	vmul.f32 v5, v1;
	v2 =	vsub.f32 v7, v2;
	_ =	sdelay $0x1  }
0x4e2: {  	v3 =	vmul.f32 v5, v3;
	v1 =	vadd.f32 $0.0e+00, v1;
	v2 =	vmul.f32 v10, v2  }
0x4e3: {  	v57 =	vpop (erf)  }
0x4e4: {  	v1 =	vadd.f32 v2, v1;
	v2 =	vmul.f32 v3, v5;
	v6 =	vmul.f32 v57, v39  }
0x4e5: {  	v3 =	vmul.f32 v10, v8;
	v58 =	vmul.f32 v9, v11  }
0x4e6: {  	v6 =	vadd.f32 v6, v40  }
0x4e7: {  	[tilespmem:$0x2200] =	vst v0;
	v0 =	vadd.f32 $0.0e+00, v2;
	v2 =	vmul.f32 v3, v10;
	v7 =	vsub.f32 v12, v58  }
0x4e8: {  	v59 =	vmul.f32 v14, v17;
	v6 =	vmul.f32 $5.000000000e-01, v6  }
0x4e9: {  	v3 =	vmul.f32 v15, v13;
	v60 =	vmul.f32 v15, v7  }
0x4ea: {  	[tilespmem:$0x2280] =	vst v5;
	v5 =	vsub.f32 v16, v59;
	v61 =	vmul.f32 v19, v22;
	(erf) = vrcp.f32 v6  }
0x4eb: {  	[tilespmem:$0x2210] =	vst v4;
	v0 =	vadd.f32 v2, v0;
	v2 =	vmul.f32 v3, v15;
	v3 =	vmul.f32 v20, v18  }
0x4ec: {  	[tilespmem:$0x2290] =	vst v10;
	v5 =	vmul.f32 v20, v5;
	v1 =	vadd.f32 v60, v1;
	v4 =	vsub.f32 v21, v61  }
0x4ed: {  	[tilespmem:$0x2220] =	vst v9;
	v0 =	vadd.f32 v2, v0;
	v2 =	vmul.f32 v3, v20;
	v3 =	vmul.f32 v24, v27  }
0x4ee: {  	[tilespmem:$0x22A0] =	vst v15;
	v1 =	vadd.f32 v5, v1;
	v5 =	vmul.f32 v25, v23;
	v4 =	vmul.f32 v25, v4  }
0x4ef: {  	[tilespmem:$0x2230] =	vst v14;
	v0 =	vadd.f32 v2, v0;
	v2 =	vsub.f32 v26, v3;
	v3 =	vmul.f32 v29, v32  }
0x4f0: {  	[tilespmem:$0x22B0] =	vst v20;
	v1 =	vadd.f32 v4, v1;
	v4 =	vmul.f32 v5, v25;
	v5 =	vmul.f32 v30, v28  }
0x4f1: {  	[tilespmem:$0x2240] =	vst v19;
	v2 =	vmul.f32 v30, v2;
	v3 =	vsub.f32 v31, v3;
	v62 =	vmul.f32 v34, v37  }
0x4f2: {  	[tilespmem:$0x22C0] =	vst v25;
	v0 =	vadd.f32 v4, v0;
	v4 =	vmul.f32 v5, v30;
	v5 =	vmul.f32 v35, v33  }
0x4f3: {  	[tilespmem:$0x2250] =	vst v24;
	v1 =	vadd.f32 v2, v1;
	v2 =	vmul.f32 v35, v3;
	v3 =	vsub.f32 v36, v62;
	v63 =	vpop (erf)  }
0x4f4: {  	[tilespmem:$0x22D0] =	vst v30;
	v0 =	vadd.f32 v4, v0;
	v4 =	vmul.f32 v5, v35;
	v5 =	vmul.f32 v63, v38  }
0x4f5: {  	[tilespmem:$0x2260] =	vst v29;
	v1 =	vadd.f32 v2, v1;
	v2 =	vmul.f32 v63, v3  }
0x4f6: {  	[tilespmem:$0x22E0] =	vst v35;
	v0 =	vadd.f32 v4, v0;
	v3 =	vmul.f32 v5, v63  }
0x4f7: {  	[tilespmem:$0x2270] =	vst v34;
	v1 =	vadd.f32 v2, v1  }
0x4f8: {  	[tilespmem:$0x22F0] =	vst v63;
	v0 =	vadd.f32 v3, v0  }
0x4f9: {  	[tilespmem:$0x2300] =	vst v1  }
0x4fa: {  	s26 =	sadd.s32 s7, s3;
	[tilespmem:$0x2380] =	vst v0;
	v0 =	vimm.s32 $0x0  }
0x4fb: {  	[spmem:s26] =	stream.linear.scatter [tilespmem:s8], [sflag:$0x1], $0x80, $0x38;
	[tilespmem:$0x3E88] =	vst v63  }
0x4fc: {  	s28 =	simm.s32 $0x2280;
	s7 =	sadd.s32 s7, s2;
	v1 =	vimm.s32 $0x1  }
0x4fd: {  	[spmem:s7] =	stream.linear.scatter [tilespmem:s28], [sflag:$0x1], $0x80, $0x38;
	[tilespmem:$0x3E88] =	vst v63  }
0x4fe: {  	vm0 =	vmmov $0xffff;
	s29 =	simm.s32 $0x2300  }
0x4ff: {  	[spmem:s4] =	stream.indirect_vreg.scatter.add.f32 [tilespmem:s29], [sflag:$0x1], $0x1, v0, vm0, $0xb8;
	[tilespmem:$0x3E88] =	vst v63  }
0x500: {  	s30 =	simm.s32 $0x2380  }
0x501: {  	[spmem:s4] =	stream.indirect_vreg.scatter.add.f32 [tilespmem:s30], [sflag:$0x1], $0x1, v1, vm0, $0xb8;
	[tilespmem:$0x3E88] =	vst v63  }
0x502: {  	_ =	swait.ge [sflag:s6], $0x80  }
0x503: {  	[sflag:s6] =	ssyncset.done $0x0  }
0x504: {  	[sflag:s6] =	ssyncadd.s32 $0xFFFFFF80  }
0x505: {  	_ =	swait.ge [sflag:s6], $0x80  }
0x506: {  	[sflag:s6] =	ssyncset.done $0x0  }
0x507: {  	[sflag:s6] =	ssyncadd.s32 $0xFFFFFF80  }
0x508: {  	_ =	swait.ge [sflag:s6], $0x10  }
0x509: {  	[sflag:s6] =	ssyncset.done $0x0  }
0x50a: {  	[sflag:s6] =	ssyncadd.s32 $0xFFFFFFF0  }
0x50b: {  	_ =	swait.ge [sflag:s6], $0x10  }
0x50c: {  	[sflag:s6] =	ssyncset.done $0x0  }
0x50d: {  	[sflag:s6] =	ssyncadd.s32 $0xFFFFFFF0  }
0x50e: {  	s31 =	simm.s32 $0x2;
	[bflag:$0x0] =	sbarrier.arrive $0xFFFF  }
0x50f: {  	[tilespmem:s30], [sflag:$0x2] =	stream.linear.gather [spmem:s4], $0x80, $0x38;
	[tilespmem:$0x3E88] =	vst v63  }
0x510: {  	_ =	swait.ge [sflag:s31], $0x80  }
0x511: {  	[sflag:s31] =	ssyncset.done $0x0  }
0x512: {  	[sflag:s31] =	ssyncadd.s32 $0xFFFFFF80  }
0x513: {  	v0 =	vld.msk [tilespmem:s30+$0x0], $0xffff;
	_ =	sdelay $0x1  }
0x514: {  	v1 =	vld.idx.msk [tilespmem:v1+s30+$0x0], $0xffff;
	_ =	sdelay $0x2  }
0x515: {  	v0 =	vmul.f32 $3.051757810e-05, v0;
	_ =	sdelay $0x1  }
0x516: {  	v1 =	vmul.f32 $3.051757810e-05, v1;
	v2 =	vmul.f32 v0, v0;
	_ =	sdelay $0x1  }
0x517: {  	v1 =	vsub.f32 v1, v2;
	_ =	sdelay $0x1  }
0x518: {  	v2 =	vadd.f32 $1.000000000e+00, v1;
	_ =	sdelay $0x1  }
0x519: {  	v2 =	vmul.f32 $5.000000000e-01, v2;
	_ =	sdelay $0x1  }
0x51a: {  	(erf) = vrcp.f32 v2;
	_ =	sdelay $0x8  }
0x51b: {  	v3 =	vpop (erf)  }
0x51c: {  	v3 =	vmul.f32 v3, v1;
	_ =	sdelay $0x1  }
0x51d: {  	v2 =	vadd.f32 v3, v2;
	_ =	sdelay $0x1  }
0x51e: {  	v2 =	vmul.f32 $5.000000000e-01, v2;
	_ =	sdelay $0x1  }
0x51f: {  	(erf) = vrcp.f32 v2;
	_ =	sdelay $0x8  }
0x520: {  	v3 =	vpop (erf)  }
0x521: {  	v3 =	vmul.f32 v3, v1;
	_ =	sdelay $0x1  }
0x522: {  	v2 =	vadd.f32 v3, v2;
	_ =	sdelay $0x1  }
0x523: {  	v2 =	vmul.f32 $5.000000000e-01, v2;
	_ =	sdelay $0x1  }
0x524: {  	(erf) = vrcp.f32 v2;
	_ =	sdelay $0x8  }
0x525: {  	v3 =	vpop (erf)  }
0x526: {  	v3 =	vmul.f32 v3, v1;
	_ =	sdelay $0x1  }
0x527: {  	v2 =	vadd.f32 v3, v2;
	_ =	sdelay $0x1  }
0x528: {  	v2 =	vmul.f32 $5.000000000e-01, v2;
	_ =	sdelay $0x1  }
0x529: {  	(erf) = vrcp.f32 v2;
	_ =	sdelay $0x8  }
0x52a: {  	v3 =	vpop (erf)  }
0x52b: {  	v3 =	vmul.f32 v3, v1;
	_ =	sdelay $0x1  }
0x52c: {  	v2 =	vadd.f32 v3, v2;
	_ =	sdelay $0x1  }
0x52d: {  	v2 =	vmul.f32 $5.000000000e-01, v2;
	_ =	sdelay $0x1  }
0x52e: {  	(erf) = vrcp.f32 v2;
	_ =	sdelay $0x8  }
0x52f: {  	v3 =	vpop (erf)  }
0x530: {  	v3 =	vmul.f32 v3, v1;
	_ =	sdelay $0x1  }
0x531: {  	v2 =	vadd.f32 v3, v2;
	_ =	sdelay $0x1  }
0x532: {  	v2 =	vmul.f32 $5.000000000e-01, v2;
	_ =	sdelay $0x1  }
0x533: {  	(erf) = vrcp.f32 v2;
	_ =	sdelay $0x8  }
0x534: {  	v3 =	vpop (erf)  }
0x535: {  	v3 =	vmul.f32 v3, v1;
	_ =	sdelay $0x1  }
0x536: {  	v2 =	vadd.f32 v3, v2;
	_ =	sdelay $0x1  }
0x537: {  	v2 =	vmul.f32 $5.000000000e-01, v2;
	_ =	sdelay $0x1  }
0x538: {  	(erf) = vrcp.f32 v2;
	_ =	sdelay $0x8  }
0x539: {  	v3 =	vpop (erf)  }
0x53a: {  	v3 =	vmul.f32 v3, v1;
	_ =	sdelay $0x1  }
0x53b: {  	v2 =	vadd.f32 v3, v2;
	_ =	sdelay $0x1  }
0x53c: {  	v2 =	vmul.f32 $5.000000000e-01, v2;
	_ =	sdelay $0x1  }
0x53d: {  	(erf) = vrcp.f32 v2;
	_ =	sdelay $0x8  }
0x53e: {  	v3 =	vpop (erf)  }
0x53f: {  	v3 =	vmul.f32 v3, v1;
	_ =	sdelay $0x1  }
0x540: {  	v2 =	vadd.f32 v3, v2;
	_ =	sdelay $0x1  }
0x541: {  	v2 =	vmul.f32 $5.000000000e-01, v2;
	_ =	sdelay $0x1  }
0x542: {  	(erf) = vrcp.f32 v2;
	_ =	sdelay $0x8  }
0x543: {  	v3 =	vpop (erf)  }
0x544: {  	v3 =	vmul.f32 v3, v1;
	_ =	sdelay $0x1  }
0x545: {  	v2 =	vadd.f32 v3, v2;
	_ =	sdelay $0x1  }
0x546: {  	v2 =	vmul.f32 $5.000000000e-01, v2;
	_ =	sdelay $0x1  }
0x547: {  	(erf) = vrcp.f32 v2;
	_ =	sdelay $0x8  }
0x548: {  	v3 =	vpop (erf)  }
0x549: {  	v3 =	vmul.f32 v3, v1;
	_ =	sdelay $0x1  }
0x54a: {  	v2 =	vadd.f32 v3, v2;
	_ =	sdelay $0x1  }
0x54b: {  	v2 =	vmul.f32 $5.000000000e-01, v2;
	_ =	sdelay $0x1  }
0x54c: {  	(erf) = vrcp.f32 v2;
	_ =	sdelay $0x8  }
0x54d: {  	v3 =	vpop (erf)  }
0x54e: {  	v3 =	vmul.f32 v3, v1;
	_ =	sdelay $0x1  }
0x54f: {  	v2 =	vadd.f32 v3, v2;
	_ =	sdelay $0x1  }
0x550: {  	v2 =	vmul.f32 $5.000000000e-01, v2;
	_ =	sdelay $0x1  }
0x551: {  	(erf) = vrcp.f32 v2;
	_ =	sdelay $0x8  }
0x552: {  	v3 =	vpop (erf)  }
0x553: {  	v3 =	vmul.f32 v3, v1;
	_ =	sdelay $0x1  }
0x554: {  	v2 =	vadd.f32 v3, v2;
	_ =	sdelay $0x1  }
0x555: {  	v2 =	vmul.f32 $5.000000000e-01, v2;
	_ =	sdelay $0x1  }
0x556: {  	(erf) = vrcp.f32 v2;
	_ =	sdelay $0x8  }
0x557: {  	v3 =	vpop (erf)  }
0x558: {  	v3 =	vmul.f32 v3, v1;
	_ =	sdelay $0x1  }
0x559: {  	v2 =	vadd.f32 v3, v2;
	_ =	sdelay $0x1  }
0x55a: {  	v2 =	vmul.f32 $5.000000000e-01, v2;
	_ =	sdelay $0x1  }
0x55b: {  	(erf) = vrcp.f32 v2;
	_ =	sdelay $0x8  }
0x55c: {  	v3 =	vpop (erf)  }
0x55d: {  	v3 =	vmul.f32 v3, v1;
	_ =	sdelay $0x1  }
0x55e: {  	v2 =	vadd.f32 v3, v2;
	_ =	sdelay $0x1  }
0x55f: {  	v2 =	vmul.f32 $5.000000000e-01, v2;
	_ =	sdelay $0x1  }
0x560: {  	(erf) = vrcp.f32 v2;
	_ =	sdelay $0x8  }
0x561: {  	v3 =	vpop (erf)  }
0x562: {  	v3 =	vmul.f32 v3, v1;
	_ =	sdelay $0x1  }
0x563: {  	v2 =	vadd.f32 v3, v2;
	_ =	sdelay $0x1  }
0x564: {  	v2 =	vmul.f32 $5.000000000e-01, v2;
	_ =	sdelay $0x1  }
0x565: {  	(erf) = vrcp.f32 v2;
	_ =	sdelay $0x8  }
0x566: {  	v3 =	vpop (erf)  }
0x567: {  	v3 =	vmul.f32 v3, v1;
	_ =	sdelay $0x1  }
0x568: {  	v2 =	vadd.f32 v3, v2;
	_ =	sdelay $0x1  }
0x569: {  	v2 =	vmul.f32 $5.000000000e-01, v2;
	_ =	sdelay $0x1  }
0x56a: {  	(erf) = vrcp.f32 v2;
	_ =	sdelay $0x8  }
0x56b: {  	v3 =	vpop (erf)  }
0x56c: {  	v3 =	vmul.f32 v3, v1;
	_ =	sdelay $0x1  }
0x56d: {  	v2 =	vadd.f32 v3, v2;
	_ =	sdelay $0x1  }
0x56e: {  	v2 =	vmul.f32 $5.000000000e-01, v2;
	_ =	sdelay $0x1  }
0x56f: {  	(erf) = vrcp.f32 v2;
	_ =	sdelay $0x8  }
0x570: {  	v3 =	vpop (erf)  }
0x571: {  	v1 =	vmul.f32 v3, v1;
	_ =	sdelay $0x1  }
0x572: {  	v1 =	vadd.f32 v1, v2;
	_ =	sdelay $0x1  }
0x573: {  	v1 =	vmul.f32 $5.000000000e-01, v1;
	_ =	sdelay $0x1  }
0x574: {  	v1 =	vadd.f32 $9.999999930e-09, v1;
	_ =	sdelay $0x1  }
0x575: {  	(erf) = vrcp.f32 v1;
	_ =	sdelay $0x5  }
0x576: {  	s4 =	simm.s32 $0x2400  }
0x577: {  	[tilespmem:s4], [sflag:$0x1] =	stream.linear.gather [spmem:s3], $0x800, $0x38;
	[tilespmem:$0x3E88] =	vst v63  }
0x578: {  	s3 =	simm.s32 $0x2C00  }
0x579: {  	[tilespmem:s3], [sflag:$0x1] =	stream.linear.gather [spmem:s2], $0x800, $0x38;
	v3 =	vpop (erf);
	[tilespmem:$0x3E88] =	vst v63  }
0x57a: {  	_ =	swait.ge [sflag:s6], $0x800  }
0x57b: {  	[sflag:s6] =	ssyncset.done $0x0  }
0x57c: {  	[sflag:s6] =	ssyncadd.s32 $0xFFFFF800  }
0x57d: {  	_ =	swait.ge [sflag:s6], $0x800  }
0x57e: {  	[sflag:s6] =	ssyncset.done $0x0  }
0x57f: {  	s2 =	simm.s32 $0x0;
	[sflag:s6] =	ssyncadd.s32 $0xFFFFF800  }
0x580: {  	v4 =	vld [tilespmem:s2+$0x1000];
	_ =	sdelay $0x6  }
0x581: {  	v2 =	vld [tilespmem:s2+$0x0]  }
0x582: {  	v1 =	vld.idx.msk [tilespmem:v4+s4+$0x0], $0xffff;
	_ =	sdelay $0x1  }
0x583: {  	v0 =	vmul.f32 v3, v0;
	v3 =	vld.idx.msk [tilespmem:v4+s3+$0x0], $0xffff  }
0x584: {  	s1 =	sadd.s32 s5, s1;
	s5 =	simm.s32 $0x10;
	s6 =	simm.s32 $0x80  }
.LBB2_3:
0x585: {  	p1 =	sne.s32 s6, $0x1FC0;
	v4 =	vld [tilespmem:s5+$0x1000]  }
0x586: {  	v1 =	vsub.f32 v2, v1;
	_ =	sdelay $0x1  }
0x587: {  	v1 =	vmul.f32 v3, v1;
	_ =	sdelay $0x1  }
0x588: {  	v1 =	vsub.f32 v1, v0;
	_ =	sdelay $0x1  }
0x589: {  	[tilespmem:s2+$0x3400] =	vst v1;
	s2 =	smov.u32 s5  }
.Ltmp1:
0x58a: {  	v1 =	vld.idx.msk [tilespmem:v4+s4+$0x0], $0xffff;
	(pc) =	sbr.rel @p1 .LBB2_3-.Ltmp1, $3  }
0x58b: {  	v2 =	vld [tilespmem:s2+$0x0]  }
0x58c: {  	v3 =	vld.idx.msk [tilespmem:v4+s3+$0x0], $0xffff;
	_ =	sdelay $0x1  }
0x58d: {  	s5 =	sshra.s32 s6, $0x2;
	s6 =	sadd.s32 $0x40, s6  }
0x58e: {  	v4 =	vld [tilespmem:s5+$0x1000]  }
0x58f: {  	v1 =	vsub.f32 v2, v1;
	_ =	sdelay $0x1  }
0x590: {  	v1 =	vmul.f32 v3, v1;
	_ =	sdelay $0x1  }
0x591: {  	v1 =	vsub.f32 v1, v0;
	_ =	sdelay $0x1  }
0x592: {  	[tilespmem:s2+$0x3400] =	vst v1  }
0x593: {  	v1 =	vld.idx.msk [tilespmem:v4+s4+$0x0], $0xffff  }
0x594: {  	v61 =	vld [tilespmem:s5+$0x0];
	_ =	sdelay $0x1  }
0x595: {  	v62 =	vld.idx.msk [tilespmem:v4+s3+$0x0], $0xffff;
	_ =	sdelay $0x2  }
0x596: {  	v1 =	vsub.f32 v61, v1;
	_ =	sdelay $0x1  }
0x597: {  	v1 =	vmul.f32 v62, v1;
	_ =	sdelay $0x1  }
0x598: {  	v63 =	vsub.f32 v1, v0;
	_ =	sdelay $0x1  }
0x599: {  	s29 =	simm.s32 $0x0;
	s30 =	simm.s32 $0x3400;
	s31 =	simm.s32 $0x2;
	[tilespmem:s5+$0x3400] =	vst v63  }
0x59a: {  	[hbm4b:s1+s29] =	stream.linear.scatter [tilespmem:s30], [sflag:$0x2], $0x800, $0x38;
	[tilespmem:$0x3E88] =	vst v63  }
0x59b: {  	_ =	swait.ge [sflag:s31], $0x800  }
0x59c: {  	[sflag:s31] =	ssyncset.done $0x0  }
0x59d: {  	[sflag:s31] =	ssyncadd.s32 $0xFFFFF800  }
0x59e: {  	_ =	sfence.sel $0x180000  }
0x59f: {  	[bflag:$0x0] =	sbarrier.arrive $0xFFFF  }
0x5a0: {  	_ =	strace $0x90000047  }
0x5a1: {  	s0 =	sadd.s32 @!p0 $0x100000, s0;
	[bflag:$0x2] =	sbarrier.arrive $0xFFFF  }
0x5a2: {  	[sflag:s0] =	ssyncadd.tile.s32 @!p0 $0x1;
	_ =	shalt  }
.Lfunc_end2:
_tile_overlayer_lowered:
.L_overlay_start_2:
0x5a3: {  	(tag) =	ssettag $0x2  }
0x5a4: {  	s0 =	rddreg [dreg:$0x0];
	s2 =	stileid.u32  }
0x5a5: {  	s1 =	rddreg [dreg:$0x1];
	p0 =	sne.s32 s2, $0x0  }
0x5a6: {  	s3 =	rddreg [dreg:$0x2];
	[bflag:$0x3] =	sbarrier.arrive $0xFFFF;
	s2 =	simm.s32 @!p0 $0x1C02  }
0x5a7: {  	[timem:s3], [sflag:s2] =	dma.local @!p0 [hbm:s0], s1  }
0x5a8: {  	s0 =	simm.s32 @!p0 $0x2  }
0x5a9: {  	_ =	swait.ge @!p0 [sflag:s0], s1  }
0x5aa: {  	s1 =	ssub.s32 @!p0 $0x0, s1;
	[sflag:s0] =	ssyncset.done @!p0 $0x0  }
0x5ab: {  	[sflag:s0] =	ssyncadd.s32 @!p0 s1  }
0x5ac: {  	[bflag:$0x3] =	sbarrier.arrive $0xFFFF  }
0x5ad: {  	_ =	shalt  }

</sc_bundles>
